<compile_context>
chip_gen: v7x
topology: tpu7x:2x2x1
jax: 0.10.2.dev20260603
libtpu: 0.0.44.dev20260713+nightly
codegen_flags: <defaults>
</compile_context>

<pallas_src>
import functools

import jax
import jax.numpy as jnp
from jax import lax
from jax.experimental import pallas as pl
from jax.experimental.pallas import tpu as pltpu
from jax.experimental.pallas import tpu_sc as plsc

B, S, D, E, K = 2, 4096, 4096, 64, 8
NC, NS, L = 2, 16, 16
NW = NC * NS
T_SC = 1536
S_TILE = 512
N_TC_TILES = (S - T_SC) // S_TILE
W_PER_B = NW // B
ROWS_PER_W = T_SC // W_PER_B
R_CHUNK = 8
N_CHUNKS = ROWS_PER_W // R_CHUNK


@functools.partial(
    pl.kernel,
    out_type=jax.ShapeDtypeStruct((NW, D), jnp.float32),
    mesh=plsc.VectorSubcoreMesh(core_axis_name="c", subcore_axis_name="s"),
    scratch_types=[
        pltpu.VMEM((R_CHUNK, D), jnp.float32),
        pltpu.VMEM((R_CHUNK, D), jnp.float32),
        pltpu.VMEM((1, D), jnp.float32),
        pltpu.SemaphoreType.DMA,
        pltpu.SemaphoreType.DMA,
    ],
)
def _sc_pool(h_hbm, out_hbm, buf0, buf1, acc, sem0, sem1):
    wid = lax.axis_index("s") * NC + lax.axis_index("c")
    batch = wid // W_PER_B
    row0 = batch * S + (wid % W_PER_B) * ROWS_PER_W

    @plsc.parallel_loop(0, D // L, unroll=8)
    def _zero(j):
        acc[0, pl.ds(j * L, L)] = jnp.zeros((L,), jnp.float32)

    bufs = (buf0, buf1)
    sems = (sem0, sem1)
    pend = [None, None]
    pend[0] = pltpu.async_copy(h_hbm.at[pl.ds(row0, R_CHUNK)], buf0, sem0)
    for c in range(N_CHUNKS):
        if c + 1 < N_CHUNKS:
            pend[(c + 1) % 2] = pltpu.async_copy(
                h_hbm.at[pl.ds(row0 + (c + 1) * R_CHUNK, R_CHUNK)],
                bufs[(c + 1) % 2], sems[(c + 1) % 2])
        pend[c % 2].wait()
        buf = bufs[c % 2]

        @plsc.parallel_loop(0, D // L, unroll=8)
        def _accum(j):
            sl = pl.ds(j * L, L)
            a = acc[0, sl]
            for r in range(R_CHUNK):
                a = a + buf[r, sl]
            acc[0, sl] = a

    pltpu.sync_copy(acc, out_hbm.at[pl.ds(wid, 1)])


def _tc_pool_body(h_ref, out_ref):
    i = pl.program_id(0)

    @pl.when(i == 0)
    def _init():
        out_ref[...] = jnp.zeros_like(out_ref)

    out_ref[...] += jnp.sum(h_ref[...], axis=1)


def _routing_epilogue(pooled, w, bvec, ow_ref, oi_ref, os_ref):
    logits = jax.lax.dot_general(
        pooled, w, (((1,), (1,)), ((), ())),
        preferred_element_type=jnp.float32) + bvec
    m = jnp.max(logits, axis=-1, keepdims=True)
    ex = jnp.exp(logits - m)
    sumex = jnp.sum(ex, axis=-1, keepdims=True)
    probs = ex / sumex

    iota = jax.lax.broadcasted_iota(jnp.int32, (B, E), 1)
    masked = probs
    sel_mask = jnp.zeros((B, E), jnp.float32)
    vals, idxs = [], []
    for _ in range(K):
        v = jnp.max(masked, axis=-1, keepdims=True)
        is_max = masked == v
        idx = jnp.min(jnp.where(is_max, iota, E), axis=-1,
                      keepdims=True)
        chosen = iota == idx
        sel_mask = sel_mask + chosen.astype(jnp.float32)
        vals.append(v)
        idxs.append(idx)
        masked = jnp.where(chosen, -1.0, masked)
    top_vals = jnp.concatenate(vals, axis=1)
    top_idx = jnp.concatenate(idxs, axis=1)
    top_w = top_vals / jnp.sum(top_vals, axis=-1, keepdims=True)

    f = jnp.mean(sel_mask, axis=0)
    p_mean = jnp.mean(probs, axis=0)
    lb = E * jnp.sum(f * p_mean)
    p_sq = jnp.mean(probs * probs, axis=0)
    aux = jnp.mean((p_sq - 1.0 / E) ** 2)
    lse = m[:, 0] + jnp.log(sumex[:, 0])
    z = jnp.mean(lse * lse)

    ow_ref[...] = jnp.pad(top_w, ((0, 8 - B), (0, 128 - K)))
    oi_ref[...] = jnp.pad(top_idx, ((0, 8 - B), (0, 128 - K)))
    scal = jnp.concatenate(
        [lb.reshape(1, 1), aux.reshape(1, 1), z.reshape(1, 1)], axis=1)
    os_ref[...] = jnp.pad(scal, ((0, 7), (0, 125)))


def _tc_epilogue(scp_ref, tcp_ref, w_ref, b_ref, ow_ref, oi_ref, os_ref):
    pooled = (jnp.sum(scp_ref[...], axis=1) + tcp_ref[...]) * (1.0 / S)
    _routing_epilogue(pooled, w_ref[...], b_ref[...], ow_ref, oi_ref, os_ref)


@jax.jit
def kernel(hidden_states, W, b):
    h2 = hidden_states.reshape(B * S, D)
    sc_partials = _sc_pool(h2)

    tc_partial = pl.pallas_call(
        _tc_pool_body,
        grid=(N_TC_TILES,),
        in_specs=[pl.BlockSpec((B, S_TILE, D),
                               lambda i: (0, T_SC // S_TILE + i, 0))],
        out_specs=pl.BlockSpec((B, D), lambda i: (0, 0)),
        out_shape=jax.ShapeDtypeStruct((B, D), jnp.float32),
    )(hidden_states)

    ow, oi, osc = pl.pallas_call(
        _tc_epilogue,
        out_shape=[
            jax.ShapeDtypeStruct((8, 128), jnp.float32),
            jax.ShapeDtypeStruct((8, 128), jnp.int32),
            jax.ShapeDtypeStruct((8, 128), jnp.float32),
        ],
    )(sc_partials.reshape(B, W_PER_B, D), tc_partial, W, b.reshape(1, E))
    return (oi[:B, :K], ow[:B, :K], osc[0, 0], osc[0, 1], osc[0, 2])

# --- scband reference (transcript-rebuilt; emitter-appended) ---
"""Pipeline reference for scband-chapter-router-83519934038044 (READ-ONLY COPY).

The authoritative reference and input builder live on the scoring server;
editing this copy changes nothing except your own understanding.
"""

import jax, jax.numpy as jnp
import numpy as np

NUM_CHAPTERS = 64
TOP_K = 8
HIDDEN_DIM = 4096

def setup_inputs(seed: int = 0) -> dict:
    key = jax.random.key(seed)
    k1, k2 = jax.random.split(key, 2)
    hidden_states = jax.random.normal(k1, (2, 4096, HIDDEN_DIM), dtype=jnp.float32)
    W = jax.random.normal(k2, (NUM_CHAPTERS, HIDDEN_DIM), dtype=jnp.float32) * 0.02
    b = jnp.zeros((NUM_CHAPTERS,), dtype=jnp.float32)
    return {"hidden_states": hidden_states, "W": W, "b": b}

def reference(hidden_states, W, b):
    # routing_strategy == 'token': per-token linear, then mean over seq
    token_logits = jnp.einsum('bsd,ed->bse', hidden_states, W) + b  # (B, S, E)
    router_logits = token_logits.mean(axis=1)  # (B, E)
    router_probs = jax.nn.softmax(router_logits, axis=-1)
    top_k_weights, top_k_indices = jax.lax.top_k(router_probs, TOP_K)
    top_k_weights = top_k_weights / top_k_weights.sum(axis=-1, keepdims=True)
    # auxiliary losses
    one_hot = jax.nn.one_hot(top_k_indices, NUM_CHAPTERS, dtype=jnp.float32)  # (B, k, E)
    f = one_hot.sum(axis=1).mean(axis=0)  # (E,)
    P = router_probs.mean(axis=0)  # (E,)
    load_balance_loss = NUM_CHAPTERS * (f * P).sum()
    P_squared = (router_probs ** 2).mean(axis=0)
    target_uniform = jnp.ones_like(P_squared) / NUM_CHAPTERS
    auxiliary_loss = jnp.mean((P_squared - target_uniform) ** 2)
    log_sum_exp = jax.scipy.special.logsumexp(router_logits, axis=-1)
    z_loss = jnp.mean(log_sum_exp ** 2)
    return (top_k_indices, top_k_weights, load_balance_loss, auxiliary_loss, z_loss)

if __name__ == "__main__":
    import jax
    _d = setup_inputs()
    print(jax.jit(kernel)(*tuple(_d.values())))

</pallas_src>

<mosaic_0001>
#map = affine_map<(d0, d1) -> (0, 0)>
module attributes {stable_mosaic.version = 14 : i64} {
  func.func @_sc_pool(%arg0: i32, %arg1: i32, %arg2: memref<8192x4096xf32, #tpu.memory_space<hbm>>, %arg3: memref<32x4096xf32, #tpu.memory_space<hbm>>, %arg4: memref<8x4096xf32, #tpu.memory_space<vmem>>, %arg5: memref<8x4096xf32, #tpu.memory_space<vmem>>, %arg6: memref<1x4096xf32, #tpu.memory_space<vmem>>, %arg7: memref<!tpu.dma_semaphore, #tpu.memory_space<semaphore_mem>>, %arg8: memref<!tpu.dma_semaphore, #tpu.memory_space<semaphore_mem>>) attributes {dimension_semantics = [#tpu.dimension_semantics<core_parallel>, #tpu.dimension_semantics<subcore_parallel>], iteration_bounds = array<i64: 2, 16>, scalar_prefetch = 0 : i64, scratch_operands = 5 : i64, tpu.core_type = #tpu.core_type<sc_vector_subcore>, window_params = [{transform_indices = #map}, {transform_indices = #map}]} {
    %mul3A = arith.constant 2 : i32
    %mul3A_0 = arith.muli %arg1, %mul3A : i32
    %add3A = arith.addi %mul3A_0, %arg0 : i32
    %jit3A = arith.constant 16 : i32
    %div3A = arith.divsi %add3A, %jit3A : i32
    %sign3A = arith.constant 0 : i32
    %sign3A_1 = arith.cmpi sgt, %add3A, %sign3A : i32
    %sign3A_2 = arith.extui %sign3A_1 : i1 to i32
    %sign3A_3 = arith.constant 0 : i32
    %sign3A_4 = arith.cmpi slt, %add3A, %sign3A_3 : i32
    %sign3A_5 = arith.extui %sign3A_4 : i1 to i32
    %sign3A_6 = arith.subi %sign3A_2, %sign3A_5 : i32
    %sign3A_7 = arith.constant 0 : i32
    %sign3A_8 = arith.cmpi sgt, %jit3A, %sign3A_7 : i32
    %sign3A_9 = arith.extui %sign3A_8 : i1 to i32
    %sign3A_10 = arith.constant 0 : i32
    %sign3A_11 = arith.cmpi slt, %jit3A, %sign3A_10 : i32
    %sign3A_12 = arith.extui %sign3A_11 : i1 to i32
    %sign3A_13 = arith.subi %sign3A_9, %sign3A_12 : i32
    %ne3A = arith.cmpi ne, %sign3A_6, %sign3A_13 : i32
    %rem3A = arith.remsi %add3A, %jit3A : i32
    %ne3A_14 = arith.constant 0 : i32
    %ne3A_15 = arith.cmpi ne, %rem3A, %ne3A_14 : i32
    %and3A = arith.andi %ne3A, %ne3A_15 : i1
    %sub3A = arith.constant 1 : i32
    %sub3A_16 = arith.subi %div3A, %sub3A : i32
    %select_n3A = arith.select %and3A, %sub3A_16, %div3A : i32
    %mul3A_17 = arith.constant 4096 : i32
    %mul3A_18 = arith.muli %select_n3A, %mul3A_17 : i32
    %jit3A_19 = arith.constant 16 : i32
    %eq3A = arith.constant 0 : i32
    %eq3A_20 = arith.cmpi eq, %jit3A_19, %eq3A : i32
    %jit3A_21 = arith.constant 1 : i32
    %select_n3A_22 = arith.select %eq3A_20, %jit3A_21, %jit3A_19 : i32
    %rem3A_23 = arith.remsi %add3A, %select_n3A_22 : i32
    %ne3A_24 = arith.constant 0 : i32
    %ne3A_25 = arith.cmpi ne, %rem3A_23, %ne3A_24 : i32
    %lt3A = arith.constant 0 : i32
    %lt3A_26 = arith.cmpi slt, %rem3A_23, %lt3A : i32
    %lt3A_27 = arith.constant 0 : i32
    %lt3A_28 = arith.cmpi slt, %select_n3A_22, %lt3A_27 : i32
    %ne3A_29 = arith.xori %lt3A_26, %lt3A_28 : i1
    %and3A_30 = arith.andi %ne3A_29, %ne3A_25 : i1
    %add3A_31 = arith.addi %rem3A_23, %select_n3A_22 : i32
    %select_n3A_32 = arith.select %and3A_30, %add3A_31, %rem3A_23 : i32
    %mul3A_33 = arith.constant 96 : i32
    %mul3A_34 = arith.muli %select_n3A_32, %mul3A_33 : i32
    %add3A_35 = arith.addi %mul3A_18, %mul3A_34 : i32
    %parallel_loop3A = arith.constant 0 : i32
    %parallel_loop3A_36 = arith.constant 256 : i32
    %parallel_loop3A_37 = arith.constant 1 : i32
    scf.for %parallel_loop3A_190 = %parallel_loop3A to %parallel_loop3A_36 step %parallel_loop3A_37  : i32 {
      %parallel_loop3A_191 = arith.constant 0.000000e+00 : f32
      %parallel_loop3A_192 = vector.broadcast %parallel_loop3A_191 : f32 to vector<16xf32>
      %parallel_loop3A_193 = arith.constant 16 : i32
      %parallel_loop3A_194 = arith.muli %parallel_loop3A_190, %parallel_loop3A_193 : i32
      %parallel_loop3A_195 = arith.constant 0 : i32
      %parallel_loop3A_196 = arith.index_cast %parallel_loop3A_195 : i32 to index
      %parallel_loop3A_197 = arith.index_cast %parallel_loop3A_194 : i32 to index
      %parallel_loop3A_198 = tpu.vector_load %arg6[%parallel_loop3A_196, %parallel_loop3A_197] {strides = array<i32>} : memref<1x4096xf32, #tpu.memory_space<vmem>>, vector<1x16xf32>,
      %parallel_loop3A_199 = vector.shape_cast %parallel_loop3A_198 : vector<1x16xf32> to vector<16xf32>
      %parallel_loop3A_200 = vector.shape_cast %parallel_loop3A_192 : vector<16xf32> to vector<1x16xf32>
      tpu.vector_store %arg6[%parallel_loop3A_196, %parallel_loop3A_197], %parallel_loop3A_200 {strides = array<i32>} : memref<1x4096xf32, #tpu.memory_space<vmem>>, vector<1x16xf32>,
    } {sc.loop_unroll_factor = 8 : i64, sc.parallel_access}
    %dma_start3A = arith.constant 0 : i32
    %dma_start3A_38 = tpu.memref_slice %arg2[%add3A_35, %dma_start3A] : memref<8192x4096xf32, #tpu.memory_space<hbm>> -> memref<8x4096xf32, #tpu.memory_space<hbm>>
    %dma_start3A_39 = arith.constant 0 : i32
    %dma_start3A_40 = tpu.memref_slice %arg2[%add3A_35, %dma_start3A_39] : memref<8192x4096xf32, #tpu.memory_space<hbm>> -> memref<8x4096xf32, #tpu.memory_space<hbm>>
    tpu.enqueue_dma source(%dma_start3A_40 : memref<8x4096xf32, #tpu.memory_space<hbm>>) target(%arg4 : memref<8x4096xf32, #tpu.memory_space<vmem>>) target_semaphore(%arg7 : memref<!tpu.dma_semaphore, #tpu.memory_space<semaphore_mem>>)
    %add3A_41 = arith.constant 8 : i32
    %add3A_42 = arith.addi %add3A_35, %add3A_41 : i32
    %dma_start3A_43 = arith.constant 0 : i32
    %dma_start3A_44 = tpu.memref_slice %arg2[%add3A_42, %dma_start3A_43] : memref<8192x4096xf32, #tpu.memory_space<hbm>> -> memref<8x4096xf32, #tpu.memory_space<hbm>>
    %dma_start3A_45 = arith.constant 0 : i32
    %dma_start3A_46 = tpu.memref_slice %arg2[%add3A_42, %dma_start3A_45] : memref<8192x4096xf32, #tpu.memory_space<hbm>> -> memref<8x4096xf32, #tpu.memory_space<hbm>>
    tpu.enqueue_dma source(%dma_start3A_46 : memref<8x4096xf32, #tpu.memory_space<hbm>>) target(%arg5 : memref<8x4096xf32, #tpu.memory_space<vmem>>) target_semaphore(%arg8 : memref<!tpu.dma_semaphore, #tpu.memory_space<semaphore_mem>>)
    %dma_wait3A = arith.constant 0 : i32
    %dma_wait3A_47 = tpu.memref_slice %arg2[%add3A_35, %dma_wait3A] : memref<8192x4096xf32, #tpu.memory_space<hbm>> -> memref<8x4096xf32, #tpu.memory_space<hbm>>
    %dma_wait3A_48 = arith.constant 0 : i32
    %dma_wait3A_49 = tpu.memref_slice %arg2[%add3A_35, %dma_wait3A_48] : memref<8192x4096xf32, #tpu.memory_space<hbm>> -> memref<8x4096xf32, #tpu.memory_space<hbm>>
    tpu.wait_dma2 semaphore(%arg7 : memref<!tpu.dma_semaphore, #tpu.memory_space<semaphore_mem>>) src(%dma_wait3A_49 : memref<8x4096xf32, #tpu.memory_space<hbm>>) dst(%arg4 : memref<8x4096xf32, #tpu.memory_space<vmem>>)
    %parallel_loop3A_50 = arith.constant 0 : i32
    %parallel_loop3A_51 = arith.constant 256 : i32
    %parallel_loop3A_52 = arith.constant 1 : i32
    scf.for %parallel_loop3A_190 = %parallel_loop3A_50 to %parallel_loop3A_51 step %parallel_loop3A_52  : i32 {
      %parallel_loop3A_191 = arith.constant 16 : i32
      %parallel_loop3A_192 = arith.muli %parallel_loop3A_190, %parallel_loop3A_191 : i32
      %parallel_loop3A_193 = arith.constant 0 : i32
      %parallel_loop3A_194 = arith.index_cast %parallel_loop3A_193 : i32 to index
      %parallel_loop3A_195 = arith.index_cast %parallel_loop3A_192 : i32 to index
      %parallel_loop3A_196 = tpu.vector_load %arg6[%parallel_loop3A_194, %parallel_loop3A_195] {strides = array<i32>} : memref<1x4096xf32, #tpu.memory_space<vmem>>, vector<1x16xf32>,
      %parallel_loop3A_197 = vector.shape_cast %parallel_loop3A_196 : vector<1x16xf32> to vector<16xf32>
      %parallel_loop3A_198 = arith.constant 0 : i32
      %parallel_loop3A_199 = arith.index_cast %parallel_loop3A_198 : i32 to index
      %parallel_loop3A_200 = arith.index_cast %parallel_loop3A_192 : i32 to index
      %parallel_loop3A_201 = tpu.vector_load %arg4[%parallel_loop3A_199, %parallel_loop3A_200] {strides = array<i32>} : memref<8x4096xf32, #tpu.memory_space<vmem>>, vector<1x16xf32>,
      %parallel_loop3A_202 = vector.shape_cast %parallel_loop3A_201 : vector<1x16xf32> to vector<16xf32>
      %parallel_loop3A_203 = arith.addf %parallel_loop3A_197, %parallel_loop3A_202 : vector<16xf32>
      %parallel_loop3A_204 = arith.constant 1 : i32
      %parallel_loop3A_205 = arith.index_cast %parallel_loop3A_204 : i32 to index
      %parallel_loop3A_206 = arith.index_cast %parallel_loop3A_192 : i32 to index
      %parallel_loop3A_207 = tpu.vector_load %arg4[%parallel_loop3A_205, %parallel_loop3A_206] {strides = array<i32>} : memref<8x4096xf32, #tpu.memory_space<vmem>>, vector<1x16xf32>,
      %parallel_loop3A_208 = vector.shape_cast %parallel_loop3A_207 : vector<1x16xf32> to vector<16xf32>
      %parallel_loop3A_209 = arith.addf %parallel_loop3A_203, %parallel_loop3A_208 : vector<16xf32>
      %parallel_loop3A_210 = arith.constant 2 : i32
      %parallel_loop3A_211 = arith.index_cast %parallel_loop3A_210 : i32 to index
      %parallel_loop3A_212 = arith.index_cast %parallel_loop3A_192 : i32 to index
      %parallel_loop3A_213 = tpu.vector_load %arg4[%parallel_loop3A_211, %parallel_loop3A_212] {strides = array<i32>} : memref<8x4096xf32, #tpu.memory_space<vmem>>, vector<1x16xf32>,
      %parallel_loop3A_214 = vector.shape_cast %parallel_loop3A_213 : vector<1x16xf32> to vector<16xf32>
      %parallel_loop3A_215 = arith.addf %parallel_loop3A_209, %parallel_loop3A_214 : vector<16xf32>
      %parallel_loop3A_216 = arith.constant 3 : i32
      %parallel_loop3A_217 = arith.index_cast %parallel_loop3A_216 : i32 to index
      %parallel_loop3A_218 = arith.index_cast %parallel_loop3A_192 : i32 to index
      %parallel_loop3A_219 = tpu.vector_load %arg4[%parallel_loop3A_217, %parallel_loop3A_218] {strides = array<i32>} : memref<8x4096xf32, #tpu.memory_space<vmem>>, vector<1x16xf32>,
      %parallel_loop3A_220 = vector.shape_cast %parallel_loop3A_219 : vector<1x16xf32> to vector<16xf32>
      %parallel_loop3A_221 = arith.addf %parallel_loop3A_215, %parallel_loop3A_220 : vector<16xf32>
      %parallel_loop3A_222 = arith.constant 4 : i32
      %parallel_loop3A_223 = arith.index_cast %parallel_loop3A_222 : i32 to index
      %parallel_loop3A_224 = arith.index_cast %parallel_loop3A_192 : i32 to index
      %parallel_loop3A_225 = tpu.vector_load %arg4[%parallel_loop3A_223, %parallel_loop3A_224] {strides = array<i32>} : memref<8x4096xf32, #tpu.memory_space<vmem>>, vector<1x16xf32>,
      %parallel_loop3A_226 = vector.shape_cast %parallel_loop3A_225 : vector<1x16xf32> to vector<16xf32>
      %parallel_loop3A_227 = arith.addf %parallel_loop3A_221, %parallel_loop3A_226 : vector<16xf32>
      %parallel_loop3A_228 = arith.constant 5 : i32
      %parallel_loop3A_229 = arith.index_cast %parallel_loop3A_228 : i32 to index
      %parallel_loop3A_230 = arith.index_cast %parallel_loop3A_192 : i32 to index
      %parallel_loop3A_231 = tpu.vector_load %arg4[%parallel_loop3A_229, %parallel_loop3A_230] {strides = array<i32>} : memref<8x4096xf32, #tpu.memory_space<vmem>>, vector<1x16xf32>,
      %parallel_loop3A_232 = vector.shape_cast %parallel_loop3A_231 : vector<1x16xf32> to vector<16xf32>
      %parallel_loop3A_233 = arith.addf %parallel_loop3A_227, %parallel_loop3A_232 : vector<16xf32>
      %parallel_loop3A_234 = arith.constant 6 : i32
      %parallel_loop3A_235 = arith.index_cast %parallel_loop3A_234 : i32 to index
      %parallel_loop3A_236 = arith.index_cast %parallel_loop3A_192 : i32 to index
      %parallel_loop3A_237 = tpu.vector_load %arg4[%parallel_loop3A_235, %parallel_loop3A_236] {strides = array<i32>} : memref<8x4096xf32, #tpu.memory_space<vmem>>, vector<1x16xf32>,
      %parallel_loop3A_238 = vector.shape_cast %parallel_loop3A_237 : vector<1x16xf32> to vector<16xf32>
      %parallel_loop3A_239 = arith.addf %parallel_loop3A_233, %parallel_loop3A_238 : vector<16xf32>
      %parallel_loop3A_240 = arith.constant 7 : i32
      %parallel_loop3A_241 = arith.index_cast %parallel_loop3A_240 : i32 to index
      %parallel_loop3A_242 = arith.index_cast %parallel_loop3A_192 : i32 to index
      %parallel_loop3A_243 = tpu.vector_load %arg4[%parallel_loop3A_241, %parallel_loop3A_242] {strides = array<i32>} : memref<8x4096xf32, #tpu.memory_space<vmem>>, vector<1x16xf32>,
      %parallel_loop3A_244 = vector.shape_cast %parallel_loop3A_243 : vector<1x16xf32> to vector<16xf32>
      %parallel_loop3A_245 = arith.addf %parallel_loop3A_239, %parallel_loop3A_244 : vector<16xf32>
      %parallel_loop3A_246 = arith.constant 0 : i32
      %parallel_loop3A_247 = arith.index_cast %parallel_loop3A_246 : i32 to index
      %parallel_loop3A_248 = arith.index_cast %parallel_loop3A_192 : i32 to index
      %parallel_loop3A_249 = tpu.vector_load %arg6[%parallel_loop3A_247, %parallel_loop3A_248] {strides = array<i32>} : memref<1x4096xf32, #tpu.memory_space<vmem>>, vector<1x16xf32>,
      %parallel_loop3A_250 = vector.shape_cast %parallel_loop3A_249 : vector<1x16xf32> to vector<16xf32>
      %parallel_loop3A_251 = vector.shape_cast %parallel_loop3A_245 : vector<16xf32> to vector<1x16xf32>
      tpu.vector_store %arg6[%parallel_loop3A_247, %parallel_loop3A_248], %parallel_loop3A_251 {strides = array<i32>} : memref<1x4096xf32, #tpu.memory_space<vmem>>, vector<1x16xf32>,
    } {sc.loop_unroll_factor = 8 : i64, sc.parallel_access}
    %add3A_53 = arith.constant 16 : i32
    %add3A_54 = arith.addi %add3A_35, %add3A_53 : i32
    %dma_start3A_55 = arith.constant 0 : i32
    %dma_start3A_56 = tpu.memref_slice %arg2[%add3A_54, %dma_start3A_55] : memref<8192x4096xf32, #tpu.memory_space<hbm>> -> memref<8x4096xf32, #tpu.memory_space<hbm>>
    %dma_start3A_57 = arith.constant 0 : i32
    %dma_start3A_58 = tpu.memref_slice %arg2[%add3A_54, %dma_start3A_57] : memref<8192x4096xf32, #tpu.memory_space<hbm>> -> memref<8x4096xf32, #tpu.memory_space<hbm>>
    tpu.enqueue_dma source(%dma_start3A_58 : memref<8x4096xf32, #tpu.memory_space<hbm>>) target(%arg4 : memref<8x4096xf32, #tpu.memory_space<vmem>>) target_semaphore(%arg7 : memref<!tpu.dma_semaphore, #tpu.memory_space<semaphore_mem>>)
    %dma_wait3A_59 = arith.constant 0 : i32
    %dma_wait3A_60 = tpu.memref_slice %arg2[%add3A_42, %dma_wait3A_59] : memref<8192x4096xf32, #tpu.memory_space<hbm>> -> memref<8x4096xf32, #tpu.memory_space<hbm>>
    %dma_wait3A_61 = arith.constant 0 : i32
    %dma_wait3A_62 = tpu.memref_slice %arg2[%add3A_42, %dma_wait3A_61] : memref<8192x4096xf32, #tpu.memory_space<hbm>> -> memref<8x4096xf32, #tpu.memory_space<hbm>>
    tpu.wait_dma2 semaphore(%arg8 : memref<!tpu.dma_semaphore, #tpu.memory_space<semaphore_mem>>) src(%dma_wait3A_62 : memref<8x4096xf32, #tpu.memory_space<hbm>>) dst(%arg5 : memref<8x4096xf32, #tpu.memory_space<vmem>>)
    %parallel_loop3A_63 = arith.constant 0 : i32
    %parallel_loop3A_64 = arith.constant 256 : i32
    %parallel_loop3A_65 = arith.constant 1 : i32
    scf.for %parallel_loop3A_190 = %parallel_loop3A_63 to %parallel_loop3A_64 step %parallel_loop3A_65  : i32 {
      %parallel_loop3A_191 = arith.constant 16 : i32
      %parallel_loop3A_192 = arith.muli %parallel_loop3A_190, %parallel_loop3A_191 : i32
      %parallel_loop3A_193 = arith.constant 0 : i32
      %parallel_loop3A_194 = arith.index_cast %parallel_loop3A_193 : i32 to index
      %parallel_loop3A_195 = arith.index_cast %parallel_loop3A_192 : i32 to index
      %parallel_loop3A_196 = tpu.vector_load %arg6[%parallel_loop3A_194, %parallel_loop3A_195] {strides = array<i32>} : memref<1x4096xf32, #tpu.memory_space<vmem>>, vector<1x16xf32>,
      %parallel_loop3A_197 = vector.shape_cast %parallel_loop3A_196 : vector<1x16xf32> to vector<16xf32>
      %parallel_loop3A_198 = arith.constant 0 : i32
      %parallel_loop3A_199 = arith.index_cast %parallel_loop3A_198 : i32 to index
      %parallel_loop3A_200 = arith.index_cast %parallel_loop3A_192 : i32 to index
      %parallel_loop3A_201 = tpu.vector_load %arg5[%parallel_loop3A_199, %parallel_loop3A_200] {strides = array<i32>} : memref<8x4096xf32, #tpu.memory_space<vmem>>, vector<1x16xf32>,
      %parallel_loop3A_202 = vector.shape_cast %parallel_loop3A_201 : vector<1x16xf32> to vector<16xf32>
      %parallel_loop3A_203 = arith.addf %parallel_loop3A_197, %parallel_loop3A_202 : vector<16xf32>
      %parallel_loop3A_204 = arith.constant 1 : i32
      %parallel_loop3A_205 = arith.index_cast %parallel_loop3A_204 : i32 to index
      %parallel_loop3A_206 = arith.index_cast %parallel_loop3A_192 : i32 to index
      %parallel_loop3A_207 = tpu.vector_load %arg5[%parallel_loop3A_205, %parallel_loop3A_206] {strides = array<i32>} : memref<8x4096xf32, #tpu.memory_space<vmem>>, vector<1x16xf32>,
      %parallel_loop3A_208 = vector.shape_cast %parallel_loop3A_207 : vector<1x16xf32> to vector<16xf32>
      %parallel_loop3A_209 = arith.addf %parallel_loop3A_203, %parallel_loop3A_208 : vector<16xf32>
      %parallel_loop3A_210 = arith.constant 2 : i32
      %parallel_loop3A_211 = arith.index_cast %parallel_loop3A_210 : i32 to index
      %parallel_loop3A_212 = arith.index_cast %parallel_loop3A_192 : i32 to index
      %parallel_loop3A_213 = tpu.vector_load %arg5[%parallel_loop3A_211, %parallel_loop3A_212] {strides = array<i32>} : memref<8x4096xf32, #tpu.memory_space<vmem>>, vector<1x16xf32>,
      %parallel_loop3A_214 = vector.shape_cast %parallel_loop3A_213 : vector<1x16xf32> to vector<16xf32>
      %parallel_loop3A_215 = arith.addf %parallel_loop3A_209, %parallel_loop3A_214 : vector<16xf32>
      %parallel_loop3A_216 = arith.constant 3 : i32
      %parallel_loop3A_217 = arith.index_cast %parallel_loop3A_216 : i32 to index
      %parallel_loop3A_218 = arith.index_cast %parallel_loop3A_192 : i32 to index
      %parallel_loop3A_219 = tpu.vector_load %arg5[%parallel_loop3A_217, %parallel_loop3A_218] {strides = array<i32>} : memref<8x4096xf32, #tpu.memory_space<vmem>>, vector<1x16xf32>,
      %parallel_loop3A_220 = vector.shape_cast %parallel_loop3A_219 : vector<1x16xf32> to vector<16xf32>
      %parallel_loop3A_221 = arith.addf %parallel_loop3A_215, %parallel_loop3A_220 : vector<16xf32>
      %parallel_loop3A_222 = arith.constant 4 : i32
      %parallel_loop3A_223 = arith.index_cast %parallel_loop3A_222 : i32 to index
      %parallel_loop3A_224 = arith.index_cast %parallel_loop3A_192 : i32 to index
      %parallel_loop3A_225 = tpu.vector_load %arg5[%parallel_loop3A_223, %parallel_loop3A_224] {strides = array<i32>} : memref<8x4096xf32, #tpu.memory_space<vmem>>, vector<1x16xf32>,
      %parallel_loop3A_226 = vector.shape_cast %parallel_loop3A_225 : vector<1x16xf32> to vector<16xf32>
      %parallel_loop3A_227 = arith.addf %parallel_loop3A_221, %parallel_loop3A_226 : vector<16xf32>
      %parallel_loop3A_228 = arith.constant 5 : i32
      %parallel_loop3A_229 = arith.index_cast %parallel_loop3A_228 : i32 to index
      %parallel_loop3A_230 = arith.index_cast %parallel_loop3A_192 : i32 to index
      %parallel_loop3A_231 = tpu.vector_load %arg5[%parallel_loop3A_229, %parallel_loop3A_230] {strides = array<i32>} : memref<8x4096xf32, #tpu.memory_space<vmem>>, vector<1x16xf32>,
      %parallel_loop3A_232 = vector.shape_cast %parallel_loop3A_231 : vector<1x16xf32> to vector<16xf32>
      %parallel_loop3A_233 = arith.addf %parallel_loop3A_227, %parallel_loop3A_232 : vector<16xf32>
      %parallel_loop3A_234 = arith.constant 6 : i32
      %parallel_loop3A_235 = arith.index_cast %parallel_loop3A_234 : i32 to index
      %parallel_loop3A_236 = arith.index_cast %parallel_loop3A_192 : i32 to index
      %parallel_loop3A_237 = tpu.vector_load %arg5[%parallel_loop3A_235, %parallel_loop3A_236] {strides = array<i32>} : memref<8x4096xf32, #tpu.memory_space<vmem>>, vector<1x16xf32>,
      %parallel_loop3A_238 = vector.shape_cast %parallel_loop3A_237 : vector<1x16xf32> to vector<16xf32>
      %parallel_loop3A_239 = arith.addf %parallel_loop3A_233, %parallel_loop3A_238 : vector<16xf32>
      %parallel_loop3A_240 = arith.constant 7 : i32
      %parallel_loop3A_241 = arith.index_cast %parallel_loop3A_240 : i32 to index
      %parallel_loop3A_242 = arith.index_cast %parallel_loop3A_192 : i32 to index
      %parallel_loop3A_243 = tpu.vector_load %arg5[%parallel_loop3A_241, %parallel_loop3A_242] {strides = array<i32>} : memref<8x4096xf32, #tpu.memory_space<vmem>>, vector<1x16xf32>,
      %parallel_loop3A_244 = vector.shape_cast %parallel_loop3A_243 : vector<1x16xf32> to vector<16xf32>
      %parallel_loop3A_245 = arith.addf %parallel_loop3A_239, %parallel_loop3A_244 : vector<16xf32>
      %parallel_loop3A_246 = arith.constant 0 : i32
      %parallel_loop3A_247 = arith.index_cast %parallel_loop3A_246 : i32 to index
      %parallel_loop3A_248 = arith.index_cast %parallel_loop3A_192 : i32 to index
      %parallel_loop3A_249 = tpu.vector_load %arg6[%parallel_loop3A_247, %parallel_loop3A_248] {strides = array<i32>} : memref<1x4096xf32, #tpu.memory_space<vmem>>, vector<1x16xf32>,
      %parallel_loop3A_250 = vector.shape_cast %parallel_loop3A_249 : vector<1x16xf32> to vector<16xf32>
      %parallel_loop3A_251 = vector.shape_cast %parallel_loop3A_245 : vector<16xf32> to vector<1x16xf32>
      tpu.vector_store %arg6[%parallel_loop3A_247, %parallel_loop3A_248], %parallel_loop3A_251 {strides = array<i32>} : memref<1x4096xf32, #tpu.memory_space<vmem>>, vector<1x16xf32>,
    } {sc.loop_unroll_factor = 8 : i64, sc.parallel_access}
    %add3A_66 = arith.constant 24 : i32
    %add3A_67 = arith.addi %add3A_35, %add3A_66 : i32
    %dma_start3A_68 = arith.constant 0 : i32
    %dma_start3A_69 = tpu.memref_slice %arg2[%add3A_67, %dma_start3A_68] : memref<8192x4096xf32, #tpu.memory_space<hbm>> -> memref<8x4096xf32, #tpu.memory_space<hbm>>
    %dma_start3A_70 = arith.constant 0 : i32
    %dma_start3A_71 = tpu.memref_slice %arg2[%add3A_67, %dma_start3A_70] : memref<8192x4096xf32, #tpu.memory_space<hbm>> -> memref<8x4096xf32, #tpu.memory_space<hbm>>
    tpu.enqueue_dma source(%dma_start3A_71 : memref<8x4096xf32, #tpu.memory_space<hbm>>) target(%arg5 : memref<8x4096xf32, #tpu.memory_space<vmem>>) target_semaphore(%arg8 : memref<!tpu.dma_semaphore, #tpu.memory_space<semaphore_mem>>)
    %dma_wait3A_72 = arith.constant 0 : i32
    %dma_wait3A_73 = tpu.memref_slice %arg2[%add3A_54, %dma_wait3A_72] : memref<8192x4096xf32, #tpu.memory_space<hbm>> -> memref<8x4096xf32, #tpu.memory_space<hbm>>
    %dma_wait3A_74 = arith.constant 0 : i32
    %dma_wait3A_75 = tpu.memref_slice %arg2[%add3A_54, %dma_wait3A_74] : memref<8192x4096xf32, #tpu.memory_space<hbm>> -> memref<8x4096xf32, #tpu.memory_space<hbm>>
    tpu.wait_dma2 semaphore(%arg7 : memref<!tpu.dma_semaphore, #tpu.memory_space<semaphore_mem>>) src(%dma_wait3A_75 : memref<8x4096xf32, #tpu.memory_space<hbm>>) dst(%arg4 : memref<8x4096xf32, #tpu.memory_space<vmem>>)
    %parallel_loop3A_76 = arith.constant 0 : i32
    %parallel_loop3A_77 = arith.constant 256 : i32
    %parallel_loop3A_78 = arith.constant 1 : i32
    scf.for %parallel_loop3A_190 = %parallel_loop3A_76 to %parallel_loop3A_77 step %parallel_loop3A_78  : i32 {
      %parallel_loop3A_191 = arith.constant 16 : i32
      %parallel_loop3A_192 = arith.muli %parallel_loop3A_190, %parallel_loop3A_191 : i32
      %parallel_loop3A_193 = arith.constant 0 : i32
      %parallel_loop3A_194 = arith.index_cast %parallel_loop3A_193 : i32 to index
      %parallel_loop3A_195 = arith.index_cast %parallel_loop3A_192 : i32 to index
      %parallel_loop3A_196 = tpu.vector_load %arg6[%parallel_loop3A_194, %parallel_loop3A_195] {strides = array<i32>} : memref<1x4096xf32, #tpu.memory_space<vmem>>, vector<1x16xf32>,
      %parallel_loop3A_197 = vector.shape_cast %parallel_loop3A_196 : vector<1x16xf32> to vector<16xf32>
      %parallel_loop3A_198 = arith.constant 0 : i32
      %parallel_loop3A_199 = arith.index_cast %parallel_loop3A_198 : i32 to index
      %parallel_loop3A_200 = arith.index_cast %parallel_loop3A_192 : i32 to index
      %parallel_loop3A_201 = tpu.vector_load %arg4[%parallel_loop3A_199, %parallel_loop3A_200] {strides = array<i32>} : memref<8x4096xf32, #tpu.memory_space<vmem>>, vector<1x16xf32>,
      %parallel_loop3A_202 = vector.shape_cast %parallel_loop3A_201 : vector<1x16xf32> to vector<16xf32>
      %parallel_loop3A_203 = arith.addf %parallel_loop3A_197, %parallel_loop3A_202 : vector<16xf32>
      %parallel_loop3A_204 = arith.constant 1 : i32
      %parallel_loop3A_205 = arith.index_cast %parallel_loop3A_204 : i32 to index
      %parallel_loop3A_206 = arith.index_cast %parallel_loop3A_192 : i32 to index
      %parallel_loop3A_207 = tpu.vector_load %arg4[%parallel_loop3A_205, %parallel_loop3A_206] {strides = array<i32>} : memref<8x4096xf32, #tpu.memory_space<vmem>>, vector<1x16xf32>,
      %parallel_loop3A_208 = vector.shape_cast %parallel_loop3A_207 : vector<1x16xf32> to vector<16xf32>
      %parallel_loop3A_209 = arith.addf %parallel_loop3A_203, %parallel_loop3A_208 : vector<16xf32>
      %parallel_loop3A_210 = arith.constant 2 : i32
      %parallel_loop3A_211 = arith.index_cast %parallel_loop3A_210 : i32 to index
      %parallel_loop3A_212 = arith.index_cast %parallel_loop3A_192 : i32 to index
      %parallel_loop3A_213 = tpu.vector_load %arg4[%parallel_loop3A_211, %parallel_loop3A_212] {strides = array<i32>} : memref<8x4096xf32, #tpu.memory_space<vmem>>, vector<1x16xf32>,
      %parallel_loop3A_214 = vector.shape_cast %parallel_loop3A_213 : vector<1x16xf32> to vector<16xf32>
      %parallel_loop3A_215 = arith.addf %parallel_loop3A_209, %parallel_loop3A_214 : vector<16xf32>
      %parallel_loop3A_216 = arith.constant 3 : i32
      %parallel_loop3A_217 = arith.index_cast %parallel_loop3A_216 : i32 to index
      %parallel_loop3A_218 = arith.index_cast %parallel_loop3A_192 : i32 to index
      %parallel_loop3A_219 = tpu.vector_load %arg4[%parallel_loop3A_217, %parallel_loop3A_218] {strides = array<i32>} : memref<8x4096xf32, #tpu.memory_space<vmem>>, vector<1x16xf32>,
      %parallel_loop3A_220 = vector.shape_cast %parallel_loop3A_219 : vector<1x16xf32> to vector<16xf32>
      %parallel_loop3A_221 = arith.addf %parallel_loop3A_215, %parallel_loop3A_220 : vector<16xf32>
      %parallel_loop3A_222 = arith.constant 4 : i32
      %parallel_loop3A_223 = arith.index_cast %parallel_loop3A_222 : i32 to index
      %parallel_loop3A_224 = arith.index_cast %parallel_loop3A_192 : i32 to index
      %parallel_loop3A_225 = tpu.vector_load %arg4[%parallel_loop3A_223, %parallel_loop3A_224] {strides = array<i32>} : memref<8x4096xf32, #tpu.memory_space<vmem>>, vector<1x16xf32>,
      %parallel_loop3A_226 = vector.shape_cast %parallel_loop3A_225 : vector<1x16xf32> to vector<16xf32>
      %parallel_loop3A_227 = arith.addf %parallel_loop3A_221, %parallel_loop3A_226 : vector<16xf32>
      %parallel_loop3A_228 = arith.constant 5 : i32
      %parallel_loop3A_229 = arith.index_cast %parallel_loop3A_228 : i32 to index
      %parallel_loop3A_230 = arith.index_cast %parallel_loop3A_192 : i32 to index
      %parallel_loop3A_231 = tpu.vector_load %arg4[%parallel_loop3A_229, %parallel_loop3A_230] {strides = array<i32>} : memref<8x4096xf32, #tpu.memory_space<vmem>>, vector<1x16xf32>,
      %parallel_loop3A_232 = vector.shape_cast %parallel_loop3A_231 : vector<1x16xf32> to vector<16xf32>
      %parallel_loop3A_233 = arith.addf %parallel_loop3A_227, %parallel_loop3A_232 : vector<16xf32>
      %parallel_loop3A_234 = arith.constant 6 : i32
      %parallel_loop3A_235 = arith.index_cast %parallel_loop3A_234 : i32 to index
      %parallel_loop3A_236 = arith.index_cast %parallel_loop3A_192 : i32 to index
      %parallel_loop3A_237 = tpu.vector_load %arg4[%parallel_loop3A_235, %parallel_loop3A_236] {strides = array<i32>} : memref<8x4096xf32, #tpu.memory_space<vmem>>, vector<1x16xf32>,
      %parallel_loop3A_238 = vector.shape_cast %parallel_loop3A_237 : vector<1x16xf32> to vector<16xf32>
      %parallel_loop3A_239 = arith.addf %parallel_loop3A_233, %parallel_loop3A_238 : vector<16xf32>
      %parallel_loop3A_240 = arith.constant 7 : i32
      %parallel_loop3A_241 = arith.index_cast %parallel_loop3A_240 : i32 to index
      %parallel_loop3A_242 = arith.index_cast %parallel_loop3A_192 : i32 to index
      %parallel_loop3A_243 = tpu.vector_load %arg4[%parallel_loop3A_241, %parallel_loop3A_242] {strides = array<i32>} : memref<8x4096xf32, #tpu.memory_space<vmem>>, vector<1x16xf32>,
      %parallel_loop3A_244 = vector.shape_cast %parallel_loop3A_243 : vector<1x16xf32> to vector<16xf32>
      %parallel_loop3A_245 = arith.addf %parallel_loop3A_239, %parallel_loop3A_244 : vector<16xf32>
      %parallel_loop3A_246 = arith.constant 0 : i32
      %parallel_loop3A_247 = arith.index_cast %parallel_loop3A_246 : i32 to index
      %parallel_loop3A_248 = arith.index_cast %parallel_loop3A_192 : i32 to index
      %parallel_loop3A_249 = tpu.vector_load %arg6[%parallel_loop3A_247, %parallel_loop3A_248] {strides = array<i32>} : memref<1x4096xf32, #tpu.memory_space<vmem>>, vector<1x16xf32>,
      %parallel_loop3A_250 = vector.shape_cast %parallel_loop3A_249 : vector<1x16xf32> to vector<16xf32>
      %parallel_loop3A_251 = vector.shape_cast %parallel_loop3A_245 : vector<16xf32> to vector<1x16xf32>
      tpu.vector_store %arg6[%parallel_loop3A_247, %parallel_loop3A_248], %parallel_loop3A_251 {strides = array<i32>} : memref<1x4096xf32, #tpu.memory_space<vmem>>, vector<1x16xf32>,
    } {sc.loop_unroll_factor = 8 : i64, sc.parallel_access}
    %add3A_79 = arith.constant 32 : i32
    %add3A_80 = arith.addi %add3A_35, %add3A_79 : i32
    %dma_start3A_81 = arith.constant 0 : i32
    %dma_start3A_82 = tpu.memref_slice %arg2[%add3A_80, %dma_start3A_81] : memref<8192x4096xf32, #tpu.memory_space<hbm>> -> memref<8x4096xf32, #tpu.memory_space<hbm>>
    %dma_start3A_83 = arith.constant 0 : i32
    %dma_start3A_84 = tpu.memref_slice %arg2[%add3A_80, %dma_start3A_83] : memref<8192x4096xf32, #tpu.memory_space<hbm>> -> memref<8x4096xf32, #tpu.memory_space<hbm>>
    tpu.enqueue_dma source(%dma_start3A_84 : memref<8x4096xf32, #tpu.memory_space<hbm>>) target(%arg4 : memref<8x4096xf32, #tpu.memory_space<vmem>>) target_semaphore(%arg7 : memref<!tpu.dma_semaphore, #tpu.memory_space<semaphore_mem>>)
    %dma_wait3A_85 = arith.constant 0 : i32
    %dma_wait3A_86 = tpu.memref_slice %arg2[%add3A_67, %dma_wait3A_85] : memref<8192x4096xf32, #tpu.memory_space<hbm>> -> memref<8x4096xf32, #tpu.memory_space<hbm>>
    %dma_wait3A_87 = arith.constant 0 : i32
    %dma_wait3A_88 = tpu.memref_slice %arg2[%add3A_67, %dma_wait3A_87] : memref<8192x4096xf32, #tpu.memory_space<hbm>> -> memref<8x4096xf32, #tpu.memory_space<hbm>>
    tpu.wait_dma2 semaphore(%arg8 : memref<!tpu.dma_semaphore, #tpu.memory_space<semaphore_mem>>) src(%dma_wait3A_88 : memref<8x4096xf32, #tpu.memory_space<hbm>>) dst(%arg5 : memref<8x4096xf32, #tpu.memory_space<vmem>>)
    %parallel_loop3A_89 = arith.constant 0 : i32
    %parallel_loop3A_90 = arith.constant 256 : i32
    %parallel_loop3A_91 = arith.constant 1 : i32
    scf.for %parallel_loop3A_190 = %parallel_loop3A_89 to %parallel_loop3A_90 step %parallel_loop3A_91  : i32 {
      %parallel_loop3A_191 = arith.constant 16 : i32
      %parallel_loop3A_192 = arith.muli %parallel_loop3A_190, %parallel_loop3A_191 : i32
      %parallel_loop3A_193 = arith.constant 0 : i32
      %parallel_loop3A_194 = arith.index_cast %parallel_loop3A_193 : i32 to index
      %parallel_loop3A_195 = arith.index_cast %parallel_loop3A_192 : i32 to index
      %parallel_loop3A_196 = tpu.vector_load %arg6[%parallel_loop3A_194, %parallel_loop3A_195] {strides = array<i32>} : memref<1x4096xf32, #tpu.memory_space<vmem>>, vector<1x16xf32>,
      %parallel_loop3A_197 = vector.shape_cast %parallel_loop3A_196 : vector<1x16xf32> to vector<16xf32>
      %parallel_loop3A_198 = arith.constant 0 : i32
      %parallel_loop3A_199 = arith.index_cast %parallel_loop3A_198 : i32 to index
      %parallel_loop3A_200 = arith.index_cast %parallel_loop3A_192 : i32 to index
      %parallel_loop3A_201 = tpu.vector_load %arg5[%parallel_loop3A_199, %parallel_loop3A_200] {strides = array<i32>} : memref<8x4096xf32, #tpu.memory_space<vmem>>, vector<1x16xf32>,
      %parallel_loop3A_202 = vector.shape_cast %parallel_loop3A_201 : vector<1x16xf32> to vector<16xf32>
      %parallel_loop3A_203 = arith.addf %parallel_loop3A_197, %parallel_loop3A_202 : vector<16xf32>
      %parallel_loop3A_204 = arith.constant 1 : i32
      %parallel_loop3A_205 = arith.index_cast %parallel_loop3A_204 : i32 to index
      %parallel_loop3A_206 = arith.index_cast %parallel_loop3A_192 : i32 to index
      %parallel_loop3A_207 = tpu.vector_load %arg5[%parallel_loop3A_205, %parallel_loop3A_206] {strides = array<i32>} : memref<8x4096xf32, #tpu.memory_space<vmem>>, vector<1x16xf32>,
      %parallel_loop3A_208 = vector.shape_cast %parallel_loop3A_207 : vector<1x16xf32> to vector<16xf32>
      %parallel_loop3A_209 = arith.addf %parallel_loop3A_203, %parallel_loop3A_208 : vector<16xf32>
      %parallel_loop3A_210 = arith.constant 2 : i32
      %parallel_loop3A_211 = arith.index_cast %parallel_loop3A_210 : i32 to index
      %parallel_loop3A_212 = arith.index_cast %parallel_loop3A_192 : i32 to index
      %parallel_loop3A_213 = tpu.vector_load %arg5[%parallel_loop3A_211, %parallel_loop3A_212] {strides = array<i32>} : memref<8x4096xf32, #tpu.memory_space<vmem>>, vector<1x16xf32>,
      %parallel_loop3A_214 = vector.shape_cast %parallel_loop3A_213 : vector<1x16xf32> to vector<16xf32>
      %parallel_loop3A_215 = arith.addf %parallel_loop3A_209, %parallel_loop3A_214 : vector<16xf32>
      %parallel_loop3A_216 = arith.constant 3 : i32
      %parallel_loop3A_217 = arith.index_cast %parallel_loop3A_216 : i32 to index
      %parallel_loop3A_218 = arith.index_cast %parallel_loop3A_192 : i32 to index
      %parallel_loop3A_219 = tpu.vector_load %arg5[%parallel_loop3A_217, %parallel_loop3A_218] {strides = array<i32>} : memref<8x4096xf32, #tpu.memory_space<vmem>>, vector<1x16xf32>,
      %parallel_loop3A_220 = vector.shape_cast %parallel_loop3A_219 : vector<1x16xf32> to vector<16xf32>
      %parallel_loop3A_221 = arith.addf %parallel_loop3A_215, %parallel_loop3A_220 : vector<16xf32>
      %parallel_loop3A_222 = arith.constant 4 : i32
      %parallel_loop3A_223 = arith.index_cast %parallel_loop3A_222 : i32 to index
      %parallel_loop3A_224 = arith.index_cast %parallel_loop3A_192 : i32 to index
      %parallel_loop3A_225 = tpu.vector_load %arg5[%parallel_loop3A_223, %parallel_loop3A_224] {strides = array<i32>} : memref<8x4096xf32, #tpu.memory_space<vmem>>, vector<1x16xf32>,
      %parallel_loop3A_226 = vector.shape_cast %parallel_loop3A_225 : vector<1x16xf32> to vector<16xf32>
      %parallel_loop3A_227 = arith.addf %parallel_loop3A_221, %parallel_loop3A_226 : vector<16xf32>
      %parallel_loop3A_228 = arith.constant 5 : i32
      %parallel_loop3A_229 = arith.index_cast %parallel_loop3A_228 : i32 to index
      %parallel_loop3A_230 = arith.index_cast %parallel_loop3A_192 : i32 to index
      %parallel_loop3A_231 = tpu.vector_load %arg5[%parallel_loop3A_229, %parallel_loop3A_230] {strides = array<i32>} : memref<8x4096xf32, #tpu.memory_space<vmem>>, vector<1x16xf32>,
      %parallel_loop3A_232 = vector.shape_cast %parallel_loop3A_231 : vector<1x16xf32> to vector<16xf32>
      %parallel_loop3A_233 = arith.addf %parallel_loop3A_227, %parallel_loop3A_232 : vector<16xf32>
      %parallel_loop3A_234 = arith.constant 6 : i32
      %parallel_loop3A_235 = arith.index_cast %parallel_loop3A_234 : i32 to index
      %parallel_loop3A_236 = arith.index_cast %parallel_loop3A_192 : i32 to index
      %parallel_loop3A_237 = tpu.vector_load %arg5[%parallel_loop3A_235, %parallel_loop3A_236] {strides = array<i32>} : memref<8x4096xf32, #tpu.memory_space<vmem>>, vector<1x16xf32>,
      %parallel_loop3A_238 = vector.shape_cast %parallel_loop3A_237 : vector<1x16xf32> to vector<16xf32>
      %parallel_loop3A_239 = arith.addf %parallel_loop3A_233, %parallel_loop3A_238 : vector<16xf32>
      %parallel_loop3A_240 = arith.constant 7 : i32
      %parallel_loop3A_241 = arith.index_cast %parallel_loop3A_240 : i32 to index
      %parallel_loop3A_242 = arith.index_cast %parallel_loop3A_192 : i32 to index
      %parallel_loop3A_243 = tpu.vector_load %arg5[%parallel_loop3A_241, %parallel_loop3A_242] {strides = array<i32>} : memref<8x4096xf32, #tpu.memory_space<vmem>>, vector<1x16xf32>,
      %parallel_loop3A_244 = vector.shape_cast %parallel_loop3A_243 : vector<1x16xf32> to vector<16xf32>
      %parallel_loop3A_245 = arith.addf %parallel_loop3A_239, %parallel_loop3A_244 : vector<16xf32>
      %parallel_loop3A_246 = arith.constant 0 : i32
      %parallel_loop3A_247 = arith.index_cast %parallel_loop3A_246 : i32 to index
      %parallel_loop3A_248 = arith.index_cast %parallel_loop3A_192 : i32 to index
      %parallel_loop3A_249 = tpu.vector_load %arg6[%parallel_loop3A_247, %parallel_loop3A_248] {strides = array<i32>} : memref<1x4096xf32, #tpu.memory_space<vmem>>, vector<1x16xf32>,
      %parallel_loop3A_250 = vector.shape_cast %parallel_loop3A_249 : vector<1x16xf32> to vector<16xf32>
      %parallel_loop3A_251 = vector.shape_cast %parallel_loop3A_245 : vector<16xf32> to vector<1x16xf32>
      tpu.vector_store %arg6[%parallel_loop3A_247, %parallel_loop3A_248], %parallel_loop3A_251 {strides = array<i32>} : memref<1x4096xf32, #tpu.memory_space<vmem>>, vector<1x16xf32>,
    } {sc.loop_unroll_factor = 8 : i64, sc.parallel_access}
    %add3A_92 = arith.constant 40 : i32
    %add3A_93 = arith.addi %add3A_35, %add3A_92 : i32
    %dma_start3A_94 = arith.constant 0 : i32
    %dma_start3A_95 = tpu.memref_slice %arg2[%add3A_93, %dma_start3A_94] : memref<8192x4096xf32, #tpu.memory_space<hbm>> -> memref<8x4096xf32, #tpu.memory_space<hbm>>
    %dma_start3A_96 = arith.constant 0 : i32
    %dma_start3A_97 = tpu.memref_slice %arg2[%add3A_93, %dma_start3A_96] : memref<8192x4096xf32, #tpu.memory_space<hbm>> -> memref<8x4096xf32, #tpu.memory_space<hbm>>
    tpu.enqueue_dma source(%dma_start3A_97 : memref<8x4096xf32, #tpu.memory_space<hbm>>) target(%arg5 : memref<8x4096xf32, #tpu.memory_space<vmem>>) target_semaphore(%arg8 : memref<!tpu.dma_semaphore, #tpu.memory_space<semaphore_mem>>)
    %dma_wait3A_98 = arith.constant 0 : i32
    %dma_wait3A_99 = tpu.memref_slice %arg2[%add3A_80, %dma_wait3A_98] : memref<8192x4096xf32, #tpu.memory_space<hbm>> -> memref<8x4096xf32, #tpu.memory_space<hbm>>
    %dma_wait3A_100 = arith.constant 0 : i32
    %dma_wait3A_101 = tpu.memref_slice %arg2[%add3A_80, %dma_wait3A_100] : memref<8192x4096xf32, #tpu.memory_space<hbm>> -> memref<8x4096xf32, #tpu.memory_space<hbm>>
    tpu.wait_dma2 semaphore(%arg7 : memref<!tpu.dma_semaphore, #tpu.memory_space<semaphore_mem>>) src(%dma_wait3A_101 : memref<8x4096xf32, #tpu.memory_space<hbm>>) dst(%arg4 : memref<8x4096xf32, #tpu.memory_space<vmem>>)
    %parallel_loop3A_102 = arith.constant 0 : i32
    %parallel_loop3A_103 = arith.constant 256 : i32
    %parallel_loop3A_104 = arith.constant 1 : i32
    scf.for %parallel_loop3A_190 = %parallel_loop3A_102 to %parallel_loop3A_103 step %parallel_loop3A_104  : i32 {
      %parallel_loop3A_191 = arith.constant 16 : i32
      %parallel_loop3A_192 = arith.muli %parallel_loop3A_190, %parallel_loop3A_191 : i32
      %parallel_loop3A_193 = arith.constant 0 : i32
      %parallel_loop3A_194 = arith.index_cast %parallel_loop3A_193 : i32 to index
      %parallel_loop3A_195 = arith.index_cast %parallel_loop3A_192 : i32 to index
      %parallel_loop3A_196 = tpu.vector_load %arg6[%parallel_loop3A_194, %parallel_loop3A_195] {strides = array<i32>} : memref<1x4096xf32, #tpu.memory_space<vmem>>, vector<1x16xf32>,
      %parallel_loop3A_197 = vector.shape_cast %parallel_loop3A_196 : vector<1x16xf32> to vector<16xf32>
      %parallel_loop3A_198 = arith.constant 0 : i32
      %parallel_loop3A_199 = arith.index_cast %parallel_loop3A_198 : i32 to index
      %parallel_loop3A_200 = arith.index_cast %parallel_loop3A_192 : i32 to index
      %parallel_loop3A_201 = tpu.vector_load %arg4[%parallel_loop3A_199, %parallel_loop3A_200] {strides = array<i32>} : memref<8x4096xf32, #tpu.memory_space<vmem>>, vector<1x16xf32>,
      %parallel_loop3A_202 = vector.shape_cast %parallel_loop3A_201 : vector<1x16xf32> to vector<16xf32>
      %parallel_loop3A_203 = arith.addf %parallel_loop3A_197, %parallel_loop3A_202 : vector<16xf32>
      %parallel_loop3A_204 = arith.constant 1 : i32
      %parallel_loop3A_205 = arith.index_cast %parallel_loop3A_204 : i32 to index
      %parallel_loop3A_206 = arith.index_cast %parallel_loop3A_192 : i32 to index
      %parallel_loop3A_207 = tpu.vector_load %arg4[%parallel_loop3A_205, %parallel_loop3A_206] {strides = array<i32>} : memref<8x4096xf32, #tpu.memory_space<vmem>>, vector<1x16xf32>,
      %parallel_loop3A_208 = vector.shape_cast %parallel_loop3A_207 : vector<1x16xf32> to vector<16xf32>
      %parallel_loop3A_209 = arith.addf %parallel_loop3A_203, %parallel_loop3A_208 : vector<16xf32>
      %parallel_loop3A_210 = arith.constant 2 : i32
      %parallel_loop3A_211 = arith.index_cast %parallel_loop3A_210 : i32 to index
      %parallel_loop3A_212 = arith.index_cast %parallel_loop3A_192 : i32 to index
      %parallel_loop3A_213 = tpu.vector_load %arg4[%parallel_loop3A_211, %parallel_loop3A_212] {strides = array<i32>} : memref<8x4096xf32, #tpu.memory_space<vmem>>, vector<1x16xf32>,
      %parallel_loop3A_214 = vector.shape_cast %parallel_loop3A_213 : vector<1x16xf32> to vector<16xf32>
      %parallel_loop3A_215 = arith.addf %parallel_loop3A_209, %parallel_loop3A_214 : vector<16xf32>
      %parallel_loop3A_216 = arith.constant 3 : i32
      %parallel_loop3A_217 = arith.index_cast %parallel_loop3A_216 : i32 to index
      %parallel_loop3A_218 = arith.index_cast %parallel_loop3A_192 : i32 to index
      %parallel_loop3A_219 = tpu.vector_load %arg4[%parallel_loop3A_217, %parallel_loop3A_218] {strides = array<i32>} : memref<8x4096xf32, #tpu.memory_space<vmem>>, vector<1x16xf32>,
      %parallel_loop3A_220 = vector.shape_cast %parallel_loop3A_219 : vector<1x16xf32> to vector<16xf32>
      %parallel_loop3A_221 = arith.addf %parallel_loop3A_215, %parallel_loop3A_220 : vector<16xf32>
      %parallel_loop3A_222 = arith.constant 4 : i32
      %parallel_loop3A_223 = arith.index_cast %parallel_loop3A_222 : i32 to index
      %parallel_loop3A_224 = arith.index_cast %parallel_loop3A_192 : i32 to index
      %parallel_loop3A_225 = tpu.vector_load %arg4[%parallel_loop3A_223, %parallel_loop3A_224] {strides = array<i32>} : memref<8x4096xf32, #tpu.memory_space<vmem>>, vector<1x16xf32>,
      %parallel_loop3A_226 = vector.shape_cast %parallel_loop3A_225 : vector<1x16xf32> to vector<16xf32>
      %parallel_loop3A_227 = arith.addf %parallel_loop3A_221, %parallel_loop3A_226 : vector<16xf32>
      %parallel_loop3A_228 = arith.constant 5 : i32
      %parallel_loop3A_229 = arith.index_cast %parallel_loop3A_228 : i32 to index
      %parallel_loop3A_230 = arith.index_cast %parallel_loop3A_192 : i32 to index
      %parallel_loop3A_231 = tpu.vector_load %arg4[%parallel_loop3A_229, %parallel_loop3A_230] {strides = array<i32>} : memref<8x4096xf32, #tpu.memory_space<vmem>>, vector<1x16xf32>,
      %parallel_loop3A_232 = vector.shape_cast %parallel_loop3A_231 : vector<1x16xf32> to vector<16xf32>
      %parallel_loop3A_233 = arith.addf %parallel_loop3A_227, %parallel_loop3A_232 : vector<16xf32>
      %parallel_loop3A_234 = arith.constant 6 : i32
      %parallel_loop3A_235 = arith.index_cast %parallel_loop3A_234 : i32 to index
      %parallel_loop3A_236 = arith.index_cast %parallel_loop3A_192 : i32 to index
      %parallel_loop3A_237 = tpu.vector_load %arg4[%parallel_loop3A_235, %parallel_loop3A_236] {strides = array<i32>} : memref<8x4096xf32, #tpu.memory_space<vmem>>, vector<1x16xf32>,
      %parallel_loop3A_238 = vector.shape_cast %parallel_loop3A_237 : vector<1x16xf32> to vector<16xf32>
      %parallel_loop3A_239 = arith.addf %parallel_loop3A_233, %parallel_loop3A_238 : vector<16xf32>
      %parallel_loop3A_240 = arith.constant 7 : i32
      %parallel_loop3A_241 = arith.index_cast %parallel_loop3A_240 : i32 to index
      %parallel_loop3A_242 = arith.index_cast %parallel_loop3A_192 : i32 to index
      %parallel_loop3A_243 = tpu.vector_load %arg4[%parallel_loop3A_241, %parallel_loop3A_242] {strides = array<i32>} : memref<8x4096xf32, #tpu.memory_space<vmem>>, vector<1x16xf32>,
      %parallel_loop3A_244 = vector.shape_cast %parallel_loop3A_243 : vector<1x16xf32> to vector<16xf32>
      %parallel_loop3A_245 = arith.addf %parallel_loop3A_239, %parallel_loop3A_244 : vector<16xf32>
      %parallel_loop3A_246 = arith.constant 0 : i32
      %parallel_loop3A_247 = arith.index_cast %parallel_loop3A_246 : i32 to index
      %parallel_loop3A_248 = arith.index_cast %parallel_loop3A_192 : i32 to index
      %parallel_loop3A_249 = tpu.vector_load %arg6[%parallel_loop3A_247, %parallel_loop3A_248] {strides = array<i32>} : memref<1x4096xf32, #tpu.memory_space<vmem>>, vector<1x16xf32>,
      %parallel_loop3A_250 = vector.shape_cast %parallel_loop3A_249 : vector<1x16xf32> to vector<16xf32>
      %parallel_loop3A_251 = vector.shape_cast %parallel_loop3A_245 : vector<16xf32> to vector<1x16xf32>
      tpu.vector_store %arg6[%parallel_loop3A_247, %parallel_loop3A_248], %parallel_loop3A_251 {strides = array<i32>} : memref<1x4096xf32, #tpu.memory_space<vmem>>, vector<1x16xf32>,
    } {sc.loop_unroll_factor = 8 : i64, sc.parallel_access}
    %add3A_105 = arith.constant 48 : i32
    %add3A_106 = arith.addi %add3A_35, %add3A_105 : i32
    %dma_start3A_107 = arith.constant 0 : i32
    %dma_start3A_108 = tpu.memref_slice %arg2[%add3A_106, %dma_start3A_107] : memref<8192x4096xf32, #tpu.memory_space<hbm>> -> memref<8x4096xf32, #tpu.memory_space<hbm>>
    %dma_start3A_109 = arith.constant 0 : i32
    %dma_start3A_110 = tpu.memref_slice %arg2[%add3A_106, %dma_start3A_109] : memref<8192x4096xf32, #tpu.memory_space<hbm>> -> memref<8x4096xf32, #tpu.memory_space<hbm>>
    tpu.enqueue_dma source(%dma_start3A_110 : memref<8x4096xf32, #tpu.memory_space<hbm>>) target(%arg4 : memref<8x4096xf32, #tpu.memory_space<vmem>>) target_semaphore(%arg7 : memref<!tpu.dma_semaphore, #tpu.memory_space<semaphore_mem>>)
    %dma_wait3A_111 = arith.constant 0 : i32
    %dma_wait3A_112 = tpu.memref_slice %arg2[%add3A_93, %dma_wait3A_111] : memref<8192x4096xf32, #tpu.memory_space<hbm>> -> memref<8x4096xf32, #tpu.memory_space<hbm>>
    %dma_wait3A_113 = arith.constant 0 : i32
    %dma_wait3A_114 = tpu.memref_slice %arg2[%add3A_93, %dma_wait3A_113] : memref<8192x4096xf32, #tpu.memory_space<hbm>> -> memref<8x4096xf32, #tpu.memory_space<hbm>>
    tpu.wait_dma2 semaphore(%arg8 : memref<!tpu.dma_semaphore, #tpu.memory_space<semaphore_mem>>) src(%dma_wait3A_114 : memref<8x4096xf32, #tpu.memory_space<hbm>>) dst(%arg5 : memref<8x4096xf32, #tpu.memory_space<vmem>>)
    %parallel_loop3A_115 = arith.constant 0 : i32
    %parallel_loop3A_116 = arith.constant 256 : i32
    %parallel_loop3A_117 = arith.constant 1 : i32
    scf.for %parallel_loop3A_190 = %parallel_loop3A_115 to %parallel_loop3A_116 step %parallel_loop3A_117  : i32 {
      %parallel_loop3A_191 = arith.constant 16 : i32
      %parallel_loop3A_192 = arith.muli %parallel_loop3A_190, %parallel_loop3A_191 : i32
      %parallel_loop3A_193 = arith.constant 0 : i32
      %parallel_loop3A_194 = arith.index_cast %parallel_loop3A_193 : i32 to index
      %parallel_loop3A_195 = arith.index_cast %parallel_loop3A_192 : i32 to index
      %parallel_loop3A_196 = tpu.vector_load %arg6[%parallel_loop3A_194, %parallel_loop3A_195] {strides = array<i32>} : memref<1x4096xf32, #tpu.memory_space<vmem>>, vector<1x16xf32>,
      %parallel_loop3A_197 = vector.shape_cast %parallel_loop3A_196 : vector<1x16xf32> to vector<16xf32>
      %parallel_loop3A_198 = arith.constant 0 : i32
      %parallel_loop3A_199 = arith.index_cast %parallel_loop3A_198 : i32 to index
      %parallel_loop3A_200 = arith.index_cast %parallel_loop3A_192 : i32 to index
      %parallel_loop3A_201 = tpu.vector_load %arg5[%parallel_loop3A_199, %parallel_loop3A_200] {strides = array<i32>} : memref<8x4096xf32, #tpu.memory_space<vmem>>, vector<1x16xf32>,
      %parallel_loop3A_202 = vector.shape_cast %parallel_loop3A_201 : vector<1x16xf32> to vector<16xf32>
      %parallel_loop3A_203 = arith.addf %parallel_loop3A_197, %parallel_loop3A_202 : vector<16xf32>
      %parallel_loop3A_204 = arith.constant 1 : i32
      %parallel_loop3A_205 = arith.index_cast %parallel_loop3A_204 : i32 to index
      %parallel_loop3A_206 = arith.index_cast %parallel_loop3A_192 : i32 to index
      %parallel_loop3A_207 = tpu.vector_load %arg5[%parallel_loop3A_205, %parallel_loop3A_206] {strides = array<i32>} : memref<8x4096xf32, #tpu.memory_space<vmem>>, vector<1x16xf32>,
      %parallel_loop3A_208 = vector.shape_cast %parallel_loop3A_207 : vector<1x16xf32> to vector<16xf32>
      %parallel_loop3A_209 = arith.addf %parallel_loop3A_203, %parallel_loop3A_208 : vector<16xf32>
      %parallel_loop3A_210 = arith.constant 2 : i32
      %parallel_loop3A_211 = arith.index_cast %parallel_loop3A_210 : i32 to index
      %parallel_loop3A_212 = arith.index_cast %parallel_loop3A_192 : i32 to index
      %parallel_loop3A_213 = tpu.vector_load %arg5[%parallel_loop3A_211, %parallel_loop3A_212] {strides = array<i32>} : memref<8x4096xf32, #tpu.memory_space<vmem>>, vector<1x16xf32>,
      %parallel_loop3A_214 = vector.shape_cast %parallel_loop3A_213 : vector<1x16xf32> to vector<16xf32>
      %parallel_loop3A_215 = arith.addf %parallel_loop3A_209, %parallel_loop3A_214 : vector<16xf32>
      %parallel_loop3A_216 = arith.constant 3 : i32
      %parallel_loop3A_217 = arith.index_cast %parallel_loop3A_216 : i32 to index
      %parallel_loop3A_218 = arith.index_cast %parallel_loop3A_192 : i32 to index
      %parallel_loop3A_219 = tpu.vector_load %arg5[%parallel_loop3A_217, %parallel_loop3A_218] {strides = array<i32>} : memref<8x4096xf32, #tpu.memory_space<vmem>>, vector<1x16xf32>,
      %parallel_loop3A_220 = vector.shape_cast %parallel_loop3A_219 : vector<1x16xf32> to vector<16xf32>
      %parallel_loop3A_221 = arith.addf %parallel_loop3A_215, %parallel_loop3A_220 : vector<16xf32>
      %parallel_loop3A_222 = arith.constant 4 : i32
      %parallel_loop3A_223 = arith.index_cast %parallel_loop3A_222 : i32 to index
      %parallel_loop3A_224 = arith.index_cast %parallel_loop3A_192 : i32 to index
      %parallel_loop3A_225 = tpu.vector_load %arg5[%parallel_loop3A_223, %parallel_loop3A_224] {strides = array<i32>} : memref<8x4096xf32, #tpu.memory_space<vmem>>, vector<1x16xf32>,
      %parallel_loop3A_226 = vector.shape_cast %parallel_loop3A_225 : vector<1x16xf32> to vector<16xf32>
      %parallel_loop3A_227 = arith.addf %parallel_loop3A_221, %parallel_loop3A_226 : vector<16xf32>
      %parallel_loop3A_228 = arith.constant 5 : i32
      %parallel_loop3A_229 = arith.index_cast %parallel_loop3A_228 : i32 to index
      %parallel_loop3A_230 = arith.index_cast %parallel_loop3A_192 : i32 to index
      %parallel_loop3A_231 = tpu.vector_load %arg5[%parallel_loop3A_229, %parallel_loop3A_230] {strides = array<i32>} : memref<8x4096xf32, #tpu.memory_space<vmem>>, vector<1x16xf32>,
      %parallel_loop3A_232 = vector.shape_cast %parallel_loop3A_231 : vector<1x16xf32> to vector<16xf32>
      %parallel_loop3A_233 = arith.addf %parallel_loop3A_227, %parallel_loop3A_232 : vector<16xf32>
      %parallel_loop3A_234 = arith.constant 6 : i32
      %parallel_loop3A_235 = arith.index_cast %parallel_loop3A_234 : i32 to index
      %parallel_loop3A_236 = arith.index_cast %parallel_loop3A_192 : i32 to index
      %parallel_loop3A_237 = tpu.vector_load %arg5[%parallel_loop3A_235, %parallel_loop3A_236] {strides = array<i32>} : memref<8x4096xf32, #tpu.memory_space<vmem>>, vector<1x16xf32>,
      %parallel_loop3A_238 = vector.shape_cast %parallel_loop3A_237 : vector<1x16xf32> to vector<16xf32>
      %parallel_loop3A_239 = arith.addf %parallel_loop3A_233, %parallel_loop3A_238 : vector<16xf32>
      %parallel_loop3A_240 = arith.constant 7 : i32
      %parallel_loop3A_241 = arith.index_cast %parallel_loop3A_240 : i32 to index
      %parallel_loop3A_242 = arith.index_cast %parallel_loop3A_192 : i32 to index
      %parallel_loop3A_243 = tpu.vector_load %arg5[%parallel_loop3A_241, %parallel_loop3A_242] {strides = array<i32>} : memref<8x4096xf32, #tpu.memory_space<vmem>>, vector<1x16xf32>,
      %parallel_loop3A_244 = vector.shape_cast %parallel_loop3A_243 : vector<1x16xf32> to vector<16xf32>
      %parallel_loop3A_245 = arith.addf %parallel_loop3A_239, %parallel_loop3A_244 : vector<16xf32>
      %parallel_loop3A_246 = arith.constant 0 : i32
      %parallel_loop3A_247 = arith.index_cast %parallel_loop3A_246 : i32 to index
      %parallel_loop3A_248 = arith.index_cast %parallel_loop3A_192 : i32 to index
      %parallel_loop3A_249 = tpu.vector_load %arg6[%parallel_loop3A_247, %parallel_loop3A_248] {strides = array<i32>} : memref<1x4096xf32, #tpu.memory_space<vmem>>, vector<1x16xf32>,
      %parallel_loop3A_250 = vector.shape_cast %parallel_loop3A_249 : vector<1x16xf32> to vector<16xf32>
      %parallel_loop3A_251 = vector.shape_cast %parallel_loop3A_245 : vector<16xf32> to vector<1x16xf32>
      tpu.vector_store %arg6[%parallel_loop3A_247, %parallel_loop3A_248], %parallel_loop3A_251 {strides = array<i32>} : memref<1x4096xf32, #tpu.memory_space<vmem>>, vector<1x16xf32>,
    } {sc.loop_unroll_factor = 8 : i64, sc.parallel_access}
    %add3A_118 = arith.constant 56 : i32
    %add3A_119 = arith.addi %add3A_35, %add3A_118 : i32
    %dma_start3A_120 = arith.constant 0 : i32
    %dma_start3A_121 = tpu.memref_slice %arg2[%add3A_119, %dma_start3A_120] : memref<8192x4096xf32, #tpu.memory_space<hbm>> -> memref<8x4096xf32, #tpu.memory_space<hbm>>
    %dma_start3A_122 = arith.constant 0 : i32
    %dma_start3A_123 = tpu.memref_slice %arg2[%add3A_119, %dma_start3A_122] : memref<8192x4096xf32, #tpu.memory_space<hbm>> -> memref<8x4096xf32, #tpu.memory_space<hbm>>
    tpu.enqueue_dma source(%dma_start3A_123 : memref<8x4096xf32, #tpu.memory_space<hbm>>) target(%arg5 : memref<8x4096xf32, #tpu.memory_space<vmem>>) target_semaphore(%arg8 : memref<!tpu.dma_semaphore, #tpu.memory_space<semaphore_mem>>)
    %dma_wait3A_124 = arith.constant 0 : i32
    %dma_wait3A_125 = tpu.memref_slice %arg2[%add3A_106, %dma_wait3A_124] : memref<8192x4096xf32, #tpu.memory_space<hbm>> -> memref<8x4096xf32, #tpu.memory_space<hbm>>
    %dma_wait3A_126 = arith.constant 0 : i32
    %dma_wait3A_127 = tpu.memref_slice %arg2[%add3A_106, %dma_wait3A_126] : memref<8192x4096xf32, #tpu.memory_space<hbm>> -> memref<8x4096xf32, #tpu.memory_space<hbm>>
    tpu.wait_dma2 semaphore(%arg7 : memref<!tpu.dma_semaphore, #tpu.memory_space<semaphore_mem>>) src(%dma_wait3A_127 : memref<8x4096xf32, #tpu.memory_space<hbm>>) dst(%arg4 : memref<8x4096xf32, #tpu.memory_space<vmem>>)
    %parallel_loop3A_128 = arith.constant 0 : i32
    %parallel_loop3A_129 = arith.constant 256 : i32
    %parallel_loop3A_130 = arith.constant 1 : i32
    scf.for %parallel_loop3A_190 = %parallel_loop3A_128 to %parallel_loop3A_129 step %parallel_loop3A_130  : i32 {
      %parallel_loop3A_191 = arith.constant 16 : i32
      %parallel_loop3A_192 = arith.muli %parallel_loop3A_190, %parallel_loop3A_191 : i32
      %parallel_loop3A_193 = arith.constant 0 : i32
      %parallel_loop3A_194 = arith.index_cast %parallel_loop3A_193 : i32 to index
      %parallel_loop3A_195 = arith.index_cast %parallel_loop3A_192 : i32 to index
      %parallel_loop3A_196 = tpu.vector_load %arg6[%parallel_loop3A_194, %parallel_loop3A_195] {strides = array<i32>} : memref<1x4096xf32, #tpu.memory_space<vmem>>, vector<1x16xf32>,
      %parallel_loop3A_197 = vector.shape_cast %parallel_loop3A_196 : vector<1x16xf32> to vector<16xf32>
      %parallel_loop3A_198 = arith.constant 0 : i32
      %parallel_loop3A_199 = arith.index_cast %parallel_loop3A_198 : i32 to index
      %parallel_loop3A_200 = arith.index_cast %parallel_loop3A_192 : i32 to index
      %parallel_loop3A_201 = tpu.vector_load %arg4[%parallel_loop3A_199, %parallel_loop3A_200] {strides = array<i32>} : memref<8x4096xf32, #tpu.memory_space<vmem>>, vector<1x16xf32>,
      %parallel_loop3A_202 = vector.shape_cast %parallel_loop3A_201 : vector<1x16xf32> to vector<16xf32>
      %parallel_loop3A_203 = arith.addf %parallel_loop3A_197, %parallel_loop3A_202 : vector<16xf32>
      %parallel_loop3A_204 = arith.constant 1 : i32
      %parallel_loop3A_205 = arith.index_cast %parallel_loop3A_204 : i32 to index
      %parallel_loop3A_206 = arith.index_cast %parallel_loop3A_192 : i32 to index
      %parallel_loop3A_207 = tpu.vector_load %arg4[%parallel_loop3A_205, %parallel_loop3A_206] {strides = array<i32>} : memref<8x4096xf32, #tpu.memory_space<vmem>>, vector<1x16xf32>,
      %parallel_loop3A_208 = vector.shape_cast %parallel_loop3A_207 : vector<1x16xf32> to vector<16xf32>
      %parallel_loop3A_209 = arith.addf %parallel_loop3A_203, %parallel_loop3A_208 : vector<16xf32>
      %parallel_loop3A_210 = arith.constant 2 : i32
      %parallel_loop3A_211 = arith.index_cast %parallel_loop3A_210 : i32 to index
      %parallel_loop3A_212 = arith.index_cast %parallel_loop3A_192 : i32 to index
      %parallel_loop3A_213 = tpu.vector_load %arg4[%parallel_loop3A_211, %parallel_loop3A_212] {strides = array<i32>} : memref<8x4096xf32, #tpu.memory_space<vmem>>, vector<1x16xf32>,
      %parallel_loop3A_214 = vector.shape_cast %parallel_loop3A_213 : vector<1x16xf32> to vector<16xf32>
      %parallel_loop3A_215 = arith.addf %parallel_loop3A_209, %parallel_loop3A_214 : vector<16xf32>
      %parallel_loop3A_216 = arith.constant 3 : i32
      %parallel_loop3A_217 = arith.index_cast %parallel_loop3A_216 : i32 to index
      %parallel_loop3A_218 = arith.index_cast %parallel_loop3A_192 : i32 to index
      %parallel_loop3A_219 = tpu.vector_load %arg4[%parallel_loop3A_217, %parallel_loop3A_218] {strides = array<i32>} : memref<8x4096xf32, #tpu.memory_space<vmem>>, vector<1x16xf32>,
      %parallel_loop3A_220 = vector.shape_cast %parallel_loop3A_219 : vector<1x16xf32> to vector<16xf32>
      %parallel_loop3A_221 = arith.addf %parallel_loop3A_215, %parallel_loop3A_220 : vector<16xf32>
      %parallel_loop3A_222 = arith.constant 4 : i32
      %parallel_loop3A_223 = arith.index_cast %parallel_loop3A_222 : i32 to index
      %parallel_loop3A_224 = arith.index_cast %parallel_loop3A_192 : i32 to index
      %parallel_loop3A_225 = tpu.vector_load %arg4[%parallel_loop3A_223, %parallel_loop3A_224] {strides = array<i32>} : memref<8x4096xf32, #tpu.memory_space<vmem>>, vector<1x16xf32>,
      %parallel_loop3A_226 = vector.shape_cast %parallel_loop3A_225 : vector<1x16xf32> to vector<16xf32>
      %parallel_loop3A_227 = arith.addf %parallel_loop3A_221, %parallel_loop3A_226 : vector<16xf32>
      %parallel_loop3A_228 = arith.constant 5 : i32
      %parallel_loop3A_229 = arith.index_cast %parallel_loop3A_228 : i32 to index
      %parallel_loop3A_230 = arith.index_cast %parallel_loop3A_192 : i32 to index
      %parallel_loop3A_231 = tpu.vector_load %arg4[%parallel_loop3A_229, %parallel_loop3A_230] {strides = array<i32>} : memref<8x4096xf32, #tpu.memory_space<vmem>>, vector<1x16xf32>,
      %parallel_loop3A_232 = vector.shape_cast %parallel_loop3A_231 : vector<1x16xf32> to vector<16xf32>
      %parallel_loop3A_233 = arith.addf %parallel_loop3A_227, %parallel_loop3A_232 : vector<16xf32>
      %parallel_loop3A_234 = arith.constant 6 : i32
      %parallel_loop3A_235 = arith.index_cast %parallel_loop3A_234 : i32 to index
      %parallel_loop3A_236 = arith.index_cast %parallel_loop3A_192 : i32 to index
      %parallel_loop3A_237 = tpu.vector_load %arg4[%parallel_loop3A_235, %parallel_loop3A_236] {strides = array<i32>} : memref<8x4096xf32, #tpu.memory_space<vmem>>, vector<1x16xf32>,
      %parallel_loop3A_238 = vector.shape_cast %parallel_loop3A_237 : vector<1x16xf32> to vector<16xf32>
      %parallel_loop3A_239 = arith.addf %parallel_loop3A_233, %parallel_loop3A_238 : vector<16xf32>
      %parallel_loop3A_240 = arith.constant 7 : i32
      %parallel_loop3A_241 = arith.index_cast %parallel_loop3A_240 : i32 to index
      %parallel_loop3A_242 = arith.index_cast %parallel_loop3A_192 : i32 to index
      %parallel_loop3A_243 = tpu.vector_load %arg4[%parallel_loop3A_241, %parallel_loop3A_242] {strides = array<i32>} : memref<8x4096xf32, #tpu.memory_space<vmem>>, vector<1x16xf32>,
      %parallel_loop3A_244 = vector.shape_cast %parallel_loop3A_243 : vector<1x16xf32> to vector<16xf32>
      %parallel_loop3A_245 = arith.addf %parallel_loop3A_239, %parallel_loop3A_244 : vector<16xf32>
      %parallel_loop3A_246 = arith.constant 0 : i32
      %parallel_loop3A_247 = arith.index_cast %parallel_loop3A_246 : i32 to index
      %parallel_loop3A_248 = arith.index_cast %parallel_loop3A_192 : i32 to index
      %parallel_loop3A_249 = tpu.vector_load %arg6[%parallel_loop3A_247, %parallel_loop3A_248] {strides = array<i32>} : memref<1x4096xf32, #tpu.memory_space<vmem>>, vector<1x16xf32>,
      %parallel_loop3A_250 = vector.shape_cast %parallel_loop3A_249 : vector<1x16xf32> to vector<16xf32>
      %parallel_loop3A_251 = vector.shape_cast %parallel_loop3A_245 : vector<16xf32> to vector<1x16xf32>
      tpu.vector_store %arg6[%parallel_loop3A_247, %parallel_loop3A_248], %parallel_loop3A_251 {strides = array<i32>} : memref<1x4096xf32, #tpu.memory_space<vmem>>, vector<1x16xf32>,
    } {sc.loop_unroll_factor = 8 : i64, sc.parallel_access}
    %add3A_131 = arith.constant 64 : i32
    %add3A_132 = arith.addi %add3A_35, %add3A_131 : i32
    %dma_start3A_133 = arith.constant 0 : i32
    %dma_start3A_134 = tpu.memref_slice %arg2[%add3A_132, %dma_start3A_133] : memref<8192x4096xf32, #tpu.memory_space<hbm>> -> memref<8x4096xf32, #tpu.memory_space<hbm>>
    %dma_start3A_135 = arith.constant 0 : i32
    %dma_start3A_136 = tpu.memref_slice %arg2[%add3A_132, %dma_start3A_135] : memref<8192x4096xf32, #tpu.memory_space<hbm>> -> memref<8x4096xf32, #tpu.memory_space<hbm>>
    tpu.enqueue_dma source(%dma_start3A_136 : memref<8x4096xf32, #tpu.memory_space<hbm>>) target(%arg4 : memref<8x4096xf32, #tpu.memory_space<vmem>>) target_semaphore(%arg7 : memref<!tpu.dma_semaphore, #tpu.memory_space<semaphore_mem>>)
    %dma_wait3A_137 = arith.constant 0 : i32
    %dma_wait3A_138 = tpu.memref_slice %arg2[%add3A_119, %dma_wait3A_137] : memref<8192x4096xf32, #tpu.memory_space<hbm>> -> memref<8x4096xf32, #tpu.memory_space<hbm>>
    %dma_wait3A_139 = arith.constant 0 : i32
    %dma_wait3A_140 = tpu.memref_slice %arg2[%add3A_119, %dma_wait3A_139] : memref<8192x4096xf32, #tpu.memory_space<hbm>> -> memref<8x4096xf32, #tpu.memory_space<hbm>>
    tpu.wait_dma2 semaphore(%arg8 : memref<!tpu.dma_semaphore, #tpu.memory_space<semaphore_mem>>) src(%dma_wait3A_140 : memref<8x4096xf32, #tpu.memory_space<hbm>>) dst(%arg5 : memref<8x4096xf32, #tpu.memory_space<vmem>>)
    %parallel_loop3A_141 = arith.constant 0 : i32
    %parallel_loop3A_142 = arith.constant 256 : i32
    %parallel_loop3A_143 = arith.constant 1 : i32
    scf.for %parallel_loop3A_190 = %parallel_loop3A_141 to %parallel_loop3A_142 step %parallel_loop3A_143  : i32 {
      %parallel_loop3A_191 = arith.constant 16 : i32
      %parallel_loop3A_192 = arith.muli %parallel_loop3A_190, %parallel_loop3A_191 : i32
      %parallel_loop3A_193 = arith.constant 0 : i32
      %parallel_loop3A_194 = arith.index_cast %parallel_loop3A_193 : i32 to index
      %parallel_loop3A_195 = arith.index_cast %parallel_loop3A_192 : i32 to index
      %parallel_loop3A_196 = tpu.vector_load %arg6[%parallel_loop3A_194, %parallel_loop3A_195] {strides = array<i32>} : memref<1x4096xf32, #tpu.memory_space<vmem>>, vector<1x16xf32>,
      %parallel_loop3A_197 = vector.shape_cast %parallel_loop3A_196 : vector<1x16xf32> to vector<16xf32>
      %parallel_loop3A_198 = arith.constant 0 : i32
      %parallel_loop3A_199 = arith.index_cast %parallel_loop3A_198 : i32 to index
      %parallel_loop3A_200 = arith.index_cast %parallel_loop3A_192 : i32 to index
      %parallel_loop3A_201 = tpu.vector_load %arg5[%parallel_loop3A_199, %parallel_loop3A_200] {strides = array<i32>} : memref<8x4096xf32, #tpu.memory_space<vmem>>, vector<1x16xf32>,
      %parallel_loop3A_202 = vector.shape_cast %parallel_loop3A_201 : vector<1x16xf32> to vector<16xf32>
      %parallel_loop3A_203 = arith.addf %parallel_loop3A_197, %parallel_loop3A_202 : vector<16xf32>
      %parallel_loop3A_204 = arith.constant 1 : i32
      %parallel_loop3A_205 = arith.index_cast %parallel_loop3A_204 : i32 to index
      %parallel_loop3A_206 = arith.index_cast %parallel_loop3A_192 : i32 to index
      %parallel_loop3A_207 = tpu.vector_load %arg5[%parallel_loop3A_205, %parallel_loop3A_206] {strides = array<i32>} : memref<8x4096xf32, #tpu.memory_space<vmem>>, vector<1x16xf32>,
      %parallel_loop3A_208 = vector.shape_cast %parallel_loop3A_207 : vector<1x16xf32> to vector<16xf32>
      %parallel_loop3A_209 = arith.addf %parallel_loop3A_203, %parallel_loop3A_208 : vector<16xf32>
      %parallel_loop3A_210 = arith.constant 2 : i32
      %parallel_loop3A_211 = arith.index_cast %parallel_loop3A_210 : i32 to index
      %parallel_loop3A_212 = arith.index_cast %parallel_loop3A_192 : i32 to index
      %parallel_loop3A_213 = tpu.vector_load %arg5[%parallel_loop3A_211, %parallel_loop3A_212] {strides = array<i32>} : memref<8x4096xf32, #tpu.memory_space<vmem>>, vector<1x16xf32>,
      %parallel_loop3A_214 = vector.shape_cast %parallel_loop3A_213 : vector<1x16xf32> to vector<16xf32>
      %parallel_loop3A_215 = arith.addf %parallel_loop3A_209, %parallel_loop3A_214 : vector<16xf32>
      %parallel_loop3A_216 = arith.constant 3 : i32
      %parallel_loop3A_217 = arith.index_cast %parallel_loop3A_216 : i32 to index
      %parallel_loop3A_218 = arith.index_cast %parallel_loop3A_192 : i32 to index
      %parallel_loop3A_219 = tpu.vector_load %arg5[%parallel_loop3A_217, %parallel_loop3A_218] {strides = array<i32>} : memref<8x4096xf32, #tpu.memory_space<vmem>>, vector<1x16xf32>,
      %parallel_loop3A_220 = vector.shape_cast %parallel_loop3A_219 : vector<1x16xf32> to vector<16xf32>
      %parallel_loop3A_221 = arith.addf %parallel_loop3A_215, %parallel_loop3A_220 : vector<16xf32>
      %parallel_loop3A_222 = arith.constant 4 : i32
      %parallel_loop3A_223 = arith.index_cast %parallel_loop3A_222 : i32 to index
      %parallel_loop3A_224 = arith.index_cast %parallel_loop3A_192 : i32 to index
      %parallel_loop3A_225 = tpu.vector_load %arg5[%parallel_loop3A_223, %parallel_loop3A_224] {strides = array<i32>} : memref<8x4096xf32, #tpu.memory_space<vmem>>, vector<1x16xf32>,
      %parallel_loop3A_226 = vector.shape_cast %parallel_loop3A_225 : vector<1x16xf32> to vector<16xf32>
      %parallel_loop3A_227 = arith.addf %parallel_loop3A_221, %parallel_loop3A_226 : vector<16xf32>
      %parallel_loop3A_228 = arith.constant 5 : i32
      %parallel_loop3A_229 = arith.index_cast %parallel_loop3A_228 : i32 to index
      %parallel_loop3A_230 = arith.index_cast %parallel_loop3A_192 : i32 to index
      %parallel_loop3A_231 = tpu.vector_load %arg5[%parallel_loop3A_229, %parallel_loop3A_230] {strides = array<i32>} : memref<8x4096xf32, #tpu.memory_space<vmem>>, vector<1x16xf32>,
      %parallel_loop3A_232 = vector.shape_cast %parallel_loop3A_231 : vector<1x16xf32> to vector<16xf32>
      %parallel_loop3A_233 = arith.addf %parallel_loop3A_227, %parallel_loop3A_232 : vector<16xf32>
      %parallel_loop3A_234 = arith.constant 6 : i32
      %parallel_loop3A_235 = arith.index_cast %parallel_loop3A_234 : i32 to index
      %parallel_loop3A_236 = arith.index_cast %parallel_loop3A_192 : i32 to index
      %parallel_loop3A_237 = tpu.vector_load %arg5[%parallel_loop3A_235, %parallel_loop3A_236] {strides = array<i32>} : memref<8x4096xf32, #tpu.memory_space<vmem>>, vector<1x16xf32>,
      %parallel_loop3A_238 = vector.shape_cast %parallel_loop3A_237 : vector<1x16xf32> to vector<16xf32>
      %parallel_loop3A_239 = arith.addf %parallel_loop3A_233, %parallel_loop3A_238 : vector<16xf32>
      %parallel_loop3A_240 = arith.constant 7 : i32
      %parallel_loop3A_241 = arith.index_cast %parallel_loop3A_240 : i32 to index
      %parallel_loop3A_242 = arith.index_cast %parallel_loop3A_192 : i32 to index
      %parallel_loop3A_243 = tpu.vector_load %arg5[%parallel_loop3A_241, %parallel_loop3A_242] {strides = array<i32>} : memref<8x4096xf32, #tpu.memory_space<vmem>>, vector<1x16xf32>,
      %parallel_loop3A_244 = vector.shape_cast %parallel_loop3A_243 : vector<1x16xf32> to vector<16xf32>
      %parallel_loop3A_245 = arith.addf %parallel_loop3A_239, %parallel_loop3A_244 : vector<16xf32>
      %parallel_loop3A_246 = arith.constant 0 : i32
      %parallel_loop3A_247 = arith.index_cast %parallel_loop3A_246 : i32 to index
      %parallel_loop3A_248 = arith.index_cast %parallel_loop3A_192 : i32 to index
      %parallel_loop3A_249 = tpu.vector_load %arg6[%parallel_loop3A_247, %parallel_loop3A_248] {strides = array<i32>} : memref<1x4096xf32, #tpu.memory_space<vmem>>, vector<1x16xf32>,
      %parallel_loop3A_250 = vector.shape_cast %parallel_loop3A_249 : vector<1x16xf32> to vector<16xf32>
      %parallel_loop3A_251 = vector.shape_cast %parallel_loop3A_245 : vector<16xf32> to vector<1x16xf32>
      tpu.vector_store %arg6[%parallel_loop3A_247, %parallel_loop3A_248], %parallel_loop3A_251 {strides = array<i32>} : memref<1x4096xf32, #tpu.memory_space<vmem>>, vector<1x16xf32>,
    } {sc.loop_unroll_factor = 8 : i64, sc.parallel_access}
    %add3A_144 = arith.constant 72 : i32
    %add3A_145 = arith.addi %add3A_35, %add3A_144 : i32
    %dma_start3A_146 = arith.constant 0 : i32
    %dma_start3A_147 = tpu.memref_slice %arg2[%add3A_145, %dma_start3A_146] : memref<8192x4096xf32, #tpu.memory_space<hbm>> -> memref<8x4096xf32, #tpu.memory_space<hbm>>
    %dma_start3A_148 = arith.constant 0 : i32
    %dma_start3A_149 = tpu.memref_slice %arg2[%add3A_145, %dma_start3A_148] : memref<8192x4096xf32, #tpu.memory_space<hbm>> -> memref<8x4096xf32, #tpu.memory_space<hbm>>
    tpu.enqueue_dma source(%dma_start3A_149 : memref<8x4096xf32, #tpu.memory_space<hbm>>) target(%arg5 : memref<8x4096xf32, #tpu.memory_space<vmem>>) target_semaphore(%arg8 : memref<!tpu.dma_semaphore, #tpu.memory_space<semaphore_mem>>)
    %dma_wait3A_150 = arith.constant 0 : i32
    %dma_wait3A_151 = tpu.memref_slice %arg2[%add3A_132, %dma_wait3A_150] : memref<8192x4096xf32, #tpu.memory_space<hbm>> -> memref<8x4096xf32, #tpu.memory_space<hbm>>
    %dma_wait3A_152 = arith.constant 0 : i32
    %dma_wait3A_153 = tpu.memref_slice %arg2[%add3A_132, %dma_wait3A_152] : memref<8192x4096xf32, #tpu.memory_space<hbm>> -> memref<8x4096xf32, #tpu.memory_space<hbm>>
    tpu.wait_dma2 semaphore(%arg7 : memref<!tpu.dma_semaphore, #tpu.memory_space<semaphore_mem>>) src(%dma_wait3A_153 : memref<8x4096xf32, #tpu.memory_space<hbm>>) dst(%arg4 : memref<8x4096xf32, #tpu.memory_space<vmem>>)
    %parallel_loop3A_154 = arith.constant 0 : i32
    %parallel_loop3A_155 = arith.constant 256 : i32
    %parallel_loop3A_156 = arith.constant 1 : i32
    scf.for %parallel_loop3A_190 = %parallel_loop3A_154 to %parallel_loop3A_155 step %parallel_loop3A_156  : i32 {
      %parallel_loop3A_191 = arith.constant 16 : i32
      %parallel_loop3A_192 = arith.muli %parallel_loop3A_190, %parallel_loop3A_191 : i32
      %parallel_loop3A_193 = arith.constant 0 : i32
      %parallel_loop3A_194 = arith.index_cast %parallel_loop3A_193 : i32 to index
      %parallel_loop3A_195 = arith.index_cast %parallel_loop3A_192 : i32 to index
      %parallel_loop3A_196 = tpu.vector_load %arg6[%parallel_loop3A_194, %parallel_loop3A_195] {strides = array<i32>} : memref<1x4096xf32, #tpu.memory_space<vmem>>, vector<1x16xf32>,
      %parallel_loop3A_197 = vector.shape_cast %parallel_loop3A_196 : vector<1x16xf32> to vector<16xf32>
      %parallel_loop3A_198 = arith.constant 0 : i32
      %parallel_loop3A_199 = arith.index_cast %parallel_loop3A_198 : i32 to index
      %parallel_loop3A_200 = arith.index_cast %parallel_loop3A_192 : i32 to index
      %parallel_loop3A_201 = tpu.vector_load %arg4[%parallel_loop3A_199, %parallel_loop3A_200] {strides = array<i32>} : memref<8x4096xf32, #tpu.memory_space<vmem>>, vector<1x16xf32>,
      %parallel_loop3A_202 = vector.shape_cast %parallel_loop3A_201 : vector<1x16xf32> to vector<16xf32>
      %parallel_loop3A_203 = arith.addf %parallel_loop3A_197, %parallel_loop3A_202 : vector<16xf32>
      %parallel_loop3A_204 = arith.constant 1 : i32
      %parallel_loop3A_205 = arith.index_cast %parallel_loop3A_204 : i32 to index
      %parallel_loop3A_206 = arith.index_cast %parallel_loop3A_192 : i32 to index
      %parallel_loop3A_207 = tpu.vector_load %arg4[%parallel_loop3A_205, %parallel_loop3A_206] {strides = array<i32>} : memref<8x4096xf32, #tpu.memory_space<vmem>>, vector<1x16xf32>,
      %parallel_loop3A_208 = vector.shape_cast %parallel_loop3A_207 : vector<1x16xf32> to vector<16xf32>
      %parallel_loop3A_209 = arith.addf %parallel_loop3A_203, %parallel_loop3A_208 : vector<16xf32>
      %parallel_loop3A_210 = arith.constant 2 : i32
      %parallel_loop3A_211 = arith.index_cast %parallel_loop3A_210 : i32 to index
      %parallel_loop3A_212 = arith.index_cast %parallel_loop3A_192 : i32 to index
      %parallel_loop3A_213 = tpu.vector_load %arg4[%parallel_loop3A_211, %parallel_loop3A_212] {strides = array<i32>} : memref<8x4096xf32, #tpu.memory_space<vmem>>, vector<1x16xf32>,
      %parallel_loop3A_214 = vector.shape_cast %parallel_loop3A_213 : vector<1x16xf32> to vector<16xf32>
      %parallel_loop3A_215 = arith.addf %parallel_loop3A_209, %parallel_loop3A_214 : vector<16xf32>
      %parallel_loop3A_216 = arith.constant 3 : i32
      %parallel_loop3A_217 = arith.index_cast %parallel_loop3A_216 : i32 to index
      %parallel_loop3A_218 = arith.index_cast %parallel_loop3A_192 : i32 to index
      %parallel_loop3A_219 = tpu.vector_load %arg4[%parallel_loop3A_217, %parallel_loop3A_218] {strides = array<i32>} : memref<8x4096xf32, #tpu.memory_space<vmem>>, vector<1x16xf32>,
      %parallel_loop3A_220 = vector.shape_cast %parallel_loop3A_219 : vector<1x16xf32> to vector<16xf32>
      %parallel_loop3A_221 = arith.addf %parallel_loop3A_215, %parallel_loop3A_220 : vector<16xf32>
      %parallel_loop3A_222 = arith.constant 4 : i32
      %parallel_loop3A_223 = arith.index_cast %parallel_loop3A_222 : i32 to index
      %parallel_loop3A_224 = arith.index_cast %parallel_loop3A_192 : i32 to index
      %parallel_loop3A_225 = tpu.vector_load %arg4[%parallel_loop3A_223, %parallel_loop3A_224] {strides = array<i32>} : memref<8x4096xf32, #tpu.memory_space<vmem>>, vector<1x16xf32>,
      %parallel_loop3A_226 = vector.shape_cast %parallel_loop3A_225 : vector<1x16xf32> to vector<16xf32>
      %parallel_loop3A_227 = arith.addf %parallel_loop3A_221, %parallel_loop3A_226 : vector<16xf32>
      %parallel_loop3A_228 = arith.constant 5 : i32
      %parallel_loop3A_229 = arith.index_cast %parallel_loop3A_228 : i32 to index
      %parallel_loop3A_230 = arith.index_cast %parallel_loop3A_192 : i32 to index
      %parallel_loop3A_231 = tpu.vector_load %arg4[%parallel_loop3A_229, %parallel_loop3A_230] {strides = array<i32>} : memref<8x4096xf32, #tpu.memory_space<vmem>>, vector<1x16xf32>,
      %parallel_loop3A_232 = vector.shape_cast %parallel_loop3A_231 : vector<1x16xf32> to vector<16xf32>
      %parallel_loop3A_233 = arith.addf %parallel_loop3A_227, %parallel_loop3A_232 : vector<16xf32>
      %parallel_loop3A_234 = arith.constant 6 : i32
      %parallel_loop3A_235 = arith.index_cast %parallel_loop3A_234 : i32 to index
      %parallel_loop3A_236 = arith.index_cast %parallel_loop3A_192 : i32 to index
      %parallel_loop3A_237 = tpu.vector_load %arg4[%parallel_loop3A_235, %parallel_loop3A_236] {strides = array<i32>} : memref<8x4096xf32, #tpu.memory_space<vmem>>, vector<1x16xf32>,
      %parallel_loop3A_238 = vector.shape_cast %parallel_loop3A_237 : vector<1x16xf32> to vector<16xf32>
      %parallel_loop3A_239 = arith.addf %parallel_loop3A_233, %parallel_loop3A_238 : vector<16xf32>
      %parallel_loop3A_240 = arith.constant 7 : i32
      %parallel_loop3A_241 = arith.index_cast %parallel_loop3A_240 : i32 to index
      %parallel_loop3A_242 = arith.index_cast %parallel_loop3A_192 : i32 to index
      %parallel_loop3A_243 = tpu.vector_load %arg4[%parallel_loop3A_241, %parallel_loop3A_242] {strides = array<i32>} : memref<8x4096xf32, #tpu.memory_space<vmem>>, vector<1x16xf32>,
      %parallel_loop3A_244 = vector.shape_cast %parallel_loop3A_243 : vector<1x16xf32> to vector<16xf32>
      %parallel_loop3A_245 = arith.addf %parallel_loop3A_239, %parallel_loop3A_244 : vector<16xf32>
      %parallel_loop3A_246 = arith.constant 0 : i32
      %parallel_loop3A_247 = arith.index_cast %parallel_loop3A_246 : i32 to index
      %parallel_loop3A_248 = arith.index_cast %parallel_loop3A_192 : i32 to index
      %parallel_loop3A_249 = tpu.vector_load %arg6[%parallel_loop3A_247, %parallel_loop3A_248] {strides = array<i32>} : memref<1x4096xf32, #tpu.memory_space<vmem>>, vector<1x16xf32>,
      %parallel_loop3A_250 = vector.shape_cast %parallel_loop3A_249 : vector<1x16xf32> to vector<16xf32>
      %parallel_loop3A_251 = vector.shape_cast %parallel_loop3A_245 : vector<16xf32> to vector<1x16xf32>
      tpu.vector_store %arg6[%parallel_loop3A_247, %parallel_loop3A_248], %parallel_loop3A_251 {strides = array<i32>} : memref<1x4096xf32, #tpu.memory_space<vmem>>, vector<1x16xf32>,
    } {sc.loop_unroll_factor = 8 : i64, sc.parallel_access}
    %add3A_157 = arith.constant 80 : i32
    %add3A_158 = arith.addi %add3A_35, %add3A_157 : i32
    %dma_start3A_159 = arith.constant 0 : i32
    %dma_start3A_160 = tpu.memref_slice %arg2[%add3A_158, %dma_start3A_159] : memref<8192x4096xf32, #tpu.memory_space<hbm>> -> memref<8x4096xf32, #tpu.memory_space<hbm>>
    %dma_start3A_161 = arith.constant 0 : i32
    %dma_start3A_162 = tpu.memref_slice %arg2[%add3A_158, %dma_start3A_161] : memref<8192x4096xf32, #tpu.memory_space<hbm>> -> memref<8x4096xf32, #tpu.memory_space<hbm>>
    tpu.enqueue_dma source(%dma_start3A_162 : memref<8x4096xf32, #tpu.memory_space<hbm>>) target(%arg4 : memref<8x4096xf32, #tpu.memory_space<vmem>>) target_semaphore(%arg7 : memref<!tpu.dma_semaphore, #tpu.memory_space<semaphore_mem>>)
    %dma_wait3A_163 = arith.constant 0 : i32
    %dma_wait3A_164 = tpu.memref_slice %arg2[%add3A_145, %dma_wait3A_163] : memref<8192x4096xf32, #tpu.memory_space<hbm>> -> memref<8x4096xf32, #tpu.memory_space<hbm>>
    %dma_wait3A_165 = arith.constant 0 : i32
    %dma_wait3A_166 = tpu.memref_slice %arg2[%add3A_145, %dma_wait3A_165] : memref<8192x4096xf32, #tpu.memory_space<hbm>> -> memref<8x4096xf32, #tpu.memory_space<hbm>>
    tpu.wait_dma2 semaphore(%arg8 : memref<!tpu.dma_semaphore, #tpu.memory_space<semaphore_mem>>) src(%dma_wait3A_166 : memref<8x4096xf32, #tpu.memory_space<hbm>>) dst(%arg5 : memref<8x4096xf32, #tpu.memory_space<vmem>>)
    %parallel_loop3A_167 = arith.constant 0 : i32
    %parallel_loop3A_168 = arith.constant 256 : i32
    %parallel_loop3A_169 = arith.constant 1 : i32
    scf.for %parallel_loop3A_190 = %parallel_loop3A_167 to %parallel_loop3A_168 step %parallel_loop3A_169  : i32 {
      %parallel_loop3A_191 = arith.constant 16 : i32
      %parallel_loop3A_192 = arith.muli %parallel_loop3A_190, %parallel_loop3A_191 : i32
      %parallel_loop3A_193 = arith.constant 0 : i32
      %parallel_loop3A_194 = arith.index_cast %parallel_loop3A_193 : i32 to index
      %parallel_loop3A_195 = arith.index_cast %parallel_loop3A_192 : i32 to index
      %parallel_loop3A_196 = tpu.vector_load %arg6[%parallel_loop3A_194, %parallel_loop3A_195] {strides = array<i32>} : memref<1x4096xf32, #tpu.memory_space<vmem>>, vector<1x16xf32>,
      %parallel_loop3A_197 = vector.shape_cast %parallel_loop3A_196 : vector<1x16xf32> to vector<16xf32>
      %parallel_loop3A_198 = arith.constant 0 : i32
      %parallel_loop3A_199 = arith.index_cast %parallel_loop3A_198 : i32 to index
      %parallel_loop3A_200 = arith.index_cast %parallel_loop3A_192 : i32 to index
      %parallel_loop3A_201 = tpu.vector_load %arg5[%parallel_loop3A_199, %parallel_loop3A_200] {strides = array<i32>} : memref<8x4096xf32, #tpu.memory_space<vmem>>, vector<1x16xf32>,
      %parallel_loop3A_202 = vector.shape_cast %parallel_loop3A_201 : vector<1x16xf32> to vector<16xf32>
      %parallel_loop3A_203 = arith.addf %parallel_loop3A_197, %parallel_loop3A_202 : vector<16xf32>
      %parallel_loop3A_204 = arith.constant 1 : i32
      %parallel_loop3A_205 = arith.index_cast %parallel_loop3A_204 : i32 to index
      %parallel_loop3A_206 = arith.index_cast %parallel_loop3A_192 : i32 to index
      %parallel_loop3A_207 = tpu.vector_load %arg5[%parallel_loop3A_205, %parallel_loop3A_206] {strides = array<i32>} : memref<8x4096xf32, #tpu.memory_space<vmem>>, vector<1x16xf32>,
      %parallel_loop3A_208 = vector.shape_cast %parallel_loop3A_207 : vector<1x16xf32> to vector<16xf32>
      %parallel_loop3A_209 = arith.addf %parallel_loop3A_203, %parallel_loop3A_208 : vector<16xf32>
      %parallel_loop3A_210 = arith.constant 2 : i32
      %parallel_loop3A_211 = arith.index_cast %parallel_loop3A_210 : i32 to index
      %parallel_loop3A_212 = arith.index_cast %parallel_loop3A_192 : i32 to index
      %parallel_loop3A_213 = tpu.vector_load %arg5[%parallel_loop3A_211, %parallel_loop3A_212] {strides = array<i32>} : memref<8x4096xf32, #tpu.memory_space<vmem>>, vector<1x16xf32>,
      %parallel_loop3A_214 = vector.shape_cast %parallel_loop3A_213 : vector<1x16xf32> to vector<16xf32>
      %parallel_loop3A_215 = arith.addf %parallel_loop3A_209, %parallel_loop3A_214 : vector<16xf32>
      %parallel_loop3A_216 = arith.constant 3 : i32
      %parallel_loop3A_217 = arith.index_cast %parallel_loop3A_216 : i32 to index
      %parallel_loop3A_218 = arith.index_cast %parallel_loop3A_192 : i32 to index
      %parallel_loop3A_219 = tpu.vector_load %arg5[%parallel_loop3A_217, %parallel_loop3A_218] {strides = array<i32>} : memref<8x4096xf32, #tpu.memory_space<vmem>>, vector<1x16xf32>,
      %parallel_loop3A_220 = vector.shape_cast %parallel_loop3A_219 : vector<1x16xf32> to vector<16xf32>
      %parallel_loop3A_221 = arith.addf %parallel_loop3A_215, %parallel_loop3A_220 : vector<16xf32>
      %parallel_loop3A_222 = arith.constant 4 : i32
      %parallel_loop3A_223 = arith.index_cast %parallel_loop3A_222 : i32 to index
      %parallel_loop3A_224 = arith.index_cast %parallel_loop3A_192 : i32 to index
      %parallel_loop3A_225 = tpu.vector_load %arg5[%parallel_loop3A_223, %parallel_loop3A_224] {strides = array<i32>} : memref<8x4096xf32, #tpu.memory_space<vmem>>, vector<1x16xf32>,
      %parallel_loop3A_226 = vector.shape_cast %parallel_loop3A_225 : vector<1x16xf32> to vector<16xf32>
      %parallel_loop3A_227 = arith.addf %parallel_loop3A_221, %parallel_loop3A_226 : vector<16xf32>
      %parallel_loop3A_228 = arith.constant 5 : i32
      %parallel_loop3A_229 = arith.index_cast %parallel_loop3A_228 : i32 to index
      %parallel_loop3A_230 = arith.index_cast %parallel_loop3A_192 : i32 to index
      %parallel_loop3A_231 = tpu.vector_load %arg5[%parallel_loop3A_229, %parallel_loop3A_230] {strides = array<i32>} : memref<8x4096xf32, #tpu.memory_space<vmem>>, vector<1x16xf32>,
      %parallel_loop3A_232 = vector.shape_cast %parallel_loop3A_231 : vector<1x16xf32> to vector<16xf32>
      %parallel_loop3A_233 = arith.addf %parallel_loop3A_227, %parallel_loop3A_232 : vector<16xf32>
      %parallel_loop3A_234 = arith.constant 6 : i32
      %parallel_loop3A_235 = arith.index_cast %parallel_loop3A_234 : i32 to index
      %parallel_loop3A_236 = arith.index_cast %parallel_loop3A_192 : i32 to index
      %parallel_loop3A_237 = tpu.vector_load %arg5[%parallel_loop3A_235, %parallel_loop3A_236] {strides = array<i32>} : memref<8x4096xf32, #tpu.memory_space<vmem>>, vector<1x16xf32>,
      %parallel_loop3A_238 = vector.shape_cast %parallel_loop3A_237 : vector<1x16xf32> to vector<16xf32>
      %parallel_loop3A_239 = arith.addf %parallel_loop3A_233, %parallel_loop3A_238 : vector<16xf32>
      %parallel_loop3A_240 = arith.constant 7 : i32
      %parallel_loop3A_241 = arith.index_cast %parallel_loop3A_240 : i32 to index
      %parallel_loop3A_242 = arith.index_cast %parallel_loop3A_192 : i32 to index
      %parallel_loop3A_243 = tpu.vector_load %arg5[%parallel_loop3A_241, %parallel_loop3A_242] {strides = array<i32>} : memref<8x4096xf32, #tpu.memory_space<vmem>>, vector<1x16xf32>,
      %parallel_loop3A_244 = vector.shape_cast %parallel_loop3A_243 : vector<1x16xf32> to vector<16xf32>
      %parallel_loop3A_245 = arith.addf %parallel_loop3A_239, %parallel_loop3A_244 : vector<16xf32>
      %parallel_loop3A_246 = arith.constant 0 : i32
      %parallel_loop3A_247 = arith.index_cast %parallel_loop3A_246 : i32 to index
      %parallel_loop3A_248 = arith.index_cast %parallel_loop3A_192 : i32 to index
      %parallel_loop3A_249 = tpu.vector_load %arg6[%parallel_loop3A_247, %parallel_loop3A_248] {strides = array<i32>} : memref<1x4096xf32, #tpu.memory_space<vmem>>, vector<1x16xf32>,
      %parallel_loop3A_250 = vector.shape_cast %parallel_loop3A_249 : vector<1x16xf32> to vector<16xf32>
      %parallel_loop3A_251 = vector.shape_cast %parallel_loop3A_245 : vector<16xf32> to vector<1x16xf32>
      tpu.vector_store %arg6[%parallel_loop3A_247, %parallel_loop3A_248], %parallel_loop3A_251 {strides = array<i32>} : memref<1x4096xf32, #tpu.memory_space<vmem>>, vector<1x16xf32>,
    } {sc.loop_unroll_factor = 8 : i64, sc.parallel_access}
    %add3A_170 = arith.constant 88 : i32
    %add3A_171 = arith.addi %add3A_35, %add3A_170 : i32
    %dma_start3A_172 = arith.constant 0 : i32
    %dma_start3A_173 = tpu.memref_slice %arg2[%add3A_171, %dma_start3A_172] : memref<8192x4096xf32, #tpu.memory_space<hbm>> -> memref<8x4096xf32, #tpu.memory_space<hbm>>
    %dma_start3A_174 = arith.constant 0 : i32
    %dma_start3A_175 = tpu.memref_slice %arg2[%add3A_171, %dma_start3A_174] : memref<8192x4096xf32, #tpu.memory_space<hbm>> -> memref<8x4096xf32, #tpu.memory_space<hbm>>
    tpu.enqueue_dma source(%dma_start3A_175 : memref<8x4096xf32, #tpu.memory_space<hbm>>) target(%arg5 : memref<8x4096xf32, #tpu.memory_space<vmem>>) target_semaphore(%arg8 : memref<!tpu.dma_semaphore, #tpu.memory_space<semaphore_mem>>)
    %dma_wait3A_176 = arith.constant 0 : i32
    %dma_wait3A_177 = tpu.memref_slice %arg2[%add3A_158, %dma_wait3A_176] : memref<8192x4096xf32, #tpu.memory_space<hbm>> -> memref<8x4096xf32, #tpu.memory_space<hbm>>
    %dma_wait3A_178 = arith.constant 0 : i32
    %dma_wait3A_179 = tpu.memref_slice %arg2[%add3A_158, %dma_wait3A_178] : memref<8192x4096xf32, #tpu.memory_space<hbm>> -> memref<8x4096xf32, #tpu.memory_space<hbm>>
    tpu.wait_dma2 semaphore(%arg7 : memref<!tpu.dma_semaphore, #tpu.memory_space<semaphore_mem>>) src(%dma_wait3A_179 : memref<8x4096xf32, #tpu.memory_space<hbm>>) dst(%arg4 : memref<8x4096xf32, #tpu.memory_space<vmem>>)
    %parallel_loop3A_180 = arith.constant 0 : i32
    %parallel_loop3A_181 = arith.constant 256 : i32
    %parallel_loop3A_182 = arith.constant 1 : i32
    scf.for %parallel_loop3A_190 = %parallel_loop3A_180 to %parallel_loop3A_181 step %parallel_loop3A_182  : i32 {
      %parallel_loop3A_191 = arith.constant 16 : i32
      %parallel_loop3A_192 = arith.muli %parallel_loop3A_190, %parallel_loop3A_191 : i32
      %parallel_loop3A_193 = arith.constant 0 : i32
      %parallel_loop3A_194 = arith.index_cast %parallel_loop3A_193 : i32 to index
      %parallel_loop3A_195 = arith.index_cast %parallel_loop3A_192 : i32 to index
      %parallel_loop3A_196 = tpu.vector_load %arg6[%parallel_loop3A_194, %parallel_loop3A_195] {strides = array<i32>} : memref<1x4096xf32, #tpu.memory_space<vmem>>, vector<1x16xf32>,
      %parallel_loop3A_197 = vector.shape_cast %parallel_loop3A_196 : vector<1x16xf32> to vector<16xf32>
      %parallel_loop3A_198 = arith.constant 0 : i32
      %parallel_loop3A_199 = arith.index_cast %parallel_loop3A_198 : i32 to index
      %parallel_loop3A_200 = arith.index_cast %parallel_loop3A_192 : i32 to index
      %parallel_loop3A_201 = tpu.vector_load %arg4[%parallel_loop3A_199, %parallel_loop3A_200] {strides = array<i32>} : memref<8x4096xf32, #tpu.memory_space<vmem>>, vector<1x16xf32>,
      %parallel_loop3A_202 = vector.shape_cast %parallel_loop3A_201 : vector<1x16xf32> to vector<16xf32>
      %parallel_loop3A_203 = arith.addf %parallel_loop3A_197, %parallel_loop3A_202 : vector<16xf32>
      %parallel_loop3A_204 = arith.constant 1 : i32
      %parallel_loop3A_205 = arith.index_cast %parallel_loop3A_204 : i32 to index
      %parallel_loop3A_206 = arith.index_cast %parallel_loop3A_192 : i32 to index
      %parallel_loop3A_207 = tpu.vector_load %arg4[%parallel_loop3A_205, %parallel_loop3A_206] {strides = array<i32>} : memref<8x4096xf32, #tpu.memory_space<vmem>>, vector<1x16xf32>,
      %parallel_loop3A_208 = vector.shape_cast %parallel_loop3A_207 : vector<1x16xf32> to vector<16xf32>
      %parallel_loop3A_209 = arith.addf %parallel_loop3A_203, %parallel_loop3A_208 : vector<16xf32>
      %parallel_loop3A_210 = arith.constant 2 : i32
      %parallel_loop3A_211 = arith.index_cast %parallel_loop3A_210 : i32 to index
      %parallel_loop3A_212 = arith.index_cast %parallel_loop3A_192 : i32 to index
      %parallel_loop3A_213 = tpu.vector_load %arg4[%parallel_loop3A_211, %parallel_loop3A_212] {strides = array<i32>} : memref<8x4096xf32, #tpu.memory_space<vmem>>, vector<1x16xf32>,
      %parallel_loop3A_214 = vector.shape_cast %parallel_loop3A_213 : vector<1x16xf32> to vector<16xf32>
      %parallel_loop3A_215 = arith.addf %parallel_loop3A_209, %parallel_loop3A_214 : vector<16xf32>
      %parallel_loop3A_216 = arith.constant 3 : i32
      %parallel_loop3A_217 = arith.index_cast %parallel_loop3A_216 : i32 to index
      %parallel_loop3A_218 = arith.index_cast %parallel_loop3A_192 : i32 to index
      %parallel_loop3A_219 = tpu.vector_load %arg4[%parallel_loop3A_217, %parallel_loop3A_218] {strides = array<i32>} : memref<8x4096xf32, #tpu.memory_space<vmem>>, vector<1x16xf32>,
      %parallel_loop3A_220 = vector.shape_cast %parallel_loop3A_219 : vector<1x16xf32> to vector<16xf32>
      %parallel_loop3A_221 = arith.addf %parallel_loop3A_215, %parallel_loop3A_220 : vector<16xf32>
      %parallel_loop3A_222 = arith.constant 4 : i32
      %parallel_loop3A_223 = arith.index_cast %parallel_loop3A_222 : i32 to index
      %parallel_loop3A_224 = arith.index_cast %parallel_loop3A_192 : i32 to index
      %parallel_loop3A_225 = tpu.vector_load %arg4[%parallel_loop3A_223, %parallel_loop3A_224] {strides = array<i32>} : memref<8x4096xf32, #tpu.memory_space<vmem>>, vector<1x16xf32>,
      %parallel_loop3A_226 = vector.shape_cast %parallel_loop3A_225 : vector<1x16xf32> to vector<16xf32>
      %parallel_loop3A_227 = arith.addf %parallel_loop3A_221, %parallel_loop3A_226 : vector<16xf32>
      %parallel_loop3A_228 = arith.constant 5 : i32
      %parallel_loop3A_229 = arith.index_cast %parallel_loop3A_228 : i32 to index
      %parallel_loop3A_230 = arith.index_cast %parallel_loop3A_192 : i32 to index
      %parallel_loop3A_231 = tpu.vector_load %arg4[%parallel_loop3A_229, %parallel_loop3A_230] {strides = array<i32>} : memref<8x4096xf32, #tpu.memory_space<vmem>>, vector<1x16xf32>,
      %parallel_loop3A_232 = vector.shape_cast %parallel_loop3A_231 : vector<1x16xf32> to vector<16xf32>
      %parallel_loop3A_233 = arith.addf %parallel_loop3A_227, %parallel_loop3A_232 : vector<16xf32>
      %parallel_loop3A_234 = arith.constant 6 : i32
      %parallel_loop3A_235 = arith.index_cast %parallel_loop3A_234 : i32 to index
      %parallel_loop3A_236 = arith.index_cast %parallel_loop3A_192 : i32 to index
      %parallel_loop3A_237 = tpu.vector_load %arg4[%parallel_loop3A_235, %parallel_loop3A_236] {strides = array<i32>} : memref<8x4096xf32, #tpu.memory_space<vmem>>, vector<1x16xf32>,
      %parallel_loop3A_238 = vector.shape_cast %parallel_loop3A_237 : vector<1x16xf32> to vector<16xf32>
      %parallel_loop3A_239 = arith.addf %parallel_loop3A_233, %parallel_loop3A_238 : vector<16xf32>
      %parallel_loop3A_240 = arith.constant 7 : i32
      %parallel_loop3A_241 = arith.index_cast %parallel_loop3A_240 : i32 to index
      %parallel_loop3A_242 = arith.index_cast %parallel_loop3A_192 : i32 to index
      %parallel_loop3A_243 = tpu.vector_load %arg4[%parallel_loop3A_241, %parallel_loop3A_242] {strides = array<i32>} : memref<8x4096xf32, #tpu.memory_space<vmem>>, vector<1x16xf32>,
      %parallel_loop3A_244 = vector.shape_cast %parallel_loop3A_243 : vector<1x16xf32> to vector<16xf32>
      %parallel_loop3A_245 = arith.addf %parallel_loop3A_239, %parallel_loop3A_244 : vector<16xf32>
      %parallel_loop3A_246 = arith.constant 0 : i32
      %parallel_loop3A_247 = arith.index_cast %parallel_loop3A_246 : i32 to index
      %parallel_loop3A_248 = arith.index_cast %parallel_loop3A_192 : i32 to index
      %parallel_loop3A_249 = tpu.vector_load %arg6[%parallel_loop3A_247, %parallel_loop3A_248] {strides = array<i32>} : memref<1x4096xf32, #tpu.memory_space<vmem>>, vector<1x16xf32>,
      %parallel_loop3A_250 = vector.shape_cast %parallel_loop3A_249 : vector<1x16xf32> to vector<16xf32>
      %parallel_loop3A_251 = vector.shape_cast %parallel_loop3A_245 : vector<16xf32> to vector<1x16xf32>
      tpu.vector_store %arg6[%parallel_loop3A_247, %parallel_loop3A_248], %parallel_loop3A_251 {strides = array<i32>} : memref<1x4096xf32, #tpu.memory_space<vmem>>, vector<1x16xf32>,
    } {sc.loop_unroll_factor = 8 : i64, sc.parallel_access}
    %dma_wait3A_183 = arith.constant 0 : i32
    %dma_wait3A_184 = tpu.memref_slice %arg2[%add3A_171, %dma_wait3A_183] : memref<8192x4096xf32, #tpu.memory_space<hbm>> -> memref<8x4096xf32, #tpu.memory_space<hbm>>
    %dma_wait3A_185 = arith.constant 0 : i32
    %dma_wait3A_186 = tpu.memref_slice %arg2[%add3A_171, %dma_wait3A_185] : memref<8192x4096xf32, #tpu.memory_space<hbm>> -> memref<8x4096xf32, #tpu.memory_space<hbm>>
    tpu.wait_dma2 semaphore(%arg8 : memref<!tpu.dma_semaphore, #tpu.memory_space<semaphore_mem>>) src(%dma_wait3A_186 : memref<8x4096xf32, #tpu.memory_space<hbm>>) dst(%arg5 : memref<8x4096xf32, #tpu.memory_space<vmem>>)
    %parallel_loop3A_187 = arith.constant 0 : i32
    %parallel_loop3A_188 = arith.constant 256 : i32
    %parallel_loop3A_189 = arith.constant 1 : i32
    scf.for %parallel_loop3A_190 = %parallel_loop3A_187 to %parallel_loop3A_188 step %parallel_loop3A_189  : i32 {
      %parallel_loop3A_191 = arith.constant 16 : i32
      %parallel_loop3A_192 = arith.muli %parallel_loop3A_190, %parallel_loop3A_191 : i32
      %parallel_loop3A_193 = arith.constant 0 : i32
      %parallel_loop3A_194 = arith.index_cast %parallel_loop3A_193 : i32 to index
      %parallel_loop3A_195 = arith.index_cast %parallel_loop3A_192 : i32 to index
      %parallel_loop3A_196 = tpu.vector_load %arg6[%parallel_loop3A_194, %parallel_loop3A_195] {strides = array<i32>} : memref<1x4096xf32, #tpu.memory_space<vmem>>, vector<1x16xf32>,
      %parallel_loop3A_197 = vector.shape_cast %parallel_loop3A_196 : vector<1x16xf32> to vector<16xf32>
      %parallel_loop3A_198 = arith.constant 0 : i32
      %parallel_loop3A_199 = arith.index_cast %parallel_loop3A_198 : i32 to index
      %parallel_loop3A_200 = arith.index_cast %parallel_loop3A_192 : i32 to index
      %parallel_loop3A_201 = tpu.vector_load %arg5[%parallel_loop3A_199, %parallel_loop3A_200] {strides = array<i32>} : memref<8x4096xf32, #tpu.memory_space<vmem>>, vector<1x16xf32>,
      %parallel_loop3A_202 = vector.shape_cast %parallel_loop3A_201 : vector<1x16xf32> to vector<16xf32>
      %parallel_loop3A_203 = arith.addf %parallel_loop3A_197, %parallel_loop3A_202 : vector<16xf32>
      %parallel_loop3A_204 = arith.constant 1 : i32
      %parallel_loop3A_205 = arith.index_cast %parallel_loop3A_204 : i32 to index
      %parallel_loop3A_206 = arith.index_cast %parallel_loop3A_192 : i32 to index
      %parallel_loop3A_207 = tpu.vector_load %arg5[%parallel_loop3A_205, %parallel_loop3A_206] {strides = array<i32>} : memref<8x4096xf32, #tpu.memory_space<vmem>>, vector<1x16xf32>,
      %parallel_loop3A_208 = vector.shape_cast %parallel_loop3A_207 : vector<1x16xf32> to vector<16xf32>
      %parallel_loop3A_209 = arith.addf %parallel_loop3A_203, %parallel_loop3A_208 : vector<16xf32>
      %parallel_loop3A_210 = arith.constant 2 : i32
      %parallel_loop3A_211 = arith.index_cast %parallel_loop3A_210 : i32 to index
      %parallel_loop3A_212 = arith.index_cast %parallel_loop3A_192 : i32 to index
      %parallel_loop3A_213 = tpu.vector_load %arg5[%parallel_loop3A_211, %parallel_loop3A_212] {strides = array<i32>} : memref<8x4096xf32, #tpu.memory_space<vmem>>, vector<1x16xf32>,
      %parallel_loop3A_214 = vector.shape_cast %parallel_loop3A_213 : vector<1x16xf32> to vector<16xf32>
      %parallel_loop3A_215 = arith.addf %parallel_loop3A_209, %parallel_loop3A_214 : vector<16xf32>
      %parallel_loop3A_216 = arith.constant 3 : i32
      %parallel_loop3A_217 = arith.index_cast %parallel_loop3A_216 : i32 to index
      %parallel_loop3A_218 = arith.index_cast %parallel_loop3A_192 : i32 to index
      %parallel_loop3A_219 = tpu.vector_load %arg5[%parallel_loop3A_217, %parallel_loop3A_218] {strides = array<i32>} : memref<8x4096xf32, #tpu.memory_space<vmem>>, vector<1x16xf32>,
      %parallel_loop3A_220 = vector.shape_cast %parallel_loop3A_219 : vector<1x16xf32> to vector<16xf32>
      %parallel_loop3A_221 = arith.addf %parallel_loop3A_215, %parallel_loop3A_220 : vector<16xf32>
      %parallel_loop3A_222 = arith.constant 4 : i32
      %parallel_loop3A_223 = arith.index_cast %parallel_loop3A_222 : i32 to index
      %parallel_loop3A_224 = arith.index_cast %parallel_loop3A_192 : i32 to index
      %parallel_loop3A_225 = tpu.vector_load %arg5[%parallel_loop3A_223, %parallel_loop3A_224] {strides = array<i32>} : memref<8x4096xf32, #tpu.memory_space<vmem>>, vector<1x16xf32>,
      %parallel_loop3A_226 = vector.shape_cast %parallel_loop3A_225 : vector<1x16xf32> to vector<16xf32>
      %parallel_loop3A_227 = arith.addf %parallel_loop3A_221, %parallel_loop3A_226 : vector<16xf32>
      %parallel_loop3A_228 = arith.constant 5 : i32
      %parallel_loop3A_229 = arith.index_cast %parallel_loop3A_228 : i32 to index
      %parallel_loop3A_230 = arith.index_cast %parallel_loop3A_192 : i32 to index
      %parallel_loop3A_231 = tpu.vector_load %arg5[%parallel_loop3A_229, %parallel_loop3A_230] {strides = array<i32>} : memref<8x4096xf32, #tpu.memory_space<vmem>>, vector<1x16xf32>,
      %parallel_loop3A_232 = vector.shape_cast %parallel_loop3A_231 : vector<1x16xf32> to vector<16xf32>
      %parallel_loop3A_233 = arith.addf %parallel_loop3A_227, %parallel_loop3A_232 : vector<16xf32>
      %parallel_loop3A_234 = arith.constant 6 : i32
      %parallel_loop3A_235 = arith.index_cast %parallel_loop3A_234 : i32 to index
      %parallel_loop3A_236 = arith.index_cast %parallel_loop3A_192 : i32 to index
      %parallel_loop3A_237 = tpu.vector_load %arg5[%parallel_loop3A_235, %parallel_loop3A_236] {strides = array<i32>} : memref<8x4096xf32, #tpu.memory_space<vmem>>, vector<1x16xf32>,
      %parallel_loop3A_238 = vector.shape_cast %parallel_loop3A_237 : vector<1x16xf32> to vector<16xf32>
      %parallel_loop3A_239 = arith.addf %parallel_loop3A_233, %parallel_loop3A_238 : vector<16xf32>
      %parallel_loop3A_240 = arith.constant 7 : i32
      %parallel_loop3A_241 = arith.index_cast %parallel_loop3A_240 : i32 to index
      %parallel_loop3A_242 = arith.index_cast %parallel_loop3A_192 : i32 to index
      %parallel_loop3A_243 = tpu.vector_load %arg5[%parallel_loop3A_241, %parallel_loop3A_242] {strides = array<i32>} : memref<8x4096xf32, #tpu.memory_space<vmem>>, vector<1x16xf32>,
      %parallel_loop3A_244 = vector.shape_cast %parallel_loop3A_243 : vector<1x16xf32> to vector<16xf32>
      %parallel_loop3A_245 = arith.addf %parallel_loop3A_239, %parallel_loop3A_244 : vector<16xf32>
      %parallel_loop3A_246 = arith.constant 0 : i32
      %parallel_loop3A_247 = arith.index_cast %parallel_loop3A_246 : i32 to index
      %parallel_loop3A_248 = arith.index_cast %parallel_loop3A_192 : i32 to index
      %parallel_loop3A_249 = tpu.vector_load %arg6[%parallel_loop3A_247, %parallel_loop3A_248] {strides = array<i32>} : memref<1x4096xf32, #tpu.memory_space<vmem>>, vector<1x16xf32>,
      %parallel_loop3A_250 = vector.shape_cast %parallel_loop3A_249 : vector<1x16xf32> to vector<16xf32>
      %parallel_loop3A_251 = vector.shape_cast %parallel_loop3A_245 : vector<16xf32> to vector<1x16xf32>
      tpu.vector_store %arg6[%parallel_loop3A_247, %parallel_loop3A_248], %parallel_loop3A_251 {strides = array<i32>} : memref<1x4096xf32, #tpu.memory_space<vmem>>, vector<1x16xf32>,
    } {sc.loop_unroll_factor = 8 : i64, sc.parallel_access}
    "tpu.region"() ({
      %run_scoped3A = tpu.sem_alloc : memref<!tpu.dma_semaphore, #tpu.memory_space<semaphore_mem>>
      %dma_start3A_190 = arith.constant 0 : i32
      %dma_start3A_191 = tpu.memref_slice %arg3[%add3A, %dma_start3A_190] : memref<32x4096xf32, #tpu.memory_space<hbm>> -> memref<1x4096xf32, #tpu.memory_space<hbm>>
      %dma_start3A_192 = arith.constant 0 : i32
      %dma_start3A_193 = tpu.memref_slice %arg3[%add3A, %dma_start3A_192] : memref<32x4096xf32, #tpu.memory_space<hbm>> -> memref<1x4096xf32, #tpu.memory_space<hbm>>
      tpu.enqueue_dma source(%arg6 : memref<1x4096xf32, #tpu.memory_space<vmem>>) target(%dma_start3A_193 : memref<1x4096xf32, #tpu.memory_space<hbm>>) target_semaphore(%run_scoped3A : memref<!tpu.dma_semaphore, #tpu.memory_space<semaphore_mem>>)
      %dma_wait3A_194 = arith.constant 0 : i32
      %dma_wait3A_195 = tpu.memref_slice %arg3[%add3A, %dma_wait3A_194] : memref<32x4096xf32, #tpu.memory_space<hbm>> -> memref<1x4096xf32, #tpu.memory_space<hbm>>
      %dma_wait3A_196 = arith.constant 0 : i32
      %dma_wait3A_197 = tpu.memref_slice %arg3[%add3A, %dma_wait3A_196] : memref<32x4096xf32, #tpu.memory_space<hbm>> -> memref<1x4096xf32, #tpu.memory_space<hbm>>
      tpu.wait_dma2 semaphore(%run_scoped3A : memref<!tpu.dma_semaphore, #tpu.memory_space<semaphore_mem>>) src(%arg6 : memref<1x4096xf32, #tpu.memory_space<vmem>>) dst(%dma_wait3A_197 : memref<1x4096xf32, #tpu.memory_space<hbm>>)
      tpu.yield
    }) : () -> ()
    return
  }
}

module attributes {stable_mosaic.version = 14 : i64} {
  func.func @_tc_pool_body(%arg0: i32, %arg1: memref<2x512x4096xf32, #tpu.memory_space<vmem>>, %arg2: memref<2x4096xf32, #tpu.memory_space<vmem>>) attributes {dimension_semantics = [#tpu.dimension_semantics<arbitrary>], iteration_bounds = array<i64: 5>, scalar_prefetch = 0 : i64, scratch_operands = 0 : i64, tpu.core_type = #tpu.core_type<tc>, window_params = [{transform_indices = @transform_0, window_bounds = array<i64: 2, 512, 4096>}, {pipeline_mode = #tpu.pipeline_mode<synchronous>, transform_indices = @transform_1, window_bounds = array<i64: 2, 4096>}]} {
    %eq3A = arith.constant 0 : i32
    %eq3A_0 = arith.cmpi eq, %arg0, %eq3A : i32
    %convert_element_type3A = arith.extui %eq3A_0 : i1 to i32
    %cond3A = arith.constant 0 : i32
    %cond3A_1 = arith.cmpi ne, %convert_element_type3A, %cond3A : i32
    scf.if %cond3A_1 {
      %broadcast_in_dim3A = arith.constant 0.000000e+00 : f32
      %broadcast_in_dim3A_11 = vector.broadcast %broadcast_in_dim3A : f32 to vector<2x4096xf32>
      %swap3A_12 = arith.constant 0 : index
      %swap3A_13 = arith.constant 0 : index
      %swap3A_14 = vector.load %arg2[%swap3A_12, %swap3A_13] : memref<2x4096xf32, #tpu.memory_space<vmem>>, vector<2x4096xf32>
      tpu.vector_store %arg2[%swap3A_12, %swap3A_13], %broadcast_in_dim3A_11 {strides = array<i32>} : memref<2x4096xf32, #tpu.memory_space<vmem>>, vector<2x4096xf32>,
    } else {
    }
    %get3A = arith.constant 0 : index
    %get3A_2 = arith.constant 0 : index
    %get3A_3 = vector.load %arg2[%get3A, %get3A_2] : memref<2x4096xf32, #tpu.memory_space<vmem>>, vector<2x4096xf32>
    %get3A_4 = arith.constant 0 : index
    %get3A_5 = arith.constant 0 : index
    %get3A_6 = arith.constant 0 : index
    %get3A_7 = vector.load %arg1[%get3A_4, %get3A_5, %get3A_6] : memref<2x512x4096xf32, #tpu.memory_space<vmem>>, vector<2x512x4096xf32>
    %reduce_sum3A = arith.constant dense<0.000000e+00> : vector<2x4096xf32>
    %reduce_sum3A_8 = vector.multi_reduction <add>, %get3A_7, %reduce_sum3A [1] : vector<2x512x4096xf32> to vector<2x4096xf32>
    %add3A = arith.addf %get3A_3, %reduce_sum3A_8 : vector<2x4096xf32>
    %swap3A = arith.constant 0 : index
    %swap3A_9 = arith.constant 0 : index
    %swap3A_10 = vector.load %arg2[%swap3A, %swap3A_9] : memref<2x4096xf32, #tpu.memory_space<vmem>>, vector<2x4096xf32>
    tpu.vector_store %arg2[%swap3A, %swap3A_9], %add3A {strides = array<i32>} : memref<2x4096xf32, #tpu.memory_space<vmem>>, vector<2x4096xf32>,
    return
  }
  func.func @transform_0(%arg0: i32) -> (i32, i32, i32) {
    %add3A = arith.constant 3 : i32
    %add3A_0 = arith.addi %add3A, %arg0 : i32
    %c0_i32 = arith.constant 0 : i32
    %c0_i32_1 = arith.constant 0 : i32
    %c0_i32_2 = arith.constant 0 : i32
    return %c0_i32, %add3A_0, %c0_i32_1 : i32, i32, i32
  }
  func.func @transform_1(%arg0: i32) -> (i32, i32) {
    %c0_i32 = arith.constant 0 : i32
    %c0_i32_0 = arith.constant 0 : i32
    %c0_i32_1 = arith.constant 0 : i32
    return %c0_i32, %c0_i32_0 : i32, i32
  }
}

module attributes {stable_mosaic.version = 14 : i64} {
  func.func @_tc_epilogue(%arg0: memref<2x16x4096xf32, #tpu.memory_space<vmem>>, %arg1: memref<2x4096xf32, #tpu.memory_space<vmem>>, %arg2: memref<64x4096xf32, #tpu.memory_space<vmem>>, %arg3: memref<1x64xf32, #tpu.memory_space<vmem>>, %arg4: memref<8x128xf32, #tpu.memory_space<vmem>>, %arg5: memref<8x128xi32, #tpu.memory_space<vmem>>, %arg6: memref<8x128xf32, #tpu.memory_space<vmem>>) attributes {dimension_semantics = [], scalar_prefetch = 0 : i64, scratch_operands = 0 : i64, tpu.core_type = #tpu.core_type<tc>} {
    %get3A = arith.constant 0 : index
    %get3A_0 = arith.constant 0 : index
    %get3A_1 = arith.constant 0 : index
    %get3A_2 = vector.load %arg0[%get3A, %get3A_0, %get3A_1] : memref<2x16x4096xf32, #tpu.memory_space<vmem>>, vector<2x16x4096xf32>
    %reduce_sum3A = arith.constant dense<0.000000e+00> : vector<2x4096xf32>
    %reduce_sum3A_3 = vector.multi_reduction <add>, %get3A_2, %reduce_sum3A [1] : vector<2x16x4096xf32> to vector<2x4096xf32>
    %get3A_4 = arith.constant 0 : index
    %get3A_5 = arith.constant 0 : index
    %get3A_6 = vector.load %arg1[%get3A_4, %get3A_5] : memref<2x4096xf32, #tpu.memory_space<vmem>>, vector<2x4096xf32>
    %add3A = arith.addf %reduce_sum3A_3, %get3A_6 : vector<2x4096xf32>
    %mul3A = arith.constant 2.44140625E-4 : f32
    %mul3A_7 = vector.broadcast %mul3A : f32 to vector<2x4096xf32>
    %mul3A_8 = arith.mulf %add3A, %mul3A_7 : vector<2x4096xf32>
    %get3A_9 = arith.constant 0 : index
    %get3A_10 = arith.constant 0 : index
    %get3A_11 = vector.load %arg2[%get3A_9, %get3A_10] : memref<64x4096xf32, #tpu.memory_space<vmem>>, vector<64x4096xf32>
    %get3A_12 = arith.constant 0 : index
    %get3A_13 = arith.constant 0 : index
    %get3A_14 = vector.load %arg3[%get3A_12, %get3A_13] : memref<1x64xf32, #tpu.memory_space<vmem>>, vector<1x64xf32>
    %dot_general3A = arith.constant dense<0.000000e+00> : vector<2x64xf32>
    %dot_general3A_15 = tpu.matmul %mul3A_8, %get3A_11, %dot_general3A {dimension_numbers = #tpu.dot_dimension_numbers<[1], [1], [0], [0], [0, 0, 1, 0], [], []>, transpose_lhs_hint = false} : vector<2x4096xf32>, vector<64x4096xf32>, vector<2x64xf32> -> vector<2x64xf32>
    %add3A_16 = vector.broadcast %get3A_14 : vector<1x64xf32> to vector<2x64xf32>
    %add3A_17 = arith.addf %dot_general3A_15, %add3A_16 : vector<2x64xf32>
    %reduce_max3A = arith.constant dense<0xFF800000> : vector<2xf32>
    %reduce_max3A_18 = vector.multi_reduction <maximumf>, %add3A_17, %reduce_max3A [1] : vector<2x64xf32> to vector<2xf32>
    %broadcast_in_dim3A = vector.shape_cast %reduce_max3A_18 : vector<2xf32> to vector<2x1xf32>
    %sub3A = vector.broadcast %broadcast_in_dim3A : vector<2x1xf32> to vector<2x64xf32>
    %sub3A_19 = arith.subf %add3A_17, %sub3A : vector<2x64xf32>
    %exp3A = math.exp %sub3A_19 : vector<2x64xf32>
    %reduce_sum3A_20 = arith.constant dense<0.000000e+00> : vector<2xf32>
    %reduce_sum3A_21 = vector.multi_reduction <add>, %exp3A, %reduce_sum3A_20 [1] : vector<2x64xf32> to vector<2xf32>
    %broadcast_in_dim3A_22 = vector.shape_cast %reduce_sum3A_21 : vector<2xf32> to vector<2x1xf32>
    %div3A = vector.broadcast %broadcast_in_dim3A_22 : vector<2x1xf32> to vector<2x64xf32>
    %div3A_23 = arith.divf %exp3A, %div3A : vector<2x64xf32>
    %iota3A = tpu.iota {dimensions = array<i32: 1>} : vector<2x64xi32>
    %broadcast_in_dim3A_24 = arith.constant 0.000000e+00 : f32
    %broadcast_in_dim3A_25 = vector.broadcast %broadcast_in_dim3A_24 : f32 to vector<2x64xf32>
    %reduce_max3A_26 = arith.constant dense<0xFF800000> : vector<2xf32>
    %reduce_max3A_27 = vector.multi_reduction <maximumf>, %div3A_23, %reduce_max3A_26 [1] : vector<2x64xf32> to vector<2xf32>
    %broadcast_in_dim3A_28 = vector.shape_cast %reduce_max3A_27 : vector<2xf32> to vector<2x1xf32>
    %eq3A = vector.broadcast %broadcast_in_dim3A_28 : vector<2x1xf32> to vector<2x64xf32>
    %eq3A_29 = arith.cmpf oeq, %div3A_23, %eq3A : vector<2x64xf32>
    %jit3A = arith.constant 64 : i32
    %broadcast_in_dim3A_30 = vector.broadcast %jit3A : i32 to vector<2x64xi32>
    %select_n3A = arith.select %eq3A_29, %iota3A, %broadcast_in_dim3A_30 : vector<2x64xi1>, vector<2x64xi32>
    %reduce_min3A = arith.constant dense<2147483647> : vector<2xi32>
    %reduce_min3A_31 = vector.multi_reduction <minsi>, %select_n3A, %reduce_min3A [1] : vector<2x64xi32> to vector<2xi32>
    %broadcast_in_dim3A_32 = vector.shape_cast %reduce_min3A_31 : vector<2xi32> to vector<2x1xi32>
    %eq3A_33 = vector.broadcast %broadcast_in_dim3A_32 : vector<2x1xi32> to vector<2x64xi32>
    %eq3A_34 = arith.cmpi eq, %iota3A, %eq3A_33 : vector<2x64xi32>
    %convert_element_type3A = arith.extui %eq3A_34 : vector<2x64xi1> to vector<2x64xi32>
    %convert_element_type3A_35 = arith.sitofp %convert_element_type3A : vector<2x64xi32> to vector<2x64xf32>
    %add3A_36 = arith.addf %broadcast_in_dim3A_25, %convert_element_type3A_35 : vector<2x64xf32>
    %jit3A_37 = arith.constant -1.000000e+00 : f32
    %broadcast_in_dim3A_38 = vector.broadcast %jit3A_37 : f32 to vector<2x64xf32>
    %select_n3A_39 = arith.select %eq3A_34, %broadcast_in_dim3A_38, %div3A_23 : vector<2x64xi1>, vector<2x64xf32>
    %reduce_max3A_40 = arith.constant dense<0xFF800000> : vector<2xf32>
    %reduce_max3A_41 = vector.multi_reduction <maximumf>, %select_n3A_39, %reduce_max3A_40 [1] : vector<2x64xf32> to vector<2xf32>
    %broadcast_in_dim3A_42 = vector.shape_cast %reduce_max3A_41 : vector<2xf32> to vector<2x1xf32>
    %eq3A_43 = vector.broadcast %broadcast_in_dim3A_42 : vector<2x1xf32> to vector<2x64xf32>
    %eq3A_44 = arith.cmpf oeq, %select_n3A_39, %eq3A_43 : vector<2x64xf32>
    %jit3A_45 = arith.constant 64 : i32
    %broadcast_in_dim3A_46 = vector.broadcast %jit3A_45 : i32 to vector<2x64xi32>
    %select_n3A_47 = arith.select %eq3A_44, %iota3A, %broadcast_in_dim3A_46 : vector<2x64xi1>, vector<2x64xi32>
    %reduce_min3A_48 = arith.constant dense<2147483647> : vector<2xi32>
    %reduce_min3A_49 = vector.multi_reduction <minsi>, %select_n3A_47, %reduce_min3A_48 [1] : vector<2x64xi32> to vector<2xi32>
    %broadcast_in_dim3A_50 = vector.shape_cast %reduce_min3A_49 : vector<2xi32> to vector<2x1xi32>
    %eq3A_51 = vector.broadcast %broadcast_in_dim3A_50 : vector<2x1xi32> to vector<2x64xi32>
    %eq3A_52 = arith.cmpi eq, %iota3A, %eq3A_51 : vector<2x64xi32>
    %convert_element_type3A_53 = arith.extui %eq3A_52 : vector<2x64xi1> to vector<2x64xi32>
    %convert_element_type3A_54 = arith.sitofp %convert_element_type3A_53 : vector<2x64xi32> to vector<2x64xf32>
    %add3A_55 = arith.addf %add3A_36, %convert_element_type3A_54 : vector<2x64xf32>
    %jit3A_56 = arith.constant -1.000000e+00 : f32
    %broadcast_in_dim3A_57 = vector.broadcast %jit3A_56 : f32 to vector<2x64xf32>
    %select_n3A_58 = arith.select %eq3A_52, %broadcast_in_dim3A_57, %select_n3A_39 : vector<2x64xi1>, vector<2x64xf32>
    %reduce_max3A_59 = arith.constant dense<0xFF800000> : vector<2xf32>
    %reduce_max3A_60 = vector.multi_reduction <maximumf>, %select_n3A_58, %reduce_max3A_59 [1] : vector<2x64xf32> to vector<2xf32>
    %broadcast_in_dim3A_61 = vector.shape_cast %reduce_max3A_60 : vector<2xf32> to vector<2x1xf32>
    %eq3A_62 = vector.broadcast %broadcast_in_dim3A_61 : vector<2x1xf32> to vector<2x64xf32>
    %eq3A_63 = arith.cmpf oeq, %select_n3A_58, %eq3A_62 : vector<2x64xf32>
    %jit3A_64 = arith.constant 64 : i32
    %broadcast_in_dim3A_65 = vector.broadcast %jit3A_64 : i32 to vector<2x64xi32>
    %select_n3A_66 = arith.select %eq3A_63, %iota3A, %broadcast_in_dim3A_65 : vector<2x64xi1>, vector<2x64xi32>
    %reduce_min3A_67 = arith.constant dense<2147483647> : vector<2xi32>
    %reduce_min3A_68 = vector.multi_reduction <minsi>, %select_n3A_66, %reduce_min3A_67 [1] : vector<2x64xi32> to vector<2xi32>
    %broadcast_in_dim3A_69 = vector.shape_cast %reduce_min3A_68 : vector<2xi32> to vector<2x1xi32>
    %eq3A_70 = vector.broadcast %broadcast_in_dim3A_69 : vector<2x1xi32> to vector<2x64xi32>
    %eq3A_71 = arith.cmpi eq, %iota3A, %eq3A_70 : vector<2x64xi32>
    %convert_element_type3A_72 = arith.extui %eq3A_71 : vector<2x64xi1> to vector<2x64xi32>
    %convert_element_type3A_73 = arith.sitofp %convert_element_type3A_72 : vector<2x64xi32> to vector<2x64xf32>
    %add3A_74 = arith.addf %add3A_55, %convert_element_type3A_73 : vector<2x64xf32>
    %jit3A_75 = arith.constant -1.000000e+00 : f32
    %broadcast_in_dim3A_76 = vector.broadcast %jit3A_75 : f32 to vector<2x64xf32>
    %select_n3A_77 = arith.select %eq3A_71, %broadcast_in_dim3A_76, %select_n3A_58 : vector<2x64xi1>, vector<2x64xf32>
    %reduce_max3A_78 = arith.constant dense<0xFF800000> : vector<2xf32>
    %reduce_max3A_79 = vector.multi_reduction <maximumf>, %select_n3A_77, %reduce_max3A_78 [1] : vector<2x64xf32> to vector<2xf32>
    %broadcast_in_dim3A_80 = vector.shape_cast %reduce_max3A_79 : vector<2xf32> to vector<2x1xf32>
    %eq3A_81 = vector.broadcast %broadcast_in_dim3A_80 : vector<2x1xf32> to vector<2x64xf32>
    %eq3A_82 = arith.cmpf oeq, %select_n3A_77, %eq3A_81 : vector<2x64xf32>
    %jit3A_83 = arith.constant 64 : i32
    %broadcast_in_dim3A_84 = vector.broadcast %jit3A_83 : i32 to vector<2x64xi32>
    %select_n3A_85 = arith.select %eq3A_82, %iota3A, %broadcast_in_dim3A_84 : vector<2x64xi1>, vector<2x64xi32>
    %reduce_min3A_86 = arith.constant dense<2147483647> : vector<2xi32>
    %reduce_min3A_87 = vector.multi_reduction <minsi>, %select_n3A_85, %reduce_min3A_86 [1] : vector<2x64xi32> to vector<2xi32>
    %broadcast_in_dim3A_88 = vector.shape_cast %reduce_min3A_87 : vector<2xi32> to vector<2x1xi32>
    %eq3A_89 = vector.broadcast %broadcast_in_dim3A_88 : vector<2x1xi32> to vector<2x64xi32>
    %eq3A_90 = arith.cmpi eq, %iota3A, %eq3A_89 : vector<2x64xi32>
    %convert_element_type3A_91 = arith.extui %eq3A_90 : vector<2x64xi1> to vector<2x64xi32>
    %convert_element_type3A_92 = arith.sitofp %convert_element_type3A_91 : vector<2x64xi32> to vector<2x64xf32>
    %add3A_93 = arith.addf %add3A_74, %convert_element_type3A_92 : vector<2x64xf32>
    %jit3A_94 = arith.constant -1.000000e+00 : f32
    %broadcast_in_dim3A_95 = vector.broadcast %jit3A_94 : f32 to vector<2x64xf32>
    %select_n3A_96 = arith.select %eq3A_90, %broadcast_in_dim3A_95, %select_n3A_77 : vector<2x64xi1>, vector<2x64xf32>
    %reduce_max3A_97 = arith.constant dense<0xFF800000> : vector<2xf32>
    %reduce_max3A_98 = vector.multi_reduction <maximumf>, %select_n3A_96, %reduce_max3A_97 [1] : vector<2x64xf32> to vector<2xf32>
    %broadcast_in_dim3A_99 = vector.shape_cast %reduce_max3A_98 : vector<2xf32> to vector<2x1xf32>
    %eq3A_100 = vector.broadcast %broadcast_in_dim3A_99 : vector<2x1xf32> to vector<2x64xf32>
    %eq3A_101 = arith.cmpf oeq, %select_n3A_96, %eq3A_100 : vector<2x64xf32>
    %jit3A_102 = arith.constant 64 : i32
    %broadcast_in_dim3A_103 = vector.broadcast %jit3A_102 : i32 to vector<2x64xi32>
    %select_n3A_104 = arith.select %eq3A_101, %iota3A, %broadcast_in_dim3A_103 : vector<2x64xi1>, vector<2x64xi32>
    %reduce_min3A_105 = arith.constant dense<2147483647> : vector<2xi32>
    %reduce_min3A_106 = vector.multi_reduction <minsi>, %select_n3A_104, %reduce_min3A_105 [1] : vector<2x64xi32> to vector<2xi32>
    %broadcast_in_dim3A_107 = vector.shape_cast %reduce_min3A_106 : vector<2xi32> to vector<2x1xi32>
    %eq3A_108 = vector.broadcast %broadcast_in_dim3A_107 : vector<2x1xi32> to vector<2x64xi32>
    %eq3A_109 = arith.cmpi eq, %iota3A, %eq3A_108 : vector<2x64xi32>
    %convert_element_type3A_110 = arith.extui %eq3A_109 : vector<2x64xi1> to vector<2x64xi32>
    %convert_element_type3A_111 = arith.sitofp %convert_element_type3A_110 : vector<2x64xi32> to vector<2x64xf32>
    %add3A_112 = arith.addf %add3A_93, %convert_element_type3A_111 : vector<2x64xf32>
    %jit3A_113 = arith.constant -1.000000e+00 : f32
    %broadcast_in_dim3A_114 = vector.broadcast %jit3A_113 : f32 to vector<2x64xf32>
    %select_n3A_115 = arith.select %eq3A_109, %broadcast_in_dim3A_114, %select_n3A_96 : vector<2x64xi1>, vector<2x64xf32>
    %reduce_max3A_116 = arith.constant dense<0xFF800000> : vector<2xf32>
    %reduce_max3A_117 = vector.multi_reduction <maximumf>, %select_n3A_115, %reduce_max3A_116 [1] : vector<2x64xf32> to vector<2xf32>
    %broadcast_in_dim3A_118 = vector.shape_cast %reduce_max3A_117 : vector<2xf32> to vector<2x1xf32>
    %eq3A_119 = vector.broadcast %broadcast_in_dim3A_118 : vector<2x1xf32> to vector<2x64xf32>
    %eq3A_120 = arith.cmpf oeq, %select_n3A_115, %eq3A_119 : vector<2x64xf32>
    %jit3A_121 = arith.constant 64 : i32
    %broadcast_in_dim3A_122 = vector.broadcast %jit3A_121 : i32 to vector<2x64xi32>
    %select_n3A_123 = arith.select %eq3A_120, %iota3A, %broadcast_in_dim3A_122 : vector<2x64xi1>, vector<2x64xi32>
    %reduce_min3A_124 = arith.constant dense<2147483647> : vector<2xi32>
    %reduce_min3A_125 = vector.multi_reduction <minsi>, %select_n3A_123, %reduce_min3A_124 [1] : vector<2x64xi32> to vector<2xi32>
    %broadcast_in_dim3A_126 = vector.shape_cast %reduce_min3A_125 : vector<2xi32> to vector<2x1xi32>
    %eq3A_127 = vector.broadcast %broadcast_in_dim3A_126 : vector<2x1xi32> to vector<2x64xi32>
    %eq3A_128 = arith.cmpi eq, %iota3A, %eq3A_127 : vector<2x64xi32>
    %convert_element_type3A_129 = arith.extui %eq3A_128 : vector<2x64xi1> to vector<2x64xi32>
    %convert_element_type3A_130 = arith.sitofp %convert_element_type3A_129 : vector<2x64xi32> to vector<2x64xf32>
    %add3A_131 = arith.addf %add3A_112, %convert_element_type3A_130 : vector<2x64xf32>
    %jit3A_132 = arith.constant -1.000000e+00 : f32
    %broadcast_in_dim3A_133 = vector.broadcast %jit3A_132 : f32 to vector<2x64xf32>
    %select_n3A_134 = arith.select %eq3A_128, %broadcast_in_dim3A_133, %select_n3A_115 : vector<2x64xi1>, vector<2x64xf32>
    %reduce_max3A_135 = arith.constant dense<0xFF800000> : vector<2xf32>
    %reduce_max3A_136 = vector.multi_reduction <maximumf>, %select_n3A_134, %reduce_max3A_135 [1] : vector<2x64xf32> to vector<2xf32>
    %broadcast_in_dim3A_137 = vector.shape_cast %reduce_max3A_136 : vector<2xf32> to vector<2x1xf32>
    %eq3A_138 = vector.broadcast %broadcast_in_dim3A_137 : vector<2x1xf32> to vector<2x64xf32>
    %eq3A_139 = arith.cmpf oeq, %select_n3A_134, %eq3A_138 : vector<2x64xf32>
    %jit3A_140 = arith.constant 64 : i32
    %broadcast_in_dim3A_141 = vector.broadcast %jit3A_140 : i32 to vector<2x64xi32>
    %select_n3A_142 = arith.select %eq3A_139, %iota3A, %broadcast_in_dim3A_141 : vector<2x64xi1>, vector<2x64xi32>
    %reduce_min3A_143 = arith.constant dense<2147483647> : vector<2xi32>
    %reduce_min3A_144 = vector.multi_reduction <minsi>, %select_n3A_142, %reduce_min3A_143 [1] : vector<2x64xi32> to vector<2xi32>
    %broadcast_in_dim3A_145 = vector.shape_cast %reduce_min3A_144 : vector<2xi32> to vector<2x1xi32>
    %eq3A_146 = vector.broadcast %broadcast_in_dim3A_145 : vector<2x1xi32> to vector<2x64xi32>
    %eq3A_147 = arith.cmpi eq, %iota3A, %eq3A_146 : vector<2x64xi32>
    %convert_element_type3A_148 = arith.extui %eq3A_147 : vector<2x64xi1> to vector<2x64xi32>
    %convert_element_type3A_149 = arith.sitofp %convert_element_type3A_148 : vector<2x64xi32> to vector<2x64xf32>
    %add3A_150 = arith.addf %add3A_131, %convert_element_type3A_149 : vector<2x64xf32>
    %jit3A_151 = arith.constant -1.000000e+00 : f32
    %broadcast_in_dim3A_152 = vector.broadcast %jit3A_151 : f32 to vector<2x64xf32>
    %select_n3A_153 = arith.select %eq3A_147, %broadcast_in_dim3A_152, %select_n3A_134 : vector<2x64xi1>, vector<2x64xf32>
    %reduce_max3A_154 = arith.constant dense<0xFF800000> : vector<2xf32>
    %reduce_max3A_155 = vector.multi_reduction <maximumf>, %select_n3A_153, %reduce_max3A_154 [1] : vector<2x64xf32> to vector<2xf32>
    %broadcast_in_dim3A_156 = vector.shape_cast %reduce_max3A_155 : vector<2xf32> to vector<2x1xf32>
    %eq3A_157 = vector.broadcast %broadcast_in_dim3A_156 : vector<2x1xf32> to vector<2x64xf32>
    %eq3A_158 = arith.cmpf oeq, %select_n3A_153, %eq3A_157 : vector<2x64xf32>
    %jit3A_159 = arith.constant 64 : i32
    %broadcast_in_dim3A_160 = vector.broadcast %jit3A_159 : i32 to vector<2x64xi32>
    %select_n3A_161 = arith.select %eq3A_158, %iota3A, %broadcast_in_dim3A_160 : vector<2x64xi1>, vector<2x64xi32>
    %reduce_min3A_162 = arith.constant dense<2147483647> : vector<2xi32>
    %reduce_min3A_163 = vector.multi_reduction <minsi>, %select_n3A_161, %reduce_min3A_162 [1] : vector<2x64xi32> to vector<2xi32>
    %broadcast_in_dim3A_164 = vector.shape_cast %reduce_min3A_163 : vector<2xi32> to vector<2x1xi32>
    %eq3A_165 = vector.broadcast %broadcast_in_dim3A_164 : vector<2x1xi32> to vector<2x64xi32>
    %eq3A_166 = arith.cmpi eq, %iota3A, %eq3A_165 : vector<2x64xi32>
    %convert_element_type3A_167 = arith.extui %eq3A_166 : vector<2x64xi1> to vector<2x64xi32>
    %convert_element_type3A_168 = arith.sitofp %convert_element_type3A_167 : vector<2x64xi32> to vector<2x64xf32>
    %add3A_169 = arith.addf %add3A_150, %convert_element_type3A_168 : vector<2x64xf32>
    %concatenate3A = tpu.concatenate %broadcast_in_dim3A_28, %broadcast_in_dim3A_42, %broadcast_in_dim3A_61, %broadcast_in_dim3A_80, %broadcast_in_dim3A_99, %broadcast_in_dim3A_118, %broadcast_in_dim3A_137, %broadcast_in_dim3A_156 in 1 : vector<2x1xf32>, vector<2x1xf32>, vector<2x1xf32>, vector<2x1xf32>, vector<2x1xf32>, vector<2x1xf32>, vector<2x1xf32>, vector<2x1xf32> -> vector<2x8xf32>
    %concatenate3A_170 = tpu.concatenate %broadcast_in_dim3A_32, %broadcast_in_dim3A_50, %broadcast_in_dim3A_69, %broadcast_in_dim3A_88, %broadcast_in_dim3A_107, %broadcast_in_dim3A_126, %broadcast_in_dim3A_145, %broadcast_in_dim3A_164 in 1 : vector<2x1xi32>, vector<2x1xi32>, vector<2x1xi32>, vector<2x1xi32>, vector<2x1xi32>, vector<2x1xi32>, vector<2x1xi32>, vector<2x1xi32> -> vector<2x8xi32>
    %reduce_sum3A_171 = arith.constant dense<0.000000e+00> : vector<2xf32>
    %reduce_sum3A_172 = vector.multi_reduction <add>, %concatenate3A, %reduce_sum3A_171 [1] : vector<2x8xf32> to vector<2xf32>
    %broadcast_in_dim3A_173 = vector.shape_cast %reduce_sum3A_172 : vector<2xf32> to vector<2x1xf32>
    %div3A_174 = vector.broadcast %broadcast_in_dim3A_173 : vector<2x1xf32> to vector<2x8xf32>
    %div3A_175 = arith.divf %concatenate3A, %div3A_174 : vector<2x8xf32>
    %reduce_sum3A_176 = arith.constant dense<0.000000e+00> : vector<64xf32>
    %reduce_sum3A_177 = vector.multi_reduction <add>, %add3A_169, %reduce_sum3A_176 [0] : vector<2x64xf32> to vector<64xf32>
    %div3A_178 = arith.constant 2.000000e+00 : f32
    %div3A_179 = vector.broadcast %div3A_178 : f32 to vector<64xf32>
    %div3A_180 = arith.divf %reduce_sum3A_177, %div3A_179 : vector<64xf32>
    %reduce_sum3A_181 = arith.constant dense<0.000000e+00> : vector<64xf32>
    %reduce_sum3A_182 = vector.multi_reduction <add>, %div3A_23, %reduce_sum3A_181 [0] : vector<2x64xf32> to vector<64xf32>
    %div3A_183 = arith.constant 2.000000e+00 : f32
    %div3A_184 = vector.broadcast %div3A_183 : f32 to vector<64xf32>
    %div3A_185 = arith.divf %reduce_sum3A_182, %div3A_184 : vector<64xf32>
    %mul3A_186 = arith.mulf %div3A_180, %div3A_185 : vector<64xf32>
    %reduce_sum3A_187 = vector.shape_cast %mul3A_186 : vector<64xf32> to vector<1x64xf32>
    %reduce_sum3A_188 = arith.constant dense<0.000000e+00> : vector<1xf32>
    %reduce_sum3A_189 = vector.multi_reduction <add>, %reduce_sum3A_187, %reduce_sum3A_188 [1] : vector<1x64xf32> to vector<1xf32>
    %reduce_sum3A_190 = vector.shape_cast %reduce_sum3A_189 : vector<1xf32> to vector<1x1xf32>
    %reduce_sum3A_191 = vector.extract %reduce_sum3A_190[0, 0] : f32 from vector<1x1xf32>
    %mul3A_192 = arith.constant 6.400000e+01 : f32
    %mul3A_193 = arith.mulf %mul3A_192, %reduce_sum3A_191 : f32
    %mul3A_194 = arith.mulf %div3A_23, %div3A_23 : vector<2x64xf32>
    %reduce_sum3A_195 = arith.constant dense<0.000000e+00> : vector<64xf32>
    %reduce_sum3A_196 = vector.multi_reduction <add>, %mul3A_194, %reduce_sum3A_195 [0] : vector<2x64xf32> to vector<64xf32>
    %div3A_197 = arith.constant 2.000000e+00 : f32
    %div3A_198 = vector.broadcast %div3A_197 : f32 to vector<64xf32>
    %div3A_199 = arith.divf %reduce_sum3A_196, %div3A_198 : vector<64xf32>
    %sub3A_200 = arith.constant 1.562500e-02 : f32
    %sub3A_201 = vector.broadcast %sub3A_200 : f32 to vector<64xf32>
    %sub3A_202 = arith.subf %div3A_199, %sub3A_201 : vector<64xf32>
    %integer_pow3A = arith.mulf %sub3A_202, %sub3A_202 : vector<64xf32>
    %reduce_sum3A_203 = vector.shape_cast %integer_pow3A : vector<64xf32> to vector<1x64xf32>
    %reduce_sum3A_204 = arith.constant dense<0.000000e+00> : vector<1xf32>
    %reduce_sum3A_205 = vector.multi_reduction <add>, %reduce_sum3A_203, %reduce_sum3A_204 [1] : vector<1x64xf32> to vector<1xf32>
    %reduce_sum3A_206 = vector.shape_cast %reduce_sum3A_205 : vector<1xf32> to vector<1x1xf32>
    %reduce_sum3A_207 = vector.extract %reduce_sum3A_206[0, 0] : f32 from vector<1x1xf32>
    %div3A_208 = arith.constant 6.400000e+01 : f32
    %div3A_209 = arith.divf %reduce_sum3A_207, %div3A_208 : f32
    %squeeze3A = vector.shape_cast %broadcast_in_dim3A : vector<2x1xf32> to vector<2xf32>
    %squeeze3A_210 = vector.shape_cast %broadcast_in_dim3A_22 : vector<2x1xf32> to vector<2xf32>
    %log3A = math.log %squeeze3A_210 : vector<2xf32>
    %add3A_211 = arith.addf %squeeze3A, %log3A : vector<2xf32>
    %mul3A_212 = arith.mulf %add3A_211, %add3A_211 : vector<2xf32>
    %reduce_sum3A_213 = vector.shape_cast %mul3A_212 : vector<2xf32> to vector<1x2xf32>
    %reduce_sum3A_214 = arith.constant dense<0.000000e+00> : vector<1xf32>
    %reduce_sum3A_215 = vector.multi_reduction <add>, %reduce_sum3A_213, %reduce_sum3A_214 [1] : vector<1x2xf32> to vector<1xf32>
    %reduce_sum3A_216 = vector.shape_cast %reduce_sum3A_215 : vector<1xf32> to vector<1x1xf32>
    %reduce_sum3A_217 = vector.extract %reduce_sum3A_216[0, 0] : f32 from vector<1x1xf32>
    %div3A_218 = arith.constant 2.000000e+00 : f32
    %div3A_219 = arith.divf %reduce_sum3A_217, %div3A_218 : f32
    %jit3A_220 = arith.constant 0 : i32
    %convert_element_type3A_221 = arith.sitofp %jit3A_220 : i32 to f32
    %pad3A = vector.broadcast %convert_element_type3A_221 : f32 to vector<6x8xf32>
    %pad3A_222 = tpu.concatenate %div3A_175, %pad3A in 0 : vector<2x8xf32>, vector<6x8xf32> -> vector<8x8xf32>
    %pad3A_223 = vector.broadcast %convert_element_type3A_221 : f32 to vector<8x120xf32>
    %pad3A_224 = tpu.concatenate %pad3A_222, %pad3A_223 in 1 : vector<8x8xf32>, vector<8x120xf32> -> vector<8x128xf32>
    %swap3A = arith.constant 0 : index
    %swap3A_225 = arith.constant 0 : index
    %swap3A_226 = vector.load %arg4[%swap3A, %swap3A_225] : memref<8x128xf32, #tpu.memory_space<vmem>>, vector<8x128xf32>
    tpu.vector_store %arg4[%swap3A, %swap3A_225], %pad3A_224 {strides = array<i32>} : memref<8x128xf32, #tpu.memory_space<vmem>>, vector<8x128xf32>,
    %jit3A_227 = arith.constant 0 : i32
    %pad3A_228 = vector.broadcast %jit3A_227 : i32 to vector<6x8xi32>
    %pad3A_229 = tpu.concatenate %concatenate3A_170, %pad3A_228 in 0 : vector<2x8xi32>, vector<6x8xi32> -> vector<8x8xi32>
    %pad3A_230 = vector.broadcast %jit3A_227 : i32 to vector<8x120xi32>
    %pad3A_231 = tpu.concatenate %pad3A_229, %pad3A_230 in 1 : vector<8x8xi32>, vector<8x120xi32> -> vector<8x128xi32>
    %swap3A_232 = arith.constant 0 : index
    %swap3A_233 = arith.constant 0 : index
    %swap3A_234 = vector.load %arg5[%swap3A_232, %swap3A_233] : memref<8x128xi32, #tpu.memory_space<vmem>>, vector<8x128xi32>
    tpu.vector_store %arg5[%swap3A_232, %swap3A_233], %pad3A_231 {strides = array<i32>} : memref<8x128xi32, #tpu.memory_space<vmem>>, vector<8x128xi32>,
    %reshape3A = vector.broadcast %mul3A_193 : f32 to vector<1x1xf32>
    %reshape3A_235 = vector.broadcast %div3A_209 : f32 to vector<1x1xf32>
    %reshape3A_236 = vector.broadcast %div3A_219 : f32 to vector<1x1xf32>
    %concatenate3A_237 = tpu.concatenate %reshape3A, %reshape3A_235, %reshape3A_236 in 1 : vector<1x1xf32>, vector<1x1xf32>, vector<1x1xf32> -> vector<1x3xf32>
    %jit3A_238 = arith.constant 0 : i32
    %convert_element_type3A_239 = arith.sitofp %jit3A_238 : i32 to f32
    %pad3A_240 = vector.broadcast %convert_element_type3A_239 : f32 to vector<7x3xf32>
    %pad3A_241 = tpu.concatenate %concatenate3A_237, %pad3A_240 in 0 : vector<1x3xf32>, vector<7x3xf32> -> vector<8x3xf32>
    %pad3A_242 = vector.broadcast %convert_element_type3A_239 : f32 to vector<8x125xf32>
    %pad3A_243 = tpu.concatenate %pad3A_241, %pad3A_242 in 1 : vector<8x3xf32>, vector<8x125xf32> -> vector<8x128xf32>
    %swap3A_244 = arith.constant 0 : index
    %swap3A_245 = arith.constant 0 : index
    %swap3A_246 = vector.load %arg6[%swap3A_244, %swap3A_245] : memref<8x128xf32, #tpu.memory_space<vmem>>, vector<8x128xf32>
    tpu.vector_store %arg6[%swap3A_244, %swap3A_245], %pad3A_243 {strides = array<i32>} : memref<8x128xf32, #tpu.memory_space<vmem>>, vector<8x128xf32>,
    return
  }
}

</mosaic_0001>

<sc_bundles>
// kernel: kernel.5.cloned.1.call-start
scs
__scs_entry_jumppad:
0x0: {  	(pc) =	sbr.rel $0x88, $3  }
0x1: {  	(tag) =	ssettag $0x0;
	lr =	simm.s32 $0x1  }
0x2: {  	[smem:$0x3F9E] =	sst lr;
	_ =	strace $0xD0000000  }
0x3: {  	_ = 	snop  }
0x4: {  	_ = 	snop  }
0x5: {  	_ = 	snop  }
0x6: {  	_ = 	snop  }
0x7: {  	_ = 	snop  }
__scs_overlays_trampoline_lowered:
0x8: {  	[smem:$0x3FAD] =	sst s0  }
0x9: {  	[smem:$0x3FAE] =	sst s1  }
0xa: {  	[smem:$0x3FAF] =	sst s2  }
0xb: {  	[smem:$0x3FB0] =	sst s3  }
0xc: {  	[smem:$0x3FB1] =	sst s4  }
0xd: {  	[smem:$0x3FB2] =	sst s5  }
0xe: {  	[smem:$0x3FB3] =	sst s6  }
0xf: {  	[smem:$0x3FB4] =	sst s7  }
0x10: {  	[smem:$0x3FB5] =	sst s8  }
0x11: {  	[smem:$0x3FB6] =	sst s9;
	s0 =	simm.s32 @!p0 $0x0  }
0x12: {  	s1 =	sld [smem:$0x3F9C];
	s0 =	simm.s32 @p0 $0x1  }
0x13: {  	[smem:$0x3FB7] =	sst s0;
	s0 =	simm.s32 @!p1 $0x0  }
0x14: {  	s2 =	sld [smem:$0x3F9B];
	s0 =	simm.s32 @p1 $0x1  }
0x15: {  	[smem:$0x3FB8] =	sst s0;
	s0 =	simm.s32 @!p2 $0x0  }
0x16: {  	s3 =	sld [smem:$0x3FDB];
	s0 =	simm.s32 @p2 $0x1  }
0x17: {  	s4 =	simm.s32 $0x1BF5;
	[smem:$0x3FBA] =	sst s0  }
0x18: {  	s0 =	sld [smem:$0x3F9D];
	_ =	swait.ge [sflag:s4], $0x0  }
0x19: {  	s7 =	sld [smem:$0x3F9E]  }
0x1a: {  	s8 =	sadd.s32 $0xFFFFE003, lr  }
0x1b: {  	s9 =	sadd.s32 $0xFFFFFEF7, lr;
	s5 =	simm.s32 $0xFFFFFFFF;
	p2 =	slt.u32 s8, $0xFFFFF086  }
0x1c: {  	p1 =	slt.u32 s9, $0xF7A;
	s5 =	simm.s32 @!p2 $0x0  }
0x1d: {  	s5 =	simm.s32 @p1 $0x1;
	p0 =	seq.s32 s7, s2  }
0x1e: {  	s7 =	smul.u32 @!p0 $0xF7A, s2;
	p2 =	seq.s32 @!p0 s5, $0x0  }
0x1f: {  	s9 =	smul.u32 $0xF7A, s1;
	s8 =	simm.s32 @!p0 $0x1BF5;
	p2 =	por !p2, p0  }
0x20: {  	[sflag:s8] =	ssyncset.s32 @!p0 $0xFFFFF086;
	s6 =	sadd.s32 @!p0 s3, s7;
	s7 =	simm.s32 @!p0 $0x108  }
0x21: {  	s3 =	sadd.s32 s3, s9;
	s6 =	sadd.s32 @!p0 $0x88, s6;
	s7 =	simm.s32 @p2 $0x1082  }
0x22: {  	[simem:s7], [sflag:s8] =	dma.local @!p0 [hbm:s6], $0xF7A  }
0x23: {  	s9 =	sor.u32 $0xD0000000, s2;
	s6 =	simm.s32 $0x108;
	_ =	swait.ge @!p0 [sflag:s8], $0x0  }
0x24: {  	s3 =	sadd.s32 $0x88, s3;
	s6 =	simm.s32 @!p1 $0x1082;
	[sflag:s4] =	ssyncset.s32 $0xFFFFF086  }
0x25: {  	[simem:s6], [sflag:s4] =	dma.local [hbm:s3], $0xF7A  }
0x26: {  	[smem:$0x3F9E] =	sst s1;
	(tag) =	ssettag s2;
	_ =	strace s9  }
0x27: {  	s1 =	sld [smem:$0x3FAE]  }
0x28: {  	s2 =	sld [smem:$0x3FAF]  }
0x29: {  	s4 =	sld [smem:$0x3FB1]  }
0x2a: {  	p0 =	seq.s32 s5, $0x0;
	s5 =	sld [smem:$0x3FB2]  }
0x2b: {  	s6 =	sld [smem:$0x3FB3]  }
0x2c: {  	s7 =	sld [smem:$0x3FB4]  }
0x2d: {  	s3 =	simm.s32 $0x108;
	s8 =	sld [smem:$0x3FB5]  }
0x2e: {  	s3 =	simm.s32 @!p0 $0x1082;
	s9 =	sld [smem:$0x3FB6]  }
0x2f: {  	lr =	sadd.s32 s0, s3;
	s0 =	sld [smem:$0x3FAD]  }
0x30: {  	s3 =	sld [smem:$0x3FB0]  }
0x31: {  	[smem:$0x3FB9] =	sst s10  }
0x32: {  	s10 =	sld [smem:$0x3FB7];
	_ =	sdelay $0x3  }
0x33: {  	p0 =	seq.s32 s10, $0x1;
	s10 =	sld [smem:$0x3FB9];
	_ =	sdelay $0x3  }
0x34: {  	[smem:$0x3FB9] =	sst s10  }
0x35: {  	s10 =	sld [smem:$0x3FB8];
	_ =	sdelay $0x3  }
0x36: {  	p1 =	seq.s32 s10, $0x1;
	s10 =	sld [smem:$0x3FB9];
	_ =	sdelay $0x3  }
0x37: {  	[smem:$0x3FB9] =	sst s10  }
0x38: {  	s10 =	sld [smem:$0x3FBA]  }
0x39: {  	_ = 	snop;
	(pc) =	sbr.ind lr, $3  }
0x3a: {  	_ = 	snop  }
0x3b: {  	_ = 	snop  }
0x3c: {  	p2 =	seq.s32 s10, $0x1;
	s10 =	sld [smem:$0x3FB9]  }
0x3d: {  	_ =	shalt  }
0x3e: {  	_ =	shalt  }
0x3f: {  	_ =	shalt  }
0x40: {  	_ =	shalt  }
0x41: {  	_ =	shalt  }
0x42: {  	_ =	shalt  }
0x43: {  	_ =	shalt  }
0x44: {  	_ =	shalt  }
0x45: {  	_ =	shalt  }
0x46: {  	_ =	shalt  }
0x47: {  	_ =	shalt  }
0x48: {  	_ =	shalt  }
0x49: {  	_ =	shalt  }
0x4a: {  	_ =	shalt  }
0x4b: {  	_ =	shalt  }
0x4c: {  	_ =	shalt  }
0x4d: {  	_ =	shalt  }
0x4e: {  	_ =	shalt  }
0x4f: {  	_ =	shalt  }
0x50: {  	_ =	shalt  }
0x51: {  	_ =	shalt  }
0x52: {  	_ =	shalt  }
0x53: {  	_ =	shalt  }
0x54: {  	_ =	shalt  }
0x55: {  	_ =	shalt  }
0x56: {  	_ =	shalt  }
0x57: {  	_ =	shalt  }
0x58: {  	_ =	shalt  }
0x59: {  	_ =	shalt  }
0x5a: {  	_ =	shalt  }
0x5b: {  	_ =	shalt  }
0x5c: {  	_ =	shalt  }
0x5d: {  	_ =	shalt  }
0x5e: {  	_ =	shalt  }
0x5f: {  	_ =	shalt  }
0x60: {  	_ =	shalt  }
0x61: {  	_ =	shalt  }
0x62: {  	_ =	shalt  }
0x63: {  	_ =	shalt  }
0x64: {  	_ =	shalt  }
0x65: {  	_ =	shalt  }
0x66: {  	_ =	shalt  }
0x67: {  	_ =	shalt  }
0x68: {  	_ =	shalt  }
0x69: {  	_ =	shalt  }
0x6a: {  	_ =	shalt  }
0x6b: {  	_ =	shalt  }
0x6c: {  	_ =	shalt  }
0x6d: {  	_ =	shalt  }
0x6e: {  	_ =	shalt  }
0x6f: {  	_ =	shalt  }
0x70: {  	_ =	shalt  }
0x71: {  	_ =	shalt  }
0x72: {  	_ =	shalt  }
0x73: {  	_ =	shalt  }
0x74: {  	_ =	shalt  }
0x75: {  	_ =	shalt  }
0x76: {  	_ =	shalt  }
0x77: {  	_ =	shalt  }
0x78: {  	_ =	shalt  }
0x79: {  	_ =	shalt  }
0x7a: {  	_ =	shalt  }
0x7b: {  	_ =	shalt  }
0x7c: {  	_ =	shalt  }
0x7d: {  	_ =	shalt  }
0x7e: {  	_ =	shalt  }
0x7f: {  	_ =	shalt  }
0x80: {  	_ =	shalt  }
0x81: {  	_ =	shalt  }
0x82: {  	_ =	shalt  }
0x83: {  	_ =	shalt  }
0x84: {  	_ =	shalt  }
0x85: {  	_ =	shalt  }
0x86: {  	_ =	shalt  }
0x87: {  	_ =	shalt  }
.Lfunc_end0:
.L_simem_size_0:
called_computation_lowered:
.L_overlay_start_0:
0x88: {  	s2 =	sld [smem:$0x3FD9]  }
0x89: {  	s3 =	sld [smem:$0x3FFE];
	_ =	sdelay $0x1  }
0x8a: {  	s1 =	srdreg.scid  }
0x8b: {  	s0 =	sand.u32 $0x1, s1  }
0x8c: {  	s17 =	sshll.u32 s0, $0xA;
	s2 =	sadd.s32 s3, s2  }
0x8d: {  	s2 =	sadd.s32 s2, s17  }
0x8e: {  	[smem:$0x3FC5] =	sst s2  }
0x8f: {  	_ = 	snop  }
0x90: {  	s2 =	sld [smem:$0x3FC9];
	(tm) =	ssettm $0x1  }
0x91: {  	s18 =	sld [smem:$0x3FFB];
	_ =	sdelay $0x3  }
0x92: {  	_ =	strace s18  }
0x93: {  	s3 =	sld [smem:$0x3FFC];
	_ =	sdelay $0x3  }
0x94: {  	_ =	strace s3  }
0x95: {  	s3 =	sld [smem:$0x3FFD];
	_ =	sdelay $0x3  }
0x96: {  	_ =	strace s3  }
0x97: {  	_ =	strace $0x8FFFFFFF  }
0x98: {  	s19 =	sld [smem:$0x3FDB];
	_ =	sdelay $0x1  }
0x99: {  	s4 =	simm.s32 $_scs_section_size  }
0x9a: {  	s5 =	simm.s32 $_size__tile_overlayer_lowered;
	s6 =	simm.s32 $_tile_overlayer_lowered  }
0x9b: {  	s22 =	simm.s32 $0x1BFF;
	s21 =	sshll.u32 s6, $0x1;
	s3 =	sadd.s32 s4, s19  }
0x9c: {  	s7 =	simm.s32 $0x0;
	s20 =	sshll.u32 s5, $0x1;
	s5 =	sadd.s32 s21, s3  }
0x9d: {  	[timem:s7], [sflag:s22] =	dma.local [hbm:s5], s20  }
0x9e: {  	_ =	swait.ge [sflag:s22], s20  }
0x9f: {  	s4 =	ssub.s32 $0x0, s20;
	[sflag:s22] =	ssyncset.done $0x0  }
0xa0: {  	[sflag:s22] =	ssyncadd.s32 s4;
	_ =	sdelay $0x1  }
0xa1: {  	s23 =	simm.s32 $0x1B8B  }
0xa2: {  	_ =	swait.ge [sflag:s23], $0x1  }
0xa3: {  	[sflag:s23] =	ssyncset.done $0x0  }
0xa4: {  	s25 =	simm.s32 $0x1B8E;
	s24 =	sld [smem:$0x3FFE];
	[sflag:s23] =	ssyncadd.s32 $0xFFFFFFFF  }
0xa5: {  	s26 =	simm.s32 $execute0_lowered;
	[smem:$0x3FD2] =	sst s25  }
0xa6: {  	s5 =	sshll.u32 s26, $0x1;
	_ =	strace $0x80000046;
	[dreg:$0x1] =	wrdreg $0xFFFFFFFF  }
0xa7: {  	s28 =	simm.s32 $_size_execute0_lowered;
	s3 =	sadd.s32 s3, s5;
	[dreg:$0x0] =	wrdreg $0x0  }
0xa8: {  	s5 =	sshll.u32 s28, $0x1;
	[dreg:$0x2] =	wrdreg s3  }
0xa9: {  	[dreg:$0x3] =	wrdreg s5  }
0xaa: {  	[dreg:$0x4] =	wrdreg $0xC0  }
0xab: {  	_ =	task [dreg:s7], $0x5FFFF  }
0xac: {  	[dreg:$0x1] =	wrdreg $0xFFFFFFFF  }
0xad: {  	[dreg:$0x0] =	wrdreg $0x60  }
0xae: {  	[dreg:$0x2] =	wrdreg s2  }
0xaf: {  	[dreg:$0x3] =	wrdreg s24  }
0xb0: {  	[dreg:$0x4] =	wrdreg $0x9  }
0xb1: {  	_ =	task.clear_ibuf [dreg:s7], $0x5FFFF;
	_ =	strace $0x90000046  }
0xb2: {  	s29 =	simm.s32 $0x9;
	_ =	strace $0x80000048  }
0xb3: {  	_ =	swait.ge [sflag:s29], $0x1  }
0xb4: {  	[sflag:s29] =	ssyncadd.s32 $0xFFFFFFFF  }
0xb5: {  	_ =	strace $0x90000048  }
0xb6: {  	_ =	sfence  }
0xb7: {  	s30 =	sld [smem:$0x0];
	_ =	sdelay $0x2  }
0xb8: {  	s31 =	sshll.u32 s1, $0xD;
	s1 =	sshrl.u32 s1, $0x2  }
0xb9: {  	s3 =	sand.u32 $0x4000, s31;
	s1 =	sadd.s32 s1, s30  }
0xba: {  	s0 =	sor.u32 s3, s0;
	s1 =	sshll.u32 s1, $0x11  }
0xbb: {  	s0 =	sor.u32 s1, s0  }
0xbc: {  	s0 =	sadd.s32 $0x8F2B, s0  }
0xbd: {  	[sflag:s0] =	ssyncadd.remote.s32 $0x1  }
0xbe: {  	_ =	sfence.sel $0xFFFF  }
0xbf: {  	[dreg:$0x0] =	wrdreg $0xFFFFFFFF;
	(pc) =	sbr.abs _section_cstart, $3  }
0xc0: {  	[dreg:$0x1] =	wrdreg $0xFFFFFFFF  }
0xc1: {  	_ =	task.clear_ibuf [dreg:s7], $0x2FFFF;
	_ =	strace $0x9FFFFFFF  }
0xc2: {  	(tm) =	ssettm $0x7FFFFFFF  }
0xc3: {  	_ =	shalt  }
tec
execute0_lowered:
.L_overlay_start_1:
0x0: {  	(tag) =	ssettag $0x1  }
0x1: {  	s0 =	stileid.u32  }
0x2: {  	s1 =	srdreg.scid;
	s3 =	rddreg [dreg:$0x0]  }
0x3: {  	s5 =	rddreg [dreg:$0x1];
	s2 =	simm.s32 $0x0;
	s17 =	simm.s32 $0x8000  }
0x4: {  	s18 =	simm.s32 $0x1;
	s19 =	simm.s32 $0x2;
	s20 =	simm.s32 $0x80  }
0x5: {  	s21 =	simm.s32 $0x400;
	s22 =	simm.s32 $0x10000;
	s23 =	simm.s32 $0x3  }
0x6: {  	s4 =	sand.u32 $0x1, s1;
	s29 =	sshll.u32 s0, $0x1;
	s1 =	rddreg [dreg:$0x2]  }
0x7: {  	s24 =	simm.s32 $0x0;
	[smem:$0x7FF] =	sst s2;
	s9 =	sor.u32 s4, s29  }
0x8: {  	s7 =	sshll.u32 s0, $0x9;
	s8 =	sshll.u32 s0, $0xA;
	s6 =	sand.u32 $0xF, s9  }
0x9: {  	_ =	strace $0x80000047;
	s4 =	ssub.s32 $0x2, s4;
	s6 =	smul.u32 $0x60, s6  }
0xa: {  	s7 =	sand.u32 $0x1000, s7;
	s30 =	sand.u32 $0x3000, s8;
	s31 =	sshrl.u32 s4, $0x1  }
0xb: {  	s13 =	sadd.s32 s30, s5;
	s11 =	sshll.u32 s9, $0x4;
	s6 =	sor.u32 s7, s6  }
0xc: {  	s16 =	ssub.s32 s4, s31;
	s14 =	sand.u32 $0x70, s11;
	s6 =	sshll.u32 s6, $0x9  }
0xd: {  	s15 =	sadd.s32 s14, s13;
	s16 =	smax.u32 s16, $0x1;
	s3 =	sadd.s32 s3, s6  }
0xe: {  	s15 =	sadd.s32 $0xE00, s15;
	s4 =	sadd.s32 $0x1000, s3;
	s5 =	sadd.s32 $0x2000, s3  }
0xf: {  	s6 =	sadd.s32 $0x3000, s3;
	s7 =	sadd.s32 $0x4000, s3;
	s8 =	sadd.s32 $0x5000, s3  }
0x10: {  	s9 =	sadd.s32 $0x6000, s3;
	s10 =	sadd.s32 $0x7000, s3;
	s11 =	sadd.s32 $0x8000, s3  }
0x11: {  	v0 =	vimm.f32 $0.0e+00;
	s12 =	sadd.s32 $0x9000, s3;
	s13 =	sadd.s32 $0xA000, s3;
	s14 =	sadd.s32 $0xB000, s3  }
.LBB2_1:
0x12: {  	s25 =	simm.s32 $0x10040  }
0x13: {  	[tilespmem:s25+$0xFFFFFFC0] =	vst v0  }
0x14: {  	[tilespmem:s25+$0x30] =	vst v0  }
0x15: {  	[tilespmem:s25+$0x20] =	vst v0  }
0x16: {  	[tilespmem:s25+$0x10] =	vst v0  }
0x17: {  	[tilespmem:s25+$0x0] =	vst v0  }
0x18: {  	[tilespmem:s25+$0xFFFFFFF0] =	vst v0  }
0x19: {  	s26 =	simm.s32 $0x0;
	[tilespmem:s25+$0xFFFFFFE0] =	vst v0  }
.LBB2_2:
0x1a: {  	s26 =	sadd.s32 $0x8, s26;
	[tilespmem:s25+$0xFFFFFFD0] =	vst v0;
	s25 =	sadd.s32 $0x80, s25  }
0x1b: {  	[tilespmem:s25+$0xFFFFFFC0] =	vst v0;
	p0 =	slt.u32 s26, $0xF8  }
0x1c: {  	[tilespmem:s25+$0x30] =	vst v0  }
.Ltmp0:
0x1d: {  	[tilespmem:s25+$0x20] =	vst v0;
	(pc) =	sbr.rel @p0 .LBB2_2-.Ltmp0, $4  }
0x1e: {  	[tilespmem:s25+$0x10] =	vst v0  }
0x1f: {  	[tilespmem:s25+$0x0] =	vst v0  }
0x20: {  	[tilespmem:s25+$0xFFFFFFF0] =	vst v0  }
0x21: {  	[tilespmem:s25+$0xFFFFFFE0] =	vst v0  }
0x22: {  	[tilespmem:s25+$0xFFFFFFD0] =	vst v0  }
0x23: {  	[tilespmem:s2], [sflag:$0x1] =	stream.linear.gather [hbm4b:s3+s2], $0x8000, $0x38;
	[tilespmem:$0x11000] =	vst v63  }
0x24: {  	_ = 	snop  }
0x25: {  	[tilespmem:s17], [sflag:$0x2] =	stream.linear.gather [hbm4b:s4+s2], $0x8000, $0x38;
	[tilespmem:$0x11000] =	vst v63  }
0x26: {  	_ =	swait.ge [sflag:s18], $0x8000  }
0x27: {  	[sflag:s18] =	ssyncset.done $0x0  }
0x28: {  	s25 =	simm.s32 $0x10040;
	[sflag:s18] =	ssyncadd.s32 $0xFFFF8000  }
0x29: {  	s26 =	simm.s32 $0x200;
	v1 =	vld [tilespmem:s25+$0x30]  }
0x2a: {  	v2 =	vld [tilespmem:s26+$0xFFFFFE70]  }
0x2b: {  	v3 =	vld [tilespmem:s26+$0xFFFFFE00]  }
0x2c: {  	v4 =	vld [tilespmem:s26+$0xFFFFFEF0]  }
0x2d: {  	v5 =	vld [tilespmem:s25+$0xFFFFFFD0]  }
0x2e: {  	v6 =	vld [tilespmem:s26+$0xFFFFFF70]  }
0x2f: {  	v7 =	vld [tilespmem:s26+$0xFFFFFE10]  }
0x30: {  	v8 =	vld [tilespmem:s26+$0xFFFFFFF0]  }
0x31: {  	v9 =	vld [tilespmem:s25+$0xFFFFFFE0]  }
0x32: {  	v10 =	vld [tilespmem:s26+$0x70]  }
0x33: {  	v11 =	vld [tilespmem:s26+$0xFFFFFE20]  }
0x34: {  	v12 =	vld [tilespmem:s26+$0xF0]  }
0x35: {  	v13 =	vld [tilespmem:s25+$0xFFFFFFF0]  }
0x36: {  	v14 =	vld [tilespmem:s26+$0x170]  }
0x37: {  	v15 =	vld [tilespmem:s26+$0xFFFFFE30]  }
0x38: {  	v16 =	vld [tilespmem:s26+$0x1F0]  }
0x39: {  	v17 =	vld [tilespmem:s25+$0x0]  }
0x3a: {  	v18 =	vld [tilespmem:s26+$0xFFFFFE40]  }
0x3b: {  	v19 =	vld [tilespmem:s25+$0x10]  }
0x3c: {  	v20 =	vld [tilespmem:s26+$0xFFFFFE50]  }
0x3d: {  	v21 =	vld [tilespmem:s25+$0x20]  }
0x3e: {  	v22 =	vld [tilespmem:s26+$0xFFFFFE60]  }
0x3f: {  	v23 =	vld [tilespmem:s25+$0xFFFFFFC0]  }
0x40: {  	v24 =	vld [tilespmem:s26+$0xFFFFFE80]  }
0x41: {  	v25 =	vld [tilespmem:s26+$0xFFFFFE90]  }
0x42: {  	v26 =	vld [tilespmem:s26+$0xFFFFFEA0]  }
0x43: {  	v27 =	vld [tilespmem:s26+$0xFFFFFEB0]  }
0x44: {  	v28 =	vld [tilespmem:s26+$0xFFFFFEC0]  }
0x45: {  	v29 =	vld [tilespmem:s26+$0xFFFFFED0]  }
0x46: {  	v30 =	vld [tilespmem:s26+$0xFFFFFEE0]  }
0x47: {  	v31 =	vld [tilespmem:s26+$0xFFFFFF00]  }
0x48: {  	v32 =	vld [tilespmem:s26+$0xFFFFFF10]  }
0x49: {  	v33 =	vld [tilespmem:s26+$0xFFFFFF20]  }
0x4a: {  	v34 =	vld [tilespmem:s26+$0xFFFFFF40]  }
0x4b: {  	v35 =	vld [tilespmem:s26+$0xFFFFFF60]  }
0x4c: {  	v36 =	vld [tilespmem:s26+$0xFFFFFF90]  }
0x4d: {  	v37 =	vld [tilespmem:s26+$0xFFFFFFB0]  }
0x4e: {  	v38 =	vld [tilespmem:s26+$0xFFFFFFD0]  }
0x4f: {  	v39 =	vld [tilespmem:s26+$0x0]  }
0x50: {  	v49 =	vld [tilespmem:s26+$0x40]  }
0x51: {  	v52 =	vld [tilespmem:s26+$0x50]  }
0x52: {  	v53 =	vld [tilespmem:s26+$0x60]  }
0x53: {  	v54 =	vld [tilespmem:s26+$0x80];
	v1 =	vadd.f32 v2, v1  }
0x54: {  	v55 =	vld [tilespmem:s26+$0x90];
	v5 =	vadd.f32 v7, v5;
	v7 =	vadd.f32 v11, v9  }
0x55: {  	v56 =	vld [tilespmem:s26+$0xA0];
	v11 =	vadd.f32 v15, v13;
	v15 =	vadd.f32 v18, v17  }
0x56: {  	v57 =	vld [tilespmem:s26+$0xB0];
	v3 =	vadd.f32 v3, v23;
	v50 =	vadd.f32 v20, v19  }
0x57: {  	v59 =	vld [tilespmem:s26+$0xD0];
	v51 =	vadd.f32 v22, v21;
	v1 =	vadd.f32 v4, v1  }
0x58: {  	v60 =	vld [tilespmem:s26+$0x120];
	v3 =	vadd.f32 v24, v3;
	v5 =	vadd.f32 v25, v5  }
0x59: {  	v61 =	vld [tilespmem:s26+$0x160];
	v7 =	vadd.f32 v26, v7;
	v11 =	vadd.f32 v27, v11  }
0x5a: {  	v2 =	vld [tilespmem:s26+$0xFFFFFF30];
	v15 =	vadd.f32 v28, v15;
	v1 =	vadd.f32 v6, v1  }
0x5b: {  	v62 =	vld [tilespmem:s26+$0x180];
	v17 =	vadd.f32 v29, v50;
	v18 =	vadd.f32 v30, v51  }
0x5c: {  	v4 =	vld [tilespmem:s26+$0xFFFFFF50];
	v3 =	vadd.f32 v31, v3;
	v1 =	vadd.f32 v8, v1  }
0x5d: {  	v6 =	vld [tilespmem:s26+$0xFFFFFF80];
	v5 =	vadd.f32 v32, v5;
	v7 =	vadd.f32 v33, v7  }
0x5e: {  	v58 =	vadd.f32 v35, v18;
	v8 =	vld [tilespmem:s26+$0xFFFFFFA0];
	v1 =	vadd.f32 v10, v1  }
0x5f: {  	v9 =	vld [tilespmem:s26+$0x20];
	v2 =	vadd.f32 v2, v11;
	v11 =	vadd.f32 v34, v15  }
0x60: {  	v5 =	vadd.f32 v36, v5;
	v10 =	vld [tilespmem:s26+$0xFFFFFFC0];
	v1 =	vadd.f32 v12, v1  }
0x61: {  	v4 =	vadd.f32 v4, v17;
	v2 =	vadd.f32 v37, v2;
	v12 =	vld [tilespmem:s26+$0xFFFFFFE0]  }
0x62: {  	v15 =	vld [tilespmem:s26+$0xC0];
	v3 =	vadd.f32 v6, v3;
	v1 =	vadd.f32 v14, v1  }
0x63: {  	v4 =	vadd.f32 v38, v4;
	v7 =	vadd.f32 v8, v7;
	v14 =	vld [tilespmem:s26+$0x10]  }
0x64: {  	v3 =	vadd.f32 v39, v3;
	v13 =	vadd.f32 v16, v1;
	v1 =	vld [tilespmem:s26+$0x30]  }
0x65: {  	v8 =	vld [tilespmem:s26+$0x100];
	v4 =	vadd.f32 v52, v4;
	v7 =	vadd.f32 v9, v7  }
0x66: {  	v6 =	vld [tilespmem:s26+$0xE0];
	v10 =	vadd.f32 v10, v11;
	v12 =	vadd.f32 v12, v58  }
0x67: {  	v11 =	vld [tilespmem:s26+$0x110];
	v3 =	vadd.f32 v54, v3;
	v7 =	vadd.f32 v56, v7  }
0x68: {  	v5 =	vadd.f32 v14, v5;
	v14 =	vld [tilespmem:s26+$0x130];
	v9 =	vadd.f32 v53, v12  }
0x69: {  	v1 =	vadd.f32 v1, v2;
	v2 =	vadd.f32 v49, v10;
	v10 =	vld [tilespmem:s26+$0x140]  }
0x6a: {  	v21 =	vadd.f32 v8, v3;
	v12 =	vld [tilespmem:s26+$0x150];
	v5 =	vadd.f32 v55, v5  }
0x6b: {  	v63 =	vld [tilespmem:s26+$0x190];
	v20 =	vadd.f32 v6, v9;
	v1 =	vadd.f32 v57, v1  }
0x6c: {  	v9 =	vld [tilespmem:s26+$0x1A0];
	v2 =	vadd.f32 v15, v2;
	v15 =	vadd.f32 v59, v4  }
0x6d: {  	v11 =	vadd.f32 v11, v5;
	v5 =	vadd.f32 v60, v7;
	v7 =	vld [tilespmem:s26+$0x1B0]  }
0x6e: {  	v6 =	vld [tilespmem:s26+$0x1C0];
	v4 =	vadd.f32 v14, v1;
	v3 =	vadd.f32 v10, v2  }
0x6f: {  	v8 =	vld [tilespmem:s26+$0x1D0];
	v2 =	vadd.f32 v12, v15;
	v12 =	vadd.f32 v62, v21  }
0x70: {  	s28 =	simm.s32 $0x0;
	s29 =	simm.s32 $0x100C0;
	[tilespmem:s25+$0x30] =	vst v13;
	v1 =	vadd.f32 v61, v20;
	v11 =	vadd.f32 v63, v11;
	v10 =	vld [tilespmem:s26+$0x1E0]  }
.LBB2_4:
0x71: {  	v13 =	vld [tilespmem:s29+$0x30];
	[tilespmem:s25+$0xFFFFFFC0] =	vst v12;
	v5 =	vadd.f32 v9, v5;
	s26 =	sadd.s32 $0x400, s26  }
0x72: {  	s28 =	sadd.s32 $0x8, s28;
	v9 =	vld [tilespmem:s26+$0xFFFFFE70];
	[tilespmem:s25+$0xFFFFFFD0] =	vst v11;
	v4 =	vadd.f32 v7, v4  }
0x73: {  	p0 =	slt.u32 s28, $0xF8;
	v7 =	vld [tilespmem:s26+$0xFFFFFE00];
	[tilespmem:s25+$0xFFFFFFE0] =	vst v5;
	v3 =	vadd.f32 v6, v3  }
0x74: {  	v5 =	vld [tilespmem:s26+$0xFFFFFEF0];
	[tilespmem:s25+$0xFFFFFFF0] =	vst v4;
	v2 =	vadd.f32 v8, v2  }
0x75: {  	v4 =	vld [tilespmem:s29+$0xFFFFFFD0];
	[tilespmem:s25+$0x0] =	vst v3;
	v1 =	vadd.f32 v10, v1  }
0x76: {  	v3 =	vld [tilespmem:s26+$0xFFFFFF70];
	[tilespmem:s25+$0x10] =	vst v2  }
0x77: {  	v2 =	vld [tilespmem:s26+$0xFFFFFE10];
	v6 =	vadd.f32 v9, v13;
	[tilespmem:s25+$0x20] =	vst v1;
	s25 =	smov.u32 s29  }
0x78: {  	v1 =	vld [tilespmem:s26+$0xFFFFFFF0]  }
0x79: {  	v8 =	vld [tilespmem:s29+$0xFFFFFFE0];
	v5 =	vadd.f32 v5, v6  }
0x7a: {  	v6 =	vld [tilespmem:s26+$0x70]  }
0x7b: {  	v9 =	vld [tilespmem:s26+$0xFFFFFE20];
	v3 =	vadd.f32 v3, v5  }
0x7c: {  	v2 =	vadd.f32 v2, v4;
	v4 =	vld [tilespmem:s26+$0xF0]  }
0x7d: {  	v5 =	vld [tilespmem:s29+$0xFFFFFFF0];
	v1 =	vadd.f32 v1, v3  }
0x7e: {  	v3 =	vld [tilespmem:s26+$0x170]  }
0x7f: {  	v10 =	vld [tilespmem:s26+$0xFFFFFE30];
	v1 =	vadd.f32 v6, v1  }
0x80: {  	v6 =	vadd.f32 v9, v8;
	v8 =	vld [tilespmem:s26+$0x1F0]  }
0x81: {  	v9 =	vld [tilespmem:s29+$0x0];
	v1 =	vadd.f32 v4, v1  }
0x82: {  	v4 =	vld [tilespmem:s26+$0xFFFFFE40]  }
0x83: {  	v11 =	vld [tilespmem:s29+$0x10];
	v1 =	vadd.f32 v3, v1  }
0x84: {  	v3 =	vadd.f32 v10, v5;
	v5 =	vld [tilespmem:s26+$0xFFFFFE50]  }
0x85: {  	v10 =	vld [tilespmem:s29+$0x20];
	v1 =	vadd.f32 v8, v1  }
0x86: {  	v8 =	vld [tilespmem:s26+$0xFFFFFE60]  }
0x87: {  	v12 =	vld [tilespmem:s29+$0xFFFFFFC0];
	v4 =	vadd.f32 v4, v9;
	[tilespmem:s29+$0x30] =	vst v1  }
0x88: {  	v1 =	vld [tilespmem:s26+$0xFFFFFE80]  }
0x89: {  	v9 =	vld [tilespmem:s26+$0xFFFFFE90];
	v5 =	vadd.f32 v5, v11  }
0x8a: {  	v11 =	vld [tilespmem:s26+$0xFFFFFEA0]  }
0x8b: {  	v13 =	vld [tilespmem:s26+$0xFFFFFEB0];
	v8 =	vadd.f32 v8, v10  }
0x8c: {  	v7 =	vadd.f32 v7, v12;
	v10 =	vld [tilespmem:s26+$0xFFFFFEC0]  }
0x8d: {  	v12 =	vld [tilespmem:s26+$0xFFFFFED0]  }
0x8e: {  	v1 =	vadd.f32 v1, v7;
	v2 =	vadd.f32 v9, v2;
	v7 =	vld [tilespmem:s26+$0xFFFFFEE0]  }
0x8f: {  	v9 =	vld [tilespmem:s26+$0xFFFFFF00];
	v6 =	vadd.f32 v11, v6  }
0x90: {  	v11 =	vld [tilespmem:s26+$0xFFFFFF10];
	v3 =	vadd.f32 v13, v3  }
0x91: {  	v13 =	vld [tilespmem:s26+$0xFFFFFF20];
	v4 =	vadd.f32 v10, v4  }
0x92: {  	v10 =	vld [tilespmem:s26+$0xFFFFFF30];
	v5 =	vadd.f32 v12, v5  }
0x93: {  	v12 =	vld [tilespmem:s26+$0xFFFFFF40];
	v7 =	vadd.f32 v7, v8  }
0x94: {  	v1 =	vadd.f32 v9, v1;
	v8 =	vld [tilespmem:s26+$0xFFFFFF50]  }
0x95: {  	v2 =	vadd.f32 v11, v2;
	v9 =	vld [tilespmem:s26+$0xFFFFFF60]  }
0x96: {  	v11 =	vld [tilespmem:s26+$0xFFFFFF80];
	v6 =	vadd.f32 v13, v6  }
0x97: {  	v13 =	vld [tilespmem:s26+$0xFFFFFF90];
	v3 =	vadd.f32 v10, v3  }
0x98: {  	v10 =	vld [tilespmem:s26+$0xFFFFFFA0];
	v4 =	vadd.f32 v12, v4  }
0x99: {  	v12 =	vld [tilespmem:s26+$0xFFFFFFB0];
	v5 =	vadd.f32 v8, v5  }
0x9a: {  	v8 =	vld [tilespmem:s26+$0xFFFFFFC0];
	v7 =	vadd.f32 v9, v7  }
0x9b: {  	v1 =	vadd.f32 v11, v1;
	v9 =	vld [tilespmem:s26+$0xFFFFFFD0]  }
0x9c: {  	v2 =	vadd.f32 v13, v2;
	v11 =	vld [tilespmem:s26+$0xFFFFFFE0]  }
0x9d: {  	v13 =	vld [tilespmem:s26+$0x0];
	v6 =	vadd.f32 v10, v6  }
0x9e: {  	v10 =	vld [tilespmem:s26+$0x10];
	v3 =	vadd.f32 v12, v3  }
0x9f: {  	v12 =	vld [tilespmem:s26+$0x20];
	v4 =	vadd.f32 v8, v4  }
0xa0: {  	v8 =	vld [tilespmem:s26+$0x30];
	v5 =	vadd.f32 v9, v5  }
0xa1: {  	v9 =	vld [tilespmem:s26+$0x40];
	v7 =	vadd.f32 v11, v7  }
0xa2: {  	v1 =	vadd.f32 v13, v1;
	v11 =	vld [tilespmem:s26+$0x50]  }
0xa3: {  	v2 =	vadd.f32 v10, v2;
	v10 =	vld [tilespmem:s26+$0x60]  }
0xa4: {  	v13 =	vld [tilespmem:s26+$0x80];
	v6 =	vadd.f32 v12, v6  }
0xa5: {  	v12 =	vld [tilespmem:s26+$0x90];
	v3 =	vadd.f32 v8, v3  }
0xa6: {  	v8 =	vld [tilespmem:s26+$0xA0];
	v4 =	vadd.f32 v9, v4  }
0xa7: {  	v9 =	vld [tilespmem:s26+$0xB0];
	v5 =	vadd.f32 v11, v5  }
0xa8: {  	v11 =	vld [tilespmem:s26+$0xC0];
	v7 =	vadd.f32 v10, v7  }
0xa9: {  	v1 =	vadd.f32 v13, v1;
	v10 =	vld [tilespmem:s26+$0xD0]  }
0xaa: {  	v2 =	vadd.f32 v12, v2;
	v12 =	vld [tilespmem:s26+$0xE0]  }
0xab: {  	v13 =	vld [tilespmem:s26+$0x100];
	v6 =	vadd.f32 v8, v6  }
0xac: {  	v8 =	vld [tilespmem:s26+$0x110];
	v3 =	vadd.f32 v9, v3  }
0xad: {  	v9 =	vld [tilespmem:s26+$0x120];
	v11 =	vadd.f32 v11, v4  }
0xae: {  	v4 =	vld [tilespmem:s26+$0x130];
	v10 =	vadd.f32 v10, v5  }
0xaf: {  	v14 =	vld [tilespmem:s26+$0x140];
	v12 =	vadd.f32 v12, v7  }
0xb0: {  	v13 =	vadd.f32 v13, v1;
	v1 =	vld [tilespmem:s26+$0x150]  }
0xb1: {  	v15 =	vadd.f32 v8, v2;
	v8 =	vld [tilespmem:s26+$0x160]  }
0xb2: {  	v16 =	vld [tilespmem:s26+$0x180];
	v5 =	vadd.f32 v9, v6  }
0xb3: {  	v17 =	vld [tilespmem:s26+$0x190];
	v4 =	vadd.f32 v4, v3  }
.Ltmp1:
0xb4: {  	v9 =	vld [tilespmem:s26+$0x1A0];
	v3 =	vadd.f32 v14, v11;
	(pc) =	sbr.rel @p0 .LBB2_4-.Ltmp1, $4  }
0xb5: {  	v7 =	vld [tilespmem:s26+$0x1B0];
	v2 =	vadd.f32 v1, v10  }
0xb6: {  	v6 =	vld [tilespmem:s26+$0x1C0];
	v1 =	vadd.f32 v8, v12  }
0xb7: {  	v12 =	vadd.f32 v16, v13;
	v8 =	vld [tilespmem:s26+$0x1D0]  }
0xb8: {  	s29 =	sadd.s32 $0x80, s29;
	v11 =	vadd.f32 v17, v15;
	v10 =	vld [tilespmem:s26+$0x1E0]  }
0xb9: {  	[tilespmem:s25+$0xFFFFFFC0] =	vst v12;
	v5 =	vadd.f32 v9, v5  }
0xba: {  	[tilespmem:s25+$0xFFFFFFD0] =	vst v11;
	v4 =	vadd.f32 v7, v4  }
0xbb: {  	[tilespmem:s25+$0xFFFFFFE0] =	vst v5;
	v3 =	vadd.f32 v6, v3  }
0xbc: {  	[tilespmem:s25+$0xFFFFFFF0] =	vst v4;
	v2 =	vadd.f32 v8, v2  }
0xbd: {  	[tilespmem:s25+$0x0] =	vst v3;
	v1 =	vadd.f32 v10, v1  }
0xbe: {  	[tilespmem:s25+$0x10] =	vst v2  }
0xbf: {  	[tilespmem:s25+$0x20] =	vst v1  }
0xc0: {  	[tilespmem:s2], [sflag:$0x1] =	stream.linear.gather [hbm4b:s5+s2], $0x8000, $0x38;
	[tilespmem:$0x11000] =	vst v63  }
0xc1: {  	_ =	swait.ge [sflag:s19], $0x8000  }
0xc2: {  	[sflag:s19] =	ssyncset.done $0x0  }
0xc3: {  	s25 =	simm.s32 $0x10040;
	[sflag:s19] =	ssyncadd.s32 $0xFFFF8000  }
0xc4: {  	s26 =	simm.s32 $0x8200;
	v1 =	vld [tilespmem:s25+$0x30]  }
0xc5: {  	v2 =	vld [tilespmem:s26+$0xFFFFFE70]  }
0xc6: {  	v3 =	vld [tilespmem:s26+$0xFFFFFE00]  }
0xc7: {  	v4 =	vld [tilespmem:s26+$0xFFFFFEF0]  }
0xc8: {  	v5 =	vld [tilespmem:s25+$0xFFFFFFD0]  }
0xc9: {  	v6 =	vld [tilespmem:s26+$0xFFFFFF70]  }
0xca: {  	v7 =	vld [tilespmem:s26+$0xFFFFFE10]  }
0xcb: {  	v8 =	vld [tilespmem:s26+$0xFFFFFFF0]  }
0xcc: {  	v9 =	vld [tilespmem:s25+$0xFFFFFFE0]  }
0xcd: {  	v10 =	vld [tilespmem:s26+$0x70]  }
0xce: {  	v11 =	vld [tilespmem:s26+$0xFFFFFE20]  }
0xcf: {  	v12 =	vld [tilespmem:s26+$0xF0]  }
0xd0: {  	v13 =	vld [tilespmem:s25+$0xFFFFFFF0]  }
0xd1: {  	v14 =	vld [tilespmem:s26+$0x170]  }
0xd2: {  	v15 =	vld [tilespmem:s26+$0xFFFFFE30]  }
0xd3: {  	v16 =	vld [tilespmem:s26+$0x1F0]  }
0xd4: {  	v17 =	vld [tilespmem:s25+$0x0]  }
0xd5: {  	v18 =	vld [tilespmem:s26+$0xFFFFFE40]  }
0xd6: {  	v19 =	vld [tilespmem:s25+$0x10]  }
0xd7: {  	v20 =	vld [tilespmem:s26+$0xFFFFFE50]  }
0xd8: {  	v21 =	vld [tilespmem:s25+$0x20]  }
0xd9: {  	v22 =	vld [tilespmem:s26+$0xFFFFFE60]  }
0xda: {  	v23 =	vld [tilespmem:s25+$0xFFFFFFC0]  }
0xdb: {  	v24 =	vld [tilespmem:s26+$0xFFFFFE80]  }
0xdc: {  	v25 =	vld [tilespmem:s26+$0xFFFFFE90]  }
0xdd: {  	v26 =	vld [tilespmem:s26+$0xFFFFFEA0]  }
0xde: {  	v27 =	vld [tilespmem:s26+$0xFFFFFEB0]  }
0xdf: {  	v28 =	vld [tilespmem:s26+$0xFFFFFEC0]  }
0xe0: {  	v29 =	vld [tilespmem:s26+$0xFFFFFED0]  }
0xe1: {  	v30 =	vld [tilespmem:s26+$0xFFFFFEE0]  }
0xe2: {  	v31 =	vld [tilespmem:s26+$0xFFFFFF00]  }
0xe3: {  	v32 =	vld [tilespmem:s26+$0xFFFFFF10]  }
0xe4: {  	v33 =	vld [tilespmem:s26+$0xFFFFFF20]  }
0xe5: {  	v34 =	vld [tilespmem:s26+$0xFFFFFF40]  }
0xe6: {  	v35 =	vld [tilespmem:s26+$0xFFFFFF60]  }
0xe7: {  	v36 =	vld [tilespmem:s26+$0xFFFFFF90]  }
0xe8: {  	v37 =	vld [tilespmem:s26+$0xFFFFFFB0]  }
0xe9: {  	v38 =	vld [tilespmem:s26+$0xFFFFFFD0]  }
0xea: {  	v39 =	vld [tilespmem:s26+$0x0]  }
0xeb: {  	v49 =	vld [tilespmem:s26+$0x40]  }
0xec: {  	v52 =	vld [tilespmem:s26+$0x50]  }
0xed: {  	v53 =	vld [tilespmem:s26+$0x60]  }
0xee: {  	v54 =	vld [tilespmem:s26+$0x80];
	v1 =	vadd.f32 v2, v1  }
0xef: {  	v55 =	vld [tilespmem:s26+$0x90];
	v5 =	vadd.f32 v7, v5;
	v7 =	vadd.f32 v11, v9  }
0xf0: {  	v56 =	vld [tilespmem:s26+$0xA0];
	v11 =	vadd.f32 v15, v13;
	v15 =	vadd.f32 v18, v17  }
0xf1: {  	v57 =	vld [tilespmem:s26+$0xB0];
	v3 =	vadd.f32 v3, v23;
	v50 =	vadd.f32 v20, v19  }
0xf2: {  	v59 =	vld [tilespmem:s26+$0xD0];
	v51 =	vadd.f32 v22, v21;
	v1 =	vadd.f32 v4, v1  }
0xf3: {  	v60 =	vld [tilespmem:s26+$0x120];
	v3 =	vadd.f32 v24, v3;
	v5 =	vadd.f32 v25, v5  }
0xf4: {  	v61 =	vld [tilespmem:s26+$0x160];
	v7 =	vadd.f32 v26, v7;
	v11 =	vadd.f32 v27, v11  }
0xf5: {  	v2 =	vld [tilespmem:s26+$0xFFFFFF30];
	v15 =	vadd.f32 v28, v15;
	v1 =	vadd.f32 v6, v1  }
0xf6: {  	v62 =	vld [tilespmem:s26+$0x180];
	v17 =	vadd.f32 v29, v50;
	v18 =	vadd.f32 v30, v51  }
0xf7: {  	v4 =	vld [tilespmem:s26+$0xFFFFFF50];
	v3 =	vadd.f32 v31, v3;
	v1 =	vadd.f32 v8, v1  }
0xf8: {  	v6 =	vld [tilespmem:s26+$0xFFFFFF80];
	v5 =	vadd.f32 v32, v5;
	v7 =	vadd.f32 v33, v7  }
0xf9: {  	v58 =	vadd.f32 v35, v18;
	v8 =	vld [tilespmem:s26+$0xFFFFFFA0];
	v1 =	vadd.f32 v10, v1  }
0xfa: {  	v9 =	vld [tilespmem:s26+$0x20];
	v2 =	vadd.f32 v2, v11;
	v11 =	vadd.f32 v34, v15  }
0xfb: {  	v5 =	vadd.f32 v36, v5;
	v10 =	vld [tilespmem:s26+$0xFFFFFFC0];
	v1 =	vadd.f32 v12, v1  }
0xfc: {  	v4 =	vadd.f32 v4, v17;
	v2 =	vadd.f32 v37, v2;
	v12 =	vld [tilespmem:s26+$0xFFFFFFE0]  }
0xfd: {  	v15 =	vld [tilespmem:s26+$0xC0];
	v3 =	vadd.f32 v6, v3;
	v1 =	vadd.f32 v14, v1  }
0xfe: {  	v4 =	vadd.f32 v38, v4;
	v7 =	vadd.f32 v8, v7;
	v14 =	vld [tilespmem:s26+$0x10]  }
0xff: {  	v3 =	vadd.f32 v39, v3;
	v13 =	vadd.f32 v16, v1;
	v1 =	vld [tilespmem:s26+$0x30]  }
0x100: {  	v8 =	vld [tilespmem:s26+$0x100];
	v4 =	vadd.f32 v52, v4;
	v7 =	vadd.f32 v9, v7  }
0x101: {  	v6 =	vld [tilespmem:s26+$0xE0];
	v10 =	vadd.f32 v10, v11;
	v12 =	vadd.f32 v12, v58  }
0x102: {  	v11 =	vld [tilespmem:s26+$0x110];
	v3 =	vadd.f32 v54, v3;
	v7 =	vadd.f32 v56, v7  }
0x103: {  	v5 =	vadd.f32 v14, v5;
	v14 =	vld [tilespmem:s26+$0x130];
	v9 =	vadd.f32 v53, v12  }
0x104: {  	v1 =	vadd.f32 v1, v2;
	v2 =	vadd.f32 v49, v10;
	v10 =	vld [tilespmem:s26+$0x140]  }
0x105: {  	v21 =	vadd.f32 v8, v3;
	v12 =	vld [tilespmem:s26+$0x150];
	v5 =	vadd.f32 v55, v5  }
0x106: {  	v63 =	vld [tilespmem:s26+$0x190];
	v20 =	vadd.f32 v6, v9;
	v1 =	vadd.f32 v57, v1  }
0x107: {  	v9 =	vld [tilespmem:s26+$0x1A0];
	v2 =	vadd.f32 v15, v2;
	v15 =	vadd.f32 v59, v4  }
0x108: {  	v11 =	vadd.f32 v11, v5;
	v5 =	vadd.f32 v60, v7;
	v7 =	vld [tilespmem:s26+$0x1B0]  }
0x109: {  	v6 =	vld [tilespmem:s26+$0x1C0];
	v4 =	vadd.f32 v14, v1;
	v3 =	vadd.f32 v10, v2  }
0x10a: {  	v8 =	vld [tilespmem:s26+$0x1D0];
	v2 =	vadd.f32 v12, v15;
	v12 =	vadd.f32 v62, v21  }
0x10b: {  	s28 =	simm.s32 $0x0;
	s29 =	simm.s32 $0x100C0;
	[tilespmem:s25+$0x30] =	vst v13;
	v1 =	vadd.f32 v61, v20;
	v11 =	vadd.f32 v63, v11;
	v10 =	vld [tilespmem:s26+$0x1E0]  }
.LBB2_6:
0x10c: {  	v13 =	vld [tilespmem:s29+$0x30];
	[tilespmem:s25+$0xFFFFFFC0] =	vst v12;
	v5 =	vadd.f32 v9, v5;
	s26 =	sadd.s32 $0x400, s26  }
0x10d: {  	s28 =	sadd.s32 $0x8, s28;
	v9 =	vld [tilespmem:s26+$0xFFFFFE70];
	[tilespmem:s25+$0xFFFFFFD0] =	vst v11;
	v4 =	vadd.f32 v7, v4  }
0x10e: {  	p0 =	slt.u32 s28, $0xF8;
	v7 =	vld [tilespmem:s26+$0xFFFFFE00];
	[tilespmem:s25+$0xFFFFFFE0] =	vst v5;
	v3 =	vadd.f32 v6, v3  }
0x10f: {  	v5 =	vld [tilespmem:s26+$0xFFFFFEF0];
	[tilespmem:s25+$0xFFFFFFF0] =	vst v4;
	v2 =	vadd.f32 v8, v2  }
0x110: {  	v4 =	vld [tilespmem:s29+$0xFFFFFFD0];
	[tilespmem:s25+$0x0] =	vst v3;
	v1 =	vadd.f32 v10, v1  }
0x111: {  	v3 =	vld [tilespmem:s26+$0xFFFFFF70];
	[tilespmem:s25+$0x10] =	vst v2  }
0x112: {  	v2 =	vld [tilespmem:s26+$0xFFFFFE10];
	v6 =	vadd.f32 v9, v13;
	[tilespmem:s25+$0x20] =	vst v1;
	s25 =	smov.u32 s29  }
0x113: {  	v1 =	vld [tilespmem:s26+$0xFFFFFFF0]  }
0x114: {  	v8 =	vld [tilespmem:s29+$0xFFFFFFE0];
	v5 =	vadd.f32 v5, v6  }
0x115: {  	v6 =	vld [tilespmem:s26+$0x70]  }
0x116: {  	v9 =	vld [tilespmem:s26+$0xFFFFFE20];
	v3 =	vadd.f32 v3, v5  }
0x117: {  	v2 =	vadd.f32 v2, v4;
	v4 =	vld [tilespmem:s26+$0xF0]  }
0x118: {  	v5 =	vld [tilespmem:s29+$0xFFFFFFF0];
	v1 =	vadd.f32 v1, v3  }
0x119: {  	v3 =	vld [tilespmem:s26+$0x170]  }
0x11a: {  	v10 =	vld [tilespmem:s26+$0xFFFFFE30];
	v1 =	vadd.f32 v6, v1  }
0x11b: {  	v6 =	vadd.f32 v9, v8;
	v8 =	vld [tilespmem:s26+$0x1F0]  }
0x11c: {  	v9 =	vld [tilespmem:s29+$0x0];
	v1 =	vadd.f32 v4, v1  }
0x11d: {  	v4 =	vld [tilespmem:s26+$0xFFFFFE40]  }
0x11e: {  	v11 =	vld [tilespmem:s29+$0x10];
	v1 =	vadd.f32 v3, v1  }
0x11f: {  	v3 =	vadd.f32 v10, v5;
	v5 =	vld [tilespmem:s26+$0xFFFFFE50]  }
0x120: {  	v10 =	vld [tilespmem:s29+$0x20];
	v1 =	vadd.f32 v8, v1  }
0x121: {  	v8 =	vld [tilespmem:s26+$0xFFFFFE60]  }
0x122: {  	v12 =	vld [tilespmem:s29+$0xFFFFFFC0];
	v4 =	vadd.f32 v4, v9;
	[tilespmem:s29+$0x30] =	vst v1  }
0x123: {  	v1 =	vld [tilespmem:s26+$0xFFFFFE80]  }
0x124: {  	v9 =	vld [tilespmem:s26+$0xFFFFFE90];
	v5 =	vadd.f32 v5, v11  }
0x125: {  	v11 =	vld [tilespmem:s26+$0xFFFFFEA0]  }
0x126: {  	v13 =	vld [tilespmem:s26+$0xFFFFFEB0];
	v8 =	vadd.f32 v8, v10  }
0x127: {  	v7 =	vadd.f32 v7, v12;
	v10 =	vld [tilespmem:s26+$0xFFFFFEC0]  }
0x128: {  	v12 =	vld [tilespmem:s26+$0xFFFFFED0]  }
0x129: {  	v1 =	vadd.f32 v1, v7;
	v2 =	vadd.f32 v9, v2;
	v7 =	vld [tilespmem:s26+$0xFFFFFEE0]  }
0x12a: {  	v9 =	vld [tilespmem:s26+$0xFFFFFF00];
	v6 =	vadd.f32 v11, v6  }
0x12b: {  	v11 =	vld [tilespmem:s26+$0xFFFFFF10];
	v3 =	vadd.f32 v13, v3  }
0x12c: {  	v13 =	vld [tilespmem:s26+$0xFFFFFF20];
	v4 =	vadd.f32 v10, v4  }
0x12d: {  	v10 =	vld [tilespmem:s26+$0xFFFFFF30];
	v5 =	vadd.f32 v12, v5  }
0x12e: {  	v12 =	vld [tilespmem:s26+$0xFFFFFF40];
	v7 =	vadd.f32 v7, v8  }
0x12f: {  	v1 =	vadd.f32 v9, v1;
	v8 =	vld [tilespmem:s26+$0xFFFFFF50]  }
0x130: {  	v2 =	vadd.f32 v11, v2;
	v9 =	vld [tilespmem:s26+$0xFFFFFF60]  }
0x131: {  	v11 =	vld [tilespmem:s26+$0xFFFFFF80];
	v6 =	vadd.f32 v13, v6  }
0x132: {  	v13 =	vld [tilespmem:s26+$0xFFFFFF90];
	v3 =	vadd.f32 v10, v3  }
0x133: {  	v10 =	vld [tilespmem:s26+$0xFFFFFFA0];
	v4 =	vadd.f32 v12, v4  }
0x134: {  	v12 =	vld [tilespmem:s26+$0xFFFFFFB0];
	v5 =	vadd.f32 v8, v5  }
0x135: {  	v8 =	vld [tilespmem:s26+$0xFFFFFFC0];
	v7 =	vadd.f32 v9, v7  }
0x136: {  	v1 =	vadd.f32 v11, v1;
	v9 =	vld [tilespmem:s26+$0xFFFFFFD0]  }
0x137: {  	v2 =	vadd.f32 v13, v2;
	v11 =	vld [tilespmem:s26+$0xFFFFFFE0]  }
0x138: {  	v13 =	vld [tilespmem:s26+$0x0];
	v6 =	vadd.f32 v10, v6  }
0x139: {  	v10 =	vld [tilespmem:s26+$0x10];
	v3 =	vadd.f32 v12, v3  }
0x13a: {  	v12 =	vld [tilespmem:s26+$0x20];
	v4 =	vadd.f32 v8, v4  }
0x13b: {  	v8 =	vld [tilespmem:s26+$0x30];
	v5 =	vadd.f32 v9, v5  }
0x13c: {  	v9 =	vld [tilespmem:s26+$0x40];
	v7 =	vadd.f32 v11, v7  }
0x13d: {  	v1 =	vadd.f32 v13, v1;
	v11 =	vld [tilespmem:s26+$0x50]  }
0x13e: {  	v2 =	vadd.f32 v10, v2;
	v10 =	vld [tilespmem:s26+$0x60]  }
0x13f: {  	v13 =	vld [tilespmem:s26+$0x80];
	v6 =	vadd.f32 v12, v6  }
0x140: {  	v12 =	vld [tilespmem:s26+$0x90];
	v3 =	vadd.f32 v8, v3  }
0x141: {  	v8 =	vld [tilespmem:s26+$0xA0];
	v4 =	vadd.f32 v9, v4  }
0x142: {  	v9 =	vld [tilespmem:s26+$0xB0];
	v5 =	vadd.f32 v11, v5  }
0x143: {  	v11 =	vld [tilespmem:s26+$0xC0];
	v7 =	vadd.f32 v10, v7  }
0x144: {  	v1 =	vadd.f32 v13, v1;
	v10 =	vld [tilespmem:s26+$0xD0]  }
0x145: {  	v2 =	vadd.f32 v12, v2;
	v12 =	vld [tilespmem:s26+$0xE0]  }
0x146: {  	v13 =	vld [tilespmem:s26+$0x100];
	v6 =	vadd.f32 v8, v6  }
0x147: {  	v8 =	vld [tilespmem:s26+$0x110];
	v3 =	vadd.f32 v9, v3  }
0x148: {  	v9 =	vld [tilespmem:s26+$0x120];
	v11 =	vadd.f32 v11, v4  }
0x149: {  	v4 =	vld [tilespmem:s26+$0x130];
	v10 =	vadd.f32 v10, v5  }
0x14a: {  	v14 =	vld [tilespmem:s26+$0x140];
	v12 =	vadd.f32 v12, v7  }
0x14b: {  	v13 =	vadd.f32 v13, v1;
	v1 =	vld [tilespmem:s26+$0x150]  }
0x14c: {  	v15 =	vadd.f32 v8, v2;
	v8 =	vld [tilespmem:s26+$0x160]  }
0x14d: {  	v16 =	vld [tilespmem:s26+$0x180];
	v5 =	vadd.f32 v9, v6  }
0x14e: {  	v17 =	vld [tilespmem:s26+$0x190];
	v4 =	vadd.f32 v4, v3  }
.Ltmp2:
0x14f: {  	v9 =	vld [tilespmem:s26+$0x1A0];
	v3 =	vadd.f32 v14, v11;
	(pc) =	sbr.rel @p0 .LBB2_6-.Ltmp2, $4  }
0x150: {  	v7 =	vld [tilespmem:s26+$0x1B0];
	v2 =	vadd.f32 v1, v10  }
0x151: {  	v6 =	vld [tilespmem:s26+$0x1C0];
	v1 =	vadd.f32 v8, v12  }
0x152: {  	v12 =	vadd.f32 v16, v13;
	v8 =	vld [tilespmem:s26+$0x1D0]  }
0x153: {  	s29 =	sadd.s32 $0x80, s29;
	v11 =	vadd.f32 v17, v15;
	v10 =	vld [tilespmem:s26+$0x1E0]  }
0x154: {  	[tilespmem:s25+$0xFFFFFFC0] =	vst v12;
	v5 =	vadd.f32 v9, v5  }
0x155: {  	[tilespmem:s25+$0xFFFFFFD0] =	vst v11;
	v4 =	vadd.f32 v7, v4  }
0x156: {  	[tilespmem:s25+$0xFFFFFFE0] =	vst v5;
	v3 =	vadd.f32 v6, v3  }
0x157: {  	[tilespmem:s25+$0xFFFFFFF0] =	vst v4;
	v2 =	vadd.f32 v8, v2  }
0x158: {  	[tilespmem:s25+$0x0] =	vst v3;
	v1 =	vadd.f32 v10, v1  }
0x159: {  	[tilespmem:s25+$0x10] =	vst v2  }
0x15a: {  	[tilespmem:s25+$0x20] =	vst v1  }
0x15b: {  	[tilespmem:s17], [sflag:$0x2] =	stream.linear.gather [hbm4b:s6+s2], $0x8000, $0x38;
	[tilespmem:$0x11000] =	vst v63  }
0x15c: {  	_ =	swait.ge [sflag:s18], $0x8000  }
0x15d: {  	[sflag:s18] =	ssyncset.done $0x0  }
0x15e: {  	s25 =	simm.s32 $0x10040;
	[sflag:s18] =	ssyncadd.s32 $0xFFFF8000  }
0x15f: {  	s26 =	simm.s32 $0x200;
	v1 =	vld [tilespmem:s25+$0x30]  }
0x160: {  	v2 =	vld [tilespmem:s26+$0xFFFFFE70]  }
0x161: {  	v3 =	vld [tilespmem:s26+$0xFFFFFE00]  }
0x162: {  	v4 =	vld [tilespmem:s26+$0xFFFFFEF0]  }
0x163: {  	v5 =	vld [tilespmem:s25+$0xFFFFFFD0]  }
0x164: {  	v6 =	vld [tilespmem:s26+$0xFFFFFF70]  }
0x165: {  	v7 =	vld [tilespmem:s26+$0xFFFFFE10]  }
0x166: {  	v8 =	vld [tilespmem:s26+$0xFFFFFFF0]  }
0x167: {  	v9 =	vld [tilespmem:s25+$0xFFFFFFE0]  }
0x168: {  	v10 =	vld [tilespmem:s26+$0x70]  }
0x169: {  	v11 =	vld [tilespmem:s26+$0xFFFFFE20]  }
0x16a: {  	v12 =	vld [tilespmem:s26+$0xF0]  }
0x16b: {  	v13 =	vld [tilespmem:s25+$0xFFFFFFF0]  }
0x16c: {  	v14 =	vld [tilespmem:s26+$0x170]  }
0x16d: {  	v15 =	vld [tilespmem:s26+$0xFFFFFE30]  }
0x16e: {  	v16 =	vld [tilespmem:s26+$0x1F0]  }
0x16f: {  	v17 =	vld [tilespmem:s25+$0x0]  }
0x170: {  	v18 =	vld [tilespmem:s26+$0xFFFFFE40]  }
0x171: {  	v19 =	vld [tilespmem:s25+$0x10]  }
0x172: {  	v20 =	vld [tilespmem:s26+$0xFFFFFE50]  }
0x173: {  	v21 =	vld [tilespmem:s25+$0x20]  }
0x174: {  	v22 =	vld [tilespmem:s26+$0xFFFFFE60]  }
0x175: {  	v23 =	vld [tilespmem:s25+$0xFFFFFFC0]  }
0x176: {  	v24 =	vld [tilespmem:s26+$0xFFFFFE80]  }
0x177: {  	v25 =	vld [tilespmem:s26+$0xFFFFFE90]  }
0x178: {  	v26 =	vld [tilespmem:s26+$0xFFFFFEA0]  }
0x179: {  	v27 =	vld [tilespmem:s26+$0xFFFFFEB0]  }
0x17a: {  	v28 =	vld [tilespmem:s26+$0xFFFFFEC0]  }
0x17b: {  	v29 =	vld [tilespmem:s26+$0xFFFFFED0]  }
0x17c: {  	v30 =	vld [tilespmem:s26+$0xFFFFFEE0]  }
0x17d: {  	v31 =	vld [tilespmem:s26+$0xFFFFFF00]  }
0x17e: {  	v32 =	vld [tilespmem:s26+$0xFFFFFF10]  }
0x17f: {  	v33 =	vld [tilespmem:s26+$0xFFFFFF20]  }
0x180: {  	v34 =	vld [tilespmem:s26+$0xFFFFFF40]  }
0x181: {  	v35 =	vld [tilespmem:s26+$0xFFFFFF60]  }
0x182: {  	v36 =	vld [tilespmem:s26+$0xFFFFFF90]  }
0x183: {  	v37 =	vld [tilespmem:s26+$0xFFFFFFB0]  }
0x184: {  	v38 =	vld [tilespmem:s26+$0xFFFFFFD0]  }
0x185: {  	v39 =	vld [tilespmem:s26+$0x0]  }
0x186: {  	v49 =	vld [tilespmem:s26+$0x40]  }
0x187: {  	v52 =	vld [tilespmem:s26+$0x50]  }
0x188: {  	v53 =	vld [tilespmem:s26+$0x60]  }
0x189: {  	v54 =	vld [tilespmem:s26+$0x80];
	v1 =	vadd.f32 v2, v1  }
0x18a: {  	v55 =	vld [tilespmem:s26+$0x90];
	v5 =	vadd.f32 v7, v5;
	v7 =	vadd.f32 v11, v9  }
0x18b: {  	v56 =	vld [tilespmem:s26+$0xA0];
	v11 =	vadd.f32 v15, v13;
	v15 =	vadd.f32 v18, v17  }
0x18c: {  	v57 =	vld [tilespmem:s26+$0xB0];
	v3 =	vadd.f32 v3, v23;
	v50 =	vadd.f32 v20, v19  }
0x18d: {  	v59 =	vld [tilespmem:s26+$0xD0];
	v51 =	vadd.f32 v22, v21;
	v1 =	vadd.f32 v4, v1  }
0x18e: {  	v60 =	vld [tilespmem:s26+$0x120];
	v3 =	vadd.f32 v24, v3;
	v5 =	vadd.f32 v25, v5  }
0x18f: {  	v61 =	vld [tilespmem:s26+$0x160];
	v7 =	vadd.f32 v26, v7;
	v11 =	vadd.f32 v27, v11  }
0x190: {  	v2 =	vld [tilespmem:s26+$0xFFFFFF30];
	v15 =	vadd.f32 v28, v15;
	v1 =	vadd.f32 v6, v1  }
0x191: {  	v62 =	vld [tilespmem:s26+$0x180];
	v17 =	vadd.f32 v29, v50;
	v18 =	vadd.f32 v30, v51  }
0x192: {  	v4 =	vld [tilespmem:s26+$0xFFFFFF50];
	v3 =	vadd.f32 v31, v3;
	v1 =	vadd.f32 v8, v1  }
0x193: {  	v6 =	vld [tilespmem:s26+$0xFFFFFF80];
	v5 =	vadd.f32 v32, v5;
	v7 =	vadd.f32 v33, v7  }
0x194: {  	v58 =	vadd.f32 v35, v18;
	v8 =	vld [tilespmem:s26+$0xFFFFFFA0];
	v1 =	vadd.f32 v10, v1  }
0x195: {  	v9 =	vld [tilespmem:s26+$0x20];
	v2 =	vadd.f32 v2, v11;
	v11 =	vadd.f32 v34, v15  }
0x196: {  	v5 =	vadd.f32 v36, v5;
	v10 =	vld [tilespmem:s26+$0xFFFFFFC0];
	v1 =	vadd.f32 v12, v1  }
0x197: {  	v4 =	vadd.f32 v4, v17;
	v2 =	vadd.f32 v37, v2;
	v12 =	vld [tilespmem:s26+$0xFFFFFFE0]  }
0x198: {  	v15 =	vld [tilespmem:s26+$0xC0];
	v3 =	vadd.f32 v6, v3;
	v1 =	vadd.f32 v14, v1  }
0x199: {  	v4 =	vadd.f32 v38, v4;
	v7 =	vadd.f32 v8, v7;
	v14 =	vld [tilespmem:s26+$0x10]  }
0x19a: {  	v3 =	vadd.f32 v39, v3;
	v13 =	vadd.f32 v16, v1;
	v1 =	vld [tilespmem:s26+$0x30]  }
0x19b: {  	v8 =	vld [tilespmem:s26+$0x100];
	v4 =	vadd.f32 v52, v4;
	v7 =	vadd.f32 v9, v7  }
0x19c: {  	v6 =	vld [tilespmem:s26+$0xE0];
	v10 =	vadd.f32 v10, v11;
	v12 =	vadd.f32 v12, v58  }
0x19d: {  	v11 =	vld [tilespmem:s26+$0x110];
	v3 =	vadd.f32 v54, v3;
	v7 =	vadd.f32 v56, v7  }
0x19e: {  	v5 =	vadd.f32 v14, v5;
	v14 =	vld [tilespmem:s26+$0x130];
	v9 =	vadd.f32 v53, v12  }
0x19f: {  	v1 =	vadd.f32 v1, v2;
	v2 =	vadd.f32 v49, v10;
	v10 =	vld [tilespmem:s26+$0x140]  }
0x1a0: {  	v21 =	vadd.f32 v8, v3;
	v12 =	vld [tilespmem:s26+$0x150];
	v5 =	vadd.f32 v55, v5  }
0x1a1: {  	v63 =	vld [tilespmem:s26+$0x190];
	v20 =	vadd.f32 v6, v9;
	v1 =	vadd.f32 v57, v1  }
0x1a2: {  	v9 =	vld [tilespmem:s26+$0x1A0];
	v2 =	vadd.f32 v15, v2;
	v15 =	vadd.f32 v59, v4  }
0x1a3: {  	v11 =	vadd.f32 v11, v5;
	v5 =	vadd.f32 v60, v7;
	v7 =	vld [tilespmem:s26+$0x1B0]  }
0x1a4: {  	v6 =	vld [tilespmem:s26+$0x1C0];
	v4 =	vadd.f32 v14, v1;
	v3 =	vadd.f32 v10, v2  }
0x1a5: {  	v8 =	vld [tilespmem:s26+$0x1D0];
	v2 =	vadd.f32 v12, v15;
	v12 =	vadd.f32 v62, v21  }
0x1a6: {  	s28 =	simm.s32 $0x0;
	s29 =	simm.s32 $0x100C0;
	[tilespmem:s25+$0x30] =	vst v13;
	v1 =	vadd.f32 v61, v20;
	v11 =	vadd.f32 v63, v11;
	v10 =	vld [tilespmem:s26+$0x1E0]  }
.LBB2_8:
0x1a7: {  	v13 =	vld [tilespmem:s29+$0x30];
	[tilespmem:s25+$0xFFFFFFC0] =	vst v12;
	v5 =	vadd.f32 v9, v5;
	s26 =	sadd.s32 $0x400, s26  }
0x1a8: {  	s28 =	sadd.s32 $0x8, s28;
	v9 =	vld [tilespmem:s26+$0xFFFFFE70];
	[tilespmem:s25+$0xFFFFFFD0] =	vst v11;
	v4 =	vadd.f32 v7, v4  }
0x1a9: {  	p0 =	slt.u32 s28, $0xF8;
	v7 =	vld [tilespmem:s26+$0xFFFFFE00];
	[tilespmem:s25+$0xFFFFFFE0] =	vst v5;
	v3 =	vadd.f32 v6, v3  }
0x1aa: {  	v5 =	vld [tilespmem:s26+$0xFFFFFEF0];
	[tilespmem:s25+$0xFFFFFFF0] =	vst v4;
	v2 =	vadd.f32 v8, v2  }
0x1ab: {  	v4 =	vld [tilespmem:s29+$0xFFFFFFD0];
	[tilespmem:s25+$0x0] =	vst v3;
	v1 =	vadd.f32 v10, v1  }
0x1ac: {  	v3 =	vld [tilespmem:s26+$0xFFFFFF70];
	[tilespmem:s25+$0x10] =	vst v2  }
0x1ad: {  	v2 =	vld [tilespmem:s26+$0xFFFFFE10];
	v6 =	vadd.f32 v9, v13;
	[tilespmem:s25+$0x20] =	vst v1;
	s25 =	smov.u32 s29  }
0x1ae: {  	v1 =	vld [tilespmem:s26+$0xFFFFFFF0]  }
0x1af: {  	v8 =	vld [tilespmem:s29+$0xFFFFFFE0];
	v5 =	vadd.f32 v5, v6  }
0x1b0: {  	v6 =	vld [tilespmem:s26+$0x70]  }
0x1b1: {  	v9 =	vld [tilespmem:s26+$0xFFFFFE20];
	v3 =	vadd.f32 v3, v5  }
0x1b2: {  	v2 =	vadd.f32 v2, v4;
	v4 =	vld [tilespmem:s26+$0xF0]  }
0x1b3: {  	v5 =	vld [tilespmem:s29+$0xFFFFFFF0];
	v1 =	vadd.f32 v1, v3  }
0x1b4: {  	v3 =	vld [tilespmem:s26+$0x170]  }
0x1b5: {  	v10 =	vld [tilespmem:s26+$0xFFFFFE30];
	v1 =	vadd.f32 v6, v1  }
0x1b6: {  	v6 =	vadd.f32 v9, v8;
	v8 =	vld [tilespmem:s26+$0x1F0]  }
0x1b7: {  	v9 =	vld [tilespmem:s29+$0x0];
	v1 =	vadd.f32 v4, v1  }
0x1b8: {  	v4 =	vld [tilespmem:s26+$0xFFFFFE40]  }
0x1b9: {  	v11 =	vld [tilespmem:s29+$0x10];
	v1 =	vadd.f32 v3, v1  }
0x1ba: {  	v3 =	vadd.f32 v10, v5;
	v5 =	vld [tilespmem:s26+$0xFFFFFE50]  }
0x1bb: {  	v10 =	vld [tilespmem:s29+$0x20];
	v1 =	vadd.f32 v8, v1  }
0x1bc: {  	v8 =	vld [tilespmem:s26+$0xFFFFFE60]  }
0x1bd: {  	v12 =	vld [tilespmem:s29+$0xFFFFFFC0];
	v4 =	vadd.f32 v4, v9;
	[tilespmem:s29+$0x30] =	vst v1  }
0x1be: {  	v1 =	vld [tilespmem:s26+$0xFFFFFE80]  }
0x1bf: {  	v9 =	vld [tilespmem:s26+$0xFFFFFE90];
	v5 =	vadd.f32 v5, v11  }
0x1c0: {  	v11 =	vld [tilespmem:s26+$0xFFFFFEA0]  }
0x1c1: {  	v13 =	vld [tilespmem:s26+$0xFFFFFEB0];
	v8 =	vadd.f32 v8, v10  }
0x1c2: {  	v7 =	vadd.f32 v7, v12;
	v10 =	vld [tilespmem:s26+$0xFFFFFEC0]  }
0x1c3: {  	v12 =	vld [tilespmem:s26+$0xFFFFFED0]  }
0x1c4: {  	v1 =	vadd.f32 v1, v7;
	v2 =	vadd.f32 v9, v2;
	v7 =	vld [tilespmem:s26+$0xFFFFFEE0]  }
0x1c5: {  	v9 =	vld [tilespmem:s26+$0xFFFFFF00];
	v6 =	vadd.f32 v11, v6  }
0x1c6: {  	v11 =	vld [tilespmem:s26+$0xFFFFFF10];
	v3 =	vadd.f32 v13, v3  }
0x1c7: {  	v13 =	vld [tilespmem:s26+$0xFFFFFF20];
	v4 =	vadd.f32 v10, v4  }
0x1c8: {  	v10 =	vld [tilespmem:s26+$0xFFFFFF30];
	v5 =	vadd.f32 v12, v5  }
0x1c9: {  	v12 =	vld [tilespmem:s26+$0xFFFFFF40];
	v7 =	vadd.f32 v7, v8  }
0x1ca: {  	v1 =	vadd.f32 v9, v1;
	v8 =	vld [tilespmem:s26+$0xFFFFFF50]  }
0x1cb: {  	v2 =	vadd.f32 v11, v2;
	v9 =	vld [tilespmem:s26+$0xFFFFFF60]  }
0x1cc: {  	v11 =	vld [tilespmem:s26+$0xFFFFFF80];
	v6 =	vadd.f32 v13, v6  }
0x1cd: {  	v13 =	vld [tilespmem:s26+$0xFFFFFF90];
	v3 =	vadd.f32 v10, v3  }
0x1ce: {  	v10 =	vld [tilespmem:s26+$0xFFFFFFA0];
	v4 =	vadd.f32 v12, v4  }
0x1cf: {  	v12 =	vld [tilespmem:s26+$0xFFFFFFB0];
	v5 =	vadd.f32 v8, v5  }
0x1d0: {  	v8 =	vld [tilespmem:s26+$0xFFFFFFC0];
	v7 =	vadd.f32 v9, v7  }
0x1d1: {  	v1 =	vadd.f32 v11, v1;
	v9 =	vld [tilespmem:s26+$0xFFFFFFD0]  }
0x1d2: {  	v2 =	vadd.f32 v13, v2;
	v11 =	vld [tilespmem:s26+$0xFFFFFFE0]  }
0x1d3: {  	v13 =	vld [tilespmem:s26+$0x0];
	v6 =	vadd.f32 v10, v6  }
0x1d4: {  	v10 =	vld [tilespmem:s26+$0x10];
	v3 =	vadd.f32 v12, v3  }
0x1d5: {  	v12 =	vld [tilespmem:s26+$0x20];
	v4 =	vadd.f32 v8, v4  }
0x1d6: {  	v8 =	vld [tilespmem:s26+$0x30];
	v5 =	vadd.f32 v9, v5  }
0x1d7: {  	v9 =	vld [tilespmem:s26+$0x40];
	v7 =	vadd.f32 v11, v7  }
0x1d8: {  	v1 =	vadd.f32 v13, v1;
	v11 =	vld [tilespmem:s26+$0x50]  }
0x1d9: {  	v2 =	vadd.f32 v10, v2;
	v10 =	vld [tilespmem:s26+$0x60]  }
0x1da: {  	v13 =	vld [tilespmem:s26+$0x80];
	v6 =	vadd.f32 v12, v6  }
0x1db: {  	v12 =	vld [tilespmem:s26+$0x90];
	v3 =	vadd.f32 v8, v3  }
0x1dc: {  	v8 =	vld [tilespmem:s26+$0xA0];
	v4 =	vadd.f32 v9, v4  }
0x1dd: {  	v9 =	vld [tilespmem:s26+$0xB0];
	v5 =	vadd.f32 v11, v5  }
0x1de: {  	v11 =	vld [tilespmem:s26+$0xC0];
	v7 =	vadd.f32 v10, v7  }
0x1df: {  	v1 =	vadd.f32 v13, v1;
	v10 =	vld [tilespmem:s26+$0xD0]  }
0x1e0: {  	v2 =	vadd.f32 v12, v2;
	v12 =	vld [tilespmem:s26+$0xE0]  }
0x1e1: {  	v13 =	vld [tilespmem:s26+$0x100];
	v6 =	vadd.f32 v8, v6  }
0x1e2: {  	v8 =	vld [tilespmem:s26+$0x110];
	v3 =	vadd.f32 v9, v3  }
0x1e3: {  	v9 =	vld [tilespmem:s26+$0x120];
	v11 =	vadd.f32 v11, v4  }
0x1e4: {  	v4 =	vld [tilespmem:s26+$0x130];
	v10 =	vadd.f32 v10, v5  }
0x1e5: {  	v14 =	vld [tilespmem:s26+$0x140];
	v12 =	vadd.f32 v12, v7  }
0x1e6: {  	v13 =	vadd.f32 v13, v1;
	v1 =	vld [tilespmem:s26+$0x150]  }
0x1e7: {  	v15 =	vadd.f32 v8, v2;
	v8 =	vld [tilespmem:s26+$0x160]  }
0x1e8: {  	v16 =	vld [tilespmem:s26+$0x180];
	v5 =	vadd.f32 v9, v6  }
0x1e9: {  	v17 =	vld [tilespmem:s26+$0x190];
	v4 =	vadd.f32 v4, v3  }
.Ltmp3:
0x1ea: {  	v9 =	vld [tilespmem:s26+$0x1A0];
	v3 =	vadd.f32 v14, v11;
	(pc) =	sbr.rel @p0 .LBB2_8-.Ltmp3, $4  }
0x1eb: {  	v7 =	vld [tilespmem:s26+$0x1B0];
	v2 =	vadd.f32 v1, v10  }
0x1ec: {  	v6 =	vld [tilespmem:s26+$0x1C0];
	v1 =	vadd.f32 v8, v12  }
0x1ed: {  	v12 =	vadd.f32 v16, v13;
	v8 =	vld [tilespmem:s26+$0x1D0]  }
0x1ee: {  	s29 =	sadd.s32 $0x80, s29;
	v11 =	vadd.f32 v17, v15;
	v10 =	vld [tilespmem:s26+$0x1E0]  }
0x1ef: {  	[tilespmem:s25+$0xFFFFFFC0] =	vst v12;
	v5 =	vadd.f32 v9, v5  }
0x1f0: {  	[tilespmem:s25+$0xFFFFFFD0] =	vst v11;
	v4 =	vadd.f32 v7, v4  }
0x1f1: {  	[tilespmem:s25+$0xFFFFFFE0] =	vst v5;
	v3 =	vadd.f32 v6, v3  }
0x1f2: {  	[tilespmem:s25+$0xFFFFFFF0] =	vst v4;
	v2 =	vadd.f32 v8, v2  }
0x1f3: {  	[tilespmem:s25+$0x0] =	vst v3;
	v1 =	vadd.f32 v10, v1  }
0x1f4: {  	[tilespmem:s25+$0x10] =	vst v2  }
0x1f5: {  	[tilespmem:s25+$0x20] =	vst v1  }
0x1f6: {  	[tilespmem:s2], [sflag:$0x1] =	stream.linear.gather [hbm4b:s7+s2], $0x8000, $0x38;
	[tilespmem:$0x11000] =	vst v63  }
0x1f7: {  	_ =	swait.ge [sflag:s19], $0x8000  }
0x1f8: {  	[sflag:s19] =	ssyncset.done $0x0  }
0x1f9: {  	s25 =	simm.s32 $0x10040;
	[sflag:s19] =	ssyncadd.s32 $0xFFFF8000  }
0x1fa: {  	s26 =	simm.s32 $0x8200;
	v1 =	vld [tilespmem:s25+$0x30]  }
0x1fb: {  	v2 =	vld [tilespmem:s26+$0xFFFFFE70]  }
0x1fc: {  	v3 =	vld [tilespmem:s26+$0xFFFFFE00]  }
0x1fd: {  	v4 =	vld [tilespmem:s26+$0xFFFFFEF0]  }
0x1fe: {  	v5 =	vld [tilespmem:s25+$0xFFFFFFD0]  }
0x1ff: {  	v6 =	vld [tilespmem:s26+$0xFFFFFF70]  }
0x200: {  	v7 =	vld [tilespmem:s26+$0xFFFFFE10]  }
0x201: {  	v8 =	vld [tilespmem:s26+$0xFFFFFFF0]  }
0x202: {  	v9 =	vld [tilespmem:s25+$0xFFFFFFE0]  }
0x203: {  	v10 =	vld [tilespmem:s26+$0x70]  }
0x204: {  	v11 =	vld [tilespmem:s26+$0xFFFFFE20]  }
0x205: {  	v12 =	vld [tilespmem:s26+$0xF0]  }
0x206: {  	v13 =	vld [tilespmem:s25+$0xFFFFFFF0]  }
0x207: {  	v14 =	vld [tilespmem:s26+$0x170]  }
0x208: {  	v15 =	vld [tilespmem:s26+$0xFFFFFE30]  }
0x209: {  	v16 =	vld [tilespmem:s26+$0x1F0]  }
0x20a: {  	v17 =	vld [tilespmem:s25+$0x0]  }
0x20b: {  	v18 =	vld [tilespmem:s26+$0xFFFFFE40]  }
0x20c: {  	v19 =	vld [tilespmem:s25+$0x10]  }
0x20d: {  	v20 =	vld [tilespmem:s26+$0xFFFFFE50]  }
0x20e: {  	v21 =	vld [tilespmem:s25+$0x20]  }
0x20f: {  	v22 =	vld [tilespmem:s26+$0xFFFFFE60]  }
0x210: {  	v23 =	vld [tilespmem:s25+$0xFFFFFFC0]  }
0x211: {  	v24 =	vld [tilespmem:s26+$0xFFFFFE80]  }
0x212: {  	v25 =	vld [tilespmem:s26+$0xFFFFFE90]  }
0x213: {  	v26 =	vld [tilespmem:s26+$0xFFFFFEA0]  }
0x214: {  	v27 =	vld [tilespmem:s26+$0xFFFFFEB0]  }
0x215: {  	v28 =	vld [tilespmem:s26+$0xFFFFFEC0]  }
0x216: {  	v29 =	vld [tilespmem:s26+$0xFFFFFED0]  }
0x217: {  	v30 =	vld [tilespmem:s26+$0xFFFFFEE0]  }
0x218: {  	v31 =	vld [tilespmem:s26+$0xFFFFFF00]  }
0x219: {  	v32 =	vld [tilespmem:s26+$0xFFFFFF10]  }
0x21a: {  	v33 =	vld [tilespmem:s26+$0xFFFFFF20]  }
0x21b: {  	v34 =	vld [tilespmem:s26+$0xFFFFFF40]  }
0x21c: {  	v35 =	vld [tilespmem:s26+$0xFFFFFF60]  }
0x21d: {  	v36 =	vld [tilespmem:s26+$0xFFFFFF90]  }
0x21e: {  	v37 =	vld [tilespmem:s26+$0xFFFFFFB0]  }
0x21f: {  	v38 =	vld [tilespmem:s26+$0xFFFFFFD0]  }
0x220: {  	v39 =	vld [tilespmem:s26+$0x0]  }
0x221: {  	v49 =	vld [tilespmem:s26+$0x40]  }
0x222: {  	v52 =	vld [tilespmem:s26+$0x50]  }
0x223: {  	v53 =	vld [tilespmem:s26+$0x60]  }
0x224: {  	v54 =	vld [tilespmem:s26+$0x80];
	v1 =	vadd.f32 v2, v1  }
0x225: {  	v55 =	vld [tilespmem:s26+$0x90];
	v5 =	vadd.f32 v7, v5;
	v7 =	vadd.f32 v11, v9  }
0x226: {  	v56 =	vld [tilespmem:s26+$0xA0];
	v11 =	vadd.f32 v15, v13;
	v15 =	vadd.f32 v18, v17  }
0x227: {  	v57 =	vld [tilespmem:s26+$0xB0];
	v3 =	vadd.f32 v3, v23;
	v50 =	vadd.f32 v20, v19  }
0x228: {  	v59 =	vld [tilespmem:s26+$0xD0];
	v51 =	vadd.f32 v22, v21;
	v1 =	vadd.f32 v4, v1  }
0x229: {  	v60 =	vld [tilespmem:s26+$0x120];
	v3 =	vadd.f32 v24, v3;
	v5 =	vadd.f32 v25, v5  }
0x22a: {  	v61 =	vld [tilespmem:s26+$0x160];
	v7 =	vadd.f32 v26, v7;
	v11 =	vadd.f32 v27, v11  }
0x22b: {  	v2 =	vld [tilespmem:s26+$0xFFFFFF30];
	v15 =	vadd.f32 v28, v15;
	v1 =	vadd.f32 v6, v1  }
0x22c: {  	v62 =	vld [tilespmem:s26+$0x180];
	v17 =	vadd.f32 v29, v50;
	v18 =	vadd.f32 v30, v51  }
0x22d: {  	v4 =	vld [tilespmem:s26+$0xFFFFFF50];
	v3 =	vadd.f32 v31, v3;
	v1 =	vadd.f32 v8, v1  }
0x22e: {  	v6 =	vld [tilespmem:s26+$0xFFFFFF80];
	v5 =	vadd.f32 v32, v5;
	v7 =	vadd.f32 v33, v7  }
0x22f: {  	v58 =	vadd.f32 v35, v18;
	v8 =	vld [tilespmem:s26+$0xFFFFFFA0];
	v1 =	vadd.f32 v10, v1  }
0x230: {  	v9 =	vld [tilespmem:s26+$0x20];
	v2 =	vadd.f32 v2, v11;
	v11 =	vadd.f32 v34, v15  }
0x231: {  	v5 =	vadd.f32 v36, v5;
	v10 =	vld [tilespmem:s26+$0xFFFFFFC0];
	v1 =	vadd.f32 v12, v1  }
0x232: {  	v4 =	vadd.f32 v4, v17;
	v2 =	vadd.f32 v37, v2;
	v12 =	vld [tilespmem:s26+$0xFFFFFFE0]  }
0x233: {  	v15 =	vld [tilespmem:s26+$0xC0];
	v3 =	vadd.f32 v6, v3;
	v1 =	vadd.f32 v14, v1  }
0x234: {  	v4 =	vadd.f32 v38, v4;
	v7 =	vadd.f32 v8, v7;
	v14 =	vld [tilespmem:s26+$0x10]  }
0x235: {  	v3 =	vadd.f32 v39, v3;
	v13 =	vadd.f32 v16, v1;
	v1 =	vld [tilespmem:s26+$0x30]  }
0x236: {  	v8 =	vld [tilespmem:s26+$0x100];
	v4 =	vadd.f32 v52, v4;
	v7 =	vadd.f32 v9, v7  }
0x237: {  	v6 =	vld [tilespmem:s26+$0xE0];
	v10 =	vadd.f32 v10, v11;
	v12 =	vadd.f32 v12, v58  }
0x238: {  	v11 =	vld [tilespmem:s26+$0x110];
	v3 =	vadd.f32 v54, v3;
	v7 =	vadd.f32 v56, v7  }
0x239: {  	v5 =	vadd.f32 v14, v5;
	v14 =	vld [tilespmem:s26+$0x130];
	v9 =	vadd.f32 v53, v12  }
0x23a: {  	v1 =	vadd.f32 v1, v2;
	v2 =	vadd.f32 v49, v10;
	v10 =	vld [tilespmem:s26+$0x140]  }
0x23b: {  	v21 =	vadd.f32 v8, v3;
	v12 =	vld [tilespmem:s26+$0x150];
	v5 =	vadd.f32 v55, v5  }
0x23c: {  	v63 =	vld [tilespmem:s26+$0x190];
	v20 =	vadd.f32 v6, v9;
	v1 =	vadd.f32 v57, v1  }
0x23d: {  	v9 =	vld [tilespmem:s26+$0x1A0];
	v2 =	vadd.f32 v15, v2;
	v15 =	vadd.f32 v59, v4  }
0x23e: {  	v11 =	vadd.f32 v11, v5;
	v5 =	vadd.f32 v60, v7;
	v7 =	vld [tilespmem:s26+$0x1B0]  }
0x23f: {  	v6 =	vld [tilespmem:s26+$0x1C0];
	v4 =	vadd.f32 v14, v1;
	v3 =	vadd.f32 v10, v2  }
0x240: {  	v8 =	vld [tilespmem:s26+$0x1D0];
	v2 =	vadd.f32 v12, v15;
	v12 =	vadd.f32 v62, v21  }
0x241: {  	s28 =	simm.s32 $0x0;
	s29 =	simm.s32 $0x100C0;
	[tilespmem:s25+$0x30] =	vst v13;
	v1 =	vadd.f32 v61, v20;
	v11 =	vadd.f32 v63, v11;
	v10 =	vld [tilespmem:s26+$0x1E0]  }
.LBB2_10:
0x242: {  	v13 =	vld [tilespmem:s29+$0x30];
	[tilespmem:s25+$0xFFFFFFC0] =	vst v12;
	v5 =	vadd.f32 v9, v5;
	s26 =	sadd.s32 $0x400, s26  }
0x243: {  	s28 =	sadd.s32 $0x8, s28;
	v9 =	vld [tilespmem:s26+$0xFFFFFE70];
	[tilespmem:s25+$0xFFFFFFD0] =	vst v11;
	v4 =	vadd.f32 v7, v4  }
0x244: {  	p0 =	slt.u32 s28, $0xF8;
	v7 =	vld [tilespmem:s26+$0xFFFFFE00];
	[tilespmem:s25+$0xFFFFFFE0] =	vst v5;
	v3 =	vadd.f32 v6, v3  }
0x245: {  	v5 =	vld [tilespmem:s26+$0xFFFFFEF0];
	[tilespmem:s25+$0xFFFFFFF0] =	vst v4;
	v2 =	vadd.f32 v8, v2  }
0x246: {  	v4 =	vld [tilespmem:s29+$0xFFFFFFD0];
	[tilespmem:s25+$0x0] =	vst v3;
	v1 =	vadd.f32 v10, v1  }
0x247: {  	v3 =	vld [tilespmem:s26+$0xFFFFFF70];
	[tilespmem:s25+$0x10] =	vst v2  }
0x248: {  	v2 =	vld [tilespmem:s26+$0xFFFFFE10];
	v6 =	vadd.f32 v9, v13;
	[tilespmem:s25+$0x20] =	vst v1;
	s25 =	smov.u32 s29  }
0x249: {  	v1 =	vld [tilespmem:s26+$0xFFFFFFF0]  }
0x24a: {  	v8 =	vld [tilespmem:s29+$0xFFFFFFE0];
	v5 =	vadd.f32 v5, v6  }
0x24b: {  	v6 =	vld [tilespmem:s26+$0x70]  }
0x24c: {  	v9 =	vld [tilespmem:s26+$0xFFFFFE20];
	v3 =	vadd.f32 v3, v5  }
0x24d: {  	v2 =	vadd.f32 v2, v4;
	v4 =	vld [tilespmem:s26+$0xF0]  }
0x24e: {  	v5 =	vld [tilespmem:s29+$0xFFFFFFF0];
	v1 =	vadd.f32 v1, v3  }
0x24f: {  	v3 =	vld [tilespmem:s26+$0x170]  }
0x250: {  	v10 =	vld [tilespmem:s26+$0xFFFFFE30];
	v1 =	vadd.f32 v6, v1  }
0x251: {  	v6 =	vadd.f32 v9, v8;
	v8 =	vld [tilespmem:s26+$0x1F0]  }
0x252: {  	v9 =	vld [tilespmem:s29+$0x0];
	v1 =	vadd.f32 v4, v1  }
0x253: {  	v4 =	vld [tilespmem:s26+$0xFFFFFE40]  }
0x254: {  	v11 =	vld [tilespmem:s29+$0x10];
	v1 =	vadd.f32 v3, v1  }
0x255: {  	v3 =	vadd.f32 v10, v5;
	v5 =	vld [tilespmem:s26+$0xFFFFFE50]  }
0x256: {  	v10 =	vld [tilespmem:s29+$0x20];
	v1 =	vadd.f32 v8, v1  }
0x257: {  	v8 =	vld [tilespmem:s26+$0xFFFFFE60]  }
0x258: {  	v12 =	vld [tilespmem:s29+$0xFFFFFFC0];
	v4 =	vadd.f32 v4, v9;
	[tilespmem:s29+$0x30] =	vst v1  }
0x259: {  	v1 =	vld [tilespmem:s26+$0xFFFFFE80]  }
0x25a: {  	v9 =	vld [tilespmem:s26+$0xFFFFFE90];
	v5 =	vadd.f32 v5, v11  }
0x25b: {  	v11 =	vld [tilespmem:s26+$0xFFFFFEA0]  }
0x25c: {  	v13 =	vld [tilespmem:s26+$0xFFFFFEB0];
	v8 =	vadd.f32 v8, v10  }
0x25d: {  	v7 =	vadd.f32 v7, v12;
	v10 =	vld [tilespmem:s26+$0xFFFFFEC0]  }
0x25e: {  	v12 =	vld [tilespmem:s26+$0xFFFFFED0]  }
0x25f: {  	v1 =	vadd.f32 v1, v7;
	v2 =	vadd.f32 v9, v2;
	v7 =	vld [tilespmem:s26+$0xFFFFFEE0]  }
0x260: {  	v9 =	vld [tilespmem:s26+$0xFFFFFF00];
	v6 =	vadd.f32 v11, v6  }
0x261: {  	v11 =	vld [tilespmem:s26+$0xFFFFFF10];
	v3 =	vadd.f32 v13, v3  }
0x262: {  	v13 =	vld [tilespmem:s26+$0xFFFFFF20];
	v4 =	vadd.f32 v10, v4  }
0x263: {  	v10 =	vld [tilespmem:s26+$0xFFFFFF30];
	v5 =	vadd.f32 v12, v5  }
0x264: {  	v12 =	vld [tilespmem:s26+$0xFFFFFF40];
	v7 =	vadd.f32 v7, v8  }
0x265: {  	v1 =	vadd.f32 v9, v1;
	v8 =	vld [tilespmem:s26+$0xFFFFFF50]  }
0x266: {  	v2 =	vadd.f32 v11, v2;
	v9 =	vld [tilespmem:s26+$0xFFFFFF60]  }
0x267: {  	v11 =	vld [tilespmem:s26+$0xFFFFFF80];
	v6 =	vadd.f32 v13, v6  }
0x268: {  	v13 =	vld [tilespmem:s26+$0xFFFFFF90];
	v3 =	vadd.f32 v10, v3  }
0x269: {  	v10 =	vld [tilespmem:s26+$0xFFFFFFA0];
	v4 =	vadd.f32 v12, v4  }
0x26a: {  	v12 =	vld [tilespmem:s26+$0xFFFFFFB0];
	v5 =	vadd.f32 v8, v5  }
0x26b: {  	v8 =	vld [tilespmem:s26+$0xFFFFFFC0];
	v7 =	vadd.f32 v9, v7  }
0x26c: {  	v1 =	vadd.f32 v11, v1;
	v9 =	vld [tilespmem:s26+$0xFFFFFFD0]  }
0x26d: {  	v2 =	vadd.f32 v13, v2;
	v11 =	vld [tilespmem:s26+$0xFFFFFFE0]  }
0x26e: {  	v13 =	vld [tilespmem:s26+$0x0];
	v6 =	vadd.f32 v10, v6  }
0x26f: {  	v10 =	vld [tilespmem:s26+$0x10];
	v3 =	vadd.f32 v12, v3  }
0x270: {  	v12 =	vld [tilespmem:s26+$0x20];
	v4 =	vadd.f32 v8, v4  }
0x271: {  	v8 =	vld [tilespmem:s26+$0x30];
	v5 =	vadd.f32 v9, v5  }
0x272: {  	v9 =	vld [tilespmem:s26+$0x40];
	v7 =	vadd.f32 v11, v7  }
0x273: {  	v1 =	vadd.f32 v13, v1;
	v11 =	vld [tilespmem:s26+$0x50]  }
0x274: {  	v2 =	vadd.f32 v10, v2;
	v10 =	vld [tilespmem:s26+$0x60]  }
0x275: {  	v13 =	vld [tilespmem:s26+$0x80];
	v6 =	vadd.f32 v12, v6  }
0x276: {  	v12 =	vld [tilespmem:s26+$0x90];
	v3 =	vadd.f32 v8, v3  }
0x277: {  	v8 =	vld [tilespmem:s26+$0xA0];
	v4 =	vadd.f32 v9, v4  }
0x278: {  	v9 =	vld [tilespmem:s26+$0xB0];
	v5 =	vadd.f32 v11, v5  }
0x279: {  	v11 =	vld [tilespmem:s26+$0xC0];
	v7 =	vadd.f32 v10, v7  }
0x27a: {  	v1 =	vadd.f32 v13, v1;
	v10 =	vld [tilespmem:s26+$0xD0]  }
0x27b: {  	v2 =	vadd.f32 v12, v2;
	v12 =	vld [tilespmem:s26+$0xE0]  }
0x27c: {  	v13 =	vld [tilespmem:s26+$0x100];
	v6 =	vadd.f32 v8, v6  }
0x27d: {  	v8 =	vld [tilespmem:s26+$0x110];
	v3 =	vadd.f32 v9, v3  }
0x27e: {  	v9 =	vld [tilespmem:s26+$0x120];
	v11 =	vadd.f32 v11, v4  }
0x27f: {  	v4 =	vld [tilespmem:s26+$0x130];
	v10 =	vadd.f32 v10, v5  }
0x280: {  	v14 =	vld [tilespmem:s26+$0x140];
	v12 =	vadd.f32 v12, v7  }
0x281: {  	v13 =	vadd.f32 v13, v1;
	v1 =	vld [tilespmem:s26+$0x150]  }
0x282: {  	v15 =	vadd.f32 v8, v2;
	v8 =	vld [tilespmem:s26+$0x160]  }
0x283: {  	v16 =	vld [tilespmem:s26+$0x180];
	v5 =	vadd.f32 v9, v6  }
0x284: {  	v17 =	vld [tilespmem:s26+$0x190];
	v4 =	vadd.f32 v4, v3  }
.Ltmp4:
0x285: {  	v9 =	vld [tilespmem:s26+$0x1A0];
	v3 =	vadd.f32 v14, v11;
	(pc) =	sbr.rel @p0 .LBB2_10-.Ltmp4, $4  }
0x286: {  	v7 =	vld [tilespmem:s26+$0x1B0];
	v2 =	vadd.f32 v1, v10  }
0x287: {  	v6 =	vld [tilespmem:s26+$0x1C0];
	v1 =	vadd.f32 v8, v12  }
0x288: {  	v12 =	vadd.f32 v16, v13;
	v8 =	vld [tilespmem:s26+$0x1D0]  }
0x289: {  	s29 =	sadd.s32 $0x80, s29;
	v11 =	vadd.f32 v17, v15;
	v10 =	vld [tilespmem:s26+$0x1E0]  }
0x28a: {  	[tilespmem:s25+$0xFFFFFFC0] =	vst v12;
	v5 =	vadd.f32 v9, v5  }
0x28b: {  	[tilespmem:s25+$0xFFFFFFD0] =	vst v11;
	v4 =	vadd.f32 v7, v4  }
0x28c: {  	[tilespmem:s25+$0xFFFFFFE0] =	vst v5;
	v3 =	vadd.f32 v6, v3  }
0x28d: {  	[tilespmem:s25+$0xFFFFFFF0] =	vst v4;
	v2 =	vadd.f32 v8, v2  }
0x28e: {  	[tilespmem:s25+$0x0] =	vst v3;
	v1 =	vadd.f32 v10, v1  }
0x28f: {  	[tilespmem:s25+$0x10] =	vst v2  }
0x290: {  	[tilespmem:s25+$0x20] =	vst v1  }
0x291: {  	[tilespmem:s17], [sflag:$0x2] =	stream.linear.gather [hbm4b:s8+s2], $0x8000, $0x38;
	[tilespmem:$0x11000] =	vst v63  }
0x292: {  	_ =	swait.ge [sflag:s18], $0x8000  }
0x293: {  	[sflag:s18] =	ssyncset.done $0x0  }
0x294: {  	s25 =	simm.s32 $0x10040;
	[sflag:s18] =	ssyncadd.s32 $0xFFFF8000  }
0x295: {  	s26 =	simm.s32 $0x200;
	v1 =	vld [tilespmem:s25+$0x30]  }
0x296: {  	v2 =	vld [tilespmem:s26+$0xFFFFFE70]  }
0x297: {  	v3 =	vld [tilespmem:s26+$0xFFFFFE00]  }
0x298: {  	v4 =	vld [tilespmem:s26+$0xFFFFFEF0]  }
0x299: {  	v5 =	vld [tilespmem:s25+$0xFFFFFFD0]  }
0x29a: {  	v6 =	vld [tilespmem:s26+$0xFFFFFF70]  }
0x29b: {  	v7 =	vld [tilespmem:s26+$0xFFFFFE10]  }
0x29c: {  	v8 =	vld [tilespmem:s26+$0xFFFFFFF0]  }
0x29d: {  	v9 =	vld [tilespmem:s25+$0xFFFFFFE0]  }
0x29e: {  	v10 =	vld [tilespmem:s26+$0x70]  }
0x29f: {  	v11 =	vld [tilespmem:s26+$0xFFFFFE20]  }
0x2a0: {  	v12 =	vld [tilespmem:s26+$0xF0]  }
0x2a1: {  	v13 =	vld [tilespmem:s25+$0xFFFFFFF0]  }
0x2a2: {  	v14 =	vld [tilespmem:s26+$0x170]  }
0x2a3: {  	v15 =	vld [tilespmem:s26+$0xFFFFFE30]  }
0x2a4: {  	v16 =	vld [tilespmem:s26+$0x1F0]  }
0x2a5: {  	v17 =	vld [tilespmem:s25+$0x0]  }
0x2a6: {  	v18 =	vld [tilespmem:s26+$0xFFFFFE40]  }
0x2a7: {  	v19 =	vld [tilespmem:s25+$0x10]  }
0x2a8: {  	v20 =	vld [tilespmem:s26+$0xFFFFFE50]  }
0x2a9: {  	v21 =	vld [tilespmem:s25+$0x20]  }
0x2aa: {  	v22 =	vld [tilespmem:s26+$0xFFFFFE60]  }
0x2ab: {  	v23 =	vld [tilespmem:s25+$0xFFFFFFC0]  }
0x2ac: {  	v24 =	vld [tilespmem:s26+$0xFFFFFE80]  }
0x2ad: {  	v25 =	vld [tilespmem:s26+$0xFFFFFE90]  }
0x2ae: {  	v26 =	vld [tilespmem:s26+$0xFFFFFEA0]  }
0x2af: {  	v27 =	vld [tilespmem:s26+$0xFFFFFEB0]  }
0x2b0: {  	v28 =	vld [tilespmem:s26+$0xFFFFFEC0]  }
0x2b1: {  	v29 =	vld [tilespmem:s26+$0xFFFFFED0]  }
0x2b2: {  	v30 =	vld [tilespmem:s26+$0xFFFFFEE0]  }
0x2b3: {  	v31 =	vld [tilespmem:s26+$0xFFFFFF00]  }
0x2b4: {  	v32 =	vld [tilespmem:s26+$0xFFFFFF10]  }
0x2b5: {  	v33 =	vld [tilespmem:s26+$0xFFFFFF20]  }
0x2b6: {  	v34 =	vld [tilespmem:s26+$0xFFFFFF40]  }
0x2b7: {  	v35 =	vld [tilespmem:s26+$0xFFFFFF60]  }
0x2b8: {  	v36 =	vld [tilespmem:s26+$0xFFFFFF90]  }
0x2b9: {  	v37 =	vld [tilespmem:s26+$0xFFFFFFB0]  }
0x2ba: {  	v38 =	vld [tilespmem:s26+$0xFFFFFFD0]  }
0x2bb: {  	v39 =	vld [tilespmem:s26+$0x0]  }
0x2bc: {  	v49 =	vld [tilespmem:s26+$0x40]  }
0x2bd: {  	v52 =	vld [tilespmem:s26+$0x50]  }
0x2be: {  	v53 =	vld [tilespmem:s26+$0x60]  }
0x2bf: {  	v54 =	vld [tilespmem:s26+$0x80];
	v1 =	vadd.f32 v2, v1  }
0x2c0: {  	v55 =	vld [tilespmem:s26+$0x90];
	v5 =	vadd.f32 v7, v5;
	v7 =	vadd.f32 v11, v9  }
0x2c1: {  	v56 =	vld [tilespmem:s26+$0xA0];
	v11 =	vadd.f32 v15, v13;
	v15 =	vadd.f32 v18, v17  }
0x2c2: {  	v57 =	vld [tilespmem:s26+$0xB0];
	v3 =	vadd.f32 v3, v23;
	v50 =	vadd.f32 v20, v19  }
0x2c3: {  	v59 =	vld [tilespmem:s26+$0xD0];
	v51 =	vadd.f32 v22, v21;
	v1 =	vadd.f32 v4, v1  }
0x2c4: {  	v60 =	vld [tilespmem:s26+$0x120];
	v3 =	vadd.f32 v24, v3;
	v5 =	vadd.f32 v25, v5  }
0x2c5: {  	v61 =	vld [tilespmem:s26+$0x160];
	v7 =	vadd.f32 v26, v7;
	v11 =	vadd.f32 v27, v11  }
0x2c6: {  	v2 =	vld [tilespmem:s26+$0xFFFFFF30];
	v15 =	vadd.f32 v28, v15;
	v1 =	vadd.f32 v6, v1  }
0x2c7: {  	v62 =	vld [tilespmem:s26+$0x180];
	v17 =	vadd.f32 v29, v50;
	v18 =	vadd.f32 v30, v51  }
0x2c8: {  	v4 =	vld [tilespmem:s26+$0xFFFFFF50];
	v3 =	vadd.f32 v31, v3;
	v1 =	vadd.f32 v8, v1  }
0x2c9: {  	v6 =	vld [tilespmem:s26+$0xFFFFFF80];
	v5 =	vadd.f32 v32, v5;
	v7 =	vadd.f32 v33, v7  }
0x2ca: {  	v58 =	vadd.f32 v35, v18;
	v8 =	vld [tilespmem:s26+$0xFFFFFFA0];
	v1 =	vadd.f32 v10, v1  }
0x2cb: {  	v9 =	vld [tilespmem:s26+$0x20];
	v2 =	vadd.f32 v2, v11;
	v11 =	vadd.f32 v34, v15  }
0x2cc: {  	v5 =	vadd.f32 v36, v5;
	v10 =	vld [tilespmem:s26+$0xFFFFFFC0];
	v1 =	vadd.f32 v12, v1  }
0x2cd: {  	v4 =	vadd.f32 v4, v17;
	v2 =	vadd.f32 v37, v2;
	v12 =	vld [tilespmem:s26+$0xFFFFFFE0]  }
0x2ce: {  	v15 =	vld [tilespmem:s26+$0xC0];
	v3 =	vadd.f32 v6, v3;
	v1 =	vadd.f32 v14, v1  }
0x2cf: {  	v4 =	vadd.f32 v38, v4;
	v7 =	vadd.f32 v8, v7;
	v14 =	vld [tilespmem:s26+$0x10]  }
0x2d0: {  	v3 =	vadd.f32 v39, v3;
	v13 =	vadd.f32 v16, v1;
	v1 =	vld [tilespmem:s26+$0x30]  }
0x2d1: {  	v8 =	vld [tilespmem:s26+$0x100];
	v4 =	vadd.f32 v52, v4;
	v7 =	vadd.f32 v9, v7  }
0x2d2: {  	v6 =	vld [tilespmem:s26+$0xE0];
	v10 =	vadd.f32 v10, v11;
	v12 =	vadd.f32 v12, v58  }
0x2d3: {  	v11 =	vld [tilespmem:s26+$0x110];
	v3 =	vadd.f32 v54, v3;
	v7 =	vadd.f32 v56, v7  }
0x2d4: {  	v5 =	vadd.f32 v14, v5;
	v14 =	vld [tilespmem:s26+$0x130];
	v9 =	vadd.f32 v53, v12  }
0x2d5: {  	v1 =	vadd.f32 v1, v2;
	v2 =	vadd.f32 v49, v10;
	v10 =	vld [tilespmem:s26+$0x140]  }
0x2d6: {  	v21 =	vadd.f32 v8, v3;
	v12 =	vld [tilespmem:s26+$0x150];
	v5 =	vadd.f32 v55, v5  }
0x2d7: {  	v63 =	vld [tilespmem:s26+$0x190];
	v20 =	vadd.f32 v6, v9;
	v1 =	vadd.f32 v57, v1  }
0x2d8: {  	v9 =	vld [tilespmem:s26+$0x1A0];
	v2 =	vadd.f32 v15, v2;
	v15 =	vadd.f32 v59, v4  }
0x2d9: {  	v11 =	vadd.f32 v11, v5;
	v5 =	vadd.f32 v60, v7;
	v7 =	vld [tilespmem:s26+$0x1B0]  }
0x2da: {  	v6 =	vld [tilespmem:s26+$0x1C0];
	v4 =	vadd.f32 v14, v1;
	v3 =	vadd.f32 v10, v2  }
0x2db: {  	v8 =	vld [tilespmem:s26+$0x1D0];
	v2 =	vadd.f32 v12, v15;
	v12 =	vadd.f32 v62, v21  }
0x2dc: {  	s28 =	simm.s32 $0x0;
	s29 =	simm.s32 $0x100C0;
	[tilespmem:s25+$0x30] =	vst v13;
	v1 =	vadd.f32 v61, v20;
	v11 =	vadd.f32 v63, v11;
	v10 =	vld [tilespmem:s26+$0x1E0]  }
.LBB2_12:
0x2dd: {  	v13 =	vld [tilespmem:s29+$0x30];
	[tilespmem:s25+$0xFFFFFFC0] =	vst v12;
	v5 =	vadd.f32 v9, v5;
	s26 =	sadd.s32 $0x400, s26  }
0x2de: {  	s28 =	sadd.s32 $0x8, s28;
	v9 =	vld [tilespmem:s26+$0xFFFFFE70];
	[tilespmem:s25+$0xFFFFFFD0] =	vst v11;
	v4 =	vadd.f32 v7, v4  }
0x2df: {  	p0 =	slt.u32 s28, $0xF8;
	v7 =	vld [tilespmem:s26+$0xFFFFFE00];
	[tilespmem:s25+$0xFFFFFFE0] =	vst v5;
	v3 =	vadd.f32 v6, v3  }
0x2e0: {  	v5 =	vld [tilespmem:s26+$0xFFFFFEF0];
	[tilespmem:s25+$0xFFFFFFF0] =	vst v4;
	v2 =	vadd.f32 v8, v2  }
0x2e1: {  	v4 =	vld [tilespmem:s29+$0xFFFFFFD0];
	[tilespmem:s25+$0x0] =	vst v3;
	v1 =	vadd.f32 v10, v1  }
0x2e2: {  	v3 =	vld [tilespmem:s26+$0xFFFFFF70];
	[tilespmem:s25+$0x10] =	vst v2  }
0x2e3: {  	v2 =	vld [tilespmem:s26+$0xFFFFFE10];
	v6 =	vadd.f32 v9, v13;
	[tilespmem:s25+$0x20] =	vst v1;
	s25 =	smov.u32 s29  }
0x2e4: {  	v1 =	vld [tilespmem:s26+$0xFFFFFFF0]  }
0x2e5: {  	v8 =	vld [tilespmem:s29+$0xFFFFFFE0];
	v5 =	vadd.f32 v5, v6  }
0x2e6: {  	v6 =	vld [tilespmem:s26+$0x70]  }
0x2e7: {  	v9 =	vld [tilespmem:s26+$0xFFFFFE20];
	v3 =	vadd.f32 v3, v5  }
0x2e8: {  	v2 =	vadd.f32 v2, v4;
	v4 =	vld [tilespmem:s26+$0xF0]  }
0x2e9: {  	v5 =	vld [tilespmem:s29+$0xFFFFFFF0];
	v1 =	vadd.f32 v1, v3  }
0x2ea: {  	v3 =	vld [tilespmem:s26+$0x170]  }
0x2eb: {  	v10 =	vld [tilespmem:s26+$0xFFFFFE30];
	v1 =	vadd.f32 v6, v1  }
0x2ec: {  	v6 =	vadd.f32 v9, v8;
	v8 =	vld [tilespmem:s26+$0x1F0]  }
0x2ed: {  	v9 =	vld [tilespmem:s29+$0x0];
	v1 =	vadd.f32 v4, v1  }
0x2ee: {  	v4 =	vld [tilespmem:s26+$0xFFFFFE40]  }
0x2ef: {  	v11 =	vld [tilespmem:s29+$0x10];
	v1 =	vadd.f32 v3, v1  }
0x2f0: {  	v3 =	vadd.f32 v10, v5;
	v5 =	vld [tilespmem:s26+$0xFFFFFE50]  }
0x2f1: {  	v10 =	vld [tilespmem:s29+$0x20];
	v1 =	vadd.f32 v8, v1  }
0x2f2: {  	v8 =	vld [tilespmem:s26+$0xFFFFFE60]  }
0x2f3: {  	v12 =	vld [tilespmem:s29+$0xFFFFFFC0];
	v4 =	vadd.f32 v4, v9;
	[tilespmem:s29+$0x30] =	vst v1  }
0x2f4: {  	v1 =	vld [tilespmem:s26+$0xFFFFFE80]  }
0x2f5: {  	v9 =	vld [tilespmem:s26+$0xFFFFFE90];
	v5 =	vadd.f32 v5, v11  }
0x2f6: {  	v11 =	vld [tilespmem:s26+$0xFFFFFEA0]  }
0x2f7: {  	v13 =	vld [tilespmem:s26+$0xFFFFFEB0];
	v8 =	vadd.f32 v8, v10  }
0x2f8: {  	v7 =	vadd.f32 v7, v12;
	v10 =	vld [tilespmem:s26+$0xFFFFFEC0]  }
0x2f9: {  	v12 =	vld [tilespmem:s26+$0xFFFFFED0]  }
0x2fa: {  	v1 =	vadd.f32 v1, v7;
	v2 =	vadd.f32 v9, v2;
	v7 =	vld [tilespmem:s26+$0xFFFFFEE0]  }
0x2fb: {  	v9 =	vld [tilespmem:s26+$0xFFFFFF00];
	v6 =	vadd.f32 v11, v6  }
0x2fc: {  	v11 =	vld [tilespmem:s26+$0xFFFFFF10];
	v3 =	vadd.f32 v13, v3  }
0x2fd: {  	v13 =	vld [tilespmem:s26+$0xFFFFFF20];
	v4 =	vadd.f32 v10, v4  }
0x2fe: {  	v10 =	vld [tilespmem:s26+$0xFFFFFF30];
	v5 =	vadd.f32 v12, v5  }
0x2ff: {  	v12 =	vld [tilespmem:s26+$0xFFFFFF40];
	v7 =	vadd.f32 v7, v8  }
0x300: {  	v1 =	vadd.f32 v9, v1;
	v8 =	vld [tilespmem:s26+$0xFFFFFF50]  }
0x301: {  	v2 =	vadd.f32 v11, v2;
	v9 =	vld [tilespmem:s26+$0xFFFFFF60]  }
0x302: {  	v11 =	vld [tilespmem:s26+$0xFFFFFF80];
	v6 =	vadd.f32 v13, v6  }
0x303: {  	v13 =	vld [tilespmem:s26+$0xFFFFFF90];
	v3 =	vadd.f32 v10, v3  }
0x304: {  	v10 =	vld [tilespmem:s26+$0xFFFFFFA0];
	v4 =	vadd.f32 v12, v4  }
0x305: {  	v12 =	vld [tilespmem:s26+$0xFFFFFFB0];
	v5 =	vadd.f32 v8, v5  }
0x306: {  	v8 =	vld [tilespmem:s26+$0xFFFFFFC0];
	v7 =	vadd.f32 v9, v7  }
0x307: {  	v1 =	vadd.f32 v11, v1;
	v9 =	vld [tilespmem:s26+$0xFFFFFFD0]  }
0x308: {  	v2 =	vadd.f32 v13, v2;
	v11 =	vld [tilespmem:s26+$0xFFFFFFE0]  }
0x309: {  	v13 =	vld [tilespmem:s26+$0x0];
	v6 =	vadd.f32 v10, v6  }
0x30a: {  	v10 =	vld [tilespmem:s26+$0x10];
	v3 =	vadd.f32 v12, v3  }
0x30b: {  	v12 =	vld [tilespmem:s26+$0x20];
	v4 =	vadd.f32 v8, v4  }
0x30c: {  	v8 =	vld [tilespmem:s26+$0x30];
	v5 =	vadd.f32 v9, v5  }
0x30d: {  	v9 =	vld [tilespmem:s26+$0x40];
	v7 =	vadd.f32 v11, v7  }
0x30e: {  	v1 =	vadd.f32 v13, v1;
	v11 =	vld [tilespmem:s26+$0x50]  }
0x30f: {  	v2 =	vadd.f32 v10, v2;
	v10 =	vld [tilespmem:s26+$0x60]  }
0x310: {  	v13 =	vld [tilespmem:s26+$0x80];
	v6 =	vadd.f32 v12, v6  }
0x311: {  	v12 =	vld [tilespmem:s26+$0x90];
	v3 =	vadd.f32 v8, v3  }
0x312: {  	v8 =	vld [tilespmem:s26+$0xA0];
	v4 =	vadd.f32 v9, v4  }
0x313: {  	v9 =	vld [tilespmem:s26+$0xB0];
	v5 =	vadd.f32 v11, v5  }
0x314: {  	v11 =	vld [tilespmem:s26+$0xC0];
	v7 =	vadd.f32 v10, v7  }
0x315: {  	v1 =	vadd.f32 v13, v1;
	v10 =	vld [tilespmem:s26+$0xD0]  }
0x316: {  	v2 =	vadd.f32 v12, v2;
	v12 =	vld [tilespmem:s26+$0xE0]  }
0x317: {  	v13 =	vld [tilespmem:s26+$0x100];
	v6 =	vadd.f32 v8, v6  }
0x318: {  	v8 =	vld [tilespmem:s26+$0x110];
	v3 =	vadd.f32 v9, v3  }
0x319: {  	v9 =	vld [tilespmem:s26+$0x120];
	v11 =	vadd.f32 v11, v4  }
0x31a: {  	v4 =	vld [tilespmem:s26+$0x130];
	v10 =	vadd.f32 v10, v5  }
0x31b: {  	v14 =	vld [tilespmem:s26+$0x140];
	v12 =	vadd.f32 v12, v7  }
0x31c: {  	v13 =	vadd.f32 v13, v1;
	v1 =	vld [tilespmem:s26+$0x150]  }
0x31d: {  	v15 =	vadd.f32 v8, v2;
	v8 =	vld [tilespmem:s26+$0x160]  }
0x31e: {  	v16 =	vld [tilespmem:s26+$0x180];
	v5 =	vadd.f32 v9, v6  }
0x31f: {  	v17 =	vld [tilespmem:s26+$0x190];
	v4 =	vadd.f32 v4, v3  }
.Ltmp5:
0x320: {  	v9 =	vld [tilespmem:s26+$0x1A0];
	v3 =	vadd.f32 v14, v11;
	(pc) =	sbr.rel @p0 .LBB2_12-.Ltmp5, $4  }
0x321: {  	v7 =	vld [tilespmem:s26+$0x1B0];
	v2 =	vadd.f32 v1, v10  }
0x322: {  	v6 =	vld [tilespmem:s26+$0x1C0];
	v1 =	vadd.f32 v8, v12  }
0x323: {  	v12 =	vadd.f32 v16, v13;
	v8 =	vld [tilespmem:s26+$0x1D0]  }
0x324: {  	s29 =	sadd.s32 $0x80, s29;
	v11 =	vadd.f32 v17, v15;
	v10 =	vld [tilespmem:s26+$0x1E0]  }
0x325: {  	[tilespmem:s25+$0xFFFFFFC0] =	vst v12;
	v5 =	vadd.f32 v9, v5  }
0x326: {  	[tilespmem:s25+$0xFFFFFFD0] =	vst v11;
	v4 =	vadd.f32 v7, v4  }
0x327: {  	[tilespmem:s25+$0xFFFFFFE0] =	vst v5;
	v3 =	vadd.f32 v6, v3  }
0x328: {  	[tilespmem:s25+$0xFFFFFFF0] =	vst v4;
	v2 =	vadd.f32 v8, v2  }
0x329: {  	[tilespmem:s25+$0x0] =	vst v3;
	v1 =	vadd.f32 v10, v1  }
0x32a: {  	[tilespmem:s25+$0x10] =	vst v2  }
0x32b: {  	[tilespmem:s25+$0x20] =	vst v1  }
0x32c: {  	[tilespmem:s2], [sflag:$0x1] =	stream.linear.gather [hbm4b:s9+s2], $0x8000, $0x38;
	[tilespmem:$0x11000] =	vst v63  }
0x32d: {  	_ =	swait.ge [sflag:s19], $0x8000  }
0x32e: {  	[sflag:s19] =	ssyncset.done $0x0  }
0x32f: {  	s25 =	simm.s32 $0x10040;
	[sflag:s19] =	ssyncadd.s32 $0xFFFF8000  }
0x330: {  	s26 =	simm.s32 $0x8200;
	v1 =	vld [tilespmem:s25+$0x30]  }
0x331: {  	v2 =	vld [tilespmem:s26+$0xFFFFFE70]  }
0x332: {  	v3 =	vld [tilespmem:s26+$0xFFFFFE00]  }
0x333: {  	v4 =	vld [tilespmem:s26+$0xFFFFFEF0]  }
0x334: {  	v5 =	vld [tilespmem:s25+$0xFFFFFFD0]  }
0x335: {  	v6 =	vld [tilespmem:s26+$0xFFFFFF70]  }
0x336: {  	v7 =	vld [tilespmem:s26+$0xFFFFFE10]  }
0x337: {  	v8 =	vld [tilespmem:s26+$0xFFFFFFF0]  }
0x338: {  	v9 =	vld [tilespmem:s25+$0xFFFFFFE0]  }
0x339: {  	v10 =	vld [tilespmem:s26+$0x70]  }
0x33a: {  	v11 =	vld [tilespmem:s26+$0xFFFFFE20]  }
0x33b: {  	v12 =	vld [tilespmem:s26+$0xF0]  }
0x33c: {  	v13 =	vld [tilespmem:s25+$0xFFFFFFF0]  }
0x33d: {  	v14 =	vld [tilespmem:s26+$0x170]  }
0x33e: {  	v15 =	vld [tilespmem:s26+$0xFFFFFE30]  }
0x33f: {  	v16 =	vld [tilespmem:s26+$0x1F0]  }
0x340: {  	v17 =	vld [tilespmem:s25+$0x0]  }
0x341: {  	v18 =	vld [tilespmem:s26+$0xFFFFFE40]  }
0x342: {  	v19 =	vld [tilespmem:s25+$0x10]  }
0x343: {  	v20 =	vld [tilespmem:s26+$0xFFFFFE50]  }
0x344: {  	v21 =	vld [tilespmem:s25+$0x20]  }
0x345: {  	v22 =	vld [tilespmem:s26+$0xFFFFFE60]  }
0x346: {  	v23 =	vld [tilespmem:s25+$0xFFFFFFC0]  }
0x347: {  	v24 =	vld [tilespmem:s26+$0xFFFFFE80]  }
0x348: {  	v25 =	vld [tilespmem:s26+$0xFFFFFE90]  }
0x349: {  	v26 =	vld [tilespmem:s26+$0xFFFFFEA0]  }
0x34a: {  	v27 =	vld [tilespmem:s26+$0xFFFFFEB0]  }
0x34b: {  	v28 =	vld [tilespmem:s26+$0xFFFFFEC0]  }
0x34c: {  	v29 =	vld [tilespmem:s26+$0xFFFFFED0]  }
0x34d: {  	v30 =	vld [tilespmem:s26+$0xFFFFFEE0]  }
0x34e: {  	v31 =	vld [tilespmem:s26+$0xFFFFFF00]  }
0x34f: {  	v32 =	vld [tilespmem:s26+$0xFFFFFF10]  }
0x350: {  	v33 =	vld [tilespmem:s26+$0xFFFFFF20]  }
0x351: {  	v34 =	vld [tilespmem:s26+$0xFFFFFF40]  }
0x352: {  	v35 =	vld [tilespmem:s26+$0xFFFFFF60]  }
0x353: {  	v36 =	vld [tilespmem:s26+$0xFFFFFF90]  }
0x354: {  	v37 =	vld [tilespmem:s26+$0xFFFFFFB0]  }
0x355: {  	v38 =	vld [tilespmem:s26+$0xFFFFFFD0]  }
0x356: {  	v39 =	vld [tilespmem:s26+$0x0]  }
0x357: {  	v49 =	vld [tilespmem:s26+$0x40]  }
0x358: {  	v52 =	vld [tilespmem:s26+$0x50]  }
0x359: {  	v53 =	vld [tilespmem:s26+$0x60]  }
0x35a: {  	v54 =	vld [tilespmem:s26+$0x80];
	v1 =	vadd.f32 v2, v1  }
0x35b: {  	v55 =	vld [tilespmem:s26+$0x90];
	v5 =	vadd.f32 v7, v5;
	v7 =	vadd.f32 v11, v9  }
0x35c: {  	v56 =	vld [tilespmem:s26+$0xA0];
	v11 =	vadd.f32 v15, v13;
	v15 =	vadd.f32 v18, v17  }
0x35d: {  	v57 =	vld [tilespmem:s26+$0xB0];
	v3 =	vadd.f32 v3, v23;
	v50 =	vadd.f32 v20, v19  }
0x35e: {  	v59 =	vld [tilespmem:s26+$0xD0];
	v51 =	vadd.f32 v22, v21;
	v1 =	vadd.f32 v4, v1  }
0x35f: {  	v60 =	vld [tilespmem:s26+$0x120];
	v3 =	vadd.f32 v24, v3;
	v5 =	vadd.f32 v25, v5  }
0x360: {  	v61 =	vld [tilespmem:s26+$0x160];
	v7 =	vadd.f32 v26, v7;
	v11 =	vadd.f32 v27, v11  }
0x361: {  	v2 =	vld [tilespmem:s26+$0xFFFFFF30];
	v15 =	vadd.f32 v28, v15;
	v1 =	vadd.f32 v6, v1  }
0x362: {  	v62 =	vld [tilespmem:s26+$0x180];
	v17 =	vadd.f32 v29, v50;
	v18 =	vadd.f32 v30, v51  }
0x363: {  	v4 =	vld [tilespmem:s26+$0xFFFFFF50];
	v3 =	vadd.f32 v31, v3;
	v1 =	vadd.f32 v8, v1  }
0x364: {  	v6 =	vld [tilespmem:s26+$0xFFFFFF80];
	v5 =	vadd.f32 v32, v5;
	v7 =	vadd.f32 v33, v7  }
0x365: {  	v58 =	vadd.f32 v35, v18;
	v8 =	vld [tilespmem:s26+$0xFFFFFFA0];
	v1 =	vadd.f32 v10, v1  }
0x366: {  	v9 =	vld [tilespmem:s26+$0x20];
	v2 =	vadd.f32 v2, v11;
	v11 =	vadd.f32 v34, v15  }
0x367: {  	v5 =	vadd.f32 v36, v5;
	v10 =	vld [tilespmem:s26+$0xFFFFFFC0];
	v1 =	vadd.f32 v12, v1  }
0x368: {  	v4 =	vadd.f32 v4, v17;
	v2 =	vadd.f32 v37, v2;
	v12 =	vld [tilespmem:s26+$0xFFFFFFE0]  }
0x369: {  	v15 =	vld [tilespmem:s26+$0xC0];
	v3 =	vadd.f32 v6, v3;
	v1 =	vadd.f32 v14, v1  }
0x36a: {  	v4 =	vadd.f32 v38, v4;
	v7 =	vadd.f32 v8, v7;
	v14 =	vld [tilespmem:s26+$0x10]  }
0x36b: {  	v3 =	vadd.f32 v39, v3;
	v13 =	vadd.f32 v16, v1;
	v1 =	vld [tilespmem:s26+$0x30]  }
0x36c: {  	v8 =	vld [tilespmem:s26+$0x100];
	v4 =	vadd.f32 v52, v4;
	v7 =	vadd.f32 v9, v7  }
0x36d: {  	v6 =	vld [tilespmem:s26+$0xE0];
	v10 =	vadd.f32 v10, v11;
	v12 =	vadd.f32 v12, v58  }
0x36e: {  	v11 =	vld [tilespmem:s26+$0x110];
	v3 =	vadd.f32 v54, v3;
	v7 =	vadd.f32 v56, v7  }
0x36f: {  	v5 =	vadd.f32 v14, v5;
	v14 =	vld [tilespmem:s26+$0x130];
	v9 =	vadd.f32 v53, v12  }
0x370: {  	v1 =	vadd.f32 v1, v2;
	v2 =	vadd.f32 v49, v10;
	v10 =	vld [tilespmem:s26+$0x140]  }
0x371: {  	v21 =	vadd.f32 v8, v3;
	v12 =	vld [tilespmem:s26+$0x150];
	v5 =	vadd.f32 v55, v5  }
0x372: {  	v63 =	vld [tilespmem:s26+$0x190];
	v20 =	vadd.f32 v6, v9;
	v1 =	vadd.f32 v57, v1  }
0x373: {  	v9 =	vld [tilespmem:s26+$0x1A0];
	v2 =	vadd.f32 v15, v2;
	v15 =	vadd.f32 v59, v4  }
0x374: {  	v11 =	vadd.f32 v11, v5;
	v5 =	vadd.f32 v60, v7;
	v7 =	vld [tilespmem:s26+$0x1B0]  }
0x375: {  	v6 =	vld [tilespmem:s26+$0x1C0];
	v4 =	vadd.f32 v14, v1;
	v3 =	vadd.f32 v10, v2  }
0x376: {  	v8 =	vld [tilespmem:s26+$0x1D0];
	v2 =	vadd.f32 v12, v15;
	v12 =	vadd.f32 v62, v21  }
0x377: {  	s28 =	simm.s32 $0x0;
	s29 =	simm.s32 $0x100C0;
	[tilespmem:s25+$0x30] =	vst v13;
	v1 =	vadd.f32 v61, v20;
	v11 =	vadd.f32 v63, v11;
	v10 =	vld [tilespmem:s26+$0x1E0]  }
.LBB2_14:
0x378: {  	v13 =	vld [tilespmem:s29+$0x30];
	[tilespmem:s25+$0xFFFFFFC0] =	vst v12;
	v5 =	vadd.f32 v9, v5;
	s26 =	sadd.s32 $0x400, s26  }
0x379: {  	s28 =	sadd.s32 $0x8, s28;
	v9 =	vld [tilespmem:s26+$0xFFFFFE70];
	[tilespmem:s25+$0xFFFFFFD0] =	vst v11;
	v4 =	vadd.f32 v7, v4  }
0x37a: {  	p0 =	slt.u32 s28, $0xF8;
	v7 =	vld [tilespmem:s26+$0xFFFFFE00];
	[tilespmem:s25+$0xFFFFFFE0] =	vst v5;
	v3 =	vadd.f32 v6, v3  }
0x37b: {  	v5 =	vld [tilespmem:s26+$0xFFFFFEF0];
	[tilespmem:s25+$0xFFFFFFF0] =	vst v4;
	v2 =	vadd.f32 v8, v2  }
0x37c: {  	v4 =	vld [tilespmem:s29+$0xFFFFFFD0];
	[tilespmem:s25+$0x0] =	vst v3;
	v1 =	vadd.f32 v10, v1  }
0x37d: {  	v3 =	vld [tilespmem:s26+$0xFFFFFF70];
	[tilespmem:s25+$0x10] =	vst v2  }
0x37e: {  	v2 =	vld [tilespmem:s26+$0xFFFFFE10];
	v6 =	vadd.f32 v9, v13;
	[tilespmem:s25+$0x20] =	vst v1;
	s25 =	smov.u32 s29  }
0x37f: {  	v1 =	vld [tilespmem:s26+$0xFFFFFFF0]  }
0x380: {  	v8 =	vld [tilespmem:s29+$0xFFFFFFE0];
	v5 =	vadd.f32 v5, v6  }
0x381: {  	v6 =	vld [tilespmem:s26+$0x70]  }
0x382: {  	v9 =	vld [tilespmem:s26+$0xFFFFFE20];
	v3 =	vadd.f32 v3, v5  }
0x383: {  	v2 =	vadd.f32 v2, v4;
	v4 =	vld [tilespmem:s26+$0xF0]  }
0x384: {  	v5 =	vld [tilespmem:s29+$0xFFFFFFF0];
	v1 =	vadd.f32 v1, v3  }
0x385: {  	v3 =	vld [tilespmem:s26+$0x170]  }
0x386: {  	v10 =	vld [tilespmem:s26+$0xFFFFFE30];
	v1 =	vadd.f32 v6, v1  }
0x387: {  	v6 =	vadd.f32 v9, v8;
	v8 =	vld [tilespmem:s26+$0x1F0]  }
0x388: {  	v9 =	vld [tilespmem:s29+$0x0];
	v1 =	vadd.f32 v4, v1  }
0x389: {  	v4 =	vld [tilespmem:s26+$0xFFFFFE40]  }
0x38a: {  	v11 =	vld [tilespmem:s29+$0x10];
	v1 =	vadd.f32 v3, v1  }
0x38b: {  	v3 =	vadd.f32 v10, v5;
	v5 =	vld [tilespmem:s26+$0xFFFFFE50]  }
0x38c: {  	v10 =	vld [tilespmem:s29+$0x20];
	v1 =	vadd.f32 v8, v1  }
0x38d: {  	v8 =	vld [tilespmem:s26+$0xFFFFFE60]  }
0x38e: {  	v12 =	vld [tilespmem:s29+$0xFFFFFFC0];
	v4 =	vadd.f32 v4, v9;
	[tilespmem:s29+$0x30] =	vst v1  }
0x38f: {  	v1 =	vld [tilespmem:s26+$0xFFFFFE80]  }
0x390: {  	v9 =	vld [tilespmem:s26+$0xFFFFFE90];
	v5 =	vadd.f32 v5, v11  }
0x391: {  	v11 =	vld [tilespmem:s26+$0xFFFFFEA0]  }
0x392: {  	v13 =	vld [tilespmem:s26+$0xFFFFFEB0];
	v8 =	vadd.f32 v8, v10  }
0x393: {  	v7 =	vadd.f32 v7, v12;
	v10 =	vld [tilespmem:s26+$0xFFFFFEC0]  }
0x394: {  	v12 =	vld [tilespmem:s26+$0xFFFFFED0]  }
0x395: {  	v1 =	vadd.f32 v1, v7;
	v2 =	vadd.f32 v9, v2;
	v7 =	vld [tilespmem:s26+$0xFFFFFEE0]  }
0x396: {  	v9 =	vld [tilespmem:s26+$0xFFFFFF00];
	v6 =	vadd.f32 v11, v6  }
0x397: {  	v11 =	vld [tilespmem:s26+$0xFFFFFF10];
	v3 =	vadd.f32 v13, v3  }
0x398: {  	v13 =	vld [tilespmem:s26+$0xFFFFFF20];
	v4 =	vadd.f32 v10, v4  }
0x399: {  	v10 =	vld [tilespmem:s26+$0xFFFFFF30];
	v5 =	vadd.f32 v12, v5  }
0x39a: {  	v12 =	vld [tilespmem:s26+$0xFFFFFF40];
	v7 =	vadd.f32 v7, v8  }
0x39b: {  	v1 =	vadd.f32 v9, v1;
	v8 =	vld [tilespmem:s26+$0xFFFFFF50]  }
0x39c: {  	v2 =	vadd.f32 v11, v2;
	v9 =	vld [tilespmem:s26+$0xFFFFFF60]  }
0x39d: {  	v11 =	vld [tilespmem:s26+$0xFFFFFF80];
	v6 =	vadd.f32 v13, v6  }
0x39e: {  	v13 =	vld [tilespmem:s26+$0xFFFFFF90];
	v3 =	vadd.f32 v10, v3  }
0x39f: {  	v10 =	vld [tilespmem:s26+$0xFFFFFFA0];
	v4 =	vadd.f32 v12, v4  }
0x3a0: {  	v12 =	vld [tilespmem:s26+$0xFFFFFFB0];
	v5 =	vadd.f32 v8, v5  }
0x3a1: {  	v8 =	vld [tilespmem:s26+$0xFFFFFFC0];
	v7 =	vadd.f32 v9, v7  }
0x3a2: {  	v1 =	vadd.f32 v11, v1;
	v9 =	vld [tilespmem:s26+$0xFFFFFFD0]  }
0x3a3: {  	v2 =	vadd.f32 v13, v2;
	v11 =	vld [tilespmem:s26+$0xFFFFFFE0]  }
0x3a4: {  	v13 =	vld [tilespmem:s26+$0x0];
	v6 =	vadd.f32 v10, v6  }
0x3a5: {  	v10 =	vld [tilespmem:s26+$0x10];
	v3 =	vadd.f32 v12, v3  }
0x3a6: {  	v12 =	vld [tilespmem:s26+$0x20];
	v4 =	vadd.f32 v8, v4  }
0x3a7: {  	v8 =	vld [tilespmem:s26+$0x30];
	v5 =	vadd.f32 v9, v5  }
0x3a8: {  	v9 =	vld [tilespmem:s26+$0x40];
	v7 =	vadd.f32 v11, v7  }
0x3a9: {  	v1 =	vadd.f32 v13, v1;
	v11 =	vld [tilespmem:s26+$0x50]  }
0x3aa: {  	v2 =	vadd.f32 v10, v2;
	v10 =	vld [tilespmem:s26+$0x60]  }
0x3ab: {  	v13 =	vld [tilespmem:s26+$0x80];
	v6 =	vadd.f32 v12, v6  }
0x3ac: {  	v12 =	vld [tilespmem:s26+$0x90];
	v3 =	vadd.f32 v8, v3  }
0x3ad: {  	v8 =	vld [tilespmem:s26+$0xA0];
	v4 =	vadd.f32 v9, v4  }
0x3ae: {  	v9 =	vld [tilespmem:s26+$0xB0];
	v5 =	vadd.f32 v11, v5  }
0x3af: {  	v11 =	vld [tilespmem:s26+$0xC0];
	v7 =	vadd.f32 v10, v7  }
0x3b0: {  	v1 =	vadd.f32 v13, v1;
	v10 =	vld [tilespmem:s26+$0xD0]  }
0x3b1: {  	v2 =	vadd.f32 v12, v2;
	v12 =	vld [tilespmem:s26+$0xE0]  }
0x3b2: {  	v13 =	vld [tilespmem:s26+$0x100];
	v6 =	vadd.f32 v8, v6  }
0x3b3: {  	v8 =	vld [tilespmem:s26+$0x110];
	v3 =	vadd.f32 v9, v3  }
0x3b4: {  	v9 =	vld [tilespmem:s26+$0x120];
	v11 =	vadd.f32 v11, v4  }
0x3b5: {  	v4 =	vld [tilespmem:s26+$0x130];
	v10 =	vadd.f32 v10, v5  }
0x3b6: {  	v14 =	vld [tilespmem:s26+$0x140];
	v12 =	vadd.f32 v12, v7  }
0x3b7: {  	v13 =	vadd.f32 v13, v1;
	v1 =	vld [tilespmem:s26+$0x150]  }
0x3b8: {  	v15 =	vadd.f32 v8, v2;
	v8 =	vld [tilespmem:s26+$0x160]  }
0x3b9: {  	v16 =	vld [tilespmem:s26+$0x180];
	v5 =	vadd.f32 v9, v6  }
0x3ba: {  	v17 =	vld [tilespmem:s26+$0x190];
	v4 =	vadd.f32 v4, v3  }
.Ltmp6:
0x3bb: {  	v9 =	vld [tilespmem:s26+$0x1A0];
	v3 =	vadd.f32 v14, v11;
	(pc) =	sbr.rel @p0 .LBB2_14-.Ltmp6, $4  }
0x3bc: {  	v7 =	vld [tilespmem:s26+$0x1B0];
	v2 =	vadd.f32 v1, v10  }
0x3bd: {  	v6 =	vld [tilespmem:s26+$0x1C0];
	v1 =	vadd.f32 v8, v12  }
0x3be: {  	v12 =	vadd.f32 v16, v13;
	v8 =	vld [tilespmem:s26+$0x1D0]  }
0x3bf: {  	s29 =	sadd.s32 $0x80, s29;
	v11 =	vadd.f32 v17, v15;
	v10 =	vld [tilespmem:s26+$0x1E0]  }
0x3c0: {  	[tilespmem:s25+$0xFFFFFFC0] =	vst v12;
	v5 =	vadd.f32 v9, v5  }
0x3c1: {  	[tilespmem:s25+$0xFFFFFFD0] =	vst v11;
	v4 =	vadd.f32 v7, v4  }
0x3c2: {  	[tilespmem:s25+$0xFFFFFFE0] =	vst v5;
	v3 =	vadd.f32 v6, v3  }
0x3c3: {  	[tilespmem:s25+$0xFFFFFFF0] =	vst v4;
	v2 =	vadd.f32 v8, v2  }
0x3c4: {  	[tilespmem:s25+$0x0] =	vst v3;
	v1 =	vadd.f32 v10, v1  }
0x3c5: {  	[tilespmem:s25+$0x10] =	vst v2  }
0x3c6: {  	[tilespmem:s25+$0x20] =	vst v1  }
0x3c7: {  	[tilespmem:s17], [sflag:$0x2] =	stream.linear.gather [hbm4b:s10+s2], $0x8000, $0x38;
	[tilespmem:$0x11000] =	vst v63  }
0x3c8: {  	_ =	swait.ge [sflag:s18], $0x8000  }
0x3c9: {  	[sflag:s18] =	ssyncset.done $0x0  }
0x3ca: {  	s25 =	simm.s32 $0x10040;
	[sflag:s18] =	ssyncadd.s32 $0xFFFF8000  }
0x3cb: {  	s26 =	simm.s32 $0x200;
	v1 =	vld [tilespmem:s25+$0x30]  }
0x3cc: {  	v2 =	vld [tilespmem:s26+$0xFFFFFE70]  }
0x3cd: {  	v3 =	vld [tilespmem:s26+$0xFFFFFE00]  }
0x3ce: {  	v4 =	vld [tilespmem:s26+$0xFFFFFEF0]  }
0x3cf: {  	v5 =	vld [tilespmem:s25+$0xFFFFFFD0]  }
0x3d0: {  	v6 =	vld [tilespmem:s26+$0xFFFFFF70]  }
0x3d1: {  	v7 =	vld [tilespmem:s26+$0xFFFFFE10]  }
0x3d2: {  	v8 =	vld [tilespmem:s26+$0xFFFFFFF0]  }
0x3d3: {  	v9 =	vld [tilespmem:s25+$0xFFFFFFE0]  }
0x3d4: {  	v10 =	vld [tilespmem:s26+$0x70]  }
0x3d5: {  	v11 =	vld [tilespmem:s26+$0xFFFFFE20]  }
0x3d6: {  	v12 =	vld [tilespmem:s26+$0xF0]  }
0x3d7: {  	v13 =	vld [tilespmem:s25+$0xFFFFFFF0]  }
0x3d8: {  	v14 =	vld [tilespmem:s26+$0x170]  }
0x3d9: {  	v15 =	vld [tilespmem:s26+$0xFFFFFE30]  }
0x3da: {  	v16 =	vld [tilespmem:s26+$0x1F0]  }
0x3db: {  	v17 =	vld [tilespmem:s25+$0x0]  }
0x3dc: {  	v18 =	vld [tilespmem:s26+$0xFFFFFE40]  }
0x3dd: {  	v19 =	vld [tilespmem:s25+$0x10]  }
0x3de: {  	v20 =	vld [tilespmem:s26+$0xFFFFFE50]  }
0x3df: {  	v21 =	vld [tilespmem:s25+$0x20]  }
0x3e0: {  	v22 =	vld [tilespmem:s26+$0xFFFFFE60]  }
0x3e1: {  	v23 =	vld [tilespmem:s25+$0xFFFFFFC0]  }
0x3e2: {  	v24 =	vld [tilespmem:s26+$0xFFFFFE80]  }
0x3e3: {  	v25 =	vld [tilespmem:s26+$0xFFFFFE90]  }
0x3e4: {  	v26 =	vld [tilespmem:s26+$0xFFFFFEA0]  }
0x3e5: {  	v27 =	vld [tilespmem:s26+$0xFFFFFEB0]  }
0x3e6: {  	v28 =	vld [tilespmem:s26+$0xFFFFFEC0]  }
0x3e7: {  	v29 =	vld [tilespmem:s26+$0xFFFFFED0]  }
0x3e8: {  	v30 =	vld [tilespmem:s26+$0xFFFFFEE0]  }
0x3e9: {  	v31 =	vld [tilespmem:s26+$0xFFFFFF00]  }
0x3ea: {  	v32 =	vld [tilespmem:s26+$0xFFFFFF10]  }
0x3eb: {  	v33 =	vld [tilespmem:s26+$0xFFFFFF20]  }
0x3ec: {  	v34 =	vld [tilespmem:s26+$0xFFFFFF40]  }
0x3ed: {  	v35 =	vld [tilespmem:s26+$0xFFFFFF60]  }
0x3ee: {  	v36 =	vld [tilespmem:s26+$0xFFFFFF90]  }
0x3ef: {  	v37 =	vld [tilespmem:s26+$0xFFFFFFB0]  }
0x3f0: {  	v38 =	vld [tilespmem:s26+$0xFFFFFFD0]  }
0x3f1: {  	v39 =	vld [tilespmem:s26+$0x0]  }
0x3f2: {  	v49 =	vld [tilespmem:s26+$0x40]  }
0x3f3: {  	v52 =	vld [tilespmem:s26+$0x50]  }
0x3f4: {  	v53 =	vld [tilespmem:s26+$0x60]  }
0x3f5: {  	v54 =	vld [tilespmem:s26+$0x80];
	v1 =	vadd.f32 v2, v1  }
0x3f6: {  	v55 =	vld [tilespmem:s26+$0x90];
	v5 =	vadd.f32 v7, v5;
	v7 =	vadd.f32 v11, v9  }
0x3f7: {  	v56 =	vld [tilespmem:s26+$0xA0];
	v11 =	vadd.f32 v15, v13;
	v15 =	vadd.f32 v18, v17  }
0x3f8: {  	v57 =	vld [tilespmem:s26+$0xB0];
	v3 =	vadd.f32 v3, v23;
	v50 =	vadd.f32 v20, v19  }
0x3f9: {  	v59 =	vld [tilespmem:s26+$0xD0];
	v51 =	vadd.f32 v22, v21;
	v1 =	vadd.f32 v4, v1  }
0x3fa: {  	v60 =	vld [tilespmem:s26+$0x120];
	v3 =	vadd.f32 v24, v3;
	v5 =	vadd.f32 v25, v5  }
0x3fb: {  	v61 =	vld [tilespmem:s26+$0x160];
	v7 =	vadd.f32 v26, v7;
	v11 =	vadd.f32 v27, v11  }
0x3fc: {  	v2 =	vld [tilespmem:s26+$0xFFFFFF30];
	v15 =	vadd.f32 v28, v15;
	v1 =	vadd.f32 v6, v1  }
0x3fd: {  	v62 =	vld [tilespmem:s26+$0x180];
	v17 =	vadd.f32 v29, v50;
	v18 =	vadd.f32 v30, v51  }
0x3fe: {  	v4 =	vld [tilespmem:s26+$0xFFFFFF50];
	v3 =	vadd.f32 v31, v3;
	v1 =	vadd.f32 v8, v1  }
0x3ff: {  	v6 =	vld [tilespmem:s26+$0xFFFFFF80];
	v5 =	vadd.f32 v32, v5;
	v7 =	vadd.f32 v33, v7  }
0x400: {  	v58 =	vadd.f32 v35, v18;
	v8 =	vld [tilespmem:s26+$0xFFFFFFA0];
	v1 =	vadd.f32 v10, v1  }
0x401: {  	v9 =	vld [tilespmem:s26+$0x20];
	v2 =	vadd.f32 v2, v11;
	v11 =	vadd.f32 v34, v15  }
0x402: {  	v5 =	vadd.f32 v36, v5;
	v10 =	vld [tilespmem:s26+$0xFFFFFFC0];
	v1 =	vadd.f32 v12, v1  }
0x403: {  	v4 =	vadd.f32 v4, v17;
	v2 =	vadd.f32 v37, v2;
	v12 =	vld [tilespmem:s26+$0xFFFFFFE0]  }
0x404: {  	v15 =	vld [tilespmem:s26+$0xC0];
	v3 =	vadd.f32 v6, v3;
	v1 =	vadd.f32 v14, v1  }
0x405: {  	v4 =	vadd.f32 v38, v4;
	v7 =	vadd.f32 v8, v7;
	v14 =	vld [tilespmem:s26+$0x10]  }
0x406: {  	v3 =	vadd.f32 v39, v3;
	v13 =	vadd.f32 v16, v1;
	v1 =	vld [tilespmem:s26+$0x30]  }
0x407: {  	v8 =	vld [tilespmem:s26+$0x100];
	v4 =	vadd.f32 v52, v4;
	v7 =	vadd.f32 v9, v7  }
0x408: {  	v6 =	vld [tilespmem:s26+$0xE0];
	v10 =	vadd.f32 v10, v11;
	v12 =	vadd.f32 v12, v58  }
0x409: {  	v11 =	vld [tilespmem:s26+$0x110];
	v3 =	vadd.f32 v54, v3;
	v7 =	vadd.f32 v56, v7  }
0x40a: {  	v5 =	vadd.f32 v14, v5;
	v14 =	vld [tilespmem:s26+$0x130];
	v9 =	vadd.f32 v53, v12  }
0x40b: {  	v1 =	vadd.f32 v1, v2;
	v2 =	vadd.f32 v49, v10;
	v10 =	vld [tilespmem:s26+$0x140]  }
0x40c: {  	v21 =	vadd.f32 v8, v3;
	v12 =	vld [tilespmem:s26+$0x150];
	v5 =	vadd.f32 v55, v5  }
0x40d: {  	v63 =	vld [tilespmem:s26+$0x190];
	v20 =	vadd.f32 v6, v9;
	v1 =	vadd.f32 v57, v1  }
0x40e: {  	v9 =	vld [tilespmem:s26+$0x1A0];
	v2 =	vadd.f32 v15, v2;
	v15 =	vadd.f32 v59, v4  }
0x40f: {  	v11 =	vadd.f32 v11, v5;
	v5 =	vadd.f32 v60, v7;
	v7 =	vld [tilespmem:s26+$0x1B0]  }
0x410: {  	v6 =	vld [tilespmem:s26+$0x1C0];
	v4 =	vadd.f32 v14, v1;
	v3 =	vadd.f32 v10, v2  }
0x411: {  	v8 =	vld [tilespmem:s26+$0x1D0];
	v2 =	vadd.f32 v12, v15;
	v12 =	vadd.f32 v62, v21  }
0x412: {  	s28 =	simm.s32 $0x0;
	s29 =	simm.s32 $0x100C0;
	[tilespmem:s25+$0x30] =	vst v13;
	v1 =	vadd.f32 v61, v20;
	v11 =	vadd.f32 v63, v11;
	v10 =	vld [tilespmem:s26+$0x1E0]  }
.LBB2_16:
0x413: {  	v13 =	vld [tilespmem:s29+$0x30];
	[tilespmem:s25+$0xFFFFFFC0] =	vst v12;
	v5 =	vadd.f32 v9, v5;
	s26 =	sadd.s32 $0x400, s26  }
0x414: {  	s28 =	sadd.s32 $0x8, s28;
	v9 =	vld [tilespmem:s26+$0xFFFFFE70];
	[tilespmem:s25+$0xFFFFFFD0] =	vst v11;
	v4 =	vadd.f32 v7, v4  }
0x415: {  	p0 =	slt.u32 s28, $0xF8;
	v7 =	vld [tilespmem:s26+$0xFFFFFE00];
	[tilespmem:s25+$0xFFFFFFE0] =	vst v5;
	v3 =	vadd.f32 v6, v3  }
0x416: {  	v5 =	vld [tilespmem:s26+$0xFFFFFEF0];
	[tilespmem:s25+$0xFFFFFFF0] =	vst v4;
	v2 =	vadd.f32 v8, v2  }
0x417: {  	v4 =	vld [tilespmem:s29+$0xFFFFFFD0];
	[tilespmem:s25+$0x0] =	vst v3;
	v1 =	vadd.f32 v10, v1  }
0x418: {  	v3 =	vld [tilespmem:s26+$0xFFFFFF70];
	[tilespmem:s25+$0x10] =	vst v2  }
0x419: {  	v2 =	vld [tilespmem:s26+$0xFFFFFE10];
	v6 =	vadd.f32 v9, v13;
	[tilespmem:s25+$0x20] =	vst v1;
	s25 =	smov.u32 s29  }
0x41a: {  	v1 =	vld [tilespmem:s26+$0xFFFFFFF0]  }
0x41b: {  	v8 =	vld [tilespmem:s29+$0xFFFFFFE0];
	v5 =	vadd.f32 v5, v6  }
0x41c: {  	v6 =	vld [tilespmem:s26+$0x70]  }
0x41d: {  	v9 =	vld [tilespmem:s26+$0xFFFFFE20];
	v3 =	vadd.f32 v3, v5  }
0x41e: {  	v2 =	vadd.f32 v2, v4;
	v4 =	vld [tilespmem:s26+$0xF0]  }
0x41f: {  	v5 =	vld [tilespmem:s29+$0xFFFFFFF0];
	v1 =	vadd.f32 v1, v3  }
0x420: {  	v3 =	vld [tilespmem:s26+$0x170]  }
0x421: {  	v10 =	vld [tilespmem:s26+$0xFFFFFE30];
	v1 =	vadd.f32 v6, v1  }
0x422: {  	v6 =	vadd.f32 v9, v8;
	v8 =	vld [tilespmem:s26+$0x1F0]  }
0x423: {  	v9 =	vld [tilespmem:s29+$0x0];
	v1 =	vadd.f32 v4, v1  }
0x424: {  	v4 =	vld [tilespmem:s26+$0xFFFFFE40]  }
0x425: {  	v11 =	vld [tilespmem:s29+$0x10];
	v1 =	vadd.f32 v3, v1  }
0x426: {  	v3 =	vadd.f32 v10, v5;
	v5 =	vld [tilespmem:s26+$0xFFFFFE50]  }
0x427: {  	v10 =	vld [tilespmem:s29+$0x20];
	v1 =	vadd.f32 v8, v1  }
0x428: {  	v8 =	vld [tilespmem:s26+$0xFFFFFE60]  }
0x429: {  	v12 =	vld [tilespmem:s29+$0xFFFFFFC0];
	v4 =	vadd.f32 v4, v9;
	[tilespmem:s29+$0x30] =	vst v1  }
0x42a: {  	v1 =	vld [tilespmem:s26+$0xFFFFFE80]  }
0x42b: {  	v9 =	vld [tilespmem:s26+$0xFFFFFE90];
	v5 =	vadd.f32 v5, v11  }
0x42c: {  	v11 =	vld [tilespmem:s26+$0xFFFFFEA0]  }
0x42d: {  	v13 =	vld [tilespmem:s26+$0xFFFFFEB0];
	v8 =	vadd.f32 v8, v10  }
0x42e: {  	v7 =	vadd.f32 v7, v12;
	v10 =	vld [tilespmem:s26+$0xFFFFFEC0]  }
0x42f: {  	v12 =	vld [tilespmem:s26+$0xFFFFFED0]  }
0x430: {  	v1 =	vadd.f32 v1, v7;
	v2 =	vadd.f32 v9, v2;
	v7 =	vld [tilespmem:s26+$0xFFFFFEE0]  }
0x431: {  	v9 =	vld [tilespmem:s26+$0xFFFFFF00];
	v6 =	vadd.f32 v11, v6  }
0x432: {  	v11 =	vld [tilespmem:s26+$0xFFFFFF10];
	v3 =	vadd.f32 v13, v3  }
0x433: {  	v13 =	vld [tilespmem:s26+$0xFFFFFF20];
	v4 =	vadd.f32 v10, v4  }
0x434: {  	v10 =	vld [tilespmem:s26+$0xFFFFFF30];
	v5 =	vadd.f32 v12, v5  }
0x435: {  	v12 =	vld [tilespmem:s26+$0xFFFFFF40];
	v7 =	vadd.f32 v7, v8  }
0x436: {  	v1 =	vadd.f32 v9, v1;
	v8 =	vld [tilespmem:s26+$0xFFFFFF50]  }
0x437: {  	v2 =	vadd.f32 v11, v2;
	v9 =	vld [tilespmem:s26+$0xFFFFFF60]  }
0x438: {  	v11 =	vld [tilespmem:s26+$0xFFFFFF80];
	v6 =	vadd.f32 v13, v6  }
0x439: {  	v13 =	vld [tilespmem:s26+$0xFFFFFF90];
	v3 =	vadd.f32 v10, v3  }
0x43a: {  	v10 =	vld [tilespmem:s26+$0xFFFFFFA0];
	v4 =	vadd.f32 v12, v4  }
0x43b: {  	v12 =	vld [tilespmem:s26+$0xFFFFFFB0];
	v5 =	vadd.f32 v8, v5  }
0x43c: {  	v8 =	vld [tilespmem:s26+$0xFFFFFFC0];
	v7 =	vadd.f32 v9, v7  }
0x43d: {  	v1 =	vadd.f32 v11, v1;
	v9 =	vld [tilespmem:s26+$0xFFFFFFD0]  }
0x43e: {  	v2 =	vadd.f32 v13, v2;
	v11 =	vld [tilespmem:s26+$0xFFFFFFE0]  }
0x43f: {  	v13 =	vld [tilespmem:s26+$0x0];
	v6 =	vadd.f32 v10, v6  }
0x440: {  	v10 =	vld [tilespmem:s26+$0x10];
	v3 =	vadd.f32 v12, v3  }
0x441: {  	v12 =	vld [tilespmem:s26+$0x20];
	v4 =	vadd.f32 v8, v4  }
0x442: {  	v8 =	vld [tilespmem:s26+$0x30];
	v5 =	vadd.f32 v9, v5  }
0x443: {  	v9 =	vld [tilespmem:s26+$0x40];
	v7 =	vadd.f32 v11, v7  }
0x444: {  	v1 =	vadd.f32 v13, v1;
	v11 =	vld [tilespmem:s26+$0x50]  }
0x445: {  	v2 =	vadd.f32 v10, v2;
	v10 =	vld [tilespmem:s26+$0x60]  }
0x446: {  	v13 =	vld [tilespmem:s26+$0x80];
	v6 =	vadd.f32 v12, v6  }
0x447: {  	v12 =	vld [tilespmem:s26+$0x90];
	v3 =	vadd.f32 v8, v3  }
0x448: {  	v8 =	vld [tilespmem:s26+$0xA0];
	v4 =	vadd.f32 v9, v4  }
0x449: {  	v9 =	vld [tilespmem:s26+$0xB0];
	v5 =	vadd.f32 v11, v5  }
0x44a: {  	v11 =	vld [tilespmem:s26+$0xC0];
	v7 =	vadd.f32 v10, v7  }
0x44b: {  	v1 =	vadd.f32 v13, v1;
	v10 =	vld [tilespmem:s26+$0xD0]  }
0x44c: {  	v2 =	vadd.f32 v12, v2;
	v12 =	vld [tilespmem:s26+$0xE0]  }
0x44d: {  	v13 =	vld [tilespmem:s26+$0x100];
	v6 =	vadd.f32 v8, v6  }
0x44e: {  	v8 =	vld [tilespmem:s26+$0x110];
	v3 =	vadd.f32 v9, v3  }
0x44f: {  	v9 =	vld [tilespmem:s26+$0x120];
	v11 =	vadd.f32 v11, v4  }
0x450: {  	v4 =	vld [tilespmem:s26+$0x130];
	v10 =	vadd.f32 v10, v5  }
0x451: {  	v14 =	vld [tilespmem:s26+$0x140];
	v12 =	vadd.f32 v12, v7  }
0x452: {  	v13 =	vadd.f32 v13, v1;
	v1 =	vld [tilespmem:s26+$0x150]  }
0x453: {  	v15 =	vadd.f32 v8, v2;
	v8 =	vld [tilespmem:s26+$0x160]  }
0x454: {  	v16 =	vld [tilespmem:s26+$0x180];
	v5 =	vadd.f32 v9, v6  }
0x455: {  	v17 =	vld [tilespmem:s26+$0x190];
	v4 =	vadd.f32 v4, v3  }
.Ltmp7:
0x456: {  	v9 =	vld [tilespmem:s26+$0x1A0];
	v3 =	vadd.f32 v14, v11;
	(pc) =	sbr.rel @p0 .LBB2_16-.Ltmp7, $4  }
0x457: {  	v7 =	vld [tilespmem:s26+$0x1B0];
	v2 =	vadd.f32 v1, v10  }
0x458: {  	v6 =	vld [tilespmem:s26+$0x1C0];
	v1 =	vadd.f32 v8, v12  }
0x459: {  	v12 =	vadd.f32 v16, v13;
	v8 =	vld [tilespmem:s26+$0x1D0]  }
0x45a: {  	s29 =	sadd.s32 $0x80, s29;
	v11 =	vadd.f32 v17, v15;
	v10 =	vld [tilespmem:s26+$0x1E0]  }
0x45b: {  	[tilespmem:s25+$0xFFFFFFC0] =	vst v12;
	v5 =	vadd.f32 v9, v5  }
0x45c: {  	[tilespmem:s25+$0xFFFFFFD0] =	vst v11;
	v4 =	vadd.f32 v7, v4  }
0x45d: {  	[tilespmem:s25+$0xFFFFFFE0] =	vst v5;
	v3 =	vadd.f32 v6, v3  }
0x45e: {  	[tilespmem:s25+$0xFFFFFFF0] =	vst v4;
	v2 =	vadd.f32 v8, v2  }
0x45f: {  	[tilespmem:s25+$0x0] =	vst v3;
	v1 =	vadd.f32 v10, v1  }
0x460: {  	[tilespmem:s25+$0x10] =	vst v2  }
0x461: {  	[tilespmem:s25+$0x20] =	vst v1  }
0x462: {  	[tilespmem:s2], [sflag:$0x1] =	stream.linear.gather [hbm4b:s11+s2], $0x8000, $0x38;
	[tilespmem:$0x11000] =	vst v63  }
0x463: {  	_ =	swait.ge [sflag:s19], $0x8000  }
0x464: {  	[sflag:s19] =	ssyncset.done $0x0  }
0x465: {  	s25 =	simm.s32 $0x10040;
	[sflag:s19] =	ssyncadd.s32 $0xFFFF8000  }
0x466: {  	s26 =	simm.s32 $0x8200;
	v1 =	vld [tilespmem:s25+$0x30]  }
0x467: {  	v2 =	vld [tilespmem:s26+$0xFFFFFE70]  }
0x468: {  	v3 =	vld [tilespmem:s26+$0xFFFFFE00]  }
0x469: {  	v4 =	vld [tilespmem:s26+$0xFFFFFEF0]  }
0x46a: {  	v5 =	vld [tilespmem:s25+$0xFFFFFFD0]  }
0x46b: {  	v6 =	vld [tilespmem:s26+$0xFFFFFF70]  }
0x46c: {  	v7 =	vld [tilespmem:s26+$0xFFFFFE10]  }
0x46d: {  	v8 =	vld [tilespmem:s26+$0xFFFFFFF0]  }
0x46e: {  	v9 =	vld [tilespmem:s25+$0xFFFFFFE0]  }
0x46f: {  	v10 =	vld [tilespmem:s26+$0x70]  }
0x470: {  	v11 =	vld [tilespmem:s26+$0xFFFFFE20]  }
0x471: {  	v12 =	vld [tilespmem:s26+$0xF0]  }
0x472: {  	v13 =	vld [tilespmem:s25+$0xFFFFFFF0]  }
0x473: {  	v14 =	vld [tilespmem:s26+$0x170]  }
0x474: {  	v15 =	vld [tilespmem:s26+$0xFFFFFE30]  }
0x475: {  	v16 =	vld [tilespmem:s26+$0x1F0]  }
0x476: {  	v17 =	vld [tilespmem:s25+$0x0]  }
0x477: {  	v18 =	vld [tilespmem:s26+$0xFFFFFE40]  }
0x478: {  	v19 =	vld [tilespmem:s25+$0x10]  }
0x479: {  	v20 =	vld [tilespmem:s26+$0xFFFFFE50]  }
0x47a: {  	v21 =	vld [tilespmem:s25+$0x20]  }
0x47b: {  	v22 =	vld [tilespmem:s26+$0xFFFFFE60]  }
0x47c: {  	v23 =	vld [tilespmem:s25+$0xFFFFFFC0]  }
0x47d: {  	v24 =	vld [tilespmem:s26+$0xFFFFFE80]  }
0x47e: {  	v25 =	vld [tilespmem:s26+$0xFFFFFE90]  }
0x47f: {  	v26 =	vld [tilespmem:s26+$0xFFFFFEA0]  }
0x480: {  	v27 =	vld [tilespmem:s26+$0xFFFFFEB0]  }
0x481: {  	v28 =	vld [tilespmem:s26+$0xFFFFFEC0]  }
0x482: {  	v29 =	vld [tilespmem:s26+$0xFFFFFED0]  }
0x483: {  	v30 =	vld [tilespmem:s26+$0xFFFFFEE0]  }
0x484: {  	v31 =	vld [tilespmem:s26+$0xFFFFFF00]  }
0x485: {  	v32 =	vld [tilespmem:s26+$0xFFFFFF10]  }
0x486: {  	v33 =	vld [tilespmem:s26+$0xFFFFFF20]  }
0x487: {  	v34 =	vld [tilespmem:s26+$0xFFFFFF40]  }
0x488: {  	v35 =	vld [tilespmem:s26+$0xFFFFFF60]  }
0x489: {  	v36 =	vld [tilespmem:s26+$0xFFFFFF90]  }
0x48a: {  	v37 =	vld [tilespmem:s26+$0xFFFFFFB0]  }
0x48b: {  	v38 =	vld [tilespmem:s26+$0xFFFFFFD0]  }
0x48c: {  	v39 =	vld [tilespmem:s26+$0x0]  }
0x48d: {  	v49 =	vld [tilespmem:s26+$0x40]  }
0x48e: {  	v52 =	vld [tilespmem:s26+$0x50]  }
0x48f: {  	v53 =	vld [tilespmem:s26+$0x60]  }
0x490: {  	v54 =	vld [tilespmem:s26+$0x80];
	v1 =	vadd.f32 v2, v1  }
0x491: {  	v55 =	vld [tilespmem:s26+$0x90];
	v5 =	vadd.f32 v7, v5;
	v7 =	vadd.f32 v11, v9  }
0x492: {  	v56 =	vld [tilespmem:s26+$0xA0];
	v11 =	vadd.f32 v15, v13;
	v15 =	vadd.f32 v18, v17  }
0x493: {  	v57 =	vld [tilespmem:s26+$0xB0];
	v3 =	vadd.f32 v3, v23;
	v50 =	vadd.f32 v20, v19  }
0x494: {  	v59 =	vld [tilespmem:s26+$0xD0];
	v51 =	vadd.f32 v22, v21;
	v1 =	vadd.f32 v4, v1  }
0x495: {  	v60 =	vld [tilespmem:s26+$0x120];
	v3 =	vadd.f32 v24, v3;
	v5 =	vadd.f32 v25, v5  }
0x496: {  	v61 =	vld [tilespmem:s26+$0x160];
	v7 =	vadd.f32 v26, v7;
	v11 =	vadd.f32 v27, v11  }
0x497: {  	v2 =	vld [tilespmem:s26+$0xFFFFFF30];
	v15 =	vadd.f32 v28, v15;
	v1 =	vadd.f32 v6, v1  }
0x498: {  	v62 =	vld [tilespmem:s26+$0x180];
	v17 =	vadd.f32 v29, v50;
	v18 =	vadd.f32 v30, v51  }
0x499: {  	v4 =	vld [tilespmem:s26+$0xFFFFFF50];
	v3 =	vadd.f32 v31, v3;
	v1 =	vadd.f32 v8, v1  }
0x49a: {  	v6 =	vld [tilespmem:s26+$0xFFFFFF80];
	v5 =	vadd.f32 v32, v5;
	v7 =	vadd.f32 v33, v7  }
0x49b: {  	v58 =	vadd.f32 v35, v18;
	v8 =	vld [tilespmem:s26+$0xFFFFFFA0];
	v1 =	vadd.f32 v10, v1  }
0x49c: {  	v9 =	vld [tilespmem:s26+$0x20];
	v2 =	vadd.f32 v2, v11;
	v11 =	vadd.f32 v34, v15  }
0x49d: {  	v5 =	vadd.f32 v36, v5;
	v10 =	vld [tilespmem:s26+$0xFFFFFFC0];
	v1 =	vadd.f32 v12, v1  }
0x49e: {  	v4 =	vadd.f32 v4, v17;
	v2 =	vadd.f32 v37, v2;
	v12 =	vld [tilespmem:s26+$0xFFFFFFE0]  }
0x49f: {  	v15 =	vld [tilespmem:s26+$0xC0];
	v3 =	vadd.f32 v6, v3;
	v1 =	vadd.f32 v14, v1  }
0x4a0: {  	v4 =	vadd.f32 v38, v4;
	v7 =	vadd.f32 v8, v7;
	v14 =	vld [tilespmem:s26+$0x10]  }
0x4a1: {  	v3 =	vadd.f32 v39, v3;
	v13 =	vadd.f32 v16, v1;
	v1 =	vld [tilespmem:s26+$0x30]  }
0x4a2: {  	v8 =	vld [tilespmem:s26+$0x100];
	v4 =	vadd.f32 v52, v4;
	v7 =	vadd.f32 v9, v7  }
0x4a3: {  	v6 =	vld [tilespmem:s26+$0xE0];
	v10 =	vadd.f32 v10, v11;
	v12 =	vadd.f32 v12, v58  }
0x4a4: {  	v11 =	vld [tilespmem:s26+$0x110];
	v3 =	vadd.f32 v54, v3;
	v7 =	vadd.f32 v56, v7  }
0x4a5: {  	v5 =	vadd.f32 v14, v5;
	v14 =	vld [tilespmem:s26+$0x130];
	v9 =	vadd.f32 v53, v12  }
0x4a6: {  	v1 =	vadd.f32 v1, v2;
	v2 =	vadd.f32 v49, v10;
	v10 =	vld [tilespmem:s26+$0x140]  }
0x4a7: {  	v21 =	vadd.f32 v8, v3;
	v12 =	vld [tilespmem:s26+$0x150];
	v5 =	vadd.f32 v55, v5  }
0x4a8: {  	v63 =	vld [tilespmem:s26+$0x190];
	v20 =	vadd.f32 v6, v9;
	v1 =	vadd.f32 v57, v1  }
0x4a9: {  	v9 =	vld [tilespmem:s26+$0x1A0];
	v2 =	vadd.f32 v15, v2;
	v15 =	vadd.f32 v59, v4  }
0x4aa: {  	v11 =	vadd.f32 v11, v5;
	v5 =	vadd.f32 v60, v7;
	v7 =	vld [tilespmem:s26+$0x1B0]  }
0x4ab: {  	v6 =	vld [tilespmem:s26+$0x1C0];
	v4 =	vadd.f32 v14, v1;
	v3 =	vadd.f32 v10, v2  }
0x4ac: {  	v8 =	vld [tilespmem:s26+$0x1D0];
	v2 =	vadd.f32 v12, v15;
	v12 =	vadd.f32 v62, v21  }
0x4ad: {  	s28 =	simm.s32 $0x0;
	s29 =	simm.s32 $0x100C0;
	[tilespmem:s25+$0x30] =	vst v13;
	v1 =	vadd.f32 v61, v20;
	v11 =	vadd.f32 v63, v11;
	v10 =	vld [tilespmem:s26+$0x1E0]  }
.LBB2_18:
0x4ae: {  	v13 =	vld [tilespmem:s29+$0x30];
	[tilespmem:s25+$0xFFFFFFC0] =	vst v12;
	v5 =	vadd.f32 v9, v5;
	s26 =	sadd.s32 $0x400, s26  }
0x4af: {  	s28 =	sadd.s32 $0x8, s28;
	v9 =	vld [tilespmem:s26+$0xFFFFFE70];
	[tilespmem:s25+$0xFFFFFFD0] =	vst v11;
	v4 =	vadd.f32 v7, v4  }
0x4b0: {  	p0 =	slt.u32 s28, $0xF8;
	v7 =	vld [tilespmem:s26+$0xFFFFFE00];
	[tilespmem:s25+$0xFFFFFFE0] =	vst v5;
	v3 =	vadd.f32 v6, v3  }
0x4b1: {  	v5 =	vld [tilespmem:s26+$0xFFFFFEF0];
	[tilespmem:s25+$0xFFFFFFF0] =	vst v4;
	v2 =	vadd.f32 v8, v2  }
0x4b2: {  	v4 =	vld [tilespmem:s29+$0xFFFFFFD0];
	[tilespmem:s25+$0x0] =	vst v3;
	v1 =	vadd.f32 v10, v1  }
0x4b3: {  	v3 =	vld [tilespmem:s26+$0xFFFFFF70];
	[tilespmem:s25+$0x10] =	vst v2  }
0x4b4: {  	v2 =	vld [tilespmem:s26+$0xFFFFFE10];
	v6 =	vadd.f32 v9, v13;
	[tilespmem:s25+$0x20] =	vst v1;
	s25 =	smov.u32 s29  }
0x4b5: {  	v1 =	vld [tilespmem:s26+$0xFFFFFFF0]  }
0x4b6: {  	v8 =	vld [tilespmem:s29+$0xFFFFFFE0];
	v5 =	vadd.f32 v5, v6  }
0x4b7: {  	v6 =	vld [tilespmem:s26+$0x70]  }
0x4b8: {  	v9 =	vld [tilespmem:s26+$0xFFFFFE20];
	v3 =	vadd.f32 v3, v5  }
0x4b9: {  	v2 =	vadd.f32 v2, v4;
	v4 =	vld [tilespmem:s26+$0xF0]  }
0x4ba: {  	v5 =	vld [tilespmem:s29+$0xFFFFFFF0];
	v1 =	vadd.f32 v1, v3  }
0x4bb: {  	v3 =	vld [tilespmem:s26+$0x170]  }
0x4bc: {  	v10 =	vld [tilespmem:s26+$0xFFFFFE30];
	v1 =	vadd.f32 v6, v1  }
0x4bd: {  	v6 =	vadd.f32 v9, v8;
	v8 =	vld [tilespmem:s26+$0x1F0]  }
0x4be: {  	v9 =	vld [tilespmem:s29+$0x0];
	v1 =	vadd.f32 v4, v1  }
0x4bf: {  	v4 =	vld [tilespmem:s26+$0xFFFFFE40]  }
0x4c0: {  	v11 =	vld [tilespmem:s29+$0x10];
	v1 =	vadd.f32 v3, v1  }
0x4c1: {  	v3 =	vadd.f32 v10, v5;
	v5 =	vld [tilespmem:s26+$0xFFFFFE50]  }
0x4c2: {  	v10 =	vld [tilespmem:s29+$0x20];
	v1 =	vadd.f32 v8, v1  }
0x4c3: {  	v8 =	vld [tilespmem:s26+$0xFFFFFE60]  }
0x4c4: {  	v12 =	vld [tilespmem:s29+$0xFFFFFFC0];
	v4 =	vadd.f32 v4, v9;
	[tilespmem:s29+$0x30] =	vst v1  }
0x4c5: {  	v1 =	vld [tilespmem:s26+$0xFFFFFE80]  }
0x4c6: {  	v9 =	vld [tilespmem:s26+$0xFFFFFE90];
	v5 =	vadd.f32 v5, v11  }
0x4c7: {  	v11 =	vld [tilespmem:s26+$0xFFFFFEA0]  }
0x4c8: {  	v13 =	vld [tilespmem:s26+$0xFFFFFEB0];
	v8 =	vadd.f32 v8, v10  }
0x4c9: {  	v7 =	vadd.f32 v7, v12;
	v10 =	vld [tilespmem:s26+$0xFFFFFEC0]  }
0x4ca: {  	v12 =	vld [tilespmem:s26+$0xFFFFFED0]  }
0x4cb: {  	v1 =	vadd.f32 v1, v7;
	v2 =	vadd.f32 v9, v2;
	v7 =	vld [tilespmem:s26+$0xFFFFFEE0]  }
0x4cc: {  	v9 =	vld [tilespmem:s26+$0xFFFFFF00];
	v6 =	vadd.f32 v11, v6  }
0x4cd: {  	v11 =	vld [tilespmem:s26+$0xFFFFFF10];
	v3 =	vadd.f32 v13, v3  }
0x4ce: {  	v13 =	vld [tilespmem:s26+$0xFFFFFF20];
	v4 =	vadd.f32 v10, v4  }
0x4cf: {  	v10 =	vld [tilespmem:s26+$0xFFFFFF30];
	v5 =	vadd.f32 v12, v5  }
0x4d0: {  	v12 =	vld [tilespmem:s26+$0xFFFFFF40];
	v7 =	vadd.f32 v7, v8  }
0x4d1: {  	v1 =	vadd.f32 v9, v1;
	v8 =	vld [tilespmem:s26+$0xFFFFFF50]  }
0x4d2: {  	v2 =	vadd.f32 v11, v2;
	v9 =	vld [tilespmem:s26+$0xFFFFFF60]  }
0x4d3: {  	v11 =	vld [tilespmem:s26+$0xFFFFFF80];
	v6 =	vadd.f32 v13, v6  }
0x4d4: {  	v13 =	vld [tilespmem:s26+$0xFFFFFF90];
	v3 =	vadd.f32 v10, v3  }
0x4d5: {  	v10 =	vld [tilespmem:s26+$0xFFFFFFA0];
	v4 =	vadd.f32 v12, v4  }
0x4d6: {  	v12 =	vld [tilespmem:s26+$0xFFFFFFB0];
	v5 =	vadd.f32 v8, v5  }
0x4d7: {  	v8 =	vld [tilespmem:s26+$0xFFFFFFC0];
	v7 =	vadd.f32 v9, v7  }
0x4d8: {  	v1 =	vadd.f32 v11, v1;
	v9 =	vld [tilespmem:s26+$0xFFFFFFD0]  }
0x4d9: {  	v2 =	vadd.f32 v13, v2;
	v11 =	vld [tilespmem:s26+$0xFFFFFFE0]  }
0x4da: {  	v13 =	vld [tilespmem:s26+$0x0];
	v6 =	vadd.f32 v10, v6  }
0x4db: {  	v10 =	vld [tilespmem:s26+$0x10];
	v3 =	vadd.f32 v12, v3  }
0x4dc: {  	v12 =	vld [tilespmem:s26+$0x20];
	v4 =	vadd.f32 v8, v4  }
0x4dd: {  	v8 =	vld [tilespmem:s26+$0x30];
	v5 =	vadd.f32 v9, v5  }
0x4de: {  	v9 =	vld [tilespmem:s26+$0x40];
	v7 =	vadd.f32 v11, v7  }
0x4df: {  	v1 =	vadd.f32 v13, v1;
	v11 =	vld [tilespmem:s26+$0x50]  }
0x4e0: {  	v2 =	vadd.f32 v10, v2;
	v10 =	vld [tilespmem:s26+$0x60]  }
0x4e1: {  	v13 =	vld [tilespmem:s26+$0x80];
	v6 =	vadd.f32 v12, v6  }
0x4e2: {  	v12 =	vld [tilespmem:s26+$0x90];
	v3 =	vadd.f32 v8, v3  }
0x4e3: {  	v8 =	vld [tilespmem:s26+$0xA0];
	v4 =	vadd.f32 v9, v4  }
0x4e4: {  	v9 =	vld [tilespmem:s26+$0xB0];
	v5 =	vadd.f32 v11, v5  }
0x4e5: {  	v11 =	vld [tilespmem:s26+$0xC0];
	v7 =	vadd.f32 v10, v7  }
0x4e6: {  	v1 =	vadd.f32 v13, v1;
	v10 =	vld [tilespmem:s26+$0xD0]  }
0x4e7: {  	v2 =	vadd.f32 v12, v2;
	v12 =	vld [tilespmem:s26+$0xE0]  }
0x4e8: {  	v13 =	vld [tilespmem:s26+$0x100];
	v6 =	vadd.f32 v8, v6  }
0x4e9: {  	v8 =	vld [tilespmem:s26+$0x110];
	v3 =	vadd.f32 v9, v3  }
0x4ea: {  	v9 =	vld [tilespmem:s26+$0x120];
	v11 =	vadd.f32 v11, v4  }
0x4eb: {  	v4 =	vld [tilespmem:s26+$0x130];
	v10 =	vadd.f32 v10, v5  }
0x4ec: {  	v14 =	vld [tilespmem:s26+$0x140];
	v12 =	vadd.f32 v12, v7  }
0x4ed: {  	v13 =	vadd.f32 v13, v1;
	v1 =	vld [tilespmem:s26+$0x150]  }
0x4ee: {  	v15 =	vadd.f32 v8, v2;
	v8 =	vld [tilespmem:s26+$0x160]  }
0x4ef: {  	v16 =	vld [tilespmem:s26+$0x180];
	v5 =	vadd.f32 v9, v6  }
0x4f0: {  	v17 =	vld [tilespmem:s26+$0x190];
	v4 =	vadd.f32 v4, v3  }
.Ltmp8:
0x4f1: {  	v9 =	vld [tilespmem:s26+$0x1A0];
	v3 =	vadd.f32 v14, v11;
	(pc) =	sbr.rel @p0 .LBB2_18-.Ltmp8, $4  }
0x4f2: {  	v7 =	vld [tilespmem:s26+$0x1B0];
	v2 =	vadd.f32 v1, v10  }
0x4f3: {  	v6 =	vld [tilespmem:s26+$0x1C0];
	v1 =	vadd.f32 v8, v12  }
0x4f4: {  	v12 =	vadd.f32 v16, v13;
	v8 =	vld [tilespmem:s26+$0x1D0]  }
0x4f5: {  	s29 =	sadd.s32 $0x80, s29;
	v11 =	vadd.f32 v17, v15;
	v10 =	vld [tilespmem:s26+$0x1E0]  }
0x4f6: {  	[tilespmem:s25+$0xFFFFFFC0] =	vst v12;
	v5 =	vadd.f32 v9, v5  }
0x4f7: {  	[tilespmem:s25+$0xFFFFFFD0] =	vst v11;
	v4 =	vadd.f32 v7, v4  }
0x4f8: {  	[tilespmem:s25+$0xFFFFFFE0] =	vst v5;
	v3 =	vadd.f32 v6, v3  }
0x4f9: {  	[tilespmem:s25+$0xFFFFFFF0] =	vst v4;
	v2 =	vadd.f32 v8, v2  }
0x4fa: {  	[tilespmem:s25+$0x0] =	vst v3;
	v1 =	vadd.f32 v10, v1  }
0x4fb: {  	[tilespmem:s25+$0x10] =	vst v2  }
0x4fc: {  	[tilespmem:s25+$0x20] =	vst v1  }
0x4fd: {  	[tilespmem:s17], [sflag:$0x2] =	stream.linear.gather [hbm4b:s12+s2], $0x8000, $0x38;
	[tilespmem:$0x11000] =	vst v63  }
0x4fe: {  	_ =	swait.ge [sflag:s18], $0x8000  }
0x4ff: {  	[sflag:s18] =	ssyncset.done $0x0  }
0x500: {  	s25 =	simm.s32 $0x10040;
	[sflag:s18] =	ssyncadd.s32 $0xFFFF8000  }
0x501: {  	s26 =	simm.s32 $0x200;
	v1 =	vld [tilespmem:s25+$0x30]  }
0x502: {  	v2 =	vld [tilespmem:s26+$0xFFFFFE70]  }
0x503: {  	v3 =	vld [tilespmem:s26+$0xFFFFFE00]  }
0x504: {  	v4 =	vld [tilespmem:s26+$0xFFFFFEF0]  }
0x505: {  	v5 =	vld [tilespmem:s25+$0xFFFFFFD0]  }
0x506: {  	v6 =	vld [tilespmem:s26+$0xFFFFFF70]  }
0x507: {  	v7 =	vld [tilespmem:s26+$0xFFFFFE10]  }
0x508: {  	v8 =	vld [tilespmem:s26+$0xFFFFFFF0]  }
0x509: {  	v9 =	vld [tilespmem:s25+$0xFFFFFFE0]  }
0x50a: {  	v10 =	vld [tilespmem:s26+$0x70]  }
0x50b: {  	v11 =	vld [tilespmem:s26+$0xFFFFFE20]  }
0x50c: {  	v12 =	vld [tilespmem:s26+$0xF0]  }
0x50d: {  	v13 =	vld [tilespmem:s25+$0xFFFFFFF0]  }
0x50e: {  	v14 =	vld [tilespmem:s26+$0x170]  }
0x50f: {  	v15 =	vld [tilespmem:s26+$0xFFFFFE30]  }
0x510: {  	v16 =	vld [tilespmem:s26+$0x1F0]  }
0x511: {  	v17 =	vld [tilespmem:s25+$0x0]  }
0x512: {  	v18 =	vld [tilespmem:s26+$0xFFFFFE40]  }
0x513: {  	v19 =	vld [tilespmem:s25+$0x10]  }
0x514: {  	v20 =	vld [tilespmem:s26+$0xFFFFFE50]  }
0x515: {  	v21 =	vld [tilespmem:s25+$0x20]  }
0x516: {  	v22 =	vld [tilespmem:s26+$0xFFFFFE60]  }
0x517: {  	v23 =	vld [tilespmem:s25+$0xFFFFFFC0]  }
0x518: {  	v24 =	vld [tilespmem:s26+$0xFFFFFE80]  }
0x519: {  	v25 =	vld [tilespmem:s26+$0xFFFFFE90]  }
0x51a: {  	v26 =	vld [tilespmem:s26+$0xFFFFFEA0]  }
0x51b: {  	v27 =	vld [tilespmem:s26+$0xFFFFFEB0]  }
0x51c: {  	v28 =	vld [tilespmem:s26+$0xFFFFFEC0]  }
0x51d: {  	v29 =	vld [tilespmem:s26+$0xFFFFFED0]  }
0x51e: {  	v30 =	vld [tilespmem:s26+$0xFFFFFEE0]  }
0x51f: {  	v31 =	vld [tilespmem:s26+$0xFFFFFF00]  }
0x520: {  	v32 =	vld [tilespmem:s26+$0xFFFFFF10]  }
0x521: {  	v33 =	vld [tilespmem:s26+$0xFFFFFF20]  }
0x522: {  	v34 =	vld [tilespmem:s26+$0xFFFFFF40]  }
0x523: {  	v35 =	vld [tilespmem:s26+$0xFFFFFF60]  }
0x524: {  	v36 =	vld [tilespmem:s26+$0xFFFFFF90]  }
0x525: {  	v37 =	vld [tilespmem:s26+$0xFFFFFFB0]  }
0x526: {  	v38 =	vld [tilespmem:s26+$0xFFFFFFD0]  }
0x527: {  	v39 =	vld [tilespmem:s26+$0x0]  }
0x528: {  	v49 =	vld [tilespmem:s26+$0x40]  }
0x529: {  	v52 =	vld [tilespmem:s26+$0x50]  }
0x52a: {  	v53 =	vld [tilespmem:s26+$0x60]  }
0x52b: {  	v54 =	vld [tilespmem:s26+$0x80];
	v1 =	vadd.f32 v2, v1  }
0x52c: {  	v55 =	vld [tilespmem:s26+$0x90];
	v5 =	vadd.f32 v7, v5;
	v7 =	vadd.f32 v11, v9  }
0x52d: {  	v56 =	vld [tilespmem:s26+$0xA0];
	v11 =	vadd.f32 v15, v13;
	v15 =	vadd.f32 v18, v17  }
0x52e: {  	v57 =	vld [tilespmem:s26+$0xB0];
	v3 =	vadd.f32 v3, v23;
	v50 =	vadd.f32 v20, v19  }
0x52f: {  	v59 =	vld [tilespmem:s26+$0xD0];
	v51 =	vadd.f32 v22, v21;
	v1 =	vadd.f32 v4, v1  }
0x530: {  	v60 =	vld [tilespmem:s26+$0x120];
	v3 =	vadd.f32 v24, v3;
	v5 =	vadd.f32 v25, v5  }
0x531: {  	v61 =	vld [tilespmem:s26+$0x160];
	v7 =	vadd.f32 v26, v7;
	v11 =	vadd.f32 v27, v11  }
0x532: {  	v2 =	vld [tilespmem:s26+$0xFFFFFF30];
	v15 =	vadd.f32 v28, v15;
	v1 =	vadd.f32 v6, v1  }
0x533: {  	v62 =	vld [tilespmem:s26+$0x180];
	v17 =	vadd.f32 v29, v50;
	v18 =	vadd.f32 v30, v51  }
0x534: {  	v4 =	vld [tilespmem:s26+$0xFFFFFF50];
	v3 =	vadd.f32 v31, v3;
	v1 =	vadd.f32 v8, v1  }
0x535: {  	v6 =	vld [tilespmem:s26+$0xFFFFFF80];
	v5 =	vadd.f32 v32, v5;
	v7 =	vadd.f32 v33, v7  }
0x536: {  	v58 =	vadd.f32 v35, v18;
	v8 =	vld [tilespmem:s26+$0xFFFFFFA0];
	v1 =	vadd.f32 v10, v1  }
0x537: {  	v9 =	vld [tilespmem:s26+$0x20];
	v2 =	vadd.f32 v2, v11;
	v11 =	vadd.f32 v34, v15  }
0x538: {  	v5 =	vadd.f32 v36, v5;
	v10 =	vld [tilespmem:s26+$0xFFFFFFC0];
	v1 =	vadd.f32 v12, v1  }
0x539: {  	v4 =	vadd.f32 v4, v17;
	v2 =	vadd.f32 v37, v2;
	v12 =	vld [tilespmem:s26+$0xFFFFFFE0]  }
0x53a: {  	v15 =	vld [tilespmem:s26+$0xC0];
	v3 =	vadd.f32 v6, v3;
	v1 =	vadd.f32 v14, v1  }
0x53b: {  	v4 =	vadd.f32 v38, v4;
	v7 =	vadd.f32 v8, v7;
	v14 =	vld [tilespmem:s26+$0x10]  }
0x53c: {  	v3 =	vadd.f32 v39, v3;
	v13 =	vadd.f32 v16, v1;
	v1 =	vld [tilespmem:s26+$0x30]  }
0x53d: {  	v8 =	vld [tilespmem:s26+$0x100];
	v4 =	vadd.f32 v52, v4;
	v7 =	vadd.f32 v9, v7  }
0x53e: {  	v6 =	vld [tilespmem:s26+$0xE0];
	v10 =	vadd.f32 v10, v11;
	v12 =	vadd.f32 v12, v58  }
0x53f: {  	v11 =	vld [tilespmem:s26+$0x110];
	v3 =	vadd.f32 v54, v3;
	v7 =	vadd.f32 v56, v7  }
0x540: {  	v5 =	vadd.f32 v14, v5;
	v14 =	vld [tilespmem:s26+$0x130];
	v9 =	vadd.f32 v53, v12  }
0x541: {  	v1 =	vadd.f32 v1, v2;
	v2 =	vadd.f32 v49, v10;
	v10 =	vld [tilespmem:s26+$0x140]  }
0x542: {  	v21 =	vadd.f32 v8, v3;
	v12 =	vld [tilespmem:s26+$0x150];
	v5 =	vadd.f32 v55, v5  }
0x543: {  	v63 =	vld [tilespmem:s26+$0x190];
	v20 =	vadd.f32 v6, v9;
	v1 =	vadd.f32 v57, v1  }
0x544: {  	v9 =	vld [tilespmem:s26+$0x1A0];
	v2 =	vadd.f32 v15, v2;
	v15 =	vadd.f32 v59, v4  }
0x545: {  	v11 =	vadd.f32 v11, v5;
	v5 =	vadd.f32 v60, v7;
	v7 =	vld [tilespmem:s26+$0x1B0]  }
0x546: {  	v6 =	vld [tilespmem:s26+$0x1C0];
	v4 =	vadd.f32 v14, v1;
	v3 =	vadd.f32 v10, v2  }
0x547: {  	v8 =	vld [tilespmem:s26+$0x1D0];
	v2 =	vadd.f32 v12, v15;
	v12 =	vadd.f32 v62, v21  }
0x548: {  	s28 =	simm.s32 $0x0;
	s29 =	simm.s32 $0x100C0;
	[tilespmem:s25+$0x30] =	vst v13;
	v1 =	vadd.f32 v61, v20;
	v11 =	vadd.f32 v63, v11;
	v10 =	vld [tilespmem:s26+$0x1E0]  }
.LBB2_20:
0x549: {  	v13 =	vld [tilespmem:s29+$0x30];
	[tilespmem:s25+$0xFFFFFFC0] =	vst v12;
	v5 =	vadd.f32 v9, v5;
	s26 =	sadd.s32 $0x400, s26  }
0x54a: {  	s28 =	sadd.s32 $0x8, s28;
	v9 =	vld [tilespmem:s26+$0xFFFFFE70];
	[tilespmem:s25+$0xFFFFFFD0] =	vst v11;
	v4 =	vadd.f32 v7, v4  }
0x54b: {  	p0 =	slt.u32 s28, $0xF8;
	v7 =	vld [tilespmem:s26+$0xFFFFFE00];
	[tilespmem:s25+$0xFFFFFFE0] =	vst v5;
	v3 =	vadd.f32 v6, v3  }
0x54c: {  	v5 =	vld [tilespmem:s26+$0xFFFFFEF0];
	[tilespmem:s25+$0xFFFFFFF0] =	vst v4;
	v2 =	vadd.f32 v8, v2  }
0x54d: {  	v4 =	vld [tilespmem:s29+$0xFFFFFFD0];
	[tilespmem:s25+$0x0] =	vst v3;
	v1 =	vadd.f32 v10, v1  }
0x54e: {  	v3 =	vld [tilespmem:s26+$0xFFFFFF70];
	[tilespmem:s25+$0x10] =	vst v2  }
0x54f: {  	v2 =	vld [tilespmem:s26+$0xFFFFFE10];
	v6 =	vadd.f32 v9, v13;
	[tilespmem:s25+$0x20] =	vst v1;
	s25 =	smov.u32 s29  }
0x550: {  	v1 =	vld [tilespmem:s26+$0xFFFFFFF0]  }
0x551: {  	v8 =	vld [tilespmem:s29+$0xFFFFFFE0];
	v5 =	vadd.f32 v5, v6  }
0x552: {  	v6 =	vld [tilespmem:s26+$0x70]  }
0x553: {  	v9 =	vld [tilespmem:s26+$0xFFFFFE20];
	v3 =	vadd.f32 v3, v5  }
0x554: {  	v2 =	vadd.f32 v2, v4;
	v4 =	vld [tilespmem:s26+$0xF0]  }
0x555: {  	v5 =	vld [tilespmem:s29+$0xFFFFFFF0];
	v1 =	vadd.f32 v1, v3  }
0x556: {  	v3 =	vld [tilespmem:s26+$0x170]  }
0x557: {  	v10 =	vld [tilespmem:s26+$0xFFFFFE30];
	v1 =	vadd.f32 v6, v1  }
0x558: {  	v6 =	vadd.f32 v9, v8;
	v8 =	vld [tilespmem:s26+$0x1F0]  }
0x559: {  	v9 =	vld [tilespmem:s29+$0x0];
	v1 =	vadd.f32 v4, v1  }
0x55a: {  	v4 =	vld [tilespmem:s26+$0xFFFFFE40]  }
0x55b: {  	v11 =	vld [tilespmem:s29+$0x10];
	v1 =	vadd.f32 v3, v1  }
0x55c: {  	v3 =	vadd.f32 v10, v5;
	v5 =	vld [tilespmem:s26+$0xFFFFFE50]  }
0x55d: {  	v10 =	vld [tilespmem:s29+$0x20];
	v1 =	vadd.f32 v8, v1  }
0x55e: {  	v8 =	vld [tilespmem:s26+$0xFFFFFE60]  }
0x55f: {  	v12 =	vld [tilespmem:s29+$0xFFFFFFC0];
	v4 =	vadd.f32 v4, v9;
	[tilespmem:s29+$0x30] =	vst v1  }
0x560: {  	v1 =	vld [tilespmem:s26+$0xFFFFFE80]  }
0x561: {  	v9 =	vld [tilespmem:s26+$0xFFFFFE90];
	v5 =	vadd.f32 v5, v11  }
0x562: {  	v11 =	vld [tilespmem:s26+$0xFFFFFEA0]  }
0x563: {  	v13 =	vld [tilespmem:s26+$0xFFFFFEB0];
	v8 =	vadd.f32 v8, v10  }
0x564: {  	v7 =	vadd.f32 v7, v12;
	v10 =	vld [tilespmem:s26+$0xFFFFFEC0]  }
0x565: {  	v12 =	vld [tilespmem:s26+$0xFFFFFED0]  }
0x566: {  	v1 =	vadd.f32 v1, v7;
	v2 =	vadd.f32 v9, v2;
	v7 =	vld [tilespmem:s26+$0xFFFFFEE0]  }
0x567: {  	v9 =	vld [tilespmem:s26+$0xFFFFFF00];
	v6 =	vadd.f32 v11, v6  }
0x568: {  	v11 =	vld [tilespmem:s26+$0xFFFFFF10];
	v3 =	vadd.f32 v13, v3  }
0x569: {  	v13 =	vld [tilespmem:s26+$0xFFFFFF20];
	v4 =	vadd.f32 v10, v4  }
0x56a: {  	v10 =	vld [tilespmem:s26+$0xFFFFFF30];
	v5 =	vadd.f32 v12, v5  }
0x56b: {  	v12 =	vld [tilespmem:s26+$0xFFFFFF40];
	v7 =	vadd.f32 v7, v8  }
0x56c: {  	v1 =	vadd.f32 v9, v1;
	v8 =	vld [tilespmem:s26+$0xFFFFFF50]  }
0x56d: {  	v2 =	vadd.f32 v11, v2;
	v9 =	vld [tilespmem:s26+$0xFFFFFF60]  }
0x56e: {  	v11 =	vld [tilespmem:s26+$0xFFFFFF80];
	v6 =	vadd.f32 v13, v6  }
0x56f: {  	v13 =	vld [tilespmem:s26+$0xFFFFFF90];
	v3 =	vadd.f32 v10, v3  }
0x570: {  	v10 =	vld [tilespmem:s26+$0xFFFFFFA0];
	v4 =	vadd.f32 v12, v4  }
0x571: {  	v12 =	vld [tilespmem:s26+$0xFFFFFFB0];
	v5 =	vadd.f32 v8, v5  }
0x572: {  	v8 =	vld [tilespmem:s26+$0xFFFFFFC0];
	v7 =	vadd.f32 v9, v7  }
0x573: {  	v1 =	vadd.f32 v11, v1;
	v9 =	vld [tilespmem:s26+$0xFFFFFFD0]  }
0x574: {  	v2 =	vadd.f32 v13, v2;
	v11 =	vld [tilespmem:s26+$0xFFFFFFE0]  }
0x575: {  	v13 =	vld [tilespmem:s26+$0x0];
	v6 =	vadd.f32 v10, v6  }
0x576: {  	v10 =	vld [tilespmem:s26+$0x10];
	v3 =	vadd.f32 v12, v3  }
0x577: {  	v12 =	vld [tilespmem:s26+$0x20];
	v4 =	vadd.f32 v8, v4  }
0x578: {  	v8 =	vld [tilespmem:s26+$0x30];
	v5 =	vadd.f32 v9, v5  }
0x579: {  	v9 =	vld [tilespmem:s26+$0x40];
	v7 =	vadd.f32 v11, v7  }
0x57a: {  	v1 =	vadd.f32 v13, v1;
	v11 =	vld [tilespmem:s26+$0x50]  }
0x57b: {  	v2 =	vadd.f32 v10, v2;
	v10 =	vld [tilespmem:s26+$0x60]  }
0x57c: {  	v13 =	vld [tilespmem:s26+$0x80];
	v6 =	vadd.f32 v12, v6  }
0x57d: {  	v12 =	vld [tilespmem:s26+$0x90];
	v3 =	vadd.f32 v8, v3  }
0x57e: {  	v8 =	vld [tilespmem:s26+$0xA0];
	v4 =	vadd.f32 v9, v4  }
0x57f: {  	v9 =	vld [tilespmem:s26+$0xB0];
	v5 =	vadd.f32 v11, v5  }
0x580: {  	v11 =	vld [tilespmem:s26+$0xC0];
	v7 =	vadd.f32 v10, v7  }
0x581: {  	v1 =	vadd.f32 v13, v1;
	v10 =	vld [tilespmem:s26+$0xD0]  }
0x582: {  	v2 =	vadd.f32 v12, v2;
	v12 =	vld [tilespmem:s26+$0xE0]  }
0x583: {  	v13 =	vld [tilespmem:s26+$0x100];
	v6 =	vadd.f32 v8, v6  }
0x584: {  	v8 =	vld [tilespmem:s26+$0x110];
	v3 =	vadd.f32 v9, v3  }
0x585: {  	v9 =	vld [tilespmem:s26+$0x120];
	v11 =	vadd.f32 v11, v4  }
0x586: {  	v4 =	vld [tilespmem:s26+$0x130];
	v10 =	vadd.f32 v10, v5  }
0x587: {  	v14 =	vld [tilespmem:s26+$0x140];
	v12 =	vadd.f32 v12, v7  }
0x588: {  	v13 =	vadd.f32 v13, v1;
	v1 =	vld [tilespmem:s26+$0x150]  }
0x589: {  	v15 =	vadd.f32 v8, v2;
	v8 =	vld [tilespmem:s26+$0x160]  }
0x58a: {  	v16 =	vld [tilespmem:s26+$0x180];
	v5 =	vadd.f32 v9, v6  }
0x58b: {  	v17 =	vld [tilespmem:s26+$0x190];
	v4 =	vadd.f32 v4, v3  }
.Ltmp9:
0x58c: {  	v9 =	vld [tilespmem:s26+$0x1A0];
	v3 =	vadd.f32 v14, v11;
	(pc) =	sbr.rel @p0 .LBB2_20-.Ltmp9, $4  }
0x58d: {  	v7 =	vld [tilespmem:s26+$0x1B0];
	v2 =	vadd.f32 v1, v10  }
0x58e: {  	v6 =	vld [tilespmem:s26+$0x1C0];
	v1 =	vadd.f32 v8, v12  }
0x58f: {  	v12 =	vadd.f32 v16, v13;
	v8 =	vld [tilespmem:s26+$0x1D0]  }
0x590: {  	s29 =	sadd.s32 $0x80, s29;
	v11 =	vadd.f32 v17, v15;
	v10 =	vld [tilespmem:s26+$0x1E0]  }
0x591: {  	[tilespmem:s25+$0xFFFFFFC0] =	vst v12;
	v5 =	vadd.f32 v9, v5  }
0x592: {  	[tilespmem:s25+$0xFFFFFFD0] =	vst v11;
	v4 =	vadd.f32 v7, v4  }
0x593: {  	[tilespmem:s25+$0xFFFFFFE0] =	vst v5;
	v3 =	vadd.f32 v6, v3  }
0x594: {  	[tilespmem:s25+$0xFFFFFFF0] =	vst v4;
	v2 =	vadd.f32 v8, v2  }
0x595: {  	[tilespmem:s25+$0x0] =	vst v3;
	v1 =	vadd.f32 v10, v1  }
0x596: {  	[tilespmem:s25+$0x10] =	vst v2  }
0x597: {  	[tilespmem:s25+$0x20] =	vst v1  }
0x598: {  	[tilespmem:s2], [sflag:$0x1] =	stream.linear.gather [hbm4b:s13+s2], $0x8000, $0x38;
	[tilespmem:$0x11000] =	vst v63  }
0x599: {  	_ =	swait.ge [sflag:s19], $0x8000  }
0x59a: {  	[sflag:s19] =	ssyncset.done $0x0  }
0x59b: {  	s25 =	simm.s32 $0x10040;
	[sflag:s19] =	ssyncadd.s32 $0xFFFF8000  }
0x59c: {  	s26 =	simm.s32 $0x8200;
	v1 =	vld [tilespmem:s25+$0x30]  }
0x59d: {  	v2 =	vld [tilespmem:s26+$0xFFFFFE70]  }
0x59e: {  	v3 =	vld [tilespmem:s26+$0xFFFFFE00]  }
0x59f: {  	v4 =	vld [tilespmem:s26+$0xFFFFFEF0]  }
0x5a0: {  	v5 =	vld [tilespmem:s25+$0xFFFFFFD0]  }
0x5a1: {  	v6 =	vld [tilespmem:s26+$0xFFFFFF70]  }
0x5a2: {  	v7 =	vld [tilespmem:s26+$0xFFFFFE10]  }
0x5a3: {  	v8 =	vld [tilespmem:s26+$0xFFFFFFF0]  }
0x5a4: {  	v9 =	vld [tilespmem:s25+$0xFFFFFFE0]  }
0x5a5: {  	v10 =	vld [tilespmem:s26+$0x70]  }
0x5a6: {  	v11 =	vld [tilespmem:s26+$0xFFFFFE20]  }
0x5a7: {  	v12 =	vld [tilespmem:s26+$0xF0]  }
0x5a8: {  	v13 =	vld [tilespmem:s25+$0xFFFFFFF0]  }
0x5a9: {  	v14 =	vld [tilespmem:s26+$0x170]  }
0x5aa: {  	v15 =	vld [tilespmem:s26+$0xFFFFFE30]  }
0x5ab: {  	v16 =	vld [tilespmem:s26+$0x1F0]  }
0x5ac: {  	v17 =	vld [tilespmem:s25+$0x0]  }
0x5ad: {  	v18 =	vld [tilespmem:s26+$0xFFFFFE40]  }
0x5ae: {  	v19 =	vld [tilespmem:s25+$0x10]  }
0x5af: {  	v20 =	vld [tilespmem:s26+$0xFFFFFE50]  }
0x5b0: {  	v21 =	vld [tilespmem:s25+$0x20]  }
0x5b1: {  	v22 =	vld [tilespmem:s26+$0xFFFFFE60]  }
0x5b2: {  	v23 =	vld [tilespmem:s25+$0xFFFFFFC0]  }
0x5b3: {  	v24 =	vld [tilespmem:s26+$0xFFFFFE80]  }
0x5b4: {  	v25 =	vld [tilespmem:s26+$0xFFFFFE90]  }
0x5b5: {  	v26 =	vld [tilespmem:s26+$0xFFFFFEA0]  }
0x5b6: {  	v27 =	vld [tilespmem:s26+$0xFFFFFEB0]  }
0x5b7: {  	v28 =	vld [tilespmem:s26+$0xFFFFFEC0]  }
0x5b8: {  	v29 =	vld [tilespmem:s26+$0xFFFFFED0]  }
0x5b9: {  	v30 =	vld [tilespmem:s26+$0xFFFFFEE0]  }
0x5ba: {  	v31 =	vld [tilespmem:s26+$0xFFFFFF00]  }
0x5bb: {  	v32 =	vld [tilespmem:s26+$0xFFFFFF10]  }
0x5bc: {  	v33 =	vld [tilespmem:s26+$0xFFFFFF20]  }
0x5bd: {  	v34 =	vld [tilespmem:s26+$0xFFFFFF40]  }
0x5be: {  	v35 =	vld [tilespmem:s26+$0xFFFFFF60]  }
0x5bf: {  	v36 =	vld [tilespmem:s26+$0xFFFFFF90]  }
0x5c0: {  	v37 =	vld [tilespmem:s26+$0xFFFFFFB0]  }
0x5c1: {  	v38 =	vld [tilespmem:s26+$0xFFFFFFD0]  }
0x5c2: {  	v39 =	vld [tilespmem:s26+$0x0]  }
0x5c3: {  	v49 =	vld [tilespmem:s26+$0x40]  }
0x5c4: {  	v52 =	vld [tilespmem:s26+$0x50]  }
0x5c5: {  	v53 =	vld [tilespmem:s26+$0x60]  }
0x5c6: {  	v54 =	vld [tilespmem:s26+$0x80];
	v1 =	vadd.f32 v2, v1  }
0x5c7: {  	v55 =	vld [tilespmem:s26+$0x90];
	v5 =	vadd.f32 v7, v5;
	v7 =	vadd.f32 v11, v9  }
0x5c8: {  	v56 =	vld [tilespmem:s26+$0xA0];
	v11 =	vadd.f32 v15, v13;
	v15 =	vadd.f32 v18, v17  }
0x5c9: {  	v57 =	vld [tilespmem:s26+$0xB0];
	v3 =	vadd.f32 v3, v23;
	v50 =	vadd.f32 v20, v19  }
0x5ca: {  	v59 =	vld [tilespmem:s26+$0xD0];
	v51 =	vadd.f32 v22, v21;
	v1 =	vadd.f32 v4, v1  }
0x5cb: {  	v60 =	vld [tilespmem:s26+$0x120];
	v3 =	vadd.f32 v24, v3;
	v5 =	vadd.f32 v25, v5  }
0x5cc: {  	v61 =	vld [tilespmem:s26+$0x160];
	v7 =	vadd.f32 v26, v7;
	v11 =	vadd.f32 v27, v11  }
0x5cd: {  	v2 =	vld [tilespmem:s26+$0xFFFFFF30];
	v15 =	vadd.f32 v28, v15;
	v1 =	vadd.f32 v6, v1  }
0x5ce: {  	v62 =	vld [tilespmem:s26+$0x180];
	v17 =	vadd.f32 v29, v50;
	v18 =	vadd.f32 v30, v51  }
0x5cf: {  	v4 =	vld [tilespmem:s26+$0xFFFFFF50];
	v3 =	vadd.f32 v31, v3;
	v1 =	vadd.f32 v8, v1  }
0x5d0: {  	v6 =	vld [tilespmem:s26+$0xFFFFFF80];
	v5 =	vadd.f32 v32, v5;
	v7 =	vadd.f32 v33, v7  }
0x5d1: {  	v58 =	vadd.f32 v35, v18;
	v8 =	vld [tilespmem:s26+$0xFFFFFFA0];
	v1 =	vadd.f32 v10, v1  }
0x5d2: {  	v9 =	vld [tilespmem:s26+$0x20];
	v2 =	vadd.f32 v2, v11;
	v11 =	vadd.f32 v34, v15  }
0x5d3: {  	v5 =	vadd.f32 v36, v5;
	v10 =	vld [tilespmem:s26+$0xFFFFFFC0];
	v1 =	vadd.f32 v12, v1  }
0x5d4: {  	v4 =	vadd.f32 v4, v17;
	v2 =	vadd.f32 v37, v2;
	v12 =	vld [tilespmem:s26+$0xFFFFFFE0]  }
0x5d5: {  	v15 =	vld [tilespmem:s26+$0xC0];
	v3 =	vadd.f32 v6, v3;
	v1 =	vadd.f32 v14, v1  }
0x5d6: {  	v4 =	vadd.f32 v38, v4;
	v7 =	vadd.f32 v8, v7;
	v14 =	vld [tilespmem:s26+$0x10]  }
0x5d7: {  	v3 =	vadd.f32 v39, v3;
	v13 =	vadd.f32 v16, v1;
	v1 =	vld [tilespmem:s26+$0x30]  }
0x5d8: {  	v8 =	vld [tilespmem:s26+$0x100];
	v4 =	vadd.f32 v52, v4;
	v7 =	vadd.f32 v9, v7  }
0x5d9: {  	v6 =	vld [tilespmem:s26+$0xE0];
	v10 =	vadd.f32 v10, v11;
	v12 =	vadd.f32 v12, v58  }
0x5da: {  	v11 =	vld [tilespmem:s26+$0x110];
	v3 =	vadd.f32 v54, v3;
	v7 =	vadd.f32 v56, v7  }
0x5db: {  	v5 =	vadd.f32 v14, v5;
	v14 =	vld [tilespmem:s26+$0x130];
	v9 =	vadd.f32 v53, v12  }
0x5dc: {  	v1 =	vadd.f32 v1, v2;
	v2 =	vadd.f32 v49, v10;
	v10 =	vld [tilespmem:s26+$0x140]  }
0x5dd: {  	v21 =	vadd.f32 v8, v3;
	v12 =	vld [tilespmem:s26+$0x150];
	v5 =	vadd.f32 v55, v5  }
0x5de: {  	v63 =	vld [tilespmem:s26+$0x190];
	v20 =	vadd.f32 v6, v9;
	v1 =	vadd.f32 v57, v1  }
0x5df: {  	v9 =	vld [tilespmem:s26+$0x1A0];
	v2 =	vadd.f32 v15, v2;
	v15 =	vadd.f32 v59, v4  }
0x5e0: {  	v11 =	vadd.f32 v11, v5;
	v5 =	vadd.f32 v60, v7;
	v7 =	vld [tilespmem:s26+$0x1B0]  }
0x5e1: {  	v6 =	vld [tilespmem:s26+$0x1C0];
	v4 =	vadd.f32 v14, v1;
	v3 =	vadd.f32 v10, v2  }
0x5e2: {  	v8 =	vld [tilespmem:s26+$0x1D0];
	v2 =	vadd.f32 v12, v15;
	v12 =	vadd.f32 v62, v21  }
0x5e3: {  	s28 =	simm.s32 $0x0;
	s29 =	simm.s32 $0x100C0;
	[tilespmem:s25+$0x30] =	vst v13;
	v1 =	vadd.f32 v61, v20;
	v11 =	vadd.f32 v63, v11;
	v10 =	vld [tilespmem:s26+$0x1E0]  }
.LBB2_22:
0x5e4: {  	v13 =	vld [tilespmem:s29+$0x30];
	[tilespmem:s25+$0xFFFFFFC0] =	vst v12;
	v5 =	vadd.f32 v9, v5;
	s26 =	sadd.s32 $0x400, s26  }
0x5e5: {  	s28 =	sadd.s32 $0x8, s28;
	v9 =	vld [tilespmem:s26+$0xFFFFFE70];
	[tilespmem:s25+$0xFFFFFFD0] =	vst v11;
	v4 =	vadd.f32 v7, v4  }
0x5e6: {  	p0 =	slt.u32 s28, $0xF8;
	v7 =	vld [tilespmem:s26+$0xFFFFFE00];
	[tilespmem:s25+$0xFFFFFFE0] =	vst v5;
	v3 =	vadd.f32 v6, v3  }
0x5e7: {  	v5 =	vld [tilespmem:s26+$0xFFFFFEF0];
	[tilespmem:s25+$0xFFFFFFF0] =	vst v4;
	v2 =	vadd.f32 v8, v2  }
0x5e8: {  	v4 =	vld [tilespmem:s29+$0xFFFFFFD0];
	[tilespmem:s25+$0x0] =	vst v3;
	v1 =	vadd.f32 v10, v1  }
0x5e9: {  	v3 =	vld [tilespmem:s26+$0xFFFFFF70];
	[tilespmem:s25+$0x10] =	vst v2  }
0x5ea: {  	v2 =	vld [tilespmem:s26+$0xFFFFFE10];
	v6 =	vadd.f32 v9, v13;
	[tilespmem:s25+$0x20] =	vst v1;
	s25 =	smov.u32 s29  }
0x5eb: {  	v1 =	vld [tilespmem:s26+$0xFFFFFFF0]  }
0x5ec: {  	v8 =	vld [tilespmem:s29+$0xFFFFFFE0];
	v5 =	vadd.f32 v5, v6  }
0x5ed: {  	v6 =	vld [tilespmem:s26+$0x70]  }
0x5ee: {  	v9 =	vld [tilespmem:s26+$0xFFFFFE20];
	v3 =	vadd.f32 v3, v5  }
0x5ef: {  	v2 =	vadd.f32 v2, v4;
	v4 =	vld [tilespmem:s26+$0xF0]  }
0x5f0: {  	v5 =	vld [tilespmem:s29+$0xFFFFFFF0];
	v1 =	vadd.f32 v1, v3  }
0x5f1: {  	v3 =	vld [tilespmem:s26+$0x170]  }
0x5f2: {  	v10 =	vld [tilespmem:s26+$0xFFFFFE30];
	v1 =	vadd.f32 v6, v1  }
0x5f3: {  	v6 =	vadd.f32 v9, v8;
	v8 =	vld [tilespmem:s26+$0x1F0]  }
0x5f4: {  	v9 =	vld [tilespmem:s29+$0x0];
	v1 =	vadd.f32 v4, v1  }
0x5f5: {  	v4 =	vld [tilespmem:s26+$0xFFFFFE40]  }
0x5f6: {  	v11 =	vld [tilespmem:s29+$0x10];
	v1 =	vadd.f32 v3, v1  }
0x5f7: {  	v3 =	vadd.f32 v10, v5;
	v5 =	vld [tilespmem:s26+$0xFFFFFE50]  }
0x5f8: {  	v10 =	vld [tilespmem:s29+$0x20];
	v1 =	vadd.f32 v8, v1  }
0x5f9: {  	v8 =	vld [tilespmem:s26+$0xFFFFFE60]  }
0x5fa: {  	v12 =	vld [tilespmem:s29+$0xFFFFFFC0];
	v4 =	vadd.f32 v4, v9;
	[tilespmem:s29+$0x30] =	vst v1  }
0x5fb: {  	v1 =	vld [tilespmem:s26+$0xFFFFFE80]  }
0x5fc: {  	v9 =	vld [tilespmem:s26+$0xFFFFFE90];
	v5 =	vadd.f32 v5, v11  }
0x5fd: {  	v11 =	vld [tilespmem:s26+$0xFFFFFEA0]  }
0x5fe: {  	v13 =	vld [tilespmem:s26+$0xFFFFFEB0];
	v8 =	vadd.f32 v8, v10  }
0x5ff: {  	v7 =	vadd.f32 v7, v12;
	v10 =	vld [tilespmem:s26+$0xFFFFFEC0]  }
0x600: {  	v12 =	vld [tilespmem:s26+$0xFFFFFED0]  }
0x601: {  	v1 =	vadd.f32 v1, v7;
	v2 =	vadd.f32 v9, v2;
	v7 =	vld [tilespmem:s26+$0xFFFFFEE0]  }
0x602: {  	v9 =	vld [tilespmem:s26+$0xFFFFFF00];
	v6 =	vadd.f32 v11, v6  }
0x603: {  	v11 =	vld [tilespmem:s26+$0xFFFFFF10];
	v3 =	vadd.f32 v13, v3  }
0x604: {  	v13 =	vld [tilespmem:s26+$0xFFFFFF20];
	v4 =	vadd.f32 v10, v4  }
0x605: {  	v10 =	vld [tilespmem:s26+$0xFFFFFF30];
	v5 =	vadd.f32 v12, v5  }
0x606: {  	v12 =	vld [tilespmem:s26+$0xFFFFFF40];
	v7 =	vadd.f32 v7, v8  }
0x607: {  	v1 =	vadd.f32 v9, v1;
	v8 =	vld [tilespmem:s26+$0xFFFFFF50]  }
0x608: {  	v2 =	vadd.f32 v11, v2;
	v9 =	vld [tilespmem:s26+$0xFFFFFF60]  }
0x609: {  	v11 =	vld [tilespmem:s26+$0xFFFFFF80];
	v6 =	vadd.f32 v13, v6  }
0x60a: {  	v13 =	vld [tilespmem:s26+$0xFFFFFF90];
	v3 =	vadd.f32 v10, v3  }
0x60b: {  	v10 =	vld [tilespmem:s26+$0xFFFFFFA0];
	v4 =	vadd.f32 v12, v4  }
0x60c: {  	v12 =	vld [tilespmem:s26+$0xFFFFFFB0];
	v5 =	vadd.f32 v8, v5  }
0x60d: {  	v8 =	vld [tilespmem:s26+$0xFFFFFFC0];
	v7 =	vadd.f32 v9, v7  }
0x60e: {  	v1 =	vadd.f32 v11, v1;
	v9 =	vld [tilespmem:s26+$0xFFFFFFD0]  }
0x60f: {  	v2 =	vadd.f32 v13, v2;
	v11 =	vld [tilespmem:s26+$0xFFFFFFE0]  }
0x610: {  	v13 =	vld [tilespmem:s26+$0x0];
	v6 =	vadd.f32 v10, v6  }
0x611: {  	v10 =	vld [tilespmem:s26+$0x10];
	v3 =	vadd.f32 v12, v3  }
0x612: {  	v12 =	vld [tilespmem:s26+$0x20];
	v4 =	vadd.f32 v8, v4  }
0x613: {  	v8 =	vld [tilespmem:s26+$0x30];
	v5 =	vadd.f32 v9, v5  }
0x614: {  	v9 =	vld [tilespmem:s26+$0x40];
	v7 =	vadd.f32 v11, v7  }
0x615: {  	v1 =	vadd.f32 v13, v1;
	v11 =	vld [tilespmem:s26+$0x50]  }
0x616: {  	v2 =	vadd.f32 v10, v2;
	v10 =	vld [tilespmem:s26+$0x60]  }
0x617: {  	v13 =	vld [tilespmem:s26+$0x80];
	v6 =	vadd.f32 v12, v6  }
0x618: {  	v12 =	vld [tilespmem:s26+$0x90];
	v3 =	vadd.f32 v8, v3  }
0x619: {  	v8 =	vld [tilespmem:s26+$0xA0];
	v4 =	vadd.f32 v9, v4  }
0x61a: {  	v9 =	vld [tilespmem:s26+$0xB0];
	v5 =	vadd.f32 v11, v5  }
0x61b: {  	v11 =	vld [tilespmem:s26+$0xC0];
	v7 =	vadd.f32 v10, v7  }
0x61c: {  	v1 =	vadd.f32 v13, v1;
	v10 =	vld [tilespmem:s26+$0xD0]  }
0x61d: {  	v2 =	vadd.f32 v12, v2;
	v12 =	vld [tilespmem:s26+$0xE0]  }
0x61e: {  	v13 =	vld [tilespmem:s26+$0x100];
	v6 =	vadd.f32 v8, v6  }
0x61f: {  	v8 =	vld [tilespmem:s26+$0x110];
	v3 =	vadd.f32 v9, v3  }
0x620: {  	v9 =	vld [tilespmem:s26+$0x120];
	v11 =	vadd.f32 v11, v4  }
0x621: {  	v4 =	vld [tilespmem:s26+$0x130];
	v10 =	vadd.f32 v10, v5  }
0x622: {  	v14 =	vld [tilespmem:s26+$0x140];
	v12 =	vadd.f32 v12, v7  }
0x623: {  	v13 =	vadd.f32 v13, v1;
	v1 =	vld [tilespmem:s26+$0x150]  }
0x624: {  	v15 =	vadd.f32 v8, v2;
	v8 =	vld [tilespmem:s26+$0x160]  }
0x625: {  	v16 =	vld [tilespmem:s26+$0x180];
	v5 =	vadd.f32 v9, v6  }
0x626: {  	v17 =	vld [tilespmem:s26+$0x190];
	v4 =	vadd.f32 v4, v3  }
.Ltmp10:
0x627: {  	v9 =	vld [tilespmem:s26+$0x1A0];
	v3 =	vadd.f32 v14, v11;
	(pc) =	sbr.rel @p0 .LBB2_22-.Ltmp10, $4  }
0x628: {  	v7 =	vld [tilespmem:s26+$0x1B0];
	v2 =	vadd.f32 v1, v10  }
0x629: {  	v6 =	vld [tilespmem:s26+$0x1C0];
	v1 =	vadd.f32 v8, v12  }
0x62a: {  	v12 =	vadd.f32 v16, v13;
	v8 =	vld [tilespmem:s26+$0x1D0]  }
0x62b: {  	s29 =	sadd.s32 $0x80, s29;
	v11 =	vadd.f32 v17, v15;
	v10 =	vld [tilespmem:s26+$0x1E0]  }
0x62c: {  	[tilespmem:s25+$0xFFFFFFC0] =	vst v12;
	v5 =	vadd.f32 v9, v5  }
0x62d: {  	[tilespmem:s25+$0xFFFFFFD0] =	vst v11;
	v4 =	vadd.f32 v7, v4  }
0x62e: {  	[tilespmem:s25+$0xFFFFFFE0] =	vst v5;
	v3 =	vadd.f32 v6, v3  }
0x62f: {  	[tilespmem:s25+$0xFFFFFFF0] =	vst v4;
	v2 =	vadd.f32 v8, v2  }
0x630: {  	[tilespmem:s25+$0x0] =	vst v3;
	v1 =	vadd.f32 v10, v1  }
0x631: {  	[tilespmem:s25+$0x10] =	vst v2  }
0x632: {  	[tilespmem:s25+$0x20] =	vst v1  }
0x633: {  	[tilespmem:s17], [sflag:$0x2] =	stream.linear.gather [hbm4b:s14+s2], $0x8000, $0x38;
	[tilespmem:$0x11000] =	vst v63  }
0x634: {  	_ =	swait.ge [sflag:s18], $0x8000  }
0x635: {  	[sflag:s18] =	ssyncset.done $0x0  }
0x636: {  	s25 =	simm.s32 $0x10040;
	[sflag:s18] =	ssyncadd.s32 $0xFFFF8000  }
0x637: {  	s26 =	simm.s32 $0x200;
	v1 =	vld [tilespmem:s25+$0x30]  }
0x638: {  	v2 =	vld [tilespmem:s26+$0xFFFFFE70]  }
0x639: {  	v3 =	vld [tilespmem:s26+$0xFFFFFE00]  }
0x63a: {  	v4 =	vld [tilespmem:s26+$0xFFFFFEF0]  }
0x63b: {  	v5 =	vld [tilespmem:s25+$0xFFFFFFD0]  }
0x63c: {  	v6 =	vld [tilespmem:s26+$0xFFFFFF70]  }
0x63d: {  	v7 =	vld [tilespmem:s26+$0xFFFFFE10]  }
0x63e: {  	v8 =	vld [tilespmem:s26+$0xFFFFFFF0]  }
0x63f: {  	v9 =	vld [tilespmem:s25+$0xFFFFFFE0]  }
0x640: {  	v10 =	vld [tilespmem:s26+$0x70]  }
0x641: {  	v11 =	vld [tilespmem:s26+$0xFFFFFE20]  }
0x642: {  	v12 =	vld [tilespmem:s26+$0xF0]  }
0x643: {  	v13 =	vld [tilespmem:s25+$0xFFFFFFF0]  }
0x644: {  	v14 =	vld [tilespmem:s26+$0x170]  }
0x645: {  	v15 =	vld [tilespmem:s26+$0xFFFFFE30]  }
0x646: {  	v16 =	vld [tilespmem:s26+$0x1F0]  }
0x647: {  	v17 =	vld [tilespmem:s25+$0x0]  }
0x648: {  	v18 =	vld [tilespmem:s26+$0xFFFFFE40]  }
0x649: {  	v19 =	vld [tilespmem:s25+$0x10]  }
0x64a: {  	v20 =	vld [tilespmem:s26+$0xFFFFFE50]  }
0x64b: {  	v21 =	vld [tilespmem:s25+$0x20]  }
0x64c: {  	v22 =	vld [tilespmem:s26+$0xFFFFFE60]  }
0x64d: {  	v23 =	vld [tilespmem:s25+$0xFFFFFFC0]  }
0x64e: {  	v24 =	vld [tilespmem:s26+$0xFFFFFE80]  }
0x64f: {  	v25 =	vld [tilespmem:s26+$0xFFFFFE90]  }
0x650: {  	v26 =	vld [tilespmem:s26+$0xFFFFFEA0]  }
0x651: {  	v27 =	vld [tilespmem:s26+$0xFFFFFEB0]  }
0x652: {  	v28 =	vld [tilespmem:s26+$0xFFFFFEC0]  }
0x653: {  	v29 =	vld [tilespmem:s26+$0xFFFFFED0]  }
0x654: {  	v30 =	vld [tilespmem:s26+$0xFFFFFEE0]  }
0x655: {  	v31 =	vld [tilespmem:s26+$0xFFFFFF00]  }
0x656: {  	v32 =	vld [tilespmem:s26+$0xFFFFFF10]  }
0x657: {  	v33 =	vld [tilespmem:s26+$0xFFFFFF20]  }
0x658: {  	v34 =	vld [tilespmem:s26+$0xFFFFFF40]  }
0x659: {  	v35 =	vld [tilespmem:s26+$0xFFFFFF60]  }
0x65a: {  	v36 =	vld [tilespmem:s26+$0xFFFFFF90]  }
0x65b: {  	v37 =	vld [tilespmem:s26+$0xFFFFFFB0]  }
0x65c: {  	v38 =	vld [tilespmem:s26+$0xFFFFFFD0]  }
0x65d: {  	v39 =	vld [tilespmem:s26+$0x0]  }
0x65e: {  	v49 =	vld [tilespmem:s26+$0x40]  }
0x65f: {  	v52 =	vld [tilespmem:s26+$0x50]  }
0x660: {  	v53 =	vld [tilespmem:s26+$0x60]  }
0x661: {  	v54 =	vld [tilespmem:s26+$0x80];
	v1 =	vadd.f32 v2, v1  }
0x662: {  	v55 =	vld [tilespmem:s26+$0x90];
	v5 =	vadd.f32 v7, v5;
	v7 =	vadd.f32 v11, v9  }
0x663: {  	v56 =	vld [tilespmem:s26+$0xA0];
	v11 =	vadd.f32 v15, v13;
	v15 =	vadd.f32 v18, v17  }
0x664: {  	v57 =	vld [tilespmem:s26+$0xB0];
	v3 =	vadd.f32 v3, v23;
	v50 =	vadd.f32 v20, v19  }
0x665: {  	v59 =	vld [tilespmem:s26+$0xD0];
	v51 =	vadd.f32 v22, v21;
	v1 =	vadd.f32 v4, v1  }
0x666: {  	v60 =	vld [tilespmem:s26+$0x120];
	v3 =	vadd.f32 v24, v3;
	v5 =	vadd.f32 v25, v5  }
0x667: {  	v61 =	vld [tilespmem:s26+$0x160];
	v7 =	vadd.f32 v26, v7;
	v11 =	vadd.f32 v27, v11  }
0x668: {  	v2 =	vld [tilespmem:s26+$0xFFFFFF30];
	v15 =	vadd.f32 v28, v15;
	v1 =	vadd.f32 v6, v1  }
0x669: {  	v62 =	vld [tilespmem:s26+$0x180];
	v17 =	vadd.f32 v29, v50;
	v18 =	vadd.f32 v30, v51  }
0x66a: {  	v4 =	vld [tilespmem:s26+$0xFFFFFF50];
	v3 =	vadd.f32 v31, v3;
	v1 =	vadd.f32 v8, v1  }
0x66b: {  	v6 =	vld [tilespmem:s26+$0xFFFFFF80];
	v5 =	vadd.f32 v32, v5;
	v7 =	vadd.f32 v33, v7  }
0x66c: {  	v58 =	vadd.f32 v35, v18;
	v8 =	vld [tilespmem:s26+$0xFFFFFFA0];
	v1 =	vadd.f32 v10, v1  }
0x66d: {  	v9 =	vld [tilespmem:s26+$0x20];
	v2 =	vadd.f32 v2, v11;
	v11 =	vadd.f32 v34, v15  }
0x66e: {  	v5 =	vadd.f32 v36, v5;
	v10 =	vld [tilespmem:s26+$0xFFFFFFC0];
	v1 =	vadd.f32 v12, v1  }
0x66f: {  	v4 =	vadd.f32 v4, v17;
	v2 =	vadd.f32 v37, v2;
	v12 =	vld [tilespmem:s26+$0xFFFFFFE0]  }
0x670: {  	v15 =	vld [tilespmem:s26+$0xC0];
	v3 =	vadd.f32 v6, v3;
	v1 =	vadd.f32 v14, v1  }
0x671: {  	v4 =	vadd.f32 v38, v4;
	v7 =	vadd.f32 v8, v7;
	v14 =	vld [tilespmem:s26+$0x10]  }
0x672: {  	v3 =	vadd.f32 v39, v3;
	v13 =	vadd.f32 v16, v1;
	v1 =	vld [tilespmem:s26+$0x30]  }
0x673: {  	v8 =	vld [tilespmem:s26+$0x100];
	v4 =	vadd.f32 v52, v4;
	v7 =	vadd.f32 v9, v7  }
0x674: {  	v6 =	vld [tilespmem:s26+$0xE0];
	v10 =	vadd.f32 v10, v11;
	v12 =	vadd.f32 v12, v58  }
0x675: {  	v11 =	vld [tilespmem:s26+$0x110];
	v3 =	vadd.f32 v54, v3;
	v7 =	vadd.f32 v56, v7  }
0x676: {  	v5 =	vadd.f32 v14, v5;
	v14 =	vld [tilespmem:s26+$0x130];
	v9 =	vadd.f32 v53, v12  }
0x677: {  	v1 =	vadd.f32 v1, v2;
	v2 =	vadd.f32 v49, v10;
	v10 =	vld [tilespmem:s26+$0x140]  }
0x678: {  	v21 =	vadd.f32 v8, v3;
	v12 =	vld [tilespmem:s26+$0x150];
	v5 =	vadd.f32 v55, v5  }
0x679: {  	v63 =	vld [tilespmem:s26+$0x190];
	v20 =	vadd.f32 v6, v9;
	v1 =	vadd.f32 v57, v1  }
0x67a: {  	v9 =	vld [tilespmem:s26+$0x1A0];
	v2 =	vadd.f32 v15, v2;
	v15 =	vadd.f32 v59, v4  }
0x67b: {  	v11 =	vadd.f32 v11, v5;
	v5 =	vadd.f32 v60, v7;
	v7 =	vld [tilespmem:s26+$0x1B0]  }
0x67c: {  	v6 =	vld [tilespmem:s26+$0x1C0];
	v4 =	vadd.f32 v14, v1;
	v3 =	vadd.f32 v10, v2  }
0x67d: {  	v8 =	vld [tilespmem:s26+$0x1D0];
	v2 =	vadd.f32 v12, v15;
	v12 =	vadd.f32 v62, v21  }
0x67e: {  	s28 =	simm.s32 $0x0;
	s29 =	simm.s32 $0x100C0;
	[tilespmem:s25+$0x30] =	vst v13;
	v1 =	vadd.f32 v61, v20;
	v11 =	vadd.f32 v63, v11;
	v10 =	vld [tilespmem:s26+$0x1E0]  }
.LBB2_24:
0x67f: {  	v13 =	vld [tilespmem:s29+$0x30];
	[tilespmem:s25+$0xFFFFFFC0] =	vst v12;
	v5 =	vadd.f32 v9, v5;
	s26 =	sadd.s32 $0x400, s26  }
0x680: {  	s28 =	sadd.s32 $0x8, s28;
	v9 =	vld [tilespmem:s26+$0xFFFFFE70];
	[tilespmem:s25+$0xFFFFFFD0] =	vst v11;
	v4 =	vadd.f32 v7, v4  }
0x681: {  	p0 =	slt.u32 s28, $0xF8;
	v7 =	vld [tilespmem:s26+$0xFFFFFE00];
	[tilespmem:s25+$0xFFFFFFE0] =	vst v5;
	v3 =	vadd.f32 v6, v3  }
0x682: {  	v5 =	vld [tilespmem:s26+$0xFFFFFEF0];
	[tilespmem:s25+$0xFFFFFFF0] =	vst v4;
	v2 =	vadd.f32 v8, v2  }
0x683: {  	v4 =	vld [tilespmem:s29+$0xFFFFFFD0];
	[tilespmem:s25+$0x0] =	vst v3;
	v1 =	vadd.f32 v10, v1  }
0x684: {  	v3 =	vld [tilespmem:s26+$0xFFFFFF70];
	[tilespmem:s25+$0x10] =	vst v2  }
0x685: {  	v2 =	vld [tilespmem:s26+$0xFFFFFE10];
	v6 =	vadd.f32 v9, v13;
	[tilespmem:s25+$0x20] =	vst v1;
	s25 =	smov.u32 s29  }
0x686: {  	v1 =	vld [tilespmem:s26+$0xFFFFFFF0]  }
0x687: {  	v8 =	vld [tilespmem:s29+$0xFFFFFFE0];
	v5 =	vadd.f32 v5, v6  }
0x688: {  	v6 =	vld [tilespmem:s26+$0x70]  }
0x689: {  	v9 =	vld [tilespmem:s26+$0xFFFFFE20];
	v3 =	vadd.f32 v3, v5  }
0x68a: {  	v2 =	vadd.f32 v2, v4;
	v4 =	vld [tilespmem:s26+$0xF0]  }
0x68b: {  	v5 =	vld [tilespmem:s29+$0xFFFFFFF0];
	v1 =	vadd.f32 v1, v3  }
0x68c: {  	v3 =	vld [tilespmem:s26+$0x170]  }
0x68d: {  	v10 =	vld [tilespmem:s26+$0xFFFFFE30];
	v1 =	vadd.f32 v6, v1  }
0x68e: {  	v6 =	vadd.f32 v9, v8;
	v8 =	vld [tilespmem:s26+$0x1F0]  }
0x68f: {  	v9 =	vld [tilespmem:s29+$0x0];
	v1 =	vadd.f32 v4, v1  }
0x690: {  	v4 =	vld [tilespmem:s26+$0xFFFFFE40]  }
0x691: {  	v11 =	vld [tilespmem:s29+$0x10];
	v1 =	vadd.f32 v3, v1  }
0x692: {  	v3 =	vadd.f32 v10, v5;
	v5 =	vld [tilespmem:s26+$0xFFFFFE50]  }
0x693: {  	v10 =	vld [tilespmem:s29+$0x20];
	v1 =	vadd.f32 v8, v1  }
0x694: {  	v8 =	vld [tilespmem:s26+$0xFFFFFE60]  }
0x695: {  	v12 =	vld [tilespmem:s29+$0xFFFFFFC0];
	v4 =	vadd.f32 v4, v9;
	[tilespmem:s29+$0x30] =	vst v1  }
0x696: {  	v1 =	vld [tilespmem:s26+$0xFFFFFE80]  }
0x697: {  	v9 =	vld [tilespmem:s26+$0xFFFFFE90];
	v5 =	vadd.f32 v5, v11  }
0x698: {  	v11 =	vld [tilespmem:s26+$0xFFFFFEA0]  }
0x699: {  	v13 =	vld [tilespmem:s26+$0xFFFFFEB0];
	v8 =	vadd.f32 v8, v10  }
0x69a: {  	v7 =	vadd.f32 v7, v12;
	v10 =	vld [tilespmem:s26+$0xFFFFFEC0]  }
0x69b: {  	v12 =	vld [tilespmem:s26+$0xFFFFFED0]  }
0x69c: {  	v1 =	vadd.f32 v1, v7;
	v2 =	vadd.f32 v9, v2;
	v7 =	vld [tilespmem:s26+$0xFFFFFEE0]  }
0x69d: {  	v9 =	vld [tilespmem:s26+$0xFFFFFF00];
	v6 =	vadd.f32 v11, v6  }
0x69e: {  	v11 =	vld [tilespmem:s26+$0xFFFFFF10];
	v3 =	vadd.f32 v13, v3  }
0x69f: {  	v13 =	vld [tilespmem:s26+$0xFFFFFF20];
	v4 =	vadd.f32 v10, v4  }
0x6a0: {  	v10 =	vld [tilespmem:s26+$0xFFFFFF30];
	v5 =	vadd.f32 v12, v5  }
0x6a1: {  	v12 =	vld [tilespmem:s26+$0xFFFFFF40];
	v7 =	vadd.f32 v7, v8  }
0x6a2: {  	v1 =	vadd.f32 v9, v1;
	v8 =	vld [tilespmem:s26+$0xFFFFFF50]  }
0x6a3: {  	v2 =	vadd.f32 v11, v2;
	v9 =	vld [tilespmem:s26+$0xFFFFFF60]  }
0x6a4: {  	v11 =	vld [tilespmem:s26+$0xFFFFFF80];
	v6 =	vadd.f32 v13, v6  }
0x6a5: {  	v13 =	vld [tilespmem:s26+$0xFFFFFF90];
	v3 =	vadd.f32 v10, v3  }
0x6a6: {  	v10 =	vld [tilespmem:s26+$0xFFFFFFA0];
	v4 =	vadd.f32 v12, v4  }
0x6a7: {  	v12 =	vld [tilespmem:s26+$0xFFFFFFB0];
	v5 =	vadd.f32 v8, v5  }
0x6a8: {  	v8 =	vld [tilespmem:s26+$0xFFFFFFC0];
	v7 =	vadd.f32 v9, v7  }
0x6a9: {  	v1 =	vadd.f32 v11, v1;
	v9 =	vld [tilespmem:s26+$0xFFFFFFD0]  }
0x6aa: {  	v2 =	vadd.f32 v13, v2;
	v11 =	vld [tilespmem:s26+$0xFFFFFFE0]  }
0x6ab: {  	v13 =	vld [tilespmem:s26+$0x0];
	v6 =	vadd.f32 v10, v6  }
0x6ac: {  	v10 =	vld [tilespmem:s26+$0x10];
	v3 =	vadd.f32 v12, v3  }
0x6ad: {  	v12 =	vld [tilespmem:s26+$0x20];
	v4 =	vadd.f32 v8, v4  }
0x6ae: {  	v8 =	vld [tilespmem:s26+$0x30];
	v5 =	vadd.f32 v9, v5  }
0x6af: {  	v9 =	vld [tilespmem:s26+$0x40];
	v7 =	vadd.f32 v11, v7  }
0x6b0: {  	v1 =	vadd.f32 v13, v1;
	v11 =	vld [tilespmem:s26+$0x50]  }
0x6b1: {  	v2 =	vadd.f32 v10, v2;
	v10 =	vld [tilespmem:s26+$0x60]  }
0x6b2: {  	v13 =	vld [tilespmem:s26+$0x80];
	v6 =	vadd.f32 v12, v6  }
0x6b3: {  	v12 =	vld [tilespmem:s26+$0x90];
	v3 =	vadd.f32 v8, v3  }
0x6b4: {  	v8 =	vld [tilespmem:s26+$0xA0];
	v4 =	vadd.f32 v9, v4  }
0x6b5: {  	v9 =	vld [tilespmem:s26+$0xB0];
	v5 =	vadd.f32 v11, v5  }
0x6b6: {  	v11 =	vld [tilespmem:s26+$0xC0];
	v7 =	vadd.f32 v10, v7  }
0x6b7: {  	v1 =	vadd.f32 v13, v1;
	v10 =	vld [tilespmem:s26+$0xD0]  }
0x6b8: {  	v2 =	vadd.f32 v12, v2;
	v12 =	vld [tilespmem:s26+$0xE0]  }
0x6b9: {  	v13 =	vld [tilespmem:s26+$0x100];
	v6 =	vadd.f32 v8, v6  }
0x6ba: {  	v8 =	vld [tilespmem:s26+$0x110];
	v3 =	vadd.f32 v9, v3  }
0x6bb: {  	v9 =	vld [tilespmem:s26+$0x120];
	v11 =	vadd.f32 v11, v4  }
0x6bc: {  	v4 =	vld [tilespmem:s26+$0x130];
	v10 =	vadd.f32 v10, v5  }
0x6bd: {  	v14 =	vld [tilespmem:s26+$0x140];
	v12 =	vadd.f32 v12, v7  }
0x6be: {  	v13 =	vadd.f32 v13, v1;
	v1 =	vld [tilespmem:s26+$0x150]  }
0x6bf: {  	v15 =	vadd.f32 v8, v2;
	v8 =	vld [tilespmem:s26+$0x160]  }
0x6c0: {  	v16 =	vld [tilespmem:s26+$0x180];
	v5 =	vadd.f32 v9, v6  }
0x6c1: {  	v17 =	vld [tilespmem:s26+$0x190];
	v4 =	vadd.f32 v4, v3  }
.Ltmp11:
0x6c2: {  	v9 =	vld [tilespmem:s26+$0x1A0];
	v3 =	vadd.f32 v14, v11;
	(pc) =	sbr.rel @p0 .LBB2_24-.Ltmp11, $4  }
0x6c3: {  	v7 =	vld [tilespmem:s26+$0x1B0];
	v2 =	vadd.f32 v1, v10  }
0x6c4: {  	v6 =	vld [tilespmem:s26+$0x1C0];
	v1 =	vadd.f32 v8, v12  }
0x6c5: {  	v12 =	vadd.f32 v16, v13;
	v8 =	vld [tilespmem:s26+$0x1D0]  }
0x6c6: {  	s29 =	sadd.s32 $0x80, s29;
	v11 =	vadd.f32 v17, v15;
	v10 =	vld [tilespmem:s26+$0x1E0]  }
0x6c7: {  	[tilespmem:s25+$0xFFFFFFC0] =	vst v12;
	v5 =	vadd.f32 v9, v5  }
0x6c8: {  	[tilespmem:s25+$0xFFFFFFD0] =	vst v11;
	v4 =	vadd.f32 v7, v4  }
0x6c9: {  	[tilespmem:s25+$0xFFFFFFE0] =	vst v5;
	v3 =	vadd.f32 v6, v3  }
0x6ca: {  	[tilespmem:s25+$0xFFFFFFF0] =	vst v4;
	v2 =	vadd.f32 v8, v2  }
0x6cb: {  	[tilespmem:s25+$0x0] =	vst v3;
	v1 =	vadd.f32 v10, v1  }
0x6cc: {  	[tilespmem:s25+$0x10] =	vst v2  }
0x6cd: {  	[tilespmem:s25+$0x20] =	vst v1  }
0x6ce: {  	_ =	swait.ge [sflag:s19], $0x8000  }
0x6cf: {  	[sflag:s19] =	ssyncset.done $0x0  }
0x6d0: {  	s25 =	simm.s32 $0x10040;
	[sflag:s19] =	ssyncadd.s32 $0xFFFF8000  }
0x6d1: {  	s26 =	simm.s32 $0x8200;
	v1 =	vld [tilespmem:s25+$0x30]  }
0x6d2: {  	v2 =	vld [tilespmem:s26+$0xFFFFFE70]  }
0x6d3: {  	v3 =	vld [tilespmem:s26+$0xFFFFFE00]  }
0x6d4: {  	v4 =	vld [tilespmem:s26+$0xFFFFFEF0]  }
0x6d5: {  	v5 =	vld [tilespmem:s25+$0xFFFFFFD0]  }
0x6d6: {  	v6 =	vld [tilespmem:s26+$0xFFFFFF70]  }
0x6d7: {  	v7 =	vld [tilespmem:s26+$0xFFFFFE10]  }
0x6d8: {  	v8 =	vld [tilespmem:s26+$0xFFFFFFF0]  }
0x6d9: {  	v9 =	vld [tilespmem:s25+$0xFFFFFFE0]  }
0x6da: {  	v10 =	vld [tilespmem:s26+$0x70]  }
0x6db: {  	v11 =	vld [tilespmem:s26+$0xFFFFFE20]  }
0x6dc: {  	v12 =	vld [tilespmem:s26+$0xF0]  }
0x6dd: {  	v13 =	vld [tilespmem:s25+$0xFFFFFFF0]  }
0x6de: {  	v14 =	vld [tilespmem:s26+$0x170]  }
0x6df: {  	v15 =	vld [tilespmem:s26+$0xFFFFFE30]  }
0x6e0: {  	v16 =	vld [tilespmem:s26+$0x1F0]  }
0x6e1: {  	v17 =	vld [tilespmem:s25+$0x0]  }
0x6e2: {  	v18 =	vld [tilespmem:s26+$0xFFFFFE40]  }
0x6e3: {  	v19 =	vld [tilespmem:s25+$0x10]  }
0x6e4: {  	v20 =	vld [tilespmem:s26+$0xFFFFFE50]  }
0x6e5: {  	v21 =	vld [tilespmem:s25+$0x20]  }
0x6e6: {  	v22 =	vld [tilespmem:s26+$0xFFFFFE60]  }
0x6e7: {  	v23 =	vld [tilespmem:s25+$0xFFFFFFC0]  }
0x6e8: {  	v24 =	vld [tilespmem:s26+$0xFFFFFE80]  }
0x6e9: {  	v25 =	vld [tilespmem:s26+$0xFFFFFE90]  }
0x6ea: {  	v26 =	vld [tilespmem:s26+$0xFFFFFEA0]  }
0x6eb: {  	v27 =	vld [tilespmem:s26+$0xFFFFFEB0]  }
0x6ec: {  	v28 =	vld [tilespmem:s26+$0xFFFFFEC0]  }
0x6ed: {  	v29 =	vld [tilespmem:s26+$0xFFFFFED0]  }
0x6ee: {  	v30 =	vld [tilespmem:s26+$0xFFFFFEE0]  }
0x6ef: {  	v31 =	vld [tilespmem:s26+$0xFFFFFF00]  }
0x6f0: {  	v32 =	vld [tilespmem:s26+$0xFFFFFF10]  }
0x6f1: {  	v33 =	vld [tilespmem:s26+$0xFFFFFF20]  }
0x6f2: {  	v34 =	vld [tilespmem:s26+$0xFFFFFF40]  }
0x6f3: {  	v35 =	vld [tilespmem:s26+$0xFFFFFF60]  }
0x6f4: {  	v36 =	vld [tilespmem:s26+$0xFFFFFF90]  }
0x6f5: {  	v37 =	vld [tilespmem:s26+$0xFFFFFFB0]  }
0x6f6: {  	v38 =	vld [tilespmem:s26+$0xFFFFFFD0]  }
0x6f7: {  	v39 =	vld [tilespmem:s26+$0x0]  }
0x6f8: {  	v49 =	vld [tilespmem:s26+$0x40]  }
0x6f9: {  	v52 =	vld [tilespmem:s26+$0x50]  }
0x6fa: {  	v53 =	vld [tilespmem:s26+$0x60]  }
0x6fb: {  	v54 =	vld [tilespmem:s26+$0x80];
	v1 =	vadd.f32 v2, v1  }
0x6fc: {  	v55 =	vld [tilespmem:s26+$0x90];
	v5 =	vadd.f32 v7, v5;
	v7 =	vadd.f32 v11, v9  }
0x6fd: {  	v56 =	vld [tilespmem:s26+$0xA0];
	v11 =	vadd.f32 v15, v13;
	v15 =	vadd.f32 v18, v17  }
0x6fe: {  	v57 =	vld [tilespmem:s26+$0xB0];
	v3 =	vadd.f32 v3, v23;
	v50 =	vadd.f32 v20, v19  }
0x6ff: {  	v59 =	vld [tilespmem:s26+$0xD0];
	v51 =	vadd.f32 v22, v21;
	v1 =	vadd.f32 v4, v1  }
0x700: {  	v60 =	vld [tilespmem:s26+$0x120];
	v3 =	vadd.f32 v24, v3;
	v5 =	vadd.f32 v25, v5  }
0x701: {  	v61 =	vld [tilespmem:s26+$0x160];
	v7 =	vadd.f32 v26, v7;
	v11 =	vadd.f32 v27, v11  }
0x702: {  	v2 =	vld [tilespmem:s26+$0xFFFFFF30];
	v15 =	vadd.f32 v28, v15;
	v1 =	vadd.f32 v6, v1  }
0x703: {  	v62 =	vld [tilespmem:s26+$0x180];
	v17 =	vadd.f32 v29, v50;
	v18 =	vadd.f32 v30, v51  }
0x704: {  	v4 =	vld [tilespmem:s26+$0xFFFFFF50];
	v3 =	vadd.f32 v31, v3;
	v1 =	vadd.f32 v8, v1  }
0x705: {  	v6 =	vld [tilespmem:s26+$0xFFFFFF80];
	v5 =	vadd.f32 v32, v5;
	v7 =	vadd.f32 v33, v7  }
0x706: {  	v58 =	vadd.f32 v35, v18;
	v8 =	vld [tilespmem:s26+$0xFFFFFFA0];
	v1 =	vadd.f32 v10, v1  }
0x707: {  	v9 =	vld [tilespmem:s26+$0x20];
	v2 =	vadd.f32 v2, v11;
	v11 =	vadd.f32 v34, v15  }
0x708: {  	v5 =	vadd.f32 v36, v5;
	v10 =	vld [tilespmem:s26+$0xFFFFFFC0];
	v1 =	vadd.f32 v12, v1  }
0x709: {  	v4 =	vadd.f32 v4, v17;
	v2 =	vadd.f32 v37, v2;
	v12 =	vld [tilespmem:s26+$0xFFFFFFE0]  }
0x70a: {  	v15 =	vld [tilespmem:s26+$0xC0];
	v3 =	vadd.f32 v6, v3;
	v1 =	vadd.f32 v14, v1  }
0x70b: {  	v4 =	vadd.f32 v38, v4;
	v7 =	vadd.f32 v8, v7;
	v14 =	vld [tilespmem:s26+$0x10]  }
0x70c: {  	v3 =	vadd.f32 v39, v3;
	v13 =	vadd.f32 v16, v1;
	v1 =	vld [tilespmem:s26+$0x30]  }
0x70d: {  	v8 =	vld [tilespmem:s26+$0x100];
	v4 =	vadd.f32 v52, v4;
	v7 =	vadd.f32 v9, v7  }
0x70e: {  	v6 =	vld [tilespmem:s26+$0xE0];
	v10 =	vadd.f32 v10, v11;
	v12 =	vadd.f32 v12, v58  }
0x70f: {  	v11 =	vld [tilespmem:s26+$0x110];
	v3 =	vadd.f32 v54, v3;
	v7 =	vadd.f32 v56, v7  }
0x710: {  	v5 =	vadd.f32 v14, v5;
	v14 =	vld [tilespmem:s26+$0x130];
	v9 =	vadd.f32 v53, v12  }
0x711: {  	v1 =	vadd.f32 v1, v2;
	v2 =	vadd.f32 v49, v10;
	v10 =	vld [tilespmem:s26+$0x140]  }
0x712: {  	v21 =	vadd.f32 v8, v3;
	v12 =	vld [tilespmem:s26+$0x150];
	v5 =	vadd.f32 v55, v5  }
0x713: {  	v63 =	vld [tilespmem:s26+$0x190];
	v20 =	vadd.f32 v6, v9;
	v1 =	vadd.f32 v57, v1  }
0x714: {  	v9 =	vld [tilespmem:s26+$0x1A0];
	v2 =	vadd.f32 v15, v2;
	v15 =	vadd.f32 v59, v4  }
0x715: {  	v11 =	vadd.f32 v11, v5;
	v5 =	vadd.f32 v60, v7;
	v7 =	vld [tilespmem:s26+$0x1B0]  }
0x716: {  	v6 =	vld [tilespmem:s26+$0x1C0];
	v4 =	vadd.f32 v14, v1;
	v3 =	vadd.f32 v10, v2  }
0x717: {  	v8 =	vld [tilespmem:s26+$0x1D0];
	v2 =	vadd.f32 v12, v15;
	v12 =	vadd.f32 v62, v21  }
0x718: {  	s28 =	simm.s32 $0x0;
	s29 =	simm.s32 $0x100C0;
	[tilespmem:s25+$0x30] =	vst v13;
	v1 =	vadd.f32 v61, v20;
	v11 =	vadd.f32 v63, v11;
	v10 =	vld [tilespmem:s26+$0x1E0]  }
.LBB2_26:
0x719: {  	v13 =	vld [tilespmem:s29+$0x30];
	[tilespmem:s25+$0xFFFFFFC0] =	vst v12;
	v5 =	vadd.f32 v9, v5;
	s26 =	sadd.s32 $0x400, s26  }
0x71a: {  	s28 =	sadd.s32 $0x8, s28;
	v9 =	vld [tilespmem:s26+$0xFFFFFE70];
	[tilespmem:s25+$0xFFFFFFD0] =	vst v11;
	v4 =	vadd.f32 v7, v4  }
0x71b: {  	p0 =	slt.u32 s28, $0xF8;
	v7 =	vld [tilespmem:s26+$0xFFFFFE00];
	[tilespmem:s25+$0xFFFFFFE0] =	vst v5;
	v3 =	vadd.f32 v6, v3  }
0x71c: {  	v5 =	vld [tilespmem:s26+$0xFFFFFEF0];
	[tilespmem:s25+$0xFFFFFFF0] =	vst v4;
	v2 =	vadd.f32 v8, v2  }
0x71d: {  	v4 =	vld [tilespmem:s29+$0xFFFFFFD0];
	[tilespmem:s25+$0x0] =	vst v3;
	v1 =	vadd.f32 v10, v1  }
0x71e: {  	v3 =	vld [tilespmem:s26+$0xFFFFFF70];
	[tilespmem:s25+$0x10] =	vst v2  }
0x71f: {  	v2 =	vld [tilespmem:s26+$0xFFFFFE10];
	v6 =	vadd.f32 v9, v13;
	[tilespmem:s25+$0x20] =	vst v1;
	s25 =	smov.u32 s29  }
0x720: {  	v1 =	vld [tilespmem:s26+$0xFFFFFFF0]  }
0x721: {  	v8 =	vld [tilespmem:s29+$0xFFFFFFE0];
	v5 =	vadd.f32 v5, v6  }
0x722: {  	v6 =	vld [tilespmem:s26+$0x70]  }
0x723: {  	v9 =	vld [tilespmem:s26+$0xFFFFFE20];
	v3 =	vadd.f32 v3, v5  }
0x724: {  	v2 =	vadd.f32 v2, v4;
	v4 =	vld [tilespmem:s26+$0xF0]  }
0x725: {  	v5 =	vld [tilespmem:s29+$0xFFFFFFF0];
	v1 =	vadd.f32 v1, v3  }
0x726: {  	v3 =	vld [tilespmem:s26+$0x170]  }
0x727: {  	v10 =	vld [tilespmem:s26+$0xFFFFFE30];
	v1 =	vadd.f32 v6, v1  }
0x728: {  	v6 =	vadd.f32 v9, v8;
	v8 =	vld [tilespmem:s26+$0x1F0]  }
0x729: {  	v9 =	vld [tilespmem:s29+$0x0];
	v1 =	vadd.f32 v4, v1  }
0x72a: {  	v4 =	vld [tilespmem:s26+$0xFFFFFE40]  }
0x72b: {  	v11 =	vld [tilespmem:s29+$0x10];
	v1 =	vadd.f32 v3, v1  }
0x72c: {  	v3 =	vadd.f32 v10, v5;
	v5 =	vld [tilespmem:s26+$0xFFFFFE50]  }
0x72d: {  	v10 =	vld [tilespmem:s29+$0x20];
	v1 =	vadd.f32 v8, v1  }
0x72e: {  	v8 =	vld [tilespmem:s26+$0xFFFFFE60]  }
0x72f: {  	v12 =	vld [tilespmem:s29+$0xFFFFFFC0];
	v4 =	vadd.f32 v4, v9;
	[tilespmem:s29+$0x30] =	vst v1  }
0x730: {  	v1 =	vld [tilespmem:s26+$0xFFFFFE80]  }
0x731: {  	v9 =	vld [tilespmem:s26+$0xFFFFFE90];
	v5 =	vadd.f32 v5, v11  }
0x732: {  	v11 =	vld [tilespmem:s26+$0xFFFFFEA0]  }
0x733: {  	v13 =	vld [tilespmem:s26+$0xFFFFFEB0];
	v8 =	vadd.f32 v8, v10  }
0x734: {  	v7 =	vadd.f32 v7, v12;
	v10 =	vld [tilespmem:s26+$0xFFFFFEC0]  }
0x735: {  	v12 =	vld [tilespmem:s26+$0xFFFFFED0]  }
0x736: {  	v1 =	vadd.f32 v1, v7;
	v2 =	vadd.f32 v9, v2;
	v7 =	vld [tilespmem:s26+$0xFFFFFEE0]  }
0x737: {  	v9 =	vld [tilespmem:s26+$0xFFFFFF00];
	v6 =	vadd.f32 v11, v6  }
0x738: {  	v11 =	vld [tilespmem:s26+$0xFFFFFF10];
	v3 =	vadd.f32 v13, v3  }
0x739: {  	v13 =	vld [tilespmem:s26+$0xFFFFFF20];
	v4 =	vadd.f32 v10, v4  }
0x73a: {  	v10 =	vld [tilespmem:s26+$0xFFFFFF30];
	v5 =	vadd.f32 v12, v5  }
0x73b: {  	v12 =	vld [tilespmem:s26+$0xFFFFFF40];
	v7 =	vadd.f32 v7, v8  }
0x73c: {  	v1 =	vadd.f32 v9, v1;
	v8 =	vld [tilespmem:s26+$0xFFFFFF50]  }
0x73d: {  	v2 =	vadd.f32 v11, v2;
	v9 =	vld [tilespmem:s26+$0xFFFFFF60]  }
0x73e: {  	v11 =	vld [tilespmem:s26+$0xFFFFFF80];
	v6 =	vadd.f32 v13, v6  }
0x73f: {  	v13 =	vld [tilespmem:s26+$0xFFFFFF90];
	v3 =	vadd.f32 v10, v3  }
0x740: {  	v10 =	vld [tilespmem:s26+$0xFFFFFFA0];
	v4 =	vadd.f32 v12, v4  }
0x741: {  	v12 =	vld [tilespmem:s26+$0xFFFFFFB0];
	v5 =	vadd.f32 v8, v5  }
0x742: {  	v8 =	vld [tilespmem:s26+$0xFFFFFFC0];
	v7 =	vadd.f32 v9, v7  }
0x743: {  	v1 =	vadd.f32 v11, v1;
	v9 =	vld [tilespmem:s26+$0xFFFFFFD0]  }
0x744: {  	v2 =	vadd.f32 v13, v2;
	v11 =	vld [tilespmem:s26+$0xFFFFFFE0]  }
0x745: {  	v13 =	vld [tilespmem:s26+$0x0];
	v6 =	vadd.f32 v10, v6  }
0x746: {  	v10 =	vld [tilespmem:s26+$0x10];
	v3 =	vadd.f32 v12, v3  }
0x747: {  	v12 =	vld [tilespmem:s26+$0x20];
	v4 =	vadd.f32 v8, v4  }
0x748: {  	v8 =	vld [tilespmem:s26+$0x30];
	v5 =	vadd.f32 v9, v5  }
0x749: {  	v9 =	vld [tilespmem:s26+$0x40];
	v7 =	vadd.f32 v11, v7  }
0x74a: {  	v1 =	vadd.f32 v13, v1;
	v11 =	vld [tilespmem:s26+$0x50]  }
0x74b: {  	v2 =	vadd.f32 v10, v2;
	v10 =	vld [tilespmem:s26+$0x60]  }
0x74c: {  	v13 =	vld [tilespmem:s26+$0x80];
	v6 =	vadd.f32 v12, v6  }
0x74d: {  	v12 =	vld [tilespmem:s26+$0x90];
	v3 =	vadd.f32 v8, v3  }
0x74e: {  	v8 =	vld [tilespmem:s26+$0xA0];
	v4 =	vadd.f32 v9, v4  }
0x74f: {  	v9 =	vld [tilespmem:s26+$0xB0];
	v5 =	vadd.f32 v11, v5  }
0x750: {  	v11 =	vld [tilespmem:s26+$0xC0];
	v7 =	vadd.f32 v10, v7  }
0x751: {  	v1 =	vadd.f32 v13, v1;
	v10 =	vld [tilespmem:s26+$0xD0]  }
0x752: {  	v2 =	vadd.f32 v12, v2;
	v12 =	vld [tilespmem:s26+$0xE0]  }
0x753: {  	v13 =	vld [tilespmem:s26+$0x100];
	v6 =	vadd.f32 v8, v6  }
0x754: {  	v8 =	vld [tilespmem:s26+$0x110];
	v3 =	vadd.f32 v9, v3  }
0x755: {  	v9 =	vld [tilespmem:s26+$0x120];
	v11 =	vadd.f32 v11, v4  }
0x756: {  	v4 =	vld [tilespmem:s26+$0x130];
	v10 =	vadd.f32 v10, v5  }
0x757: {  	v14 =	vld [tilespmem:s26+$0x140];
	v12 =	vadd.f32 v12, v7  }
0x758: {  	v13 =	vadd.f32 v13, v1;
	v1 =	vld [tilespmem:s26+$0x150]  }
0x759: {  	v15 =	vadd.f32 v8, v2;
	v8 =	vld [tilespmem:s26+$0x160]  }
0x75a: {  	v16 =	vld [tilespmem:s26+$0x180];
	v5 =	vadd.f32 v9, v6  }
0x75b: {  	v17 =	vld [tilespmem:s26+$0x190];
	v4 =	vadd.f32 v4, v3  }
.Ltmp12:
0x75c: {  	v9 =	vld [tilespmem:s26+$0x1A0];
	v3 =	vadd.f32 v14, v11;
	(pc) =	sbr.rel @p0 .LBB2_26-.Ltmp12, $4  }
0x75d: {  	v7 =	vld [tilespmem:s26+$0x1B0];
	v2 =	vadd.f32 v1, v10  }
0x75e: {  	v6 =	vld [tilespmem:s26+$0x1C0];
	v1 =	vadd.f32 v8, v12  }
0x75f: {  	v12 =	vadd.f32 v16, v13;
	v8 =	vld [tilespmem:s26+$0x1D0]  }
0x760: {  	s29 =	sadd.s32 $0x80, s29;
	v11 =	vadd.f32 v17, v15;
	v10 =	vld [tilespmem:s26+$0x1E0]  }
0x761: {  	[tilespmem:s25+$0xFFFFFFC0] =	vst v12;
	v5 =	vadd.f32 v9, v5  }
0x762: {  	[tilespmem:s25+$0xFFFFFFD0] =	vst v11;
	v4 =	vadd.f32 v7, v4  }
0x763: {  	[tilespmem:s25+$0xFFFFFFE0] =	vst v5;
	v3 =	vadd.f32 v6, v3  }
0x764: {  	[tilespmem:s25+$0xFFFFFFF0] =	vst v4;
	v2 =	vadd.f32 v8, v2  }
0x765: {  	s24 =	sadd.s32 $0x1, s24;
	[tilespmem:s25+$0x0] =	vst v3;
	v1 =	vadd.f32 v10, v1  }
0x766: {  	p0 =	sne.s32 s24, s16;
	[tilespmem:s25+$0x10] =	vst v2  }
.Ltmp13:
0x767: {  	[tilespmem:s25+$0x20] =	vst v1;
	(pc) =	sbr.rel @p0 .LBB2_1-.Ltmp13, $4  }
0x768: {  	[hbm4b:s15+s20] =	stream.strided.scatter [tilespmem:s22], [sflag:$0x3], $0x1000, s21, s20, $0x38;
	[tilespmem:$0x11000] =	vst v63  }
0x769: {  	_ =	swait.ge [sflag:s23], $0x1000  }
0x76a: {  	[sflag:s23] =	ssyncset.done $0x0  }
0x76b: {  	[sflag:s23] =	ssyncadd.s32 $0xFFFFF000  }
0x76c: {  	_ =	sfence.sel $0x180000  }
0x76d: {  	[bflag:$0x0] =	sbarrier.arrive $0xFFFF  }
0x76e: {  	p0 =	sne.s32 s0, $0x0;
	_ =	strace $0x90000047  }
0x76f: {  	s0 =	sadd.s32 @!p0 $0x100000, s1;
	[bflag:$0x2] =	sbarrier.arrive $0xFFFF  }
0x770: {  	[sflag:s0] =	ssyncadd.tile.s32 @!p0 $0x1;
	_ =	shalt  }
.Lfunc_end2:
_tile_overlayer_lowered:
.L_overlay_start_2:
0x771: {  	(tag) =	ssettag $0x2  }
0x772: {  	s0 =	rddreg [dreg:$0x0];
	s2 =	stileid.u32  }
0x773: {  	s1 =	rddreg [dreg:$0x1];
	p0 =	sne.s32 s2, $0x0  }
0x774: {  	s3 =	rddreg [dreg:$0x2];
	[bflag:$0x3] =	sbarrier.arrive $0xFFFF;
	s2 =	simm.s32 @!p0 $0x1C03  }
0x775: {  	[timem:s3], [sflag:s2] =	dma.local @!p0 [hbm:s0], s1  }
0x776: {  	s0 =	simm.s32 @!p0 $0x3  }
0x777: {  	_ =	swait.ge @!p0 [sflag:s0], s1  }
0x778: {  	s1 =	ssub.s32 @!p0 $0x0, s1;
	[sflag:s0] =	ssyncset.done @!p0 $0x0  }
0x779: {  	[sflag:s0] =	ssyncadd.s32 @!p0 s1  }
0x77a: {  	[bflag:$0x3] =	sbarrier.arrive $0xFFFF  }
0x77b: {  	_ =	shalt  }

</sc_bundles>
